<compile_context>
chip_gen: v7x
topology: tpu7x:2x2x1
jax: 0.10.2.dev20260603
libtpu: 0.0.44.dev20260713+nightly
codegen_flags: <defaults>
</compile_context>

<pallas_src>
import functools

import jax
import jax.numpy as jnp
from jax import lax
from jax.experimental import pallas as pl
from jax.experimental.pallas import tpu as pltpu
from jax.experimental.pallas import tpu_sc as plsc

NUM_CORES = 2
NUM_SUBCORES = 16
LANES = 16
NW = NUM_CORES * NUM_SUBCORES

_B = 16384
_H = 8
_D = 32
_JB = _B // 128
_JW = _JB // NW
_HH = _H // 2
_CHUNK = _HH * 128
_NC = _JW * 2


@functools.lru_cache(maxsize=None)
def _build_lookup():
    mesh = plsc.VectorSubcoreMesh(core_axis_name="c", subcore_axis_name="s")
    n_oct = _D // 8

    @functools.partial(
        pl.kernel,
        out_type=jax.ShapeDtypeStruct((_H * n_oct * _JB * 8 * 128,), jnp.float32),
        mesh=mesh,
        compiler_params=pltpu.CompilerParams(
            use_tc_tiling_on_sc=False, needs_layout_passes=False),
        scratch_types=[
            pltpu.VMEM((_JW, _H, 128), jnp.int32),
            pltpu.VMEM((_NC, _CHUNK), jnp.int32),
            pltpu.VMEM((_CHUNK, _D), jnp.float32),
            pltpu.VMEM((_CHUNK, _D), jnp.float32),
            pltpu.VMEM((_H * n_oct * 8 * 128,), jnp.float32),
            pltpu.VMEM((_H * n_oct * 8 * 128,), jnp.float32),
            pltpu.VMEM((LANES,), jnp.int32),
            pltpu.SemaphoreType.DMA,
            pltpu.SemaphoreType.DMA,
            pltpu.SemaphoreType.DMA,
            pltpu.SemaphoreType.DMA,
        ],
    )
    def lookup(ids_hbm, offs_hbm, table_hbm, out_hbm,
               idx_v, shift_v, rows_a, rows_b, stg_a, stg_b, offs_v,
               ga, gb, sa, sb):
        rows_bufs = (rows_a, rows_b)
        stg_bufs = (stg_a, stg_b)
        wid = lax.axis_index("s") * NUM_CORES + lax.axis_index("c")
        jbase = wid * _JW

        pltpu.sync_copy(ids_hbm.at[pl.ds(jbase, _JW)], idx_v)
        for rep in range(LANES // _H):
            pltpu.sync_copy(offs_hbm, offs_v.at[pl.ds(rep * _H, _H)])

        lane = lax.iota(jnp.int32, LANES)

        offs_full = offs_v[...]
        for h in range(_H):
            off = jnp.sum(jnp.where(lane == h, offs_full, 0))

            def add_body(i, carry, h=h, off=off):
                j = i >> 3
                lb = i & 7
                shift_v[j * 2 + (h // _HH), pl.ds((h % _HH) * 128 + lb * LANES, LANES)] = (
                    idx_v[j, h, pl.ds(lb * LANES, LANES)] + off)
                return carry

            lax.fori_loop(0, _JW * 8, add_body, 0)

        gsems = (ga, gb)
        ssems = (sa, sb)
        p1 = (lane >> 3) * 1024 + (lane & 7) * 128
        p2 = p1 + 2048

        def gather(c):
            return pltpu.make_async_copy(
                table_hbm.at[shift_v.at[c]],
                rows_bufs[c % 2], gsems[c % 2])

        def extract(c):
            half = c % 2
            j = c // 2
            rows_c = rows_bufs[half]
            stg_c = stg_bufs[j % 2]

            def body(i, carry):
                for u in range(2):
                    p = i * 2 + u
                    base = (half * _HH + (p >> 7)) * 4096 + (p & 127)
                    plsc.store_scatter(stg_c, [p1 + base], rows_c[p, pl.ds(0, LANES)])
                    plsc.store_scatter(stg_c, [p2 + base], rows_c[p, pl.ds(LANES, LANES)])
                return carry

            lax.fori_loop(0, _CHUNK // 2, body, 0)

        def stores(j):
            return [
                pltpu.make_async_copy(
                    stg_bufs[j % 2].at[pl.ds((h * n_oct + o) * 1024, 1024)],
                    out_hbm.at[pl.ds(((h * n_oct + o) * _JB + jbase + j) * 1024, 1024)],
                    ssems[j % 2])
                for h in range(_H) for o in range(n_oct)
            ]

        gather(0).start()
        for c in range(_NC):
            if c + 1 < _NC:
                gather(c + 1).start()
            gather(c).wait()
            if c % 2 == 0 and c >= 4:
                for s in stores(c // 2 - 2):
                    s.wait()
            extract(c)
            if c % 2 == 1:
                for s in stores(c // 2):
                    s.start()
        for j in (_NC // 2 - 2, _NC // 2 - 1):
            for s in stores(j):
                s.wait()

    return lookup


def kernel(input_ids, offsets, table):
    b, h = input_ids.shape
    _, d = table.shape
    assert (b, h, d) == (_B, _H, _D)
    ids3 = input_ids.reshape(_JB, 128, _H).transpose(0, 2, 1)
    out_flat = _build_lookup()(ids3, offsets, table)
    out5 = out_flat.reshape(_H, _D // 8, _JB, 8, 128)
    return out5.transpose(2, 4, 0, 1, 3).reshape(_B, _H, _D)

# --- scband reference (transcript-rebuilt; emitter-appended) ---
"""Pipeline reference for scband-engram-32633161515032 (READ-ONLY COPY).

The authoritative reference and input builder live on the scoring server;
editing this copy changes nothing except your own understanding.
"""

import jax, jax.numpy as jnp
import numpy as np

NUM_HEADS = 8
N_PER_HEAD = 100000
EMBED_D = 32
BATCH = 16384


def setup_inputs(seed: int = 0) -> dict:
    key = jax.random.key(seed)
    k1, k2 = jax.random.split(key)
    # forward arg: input_ids [B, num_heads], each value in [0, N_per_head)
    input_ids = jax.random.randint(k1, (BATCH, NUM_HEADS), 0, N_PER_HEAD, dtype=jnp.int32)
    # buffer: per-head offsets into the concatenated embedding table
    # offsets[0]=0, offsets[h] = sum(list_of_N[:h]) ; all N equal here
    offsets = (jnp.arange(NUM_HEADS, dtype=jnp.int32) * N_PER_HEAD)
    # learned parameter: single concatenated embedding table [sum(list_of_N), D]
    table = jax.random.normal(k2, (N_PER_HEAD * NUM_HEADS, EMBED_D), dtype=jnp.float32) * 0.02
    return {"input_ids": input_ids, "offsets": offsets, "table": table}


def reference(input_ids, offsets, table):
    # MultiHeadEmbedding.forward: shift per-head ids by offsets, then one big lookup
    shifted_input_ids = input_ids + offsets  # broadcast [B, H] + [H]
    output = jnp.take(table, shifted_input_ids, axis=0)  # [B, H, D]
    return output

if __name__ == "__main__":
    import jax
    _d = setup_inputs()
    print(jax.jit(kernel)(*tuple(_d.values())))

</pallas_src>

<mosaic_0001>
#map = affine_map<(d0, d1) -> (0, 0, 0)>
#map1 = affine_map<(d0, d1) -> (0)>
#map2 = affine_map<(d0, d1) -> (0, 0)>
module attributes {stable_mosaic.version = 14 : i64} {
  func.func @lookup(%arg0: i32, %arg1: i32, %arg2: memref<128x8x128xi32, #tpu.memory_space<hbm>>, %arg3: memref<8xi32, #tpu.memory_space<hbm>>, %arg4: memref<800000x32xf32, #tpu.memory_space<hbm>>, %arg5: memref<4194304xf32, #tpu.memory_space<hbm>>, %arg6: memref<4x8x128xi32, #tpu.memory_space<vmem>>, %arg7: memref<8x512xi32, #tpu.memory_space<vmem>>, %arg8: memref<512x32xf32, #tpu.memory_space<vmem>>, %arg9: memref<512x32xf32, #tpu.memory_space<vmem>>, %arg10: memref<32768xf32, #tpu.memory_space<vmem>>, %arg11: memref<32768xf32, #tpu.memory_space<vmem>>, %arg12: memref<16xi32, #tpu.memory_space<vmem>>, %arg13: memref<!tpu.dma_semaphore, #tpu.memory_space<semaphore_mem>>, %arg14: memref<!tpu.dma_semaphore, #tpu.memory_space<semaphore_mem>>, %arg15: memref<!tpu.dma_semaphore, #tpu.memory_space<semaphore_mem>>, %arg16: memref<!tpu.dma_semaphore, #tpu.memory_space<semaphore_mem>>) attributes {dimension_semantics = [#tpu.dimension_semantics<core_parallel>, #tpu.dimension_semantics<subcore_parallel>], iteration_bounds = array<i64: 2, 16>, scalar_prefetch = 0 : i64, scratch_operands = 11 : i64, tpu.core_type = #tpu.core_type<sc_vector_subcore>, window_params = [{transform_indices = #map}, {transform_indices = #map1}, {transform_indices = #map2}, {transform_indices = #map1}]} {
    %mul3A = arith.constant 2 : i32
    %mul3A_0 = arith.muli %arg1, %mul3A : i32
    %add3A = arith.addi %mul3A_0, %arg0 : i32
    %mul3A_1 = arith.constant 4 : i32
    %mul3A_2 = arith.muli %add3A, %mul3A_1 : i32
    "tpu.region"() ({
      %run_scoped3A = tpu.sem_alloc : memref<!tpu.dma_semaphore, #tpu.memory_space<semaphore_mem>>
      %dma_start3A_3370 = arith.constant 0 : i32
      %dma_start3A_3371 = arith.constant 0 : i32
      %dma_start3A_3372 = tpu.memref_slice %arg2[%mul3A_2, %dma_start3A_3370, %dma_start3A_3371] : memref<128x8x128xi32, #tpu.memory_space<hbm>> -> memref<4x8x128xi32, #tpu.memory_space<hbm>>
      %dma_start3A_3373 = arith.constant 0 : i32
      %dma_start3A_3374 = arith.constant 0 : i32
      %dma_start3A_3375 = tpu.memref_slice %arg2[%mul3A_2, %dma_start3A_3373, %dma_start3A_3374] : memref<128x8x128xi32, #tpu.memory_space<hbm>> -> memref<4x8x128xi32, #tpu.memory_space<hbm>>
      tpu.enqueue_dma source(%dma_start3A_3375 : memref<4x8x128xi32, #tpu.memory_space<hbm>>) target(%arg6 : memref<4x8x128xi32, #tpu.memory_space<vmem>>) target_semaphore(%run_scoped3A : memref<!tpu.dma_semaphore, #tpu.memory_space<semaphore_mem>>)
      %dma_wait3A_3376 = arith.constant 0 : i32
      %dma_wait3A_3377 = arith.constant 0 : i32
      %dma_wait3A_3378 = tpu.memref_slice %arg2[%mul3A_2, %dma_wait3A_3376, %dma_wait3A_3377] : memref<128x8x128xi32, #tpu.memory_space<hbm>> -> memref<4x8x128xi32, #tpu.memory_space<hbm>>
      %dma_wait3A_3379 = arith.constant 0 : i32
      %dma_wait3A_3380 = arith.constant 0 : i32
      %dma_wait3A_3381 = tpu.memref_slice %arg2[%mul3A_2, %dma_wait3A_3379, %dma_wait3A_3380] : memref<128x8x128xi32, #tpu.memory_space<hbm>> -> memref<4x8x128xi32, #tpu.memory_space<hbm>>
      tpu.wait_dma2 semaphore(%run_scoped3A : memref<!tpu.dma_semaphore, #tpu.memory_space<semaphore_mem>>) src(%dma_wait3A_3381 : memref<4x8x128xi32, #tpu.memory_space<hbm>>) dst(%arg6 : memref<4x8x128xi32, #tpu.memory_space<vmem>>)
      tpu.yield
    }) : () -> ()
    "tpu.region"() ({
      %run_scoped3A = tpu.sem_alloc : memref<!tpu.dma_semaphore, #tpu.memory_space<semaphore_mem>>
      %dma_start3A_3370 = arith.constant 0 : i32
      %dma_start3A_3371 = tpu.memref_slice %arg12[%dma_start3A_3370] : memref<16xi32, #tpu.memory_space<vmem>> -> memref<8xi32, #tpu.memory_space<vmem>>
      %dma_start3A_3372 = arith.constant 0 : i32
      %dma_start3A_3373 = tpu.memref_slice %arg12[%dma_start3A_3372] : memref<16xi32, #tpu.memory_space<vmem>> -> memref<8xi32, #tpu.memory_space<vmem>>
      tpu.enqueue_dma source(%arg3 : memref<8xi32, #tpu.memory_space<hbm>>) target(%dma_start3A_3373 : memref<8xi32, #tpu.memory_space<vmem>>) target_semaphore(%run_scoped3A : memref<!tpu.dma_semaphore, #tpu.memory_space<semaphore_mem>>)
      %dma_wait3A_3374 = arith.constant 0 : i32
      %dma_wait3A_3375 = tpu.memref_slice %arg12[%dma_wait3A_3374] : memref<16xi32, #tpu.memory_space<vmem>> -> memref<8xi32, #tpu.memory_space<vmem>>
      %dma_wait3A_3376 = arith.constant 0 : i32
      %dma_wait3A_3377 = tpu.memref_slice %arg12[%dma_wait3A_3376] : memref<16xi32, #tpu.memory_space<vmem>> -> memref<8xi32, #tpu.memory_space<vmem>>
      tpu.wait_dma2 semaphore(%run_scoped3A : memref<!tpu.dma_semaphore, #tpu.memory_space<semaphore_mem>>) src(%arg3 : memref<8xi32, #tpu.memory_space<hbm>>) dst(%dma_wait3A_3377 : memref<8xi32, #tpu.memory_space<vmem>>)
      tpu.yield
    }) : () -> ()
    "tpu.region"() ({
      %run_scoped3A = tpu.sem_alloc : memref<!tpu.dma_semaphore, #tpu.memory_space<semaphore_mem>>
      %dma_start3A_3370 = arith.constant 8 : i32
      %dma_start3A_3371 = tpu.memref_slice %arg12[%dma_start3A_3370] : memref<16xi32, #tpu.memory_space<vmem>> -> memref<8xi32, #tpu.memory_space<vmem>>
      %dma_start3A_3372 = arith.constant 8 : i32
      %dma_start3A_3373 = tpu.memref_slice %arg12[%dma_start3A_3372] : memref<16xi32, #tpu.memory_space<vmem>> -> memref<8xi32, #tpu.memory_space<vmem>>
      tpu.enqueue_dma source(%arg3 : memref<8xi32, #tpu.memory_space<hbm>>) target(%dma_start3A_3373 : memref<8xi32, #tpu.memory_space<vmem>>) target_semaphore(%run_scoped3A : memref<!tpu.dma_semaphore, #tpu.memory_space<semaphore_mem>>)
      %dma_wait3A_3374 = arith.constant 8 : i32
      %dma_wait3A_3375 = tpu.memref_slice %arg12[%dma_wait3A_3374] : memref<16xi32, #tpu.memory_space<vmem>> -> memref<8xi32, #tpu.memory_space<vmem>>
      %dma_wait3A_3376 = arith.constant 8 : i32
      %dma_wait3A_3377 = tpu.memref_slice %arg12[%dma_wait3A_3376] : memref<16xi32, #tpu.memory_space<vmem>> -> memref<8xi32, #tpu.memory_space<vmem>>
      tpu.wait_dma2 semaphore(%run_scoped3A : memref<!tpu.dma_semaphore, #tpu.memory_space<semaphore_mem>>) src(%arg3 : memref<8xi32, #tpu.memory_space<hbm>>) dst(%dma_wait3A_3377 : memref<8xi32, #tpu.memory_space<vmem>>)
      tpu.yield
    }) : () -> ()
    %iota3A = tpu.iota {dimensions = array<i32: 0>} : vector<16xi32>
    %get3A = arith.constant 0 : index
    %get3A_3 = tpu.vector_load %arg12[%get3A] {strides = array<i32>} : memref<16xi32, #tpu.memory_space<vmem>>, vector<16xi32>,
    %eq3A = arith.constant 0 : i32
    %eq3A_4 = vector.broadcast %eq3A : i32 to vector<16xi32>
    %eq3A_5 = arith.cmpi eq, %iota3A, %eq3A_4 : vector<16xi32>
    %jit3A = arith.constant 0 : i32
    %broadcast_in_dim3A = vector.broadcast %jit3A : i32 to vector<16xi32>
    %select_n3A = arith.select %eq3A_5, %get3A_3, %broadcast_in_dim3A : vector<16xi1>, vector<16xi32>
    %reduce_sum3A = arith.constant true
    %reduce_sum3A_6 = vector.broadcast %reduce_sum3A : i1 to vector<16xi1>
    %reduce_sum3A_7 = tpu.scan <sum>, %select_n3A masked %reduce_sum3A_6 : vector<16xi32>, vector<16xi1> -> vector<16xi32>
    %reduce_sum3A_8 = vector.extract %reduce_sum3A_7[15] : i32 from vector<16xi32>
    %scan3A = arith.constant 0 : i32
    %scan3A_9 = arith.constant 0 : i32
    %scan3A_10 = arith.constant 32 : i32
    %scan3A_11 = arith.addi %scan3A_9, %scan3A_10 : i32
    %scan3A_12 = arith.constant 1 : i32
    scf.for %scan3A_3370 = %scan3A_9 to %scan3A_11 step %scan3A_12  : i32 {
      %shift_right_arithmetic3A_3371 = arith.constant 3 : i32
      %shift_right_arithmetic3A_3372 = arith.shrsi %scan3A_3370, %shift_right_arithmetic3A_3371 : i32
      %and3A_3373 = arith.constant 7 : i32
      %and3A_3374 = arith.andi %scan3A_3370, %and3A_3373 : i32
      %mul3A_3375 = arith.constant 16 : i32
      %mul3A_3376 = arith.muli %and3A_3374, %mul3A_3375 : i32
      %get3A_3377 = arith.constant 0 : i32
      %get3A_3378 = arith.index_cast %shift_right_arithmetic3A_3372 : i32 to index
      %get3A_3379 = arith.index_cast %get3A_3377 : i32 to index
      %get3A_3380 = arith.index_cast %mul3A_3376 : i32 to index
      %get3A_3381 = tpu.vector_load %arg6[%get3A_3378, %get3A_3379, %get3A_3380] {strides = array<i32>} : memref<4x8x128xi32, #tpu.memory_space<vmem>>, vector<16xi32>,
      %add3A_3382 = vector.broadcast %reduce_sum3A_8 : i32 to vector<16xi32>
      %add3A_3383 = arith.addi %get3A_3381, %add3A_3382 : vector<16xi32>
      %mul3A_3384 = arith.constant 2 : i32
      %mul3A_3385 = arith.muli %shift_right_arithmetic3A_3372, %mul3A_3384 : i32
      %add3A_3386 = arith.constant 0 : i32
      %add3A_3387 = arith.addi %mul3A_3385, %add3A_3386 : i32
      %mul3A_3388 = arith.constant 16 : i32
      %mul3A_3389 = arith.muli %and3A_3374, %mul3A_3388 : i32
      %add3A_3390 = arith.constant 0 : i32
      %add3A_3391 = arith.addi %add3A_3390, %mul3A_3389 : i32
      %swap3A = arith.index_cast %add3A_3387 : i32 to index
      %swap3A_3392 = arith.index_cast %add3A_3391 : i32 to index
      %swap3A_3393 = tpu.vector_load %arg7[%swap3A, %swap3A_3392] {strides = array<i32>} : memref<8x512xi32, #tpu.memory_space<vmem>>, vector<16xi32>,
      tpu.vector_store %arg7[%swap3A, %swap3A_3392], %add3A_3383 {strides = array<i32>} : memref<8x512xi32, #tpu.memory_space<vmem>>, vector<16xi32>,
    }
    %scan3A_13 = arith.constant 32 : i32
    %eq3A_14 = arith.constant 1 : i32
    %eq3A_15 = vector.broadcast %eq3A_14 : i32 to vector<16xi32>
    %eq3A_16 = arith.cmpi eq, %iota3A, %eq3A_15 : vector<16xi32>
    %jit3A_17 = arith.constant 0 : i32
    %broadcast_in_dim3A_18 = vector.broadcast %jit3A_17 : i32 to vector<16xi32>
    %select_n3A_19 = arith.select %eq3A_16, %get3A_3, %broadcast_in_dim3A_18 : vector<16xi1>, vector<16xi32>
    %reduce_sum3A_20 = arith.constant true
    %reduce_sum3A_21 = vector.broadcast %reduce_sum3A_20 : i1 to vector<16xi1>
    %reduce_sum3A_22 = tpu.scan <sum>, %select_n3A_19 masked %reduce_sum3A_21 : vector<16xi32>, vector<16xi1> -> vector<16xi32>
    %reduce_sum3A_23 = vector.extract %reduce_sum3A_22[15] : i32 from vector<16xi32>
    %scan3A_24 = arith.constant 0 : i32
    %scan3A_25 = arith.constant 0 : i32
    %scan3A_26 = arith.constant 32 : i32
    %scan3A_27 = arith.addi %scan3A_25, %scan3A_26 : i32
    %scan3A_28 = arith.constant 1 : i32
    scf.for %scan3A_3370 = %scan3A_25 to %scan3A_27 step %scan3A_28  : i32 {
      %shift_right_arithmetic3A_3371 = arith.constant 3 : i32
      %shift_right_arithmetic3A_3372 = arith.shrsi %scan3A_3370, %shift_right_arithmetic3A_3371 : i32
      %and3A_3373 = arith.constant 7 : i32
      %and3A_3374 = arith.andi %scan3A_3370, %and3A_3373 : i32
      %mul3A_3375 = arith.constant 16 : i32
      %mul3A_3376 = arith.muli %and3A_3374, %mul3A_3375 : i32
      %get3A_3377 = arith.constant 1 : i32
      %get3A_3378 = arith.index_cast %shift_right_arithmetic3A_3372 : i32 to index
      %get3A_3379 = arith.index_cast %get3A_3377 : i32 to index
      %get3A_3380 = arith.index_cast %mul3A_3376 : i32 to index
      %get3A_3381 = tpu.vector_load %arg6[%get3A_3378, %get3A_3379, %get3A_3380] {strides = array<i32>} : memref<4x8x128xi32, #tpu.memory_space<vmem>>, vector<16xi32>,
      %add3A_3382 = vector.broadcast %reduce_sum3A_23 : i32 to vector<16xi32>
      %add3A_3383 = arith.addi %get3A_3381, %add3A_3382 : vector<16xi32>
      %mul3A_3384 = arith.constant 2 : i32
      %mul3A_3385 = arith.muli %shift_right_arithmetic3A_3372, %mul3A_3384 : i32
      %add3A_3386 = arith.constant 0 : i32
      %add3A_3387 = arith.addi %mul3A_3385, %add3A_3386 : i32
      %mul3A_3388 = arith.constant 16 : i32
      %mul3A_3389 = arith.muli %and3A_3374, %mul3A_3388 : i32
      %add3A_3390 = arith.constant 128 : i32
      %add3A_3391 = arith.addi %add3A_3390, %mul3A_3389 : i32
      %swap3A = arith.index_cast %add3A_3387 : i32 to index
      %swap3A_3392 = arith.index_cast %add3A_3391 : i32 to index
      %swap3A_3393 = tpu.vector_load %arg7[%swap3A, %swap3A_3392] {strides = array<i32>} : memref<8x512xi32, #tpu.memory_space<vmem>>, vector<16xi32>,
      tpu.vector_store %arg7[%swap3A, %swap3A_3392], %add3A_3383 {strides = array<i32>} : memref<8x512xi32, #tpu.memory_space<vmem>>, vector<16xi32>,
    }
    %scan3A_29 = arith.constant 32 : i32
    %eq3A_30 = arith.constant 2 : i32
    %eq3A_31 = vector.broadcast %eq3A_30 : i32 to vector<16xi32>
    %eq3A_32 = arith.cmpi eq, %iota3A, %eq3A_31 : vector<16xi32>
    %jit3A_33 = arith.constant 0 : i32
    %broadcast_in_dim3A_34 = vector.broadcast %jit3A_33 : i32 to vector<16xi32>
    %select_n3A_35 = arith.select %eq3A_32, %get3A_3, %broadcast_in_dim3A_34 : vector<16xi1>, vector<16xi32>
    %reduce_sum3A_36 = arith.constant true
    %reduce_sum3A_37 = vector.broadcast %reduce_sum3A_36 : i1 to vector<16xi1>
    %reduce_sum3A_38 = tpu.scan <sum>, %select_n3A_35 masked %reduce_sum3A_37 : vector<16xi32>, vector<16xi1> -> vector<16xi32>
    %reduce_sum3A_39 = vector.extract %reduce_sum3A_38[15] : i32 from vector<16xi32>
    %scan3A_40 = arith.constant 0 : i32
    %scan3A_41 = arith.constant 0 : i32
    %scan3A_42 = arith.constant 32 : i32
    %scan3A_43 = arith.addi %scan3A_41, %scan3A_42 : i32
    %scan3A_44 = arith.constant 1 : i32
    scf.for %scan3A_3370 = %scan3A_41 to %scan3A_43 step %scan3A_44  : i32 {
      %shift_right_arithmetic3A_3371 = arith.constant 3 : i32
      %shift_right_arithmetic3A_3372 = arith.shrsi %scan3A_3370, %shift_right_arithmetic3A_3371 : i32
      %and3A_3373 = arith.constant 7 : i32
      %and3A_3374 = arith.andi %scan3A_3370, %and3A_3373 : i32
      %mul3A_3375 = arith.constant 16 : i32
      %mul3A_3376 = arith.muli %and3A_3374, %mul3A_3375 : i32
      %get3A_3377 = arith.constant 2 : i32
      %get3A_3378 = arith.index_cast %shift_right_arithmetic3A_3372 : i32 to index
      %get3A_3379 = arith.index_cast %get3A_3377 : i32 to index
      %get3A_3380 = arith.index_cast %mul3A_3376 : i32 to index
      %get3A_3381 = tpu.vector_load %arg6[%get3A_3378, %get3A_3379, %get3A_3380] {strides = array<i32>} : memref<4x8x128xi32, #tpu.memory_space<vmem>>, vector<16xi32>,
      %add3A_3382 = vector.broadcast %reduce_sum3A_39 : i32 to vector<16xi32>
      %add3A_3383 = arith.addi %get3A_3381, %add3A_3382 : vector<16xi32>
      %mul3A_3384 = arith.constant 2 : i32
      %mul3A_3385 = arith.muli %shift_right_arithmetic3A_3372, %mul3A_3384 : i32
      %add3A_3386 = arith.constant 0 : i32
      %add3A_3387 = arith.addi %mul3A_3385, %add3A_3386 : i32
      %mul3A_3388 = arith.constant 16 : i32
      %mul3A_3389 = arith.muli %and3A_3374, %mul3A_3388 : i32
      %add3A_3390 = arith.constant 256 : i32
      %add3A_3391 = arith.addi %add3A_3390, %mul3A_3389 : i32
      %swap3A = arith.index_cast %add3A_3387 : i32 to index
      %swap3A_3392 = arith.index_cast %add3A_3391 : i32 to index
      %swap3A_3393 = tpu.vector_load %arg7[%swap3A, %swap3A_3392] {strides = array<i32>} : memref<8x512xi32, #tpu.memory_space<vmem>>, vector<16xi32>,
      tpu.vector_store %arg7[%swap3A, %swap3A_3392], %add3A_3383 {strides = array<i32>} : memref<8x512xi32, #tpu.memory_space<vmem>>, vector<16xi32>,
    }
    %scan3A_45 = arith.constant 32 : i32
    %eq3A_46 = arith.constant 3 : i32
    %eq3A_47 = vector.broadcast %eq3A_46 : i32 to vector<16xi32>
    %eq3A_48 = arith.cmpi eq, %iota3A, %eq3A_47 : vector<16xi32>
    %jit3A_49 = arith.constant 0 : i32
    %broadcast_in_dim3A_50 = vector.broadcast %jit3A_49 : i32 to vector<16xi32>
    %select_n3A_51 = arith.select %eq3A_48, %get3A_3, %broadcast_in_dim3A_50 : vector<16xi1>, vector<16xi32>
    %reduce_sum3A_52 = arith.constant true
    %reduce_sum3A_53 = vector.broadcast %reduce_sum3A_52 : i1 to vector<16xi1>
    %reduce_sum3A_54 = tpu.scan <sum>, %select_n3A_51 masked %reduce_sum3A_53 : vector<16xi32>, vector<16xi1> -> vector<16xi32>
    %reduce_sum3A_55 = vector.extract %reduce_sum3A_54[15] : i32 from vector<16xi32>
    %scan3A_56 = arith.constant 0 : i32
    %scan3A_57 = arith.constant 0 : i32
    %scan3A_58 = arith.constant 32 : i32
    %scan3A_59 = arith.addi %scan3A_57, %scan3A_58 : i32
    %scan3A_60 = arith.constant 1 : i32
    scf.for %scan3A_3370 = %scan3A_57 to %scan3A_59 step %scan3A_60  : i32 {
      %shift_right_arithmetic3A_3371 = arith.constant 3 : i32
      %shift_right_arithmetic3A_3372 = arith.shrsi %scan3A_3370, %shift_right_arithmetic3A_3371 : i32
      %and3A_3373 = arith.constant 7 : i32
      %and3A_3374 = arith.andi %scan3A_3370, %and3A_3373 : i32
      %mul3A_3375 = arith.constant 16 : i32
      %mul3A_3376 = arith.muli %and3A_3374, %mul3A_3375 : i32
      %get3A_3377 = arith.constant 3 : i32
      %get3A_3378 = arith.index_cast %shift_right_arithmetic3A_3372 : i32 to index
      %get3A_3379 = arith.index_cast %get3A_3377 : i32 to index
      %get3A_3380 = arith.index_cast %mul3A_3376 : i32 to index
      %get3A_3381 = tpu.vector_load %arg6[%get3A_3378, %get3A_3379, %get3A_3380] {strides = array<i32>} : memref<4x8x128xi32, #tpu.memory_space<vmem>>, vector<16xi32>,
      %add3A_3382 = vector.broadcast %reduce_sum3A_55 : i32 to vector<16xi32>
      %add3A_3383 = arith.addi %get3A_3381, %add3A_3382 : vector<16xi32>
      %mul3A_3384 = arith.constant 2 : i32
      %mul3A_3385 = arith.muli %shift_right_arithmetic3A_3372, %mul3A_3384 : i32
      %add3A_3386 = arith.constant 0 : i32
      %add3A_3387 = arith.addi %mul3A_3385, %add3A_3386 : i32
      %mul3A_3388 = arith.constant 16 : i32
      %mul3A_3389 = arith.muli %and3A_3374, %mul3A_3388 : i32
      %add3A_3390 = arith.constant 384 : i32
      %add3A_3391 = arith.addi %add3A_3390, %mul3A_3389 : i32
      %swap3A = arith.index_cast %add3A_3387 : i32 to index
      %swap3A_3392 = arith.index_cast %add3A_3391 : i32 to index
      %swap3A_3393 = tpu.vector_load %arg7[%swap3A, %swap3A_3392] {strides = array<i32>} : memref<8x512xi32, #tpu.memory_space<vmem>>, vector<16xi32>,
      tpu.vector_store %arg7[%swap3A, %swap3A_3392], %add3A_3383 {strides = array<i32>} : memref<8x512xi32, #tpu.memory_space<vmem>>, vector<16xi32>,
    }
    %scan3A_61 = arith.constant 32 : i32
    %eq3A_62 = arith.constant 4 : i32
    %eq3A_63 = vector.broadcast %eq3A_62 : i32 to vector<16xi32>
    %eq3A_64 = arith.cmpi eq, %iota3A, %eq3A_63 : vector<16xi32>
    %jit3A_65 = arith.constant 0 : i32
    %broadcast_in_dim3A_66 = vector.broadcast %jit3A_65 : i32 to vector<16xi32>
    %select_n3A_67 = arith.select %eq3A_64, %get3A_3, %broadcast_in_dim3A_66 : vector<16xi1>, vector<16xi32>
    %reduce_sum3A_68 = arith.constant true
    %reduce_sum3A_69 = vector.broadcast %reduce_sum3A_68 : i1 to vector<16xi1>
    %reduce_sum3A_70 = tpu.scan <sum>, %select_n3A_67 masked %reduce_sum3A_69 : vector<16xi32>, vector<16xi1> -> vector<16xi32>
    %reduce_sum3A_71 = vector.extract %reduce_sum3A_70[15] : i32 from vector<16xi32>
    %scan3A_72 = arith.constant 0 : i32
    %scan3A_73 = arith.constant 0 : i32
    %scan3A_74 = arith.constant 32 : i32
    %scan3A_75 = arith.addi %scan3A_73, %scan3A_74 : i32
    %scan3A_76 = arith.constant 1 : i32
    scf.for %scan3A_3370 = %scan3A_73 to %scan3A_75 step %scan3A_76  : i32 {
      %shift_right_arithmetic3A_3371 = arith.constant 3 : i32
      %shift_right_arithmetic3A_3372 = arith.shrsi %scan3A_3370, %shift_right_arithmetic3A_3371 : i32
      %and3A_3373 = arith.constant 7 : i32
      %and3A_3374 = arith.andi %scan3A_3370, %and3A_3373 : i32
      %mul3A_3375 = arith.constant 16 : i32
      %mul3A_3376 = arith.muli %and3A_3374, %mul3A_3375 : i32
      %get3A_3377 = arith.constant 4 : i32
      %get3A_3378 = arith.index_cast %shift_right_arithmetic3A_3372 : i32 to index
      %get3A_3379 = arith.index_cast %get3A_3377 : i32 to index
      %get3A_3380 = arith.index_cast %mul3A_3376 : i32 to index
      %get3A_3381 = tpu.vector_load %arg6[%get3A_3378, %get3A_3379, %get3A_3380] {strides = array<i32>} : memref<4x8x128xi32, #tpu.memory_space<vmem>>, vector<16xi32>,
      %add3A_3382 = vector.broadcast %reduce_sum3A_71 : i32 to vector<16xi32>
      %add3A_3383 = arith.addi %get3A_3381, %add3A_3382 : vector<16xi32>
      %mul3A_3384 = arith.constant 2 : i32
      %mul3A_3385 = arith.muli %shift_right_arithmetic3A_3372, %mul3A_3384 : i32
      %add3A_3386 = arith.constant 1 : i32
      %add3A_3387 = arith.addi %mul3A_3385, %add3A_3386 : i32
      %mul3A_3388 = arith.constant 16 : i32
      %mul3A_3389 = arith.muli %and3A_3374, %mul3A_3388 : i32
      %add3A_3390 = arith.constant 0 : i32
      %add3A_3391 = arith.addi %add3A_3390, %mul3A_3389 : i32
      %swap3A = arith.index_cast %add3A_3387 : i32 to index
      %swap3A_3392 = arith.index_cast %add3A_3391 : i32 to index
      %swap3A_3393 = tpu.vector_load %arg7[%swap3A, %swap3A_3392] {strides = array<i32>} : memref<8x512xi32, #tpu.memory_space<vmem>>, vector<16xi32>,
      tpu.vector_store %arg7[%swap3A, %swap3A_3392], %add3A_3383 {strides = array<i32>} : memref<8x512xi32, #tpu.memory_space<vmem>>, vector<16xi32>,
    }
    %scan3A_77 = arith.constant 32 : i32
    %eq3A_78 = arith.constant 5 : i32
    %eq3A_79 = vector.broadcast %eq3A_78 : i32 to vector<16xi32>
    %eq3A_80 = arith.cmpi eq, %iota3A, %eq3A_79 : vector<16xi32>
    %jit3A_81 = arith.constant 0 : i32
    %broadcast_in_dim3A_82 = vector.broadcast %jit3A_81 : i32 to vector<16xi32>
    %select_n3A_83 = arith.select %eq3A_80, %get3A_3, %broadcast_in_dim3A_82 : vector<16xi1>, vector<16xi32>
    %reduce_sum3A_84 = arith.constant true
    %reduce_sum3A_85 = vector.broadcast %reduce_sum3A_84 : i1 to vector<16xi1>
    %reduce_sum3A_86 = tpu.scan <sum>, %select_n3A_83 masked %reduce_sum3A_85 : vector<16xi32>, vector<16xi1> -> vector<16xi32>
    %reduce_sum3A_87 = vector.extract %reduce_sum3A_86[15] : i32 from vector<16xi32>
    %scan3A_88 = arith.constant 0 : i32
    %scan3A_89 = arith.constant 0 : i32
    %scan3A_90 = arith.constant 32 : i32
    %scan3A_91 = arith.addi %scan3A_89, %scan3A_90 : i32
    %scan3A_92 = arith.constant 1 : i32
    scf.for %scan3A_3370 = %scan3A_89 to %scan3A_91 step %scan3A_92  : i32 {
      %shift_right_arithmetic3A_3371 = arith.constant 3 : i32
      %shift_right_arithmetic3A_3372 = arith.shrsi %scan3A_3370, %shift_right_arithmetic3A_3371 : i32
      %and3A_3373 = arith.constant 7 : i32
      %and3A_3374 = arith.andi %scan3A_3370, %and3A_3373 : i32
      %mul3A_3375 = arith.constant 16 : i32
      %mul3A_3376 = arith.muli %and3A_3374, %mul3A_3375 : i32
      %get3A_3377 = arith.constant 5 : i32
      %get3A_3378 = arith.index_cast %shift_right_arithmetic3A_3372 : i32 to index
      %get3A_3379 = arith.index_cast %get3A_3377 : i32 to index
      %get3A_3380 = arith.index_cast %mul3A_3376 : i32 to index
      %get3A_3381 = tpu.vector_load %arg6[%get3A_3378, %get3A_3379, %get3A_3380] {strides = array<i32>} : memref<4x8x128xi32, #tpu.memory_space<vmem>>, vector<16xi32>,
      %add3A_3382 = vector.broadcast %reduce_sum3A_87 : i32 to vector<16xi32>
      %add3A_3383 = arith.addi %get3A_3381, %add3A_3382 : vector<16xi32>
      %mul3A_3384 = arith.constant 2 : i32
      %mul3A_3385 = arith.muli %shift_right_arithmetic3A_3372, %mul3A_3384 : i32
      %add3A_3386 = arith.constant 1 : i32
      %add3A_3387 = arith.addi %mul3A_3385, %add3A_3386 : i32
      %mul3A_3388 = arith.constant 16 : i32
      %mul3A_3389 = arith.muli %and3A_3374, %mul3A_3388 : i32
      %add3A_3390 = arith.constant 128 : i32
      %add3A_3391 = arith.addi %add3A_3390, %mul3A_3389 : i32
      %swap3A = arith.index_cast %add3A_3387 : i32 to index
      %swap3A_3392 = arith.index_cast %add3A_3391 : i32 to index
      %swap3A_3393 = tpu.vector_load %arg7[%swap3A, %swap3A_3392] {strides = array<i32>} : memref<8x512xi32, #tpu.memory_space<vmem>>, vector<16xi32>,
      tpu.vector_store %arg7[%swap3A, %swap3A_3392], %add3A_3383 {strides = array<i32>} : memref<8x512xi32, #tpu.memory_space<vmem>>, vector<16xi32>,
    }
    %scan3A_93 = arith.constant 32 : i32
    %eq3A_94 = arith.constant 6 : i32
    %eq3A_95 = vector.broadcast %eq3A_94 : i32 to vector<16xi32>
    %eq3A_96 = arith.cmpi eq, %iota3A, %eq3A_95 : vector<16xi32>
    %jit3A_97 = arith.constant 0 : i32
    %broadcast_in_dim3A_98 = vector.broadcast %jit3A_97 : i32 to vector<16xi32>
    %select_n3A_99 = arith.select %eq3A_96, %get3A_3, %broadcast_in_dim3A_98 : vector<16xi1>, vector<16xi32>
    %reduce_sum3A_100 = arith.constant true
    %reduce_sum3A_101 = vector.broadcast %reduce_sum3A_100 : i1 to vector<16xi1>
    %reduce_sum3A_102 = tpu.scan <sum>, %select_n3A_99 masked %reduce_sum3A_101 : vector<16xi32>, vector<16xi1> -> vector<16xi32>
    %reduce_sum3A_103 = vector.extract %reduce_sum3A_102[15] : i32 from vector<16xi32>
    %scan3A_104 = arith.constant 0 : i32
    %scan3A_105 = arith.constant 0 : i32
    %scan3A_106 = arith.constant 32 : i32
    %scan3A_107 = arith.addi %scan3A_105, %scan3A_106 : i32
    %scan3A_108 = arith.constant 1 : i32
    scf.for %scan3A_3370 = %scan3A_105 to %scan3A_107 step %scan3A_108  : i32 {
      %shift_right_arithmetic3A_3371 = arith.constant 3 : i32
      %shift_right_arithmetic3A_3372 = arith.shrsi %scan3A_3370, %shift_right_arithmetic3A_3371 : i32
      %and3A_3373 = arith.constant 7 : i32
      %and3A_3374 = arith.andi %scan3A_3370, %and3A_3373 : i32
      %mul3A_3375 = arith.constant 16 : i32
      %mul3A_3376 = arith.muli %and3A_3374, %mul3A_3375 : i32
      %get3A_3377 = arith.constant 6 : i32
      %get3A_3378 = arith.index_cast %shift_right_arithmetic3A_3372 : i32 to index
      %get3A_3379 = arith.index_cast %get3A_3377 : i32 to index
      %get3A_3380 = arith.index_cast %mul3A_3376 : i32 to index
      %get3A_3381 = tpu.vector_load %arg6[%get3A_3378, %get3A_3379, %get3A_3380] {strides = array<i32>} : memref<4x8x128xi32, #tpu.memory_space<vmem>>, vector<16xi32>,
      %add3A_3382 = vector.broadcast %reduce_sum3A_103 : i32 to vector<16xi32>
      %add3A_3383 = arith.addi %get3A_3381, %add3A_3382 : vector<16xi32>
      %mul3A_3384 = arith.constant 2 : i32
      %mul3A_3385 = arith.muli %shift_right_arithmetic3A_3372, %mul3A_3384 : i32
      %add3A_3386 = arith.constant 1 : i32
      %add3A_3387 = arith.addi %mul3A_3385, %add3A_3386 : i32
      %mul3A_3388 = arith.constant 16 : i32
      %mul3A_3389 = arith.muli %and3A_3374, %mul3A_3388 : i32
      %add3A_3390 = arith.constant 256 : i32
      %add3A_3391 = arith.addi %add3A_3390, %mul3A_3389 : i32
      %swap3A = arith.index_cast %add3A_3387 : i32 to index
      %swap3A_3392 = arith.index_cast %add3A_3391 : i32 to index
      %swap3A_3393 = tpu.vector_load %arg7[%swap3A, %swap3A_3392] {strides = array<i32>} : memref<8x512xi32, #tpu.memory_space<vmem>>, vector<16xi32>,
      tpu.vector_store %arg7[%swap3A, %swap3A_3392], %add3A_3383 {strides = array<i32>} : memref<8x512xi32, #tpu.memory_space<vmem>>, vector<16xi32>,
    }
    %scan3A_109 = arith.constant 32 : i32
    %eq3A_110 = arith.constant 7 : i32
    %eq3A_111 = vector.broadcast %eq3A_110 : i32 to vector<16xi32>
    %eq3A_112 = arith.cmpi eq, %iota3A, %eq3A_111 : vector<16xi32>
    %jit3A_113 = arith.constant 0 : i32
    %broadcast_in_dim3A_114 = vector.broadcast %jit3A_113 : i32 to vector<16xi32>
    %select_n3A_115 = arith.select %eq3A_112, %get3A_3, %broadcast_in_dim3A_114 : vector<16xi1>, vector<16xi32>
    %reduce_sum3A_116 = arith.constant true
    %reduce_sum3A_117 = vector.broadcast %reduce_sum3A_116 : i1 to vector<16xi1>
    %reduce_sum3A_118 = tpu.scan <sum>, %select_n3A_115 masked %reduce_sum3A_117 : vector<16xi32>, vector<16xi1> -> vector<16xi32>
    %reduce_sum3A_119 = vector.extract %reduce_sum3A_118[15] : i32 from vector<16xi32>
    %scan3A_120 = arith.constant 0 : i32
    %scan3A_121 = arith.constant 0 : i32
    %scan3A_122 = arith.constant 32 : i32
    %scan3A_123 = arith.addi %scan3A_121, %scan3A_122 : i32
    %scan3A_124 = arith.constant 1 : i32
    scf.for %scan3A_3370 = %scan3A_121 to %scan3A_123 step %scan3A_124  : i32 {
      %shift_right_arithmetic3A_3371 = arith.constant 3 : i32
      %shift_right_arithmetic3A_3372 = arith.shrsi %scan3A_3370, %shift_right_arithmetic3A_3371 : i32
      %and3A_3373 = arith.constant 7 : i32
      %and3A_3374 = arith.andi %scan3A_3370, %and3A_3373 : i32
      %mul3A_3375 = arith.constant 16 : i32
      %mul3A_3376 = arith.muli %and3A_3374, %mul3A_3375 : i32
      %get3A_3377 = arith.constant 7 : i32
      %get3A_3378 = arith.index_cast %shift_right_arithmetic3A_3372 : i32 to index
      %get3A_3379 = arith.index_cast %get3A_3377 : i32 to index
      %get3A_3380 = arith.index_cast %mul3A_3376 : i32 to index
      %get3A_3381 = tpu.vector_load %arg6[%get3A_3378, %get3A_3379, %get3A_3380] {strides = array<i32>} : memref<4x8x128xi32, #tpu.memory_space<vmem>>, vector<16xi32>,
      %add3A_3382 = vector.broadcast %reduce_sum3A_119 : i32 to vector<16xi32>
      %add3A_3383 = arith.addi %get3A_3381, %add3A_3382 : vector<16xi32>
      %mul3A_3384 = arith.constant 2 : i32
      %mul3A_3385 = arith.muli %shift_right_arithmetic3A_3372, %mul3A_3384 : i32
      %add3A_3386 = arith.constant 1 : i32
      %add3A_3387 = arith.addi %mul3A_3385, %add3A_3386 : i32
      %mul3A_3388 = arith.constant 16 : i32
      %mul3A_3389 = arith.muli %and3A_3374, %mul3A_3388 : i32
      %add3A_3390 = arith.constant 384 : i32
      %add3A_3391 = arith.addi %add3A_3390, %mul3A_3389 : i32
      %swap3A = arith.index_cast %add3A_3387 : i32 to index
      %swap3A_3392 = arith.index_cast %add3A_3391 : i32 to index
      %swap3A_3393 = tpu.vector_load %arg7[%swap3A, %swap3A_3392] {strides = array<i32>} : memref<8x512xi32, #tpu.memory_space<vmem>>, vector<16xi32>,
      tpu.vector_store %arg7[%swap3A, %swap3A_3392], %add3A_3383 {strides = array<i32>} : memref<8x512xi32, #tpu.memory_space<vmem>>, vector<16xi32>,
    }
    %scan3A_125 = arith.constant 32 : i32
    %shift_right_arithmetic3A = arith.constant 3 : i32
    %shift_right_arithmetic3A_126 = vector.broadcast %shift_right_arithmetic3A : i32 to vector<16xi32>
    %shift_right_arithmetic3A_127 = arith.shrsi %iota3A, %shift_right_arithmetic3A_126 : vector<16xi32>
    %mul3A_128 = arith.constant 1024 : i32
    %mul3A_129 = vector.broadcast %mul3A_128 : i32 to vector<16xi32>
    %mul3A_130 = arith.muli %shift_right_arithmetic3A_127, %mul3A_129 : vector<16xi32>
    %and3A = arith.constant 7 : i32
    %and3A_131 = vector.broadcast %and3A : i32 to vector<16xi32>
    %and3A_132 = arith.andi %iota3A, %and3A_131 : vector<16xi32>
    %mul3A_133 = arith.constant 128 : i32
    %mul3A_134 = vector.broadcast %mul3A_133 : i32 to vector<16xi32>
    %mul3A_135 = arith.muli %and3A_132, %mul3A_134 : vector<16xi32>
    %add3A_136 = arith.addi %mul3A_130, %mul3A_135 : vector<16xi32>
    %add3A_137 = arith.constant 2048 : i32
    %add3A_138 = vector.broadcast %add3A_137 : i32 to vector<16xi32>
    %add3A_139 = arith.addi %add3A_136, %add3A_138 : vector<16xi32>
    %dma_start3A = arith.constant 0 : i32
    %dma_start3A_140 = arith.constant 0 : i32
    %dma_start3A_141 = tpu.memref_slice %arg7[%dma_start3A, %dma_start3A_140] : memref<8x512xi32, #tpu.memory_space<vmem>> -> memref<1x512xi32, #tpu.memory_space<vmem>>
    %dma_start3A_142 = tpu.memref_squeeze %dma_start3A_141 : memref<1x512xi32, #tpu.memory_space<vmem>> -> memref<512xi32, #tpu.memory_space<vmem>>
    %dma_start3A_143 = arith.constant 0 : i32
    %dma_start3A_144 = arith.constant 0 : i32
    %dma_start3A_145 = tpu.memref_slice %arg4[%dma_start3A_143, %dma_start3A_144] : memref<800000x32xf32, #tpu.memory_space<hbm>> -> memref<800000x32xf32, #tpu.memory_space<hbm>>
    tpu.enqueue_indirect_dma source(%dma_start3A_145 : memref<800000x32xf32, #tpu.memory_space<hbm>>) target(%arg8 : memref<512x32xf32, #tpu.memory_space<vmem>>) offsets(%dma_start3A_142 : memref<512xi32, #tpu.memory_space<vmem>>) semaphore(%arg13 : memref<!tpu.dma_semaphore, #tpu.memory_space<semaphore_mem>>)
    %dma_start3A_146 = arith.constant 1 : i32
    %dma_start3A_147 = arith.constant 0 : i32
    %dma_start3A_148 = tpu.memref_slice %arg7[%dma_start3A_146, %dma_start3A_147] : memref<8x512xi32, #tpu.memory_space<vmem>> -> memref<1x512xi32, #tpu.memory_space<vmem>>
    %dma_start3A_149 = tpu.memref_squeeze %dma_start3A_148 : memref<1x512xi32, #tpu.memory_space<vmem>> -> memref<512xi32, #tpu.memory_space<vmem>>
    %dma_start3A_150 = arith.constant 0 : i32
    %dma_start3A_151 = arith.constant 0 : i32
    %dma_start3A_152 = tpu.memref_slice %arg4[%dma_start3A_150, %dma_start3A_151] : memref<800000x32xf32, #tpu.memory_space<hbm>> -> memref<800000x32xf32, #tpu.memory_space<hbm>>
    tpu.enqueue_indirect_dma source(%dma_start3A_152 : memref<800000x32xf32, #tpu.memory_space<hbm>>) target(%arg9 : memref<512x32xf32, #tpu.memory_space<vmem>>) offsets(%dma_start3A_149 : memref<512xi32, #tpu.memory_space<vmem>>) semaphore(%arg14 : memref<!tpu.dma_semaphore, #tpu.memory_space<semaphore_mem>>)
    %dma_wait3A = arith.constant 0 : i32
    %dma_wait3A_153 = arith.constant 0 : i32
    %dma_wait3A_154 = tpu.memref_slice %arg7[%dma_wait3A, %dma_wait3A_153] : memref<8x512xi32, #tpu.memory_space<vmem>> -> memref<1x512xi32, #tpu.memory_space<vmem>>
    %dma_wait3A_155 = tpu.memref_squeeze %dma_wait3A_154 : memref<1x512xi32, #tpu.memory_space<vmem>> -> memref<512xi32, #tpu.memory_space<vmem>>
    %dma_wait3A_156 = arith.constant 0 : i32
    %dma_wait3A_157 = arith.constant 0 : i32
    %dma_wait3A_158 = tpu.memref_slice %arg4[%dma_wait3A_156, %dma_wait3A_157] : memref<800000x32xf32, #tpu.memory_space<hbm>> -> memref<800000x32xf32, #tpu.memory_space<hbm>>
    tpu.wait_indirect_dma semaphore(%arg13 : memref<!tpu.dma_semaphore, #tpu.memory_space<semaphore_mem>>) src(%dma_wait3A_158 : memref<800000x32xf32, #tpu.memory_space<hbm>>) dst(%arg8 : memref<512x32xf32, #tpu.memory_space<vmem>>)
    %scan3A_159 = arith.constant 0 : i32
    %scan3A_160 = arith.constant 0 : i32
    %scan3A_161 = arith.constant 256 : i32
    %scan3A_162 = arith.addi %scan3A_160, %scan3A_161 : i32
    %scan3A_163 = arith.constant 1 : i32
    scf.for %scan3A_3370 = %scan3A_160 to %scan3A_162 step %scan3A_163  : i32 {
      %mul3A_3371 = arith.constant 2 : i32
      %mul3A_3372 = arith.muli %scan3A_3370, %mul3A_3371 : i32
      %add3A_3373 = arith.constant 0 : i32
      %add3A_3374 = arith.addi %mul3A_3372, %add3A_3373 : i32
      %shift_right_arithmetic3A_3375 = arith.constant 7 : i32
      %shift_right_arithmetic3A_3376 = arith.shrsi %add3A_3374, %shift_right_arithmetic3A_3375 : i32
      %add3A_3377 = arith.constant 0 : i32
      %add3A_3378 = arith.addi %add3A_3377, %shift_right_arithmetic3A_3376 : i32
      %mul3A_3379 = arith.constant 4096 : i32
      %mul3A_3380 = arith.muli %add3A_3378, %mul3A_3379 : i32
      %and3A_3381 = arith.constant 127 : i32
      %and3A_3382 = arith.andi %add3A_3374, %and3A_3381 : i32
      %add3A_3383 = arith.addi %mul3A_3380, %and3A_3382 : i32
      %add3A_3384 = vector.broadcast %add3A_3383 : i32 to vector<16xi32>
      %add3A_3385 = arith.addi %add3A_136, %add3A_3384 : vector<16xi32>
      %get3A_3386 = arith.index_cast %add3A_3374 : i32 to index
      %get3A_3387 = arith.constant 0 : index
      %get3A_3388 = tpu.vector_load %arg8[%get3A_3386, %get3A_3387] {strides = array<i32>} : memref<512x32xf32, #tpu.memory_space<vmem>>, vector<16xf32>,
      tpu.vector_store_idx %arg10[%add3A_3385], %get3A_3388 : memref<32768xf32, #tpu.memory_space<vmem>>[vector<16xi32>], vector<16xf32>,
      %add3A_3389 = vector.broadcast %add3A_3383 : i32 to vector<16xi32>
      %add3A_3390 = arith.addi %add3A_139, %add3A_3389 : vector<16xi32>
      %get3A_3391 = arith.index_cast %add3A_3374 : i32 to index
      %get3A_3392 = arith.constant 16 : index
      %get3A_3393 = tpu.vector_load %arg8[%get3A_3391, %get3A_3392] {strides = array<i32>} : memref<512x32xf32, #tpu.memory_space<vmem>>, vector<16xf32>,
      tpu.vector_store_idx %arg10[%add3A_3390], %get3A_3393 : memref<32768xf32, #tpu.memory_space<vmem>>[vector<16xi32>], vector<16xf32>,
      %mul3A_3394 = arith.constant 2 : i32
      %mul3A_3395 = arith.muli %scan3A_3370, %mul3A_3394 : i32
      %add3A_3396 = arith.constant 1 : i32
      %add3A_3397 = arith.addi %mul3A_3395, %add3A_3396 : i32
      %shift_right_arithmetic3A_3398 = arith.constant 7 : i32
      %shift_right_arithmetic3A_3399 = arith.shrsi %add3A_3397, %shift_right_arithmetic3A_3398 : i32
      %add3A_3400 = arith.constant 0 : i32
      %add3A_3401 = arith.addi %add3A_3400, %shift_right_arithmetic3A_3399 : i32
      %mul3A_3402 = arith.constant 4096 : i32
      %mul3A_3403 = arith.muli %add3A_3401, %mul3A_3402 : i32
      %and3A_3404 = arith.constant 127 : i32
      %and3A_3405 = arith.andi %add3A_3397, %and3A_3404 : i32
      %add3A_3406 = arith.addi %mul3A_3403, %and3A_3405 : i32
      %add3A_3407 = vector.broadcast %add3A_3406 : i32 to vector<16xi32>
      %add3A_3408 = arith.addi %add3A_136, %add3A_3407 : vector<16xi32>
      %get3A_3409 = arith.index_cast %add3A_3397 : i32 to index
      %get3A_3410 = arith.constant 0 : index
      %get3A_3411 = tpu.vector_load %arg8[%get3A_3409, %get3A_3410] {strides = array<i32>} : memref<512x32xf32, #tpu.memory_space<vmem>>, vector<16xf32>,
      tpu.vector_store_idx %arg10[%add3A_3408], %get3A_3411 : memref<32768xf32, #tpu.memory_space<vmem>>[vector<16xi32>], vector<16xf32>,
      %add3A_3412 = vector.broadcast %add3A_3406 : i32 to vector<16xi32>
      %add3A_3413 = arith.addi %add3A_139, %add3A_3412 : vector<16xi32>
      %get3A_3414 = arith.index_cast %add3A_3397 : i32 to index
      %get3A_3415 = arith.constant 16 : index
      %get3A_3416 = tpu.vector_load %arg8[%get3A_3414, %get3A_3415] {strides = array<i32>} : memref<512x32xf32, #tpu.memory_space<vmem>>, vector<16xf32>,
      tpu.vector_store_idx %arg10[%add3A_3413], %get3A_3416 : memref<32768xf32, #tpu.memory_space<vmem>>[vector<16xi32>], vector<16xf32>,
    }
    %scan3A_164 = arith.constant 256 : i32
    %dma_start3A_165 = arith.constant 2 : i32
    %dma_start3A_166 = arith.constant 0 : i32
    %dma_start3A_167 = tpu.memref_slice %arg7[%dma_start3A_165, %dma_start3A_166] : memref<8x512xi32, #tpu.memory_space<vmem>> -> memref<1x512xi32, #tpu.memory_space<vmem>>
    %dma_start3A_168 = tpu.memref_squeeze %dma_start3A_167 : memref<1x512xi32, #tpu.memory_space<vmem>> -> memref<512xi32, #tpu.memory_space<vmem>>
    %dma_start3A_169 = arith.constant 0 : i32
    %dma_start3A_170 = arith.constant 0 : i32
    %dma_start3A_171 = tpu.memref_slice %arg4[%dma_start3A_169, %dma_start3A_170] : memref<800000x32xf32, #tpu.memory_space<hbm>> -> memref<800000x32xf32, #tpu.memory_space<hbm>>
    tpu.enqueue_indirect_dma source(%dma_start3A_171 : memref<800000x32xf32, #tpu.memory_space<hbm>>) target(%arg8 : memref<512x32xf32, #tpu.memory_space<vmem>>) offsets(%dma_start3A_168 : memref<512xi32, #tpu.memory_space<vmem>>) semaphore(%arg13 : memref<!tpu.dma_semaphore, #tpu.memory_space<semaphore_mem>>)
    %dma_wait3A_172 = arith.constant 1 : i32
    %dma_wait3A_173 = arith.constant 0 : i32
    %dma_wait3A_174 = tpu.memref_slice %arg7[%dma_wait3A_172, %dma_wait3A_173] : memref<8x512xi32, #tpu.memory_space<vmem>> -> memref<1x512xi32, #tpu.memory_space<vmem>>
    %dma_wait3A_175 = tpu.memref_squeeze %dma_wait3A_174 : memref<1x512xi32, #tpu.memory_space<vmem>> -> memref<512xi32, #tpu.memory_space<vmem>>
    %dma_wait3A_176 = arith.constant 0 : i32
    %dma_wait3A_177 = arith.constant 0 : i32
    %dma_wait3A_178 = tpu.memref_slice %arg4[%dma_wait3A_176, %dma_wait3A_177] : memref<800000x32xf32, #tpu.memory_space<hbm>> -> memref<800000x32xf32, #tpu.memory_space<hbm>>
    tpu.wait_indirect_dma semaphore(%arg14 : memref<!tpu.dma_semaphore, #tpu.memory_space<semaphore_mem>>) src(%dma_wait3A_178 : memref<800000x32xf32, #tpu.memory_space<hbm>>) dst(%arg9 : memref<512x32xf32, #tpu.memory_space<vmem>>)
    %scan3A_179 = arith.constant 0 : i32
    %scan3A_180 = arith.constant 0 : i32
    %scan3A_181 = arith.constant 256 : i32
    %scan3A_182 = arith.addi %scan3A_180, %scan3A_181 : i32
    %scan3A_183 = arith.constant 1 : i32
    scf.for %scan3A_3370 = %scan3A_180 to %scan3A_182 step %scan3A_183  : i32 {
      %mul3A_3371 = arith.constant 2 : i32
      %mul3A_3372 = arith.muli %scan3A_3370, %mul3A_3371 : i32
      %add3A_3373 = arith.constant 0 : i32
      %add3A_3374 = arith.addi %mul3A_3372, %add3A_3373 : i32
      %shift_right_arithmetic3A_3375 = arith.constant 7 : i32
      %shift_right_arithmetic3A_3376 = arith.shrsi %add3A_3374, %shift_right_arithmetic3A_3375 : i32
      %add3A_3377 = arith.constant 4 : i32
      %add3A_3378 = arith.addi %add3A_3377, %shift_right_arithmetic3A_3376 : i32
      %mul3A_3379 = arith.constant 4096 : i32
      %mul3A_3380 = arith.muli %add3A_3378, %mul3A_3379 : i32
      %and3A_3381 = arith.constant 127 : i32
      %and3A_3382 = arith.andi %add3A_3374, %and3A_3381 : i32
      %add3A_3383 = arith.addi %mul3A_3380, %and3A_3382 : i32
      %add3A_3384 = vector.broadcast %add3A_3383 : i32 to vector<16xi32>
      %add3A_3385 = arith.addi %add3A_136, %add3A_3384 : vector<16xi32>
      %get3A_3386 = arith.index_cast %add3A_3374 : i32 to index
      %get3A_3387 = arith.constant 0 : index
      %get3A_3388 = tpu.vector_load %arg9[%get3A_3386, %get3A_3387] {strides = array<i32>} : memref<512x32xf32, #tpu.memory_space<vmem>>, vector<16xf32>,
      tpu.vector_store_idx %arg10[%add3A_3385], %get3A_3388 : memref<32768xf32, #tpu.memory_space<vmem>>[vector<16xi32>], vector<16xf32>,
      %add3A_3389 = vector.broadcast %add3A_3383 : i32 to vector<16xi32>
      %add3A_3390 = arith.addi %add3A_139, %add3A_3389 : vector<16xi32>
      %get3A_3391 = arith.index_cast %add3A_3374 : i32 to index
      %get3A_3392 = arith.constant 16 : index
      %get3A_3393 = tpu.vector_load %arg9[%get3A_3391, %get3A_3392] {strides = array<i32>} : memref<512x32xf32, #tpu.memory_space<vmem>>, vector<16xf32>,
      tpu.vector_store_idx %arg10[%add3A_3390], %get3A_3393 : memref<32768xf32, #tpu.memory_space<vmem>>[vector<16xi32>], vector<16xf32>,
      %mul3A_3394 = arith.constant 2 : i32
      %mul3A_3395 = arith.muli %scan3A_3370, %mul3A_3394 : i32
      %add3A_3396 = arith.constant 1 : i32
      %add3A_3397 = arith.addi %mul3A_3395, %add3A_3396 : i32
      %shift_right_arithmetic3A_3398 = arith.constant 7 : i32
      %shift_right_arithmetic3A_3399 = arith.shrsi %add3A_3397, %shift_right_arithmetic3A_3398 : i32
      %add3A_3400 = arith.constant 4 : i32
      %add3A_3401 = arith.addi %add3A_3400, %shift_right_arithmetic3A_3399 : i32
      %mul3A_3402 = arith.constant 4096 : i32
      %mul3A_3403 = arith.muli %add3A_3401, %mul3A_3402 : i32
      %and3A_3404 = arith.constant 127 : i32
      %and3A_3405 = arith.andi %add3A_3397, %and3A_3404 : i32
      %add3A_3406 = arith.addi %mul3A_3403, %and3A_3405 : i32
      %add3A_3407 = vector.broadcast %add3A_3406 : i32 to vector<16xi32>
      %add3A_3408 = arith.addi %add3A_136, %add3A_3407 : vector<16xi32>
      %get3A_3409 = arith.index_cast %add3A_3397 : i32 to index
      %get3A_3410 = arith.constant 0 : index
      %get3A_3411 = tpu.vector_load %arg9[%get3A_3409, %get3A_3410] {strides = array<i32>} : memref<512x32xf32, #tpu.memory_space<vmem>>, vector<16xf32>,
      tpu.vector_store_idx %arg10[%add3A_3408], %get3A_3411 : memref<32768xf32, #tpu.memory_space<vmem>>[vector<16xi32>], vector<16xf32>,
      %add3A_3412 = vector.broadcast %add3A_3406 : i32 to vector<16xi32>
      %add3A_3413 = arith.addi %add3A_139, %add3A_3412 : vector<16xi32>
      %get3A_3414 = arith.index_cast %add3A_3397 : i32 to index
      %get3A_3415 = arith.constant 16 : index
      %get3A_3416 = tpu.vector_load %arg9[%get3A_3414, %get3A_3415] {strides = array<i32>} : memref<512x32xf32, #tpu.memory_space<vmem>>, vector<16xf32>,
      tpu.vector_store_idx %arg10[%add3A_3413], %get3A_3416 : memref<32768xf32, #tpu.memory_space<vmem>>[vector<16xi32>], vector<16xf32>,
    }
    %scan3A_184 = arith.constant 256 : i32
    %add3A_185 = arith.constant 0 : i32
    %add3A_186 = arith.addi %add3A_185, %mul3A_2 : i32
    %add3A_187 = arith.constant 0 : i32
    %add3A_188 = arith.addi %add3A_186, %add3A_187 : i32
    %mul3A_189 = arith.constant 1024 : i32
    %mul3A_190 = arith.muli %add3A_188, %mul3A_189 : i32
    %add3A_191 = arith.constant 128 : i32
    %add3A_192 = arith.addi %add3A_191, %mul3A_2 : i32
    %add3A_193 = arith.constant 0 : i32
    %add3A_194 = arith.addi %add3A_192, %add3A_193 : i32
    %mul3A_195 = arith.constant 1024 : i32
    %mul3A_196 = arith.muli %add3A_194, %mul3A_195 : i32
    %add3A_197 = arith.constant 256 : i32
    %add3A_198 = arith.addi %add3A_197, %mul3A_2 : i32
    %add3A_199 = arith.constant 0 : i32
    %add3A_200 = arith.addi %add3A_198, %add3A_199 : i32
    %mul3A_201 = arith.constant 1024 : i32
    %mul3A_202 = arith.muli %add3A_200, %mul3A_201 : i32
    %add3A_203 = arith.constant 384 : i32
    %add3A_204 = arith.addi %add3A_203, %mul3A_2 : i32
    %add3A_205 = arith.constant 0 : i32
    %add3A_206 = arith.addi %add3A_204, %add3A_205 : i32
    %mul3A_207 = arith.constant 1024 : i32
    %mul3A_208 = arith.muli %add3A_206, %mul3A_207 : i32
    %add3A_209 = arith.constant 512 : i32
    %add3A_210 = arith.addi %add3A_209, %mul3A_2 : i32
    %add3A_211 = arith.constant 0 : i32
    %add3A_212 = arith.addi %add3A_210, %add3A_211 : i32
    %mul3A_213 = arith.constant 1024 : i32
    %mul3A_214 = arith.muli %add3A_212, %mul3A_213 : i32
    %add3A_215 = arith.constant 640 : i32
    %add3A_216 = arith.addi %add3A_215, %mul3A_2 : i32
    %add3A_217 = arith.constant 0 : i32
    %add3A_218 = arith.addi %add3A_216, %add3A_217 : i32
    %mul3A_219 = arith.constant 1024 : i32
    %mul3A_220 = arith.muli %add3A_218, %mul3A_219 : i32
    %add3A_221 = arith.constant 768 : i32
    %add3A_222 = arith.addi %add3A_221, %mul3A_2 : i32
    %add3A_223 = arith.constant 0 : i32
    %add3A_224 = arith.addi %add3A_222, %add3A_223 : i32
    %mul3A_225 = arith.constant 1024 : i32
    %mul3A_226 = arith.muli %add3A_224, %mul3A_225 : i32
    %add3A_227 = arith.constant 896 : i32
    %add3A_228 = arith.addi %add3A_227, %mul3A_2 : i32
    %add3A_229 = arith.constant 0 : i32
    %add3A_230 = arith.addi %add3A_228, %add3A_229 : i32
    %mul3A_231 = arith.constant 1024 : i32
    %mul3A_232 = arith.muli %add3A_230, %mul3A_231 : i32
    %add3A_233 = arith.constant 1024 : i32
    %add3A_234 = arith.addi %add3A_233, %mul3A_2 : i32
    %add3A_235 = arith.constant 0 : i32
    %add3A_236 = arith.addi %add3A_234, %add3A_235 : i32
    %mul3A_237 = arith.constant 1024 : i32
    %mul3A_238 = arith.muli %add3A_236, %mul3A_237 : i32
    %add3A_239 = arith.constant 1152 : i32
    %add3A_240 = arith.addi %add3A_239, %mul3A_2 : i32
    %add3A_241 = arith.constant 0 : i32
    %add3A_242 = arith.addi %add3A_240, %add3A_241 : i32
    %mul3A_243 = arith.constant 1024 : i32
    %mul3A_244 = arith.muli %add3A_242, %mul3A_243 : i32
    %add3A_245 = arith.constant 1280 : i32
    %add3A_246 = arith.addi %add3A_245, %mul3A_2 : i32
    %add3A_247 = arith.constant 0 : i32
    %add3A_248 = arith.addi %add3A_246, %add3A_247 : i32
    %mul3A_249 = arith.constant 1024 : i32
    %mul3A_250 = arith.muli %add3A_248, %mul3A_249 : i32
    %add3A_251 = arith.constant 1408 : i32
    %add3A_252 = arith.addi %add3A_251, %mul3A_2 : i32
    %add3A_253 = arith.constant 0 : i32
    %add3A_254 = arith.addi %add3A_252, %add3A_253 : i32
    %mul3A_255 = arith.constant 1024 : i32
    %mul3A_256 = arith.muli %add3A_254, %mul3A_255 : i32
    %add3A_257 = arith.constant 1536 : i32
    %add3A_258 = arith.addi %add3A_257, %mul3A_2 : i32
    %add3A_259 = arith.constant 0 : i32
    %add3A_260 = arith.addi %add3A_258, %add3A_259 : i32
    %mul3A_261 = arith.constant 1024 : i32
    %mul3A_262 = arith.muli %add3A_260, %mul3A_261 : i32
    %add3A_263 = arith.constant 1664 : i32
    %add3A_264 = arith.addi %add3A_263, %mul3A_2 : i32
    %add3A_265 = arith.constant 0 : i32
    %add3A_266 = arith.addi %add3A_264, %add3A_265 : i32
    %mul3A_267 = arith.constant 1024 : i32
    %mul3A_268 = arith.muli %add3A_266, %mul3A_267 : i32
    %add3A_269 = arith.constant 1792 : i32
    %add3A_270 = arith.addi %add3A_269, %mul3A_2 : i32
    %add3A_271 = arith.constant 0 : i32
    %add3A_272 = arith.addi %add3A_270, %add3A_271 : i32
    %mul3A_273 = arith.constant 1024 : i32
    %mul3A_274 = arith.muli %add3A_272, %mul3A_273 : i32
    %add3A_275 = arith.constant 1920 : i32
    %add3A_276 = arith.addi %add3A_275, %mul3A_2 : i32
    %add3A_277 = arith.constant 0 : i32
    %add3A_278 = arith.addi %add3A_276, %add3A_277 : i32
    %mul3A_279 = arith.constant 1024 : i32
    %mul3A_280 = arith.muli %add3A_278, %mul3A_279 : i32
    %add3A_281 = arith.constant 2048 : i32
    %add3A_282 = arith.addi %add3A_281, %mul3A_2 : i32
    %add3A_283 = arith.constant 0 : i32
    %add3A_284 = arith.addi %add3A_282, %add3A_283 : i32
    %mul3A_285 = arith.constant 1024 : i32
    %mul3A_286 = arith.muli %add3A_284, %mul3A_285 : i32
    %add3A_287 = arith.constant 2176 : i32
    %add3A_288 = arith.addi %add3A_287, %mul3A_2 : i32
    %add3A_289 = arith.constant 0 : i32
    %add3A_290 = arith.addi %add3A_288, %add3A_289 : i32
    %mul3A_291 = arith.constant 1024 : i32
    %mul3A_292 = arith.muli %add3A_290, %mul3A_291 : i32
    %add3A_293 = arith.constant 2304 : i32
    %add3A_294 = arith.addi %add3A_293, %mul3A_2 : i32
    %add3A_295 = arith.constant 0 : i32
    %add3A_296 = arith.addi %add3A_294, %add3A_295 : i32
    %mul3A_297 = arith.constant 1024 : i32
    %mul3A_298 = arith.muli %add3A_296, %mul3A_297 : i32
    %add3A_299 = arith.constant 2432 : i32
    %add3A_300 = arith.addi %add3A_299, %mul3A_2 : i32
    %add3A_301 = arith.constant 0 : i32
    %add3A_302 = arith.addi %add3A_300, %add3A_301 : i32
    %mul3A_303 = arith.constant 1024 : i32
    %mul3A_304 = arith.muli %add3A_302, %mul3A_303 : i32
    %add3A_305 = arith.constant 2560 : i32
    %add3A_306 = arith.addi %add3A_305, %mul3A_2 : i32
    %add3A_307 = arith.constant 0 : i32
    %add3A_308 = arith.addi %add3A_306, %add3A_307 : i32
    %mul3A_309 = arith.constant 1024 : i32
    %mul3A_310 = arith.muli %add3A_308, %mul3A_309 : i32
    %add3A_311 = arith.constant 2688 : i32
    %add3A_312 = arith.addi %add3A_311, %mul3A_2 : i32
    %add3A_313 = arith.constant 0 : i32
    %add3A_314 = arith.addi %add3A_312, %add3A_313 : i32
    %mul3A_315 = arith.constant 1024 : i32
    %mul3A_316 = arith.muli %add3A_314, %mul3A_315 : i32
    %add3A_317 = arith.constant 2816 : i32
    %add3A_318 = arith.addi %add3A_317, %mul3A_2 : i32
    %add3A_319 = arith.constant 0 : i32
    %add3A_320 = arith.addi %add3A_318, %add3A_319 : i32
    %mul3A_321 = arith.constant 1024 : i32
    %mul3A_322 = arith.muli %add3A_320, %mul3A_321 : i32
    %add3A_323 = arith.constant 2944 : i32
    %add3A_324 = arith.addi %add3A_323, %mul3A_2 : i32
    %add3A_325 = arith.constant 0 : i32
    %add3A_326 = arith.addi %add3A_324, %add3A_325 : i32
    %mul3A_327 = arith.constant 1024 : i32
    %mul3A_328 = arith.muli %add3A_326, %mul3A_327 : i32
    %add3A_329 = arith.constant 3072 : i32
    %add3A_330 = arith.addi %add3A_329, %mul3A_2 : i32
    %add3A_331 = arith.constant 0 : i32
    %add3A_332 = arith.addi %add3A_330, %add3A_331 : i32
    %mul3A_333 = arith.constant 1024 : i32
    %mul3A_334 = arith.muli %add3A_332, %mul3A_333 : i32
    %add3A_335 = arith.constant 3200 : i32
    %add3A_336 = arith.addi %add3A_335, %mul3A_2 : i32
    %add3A_337 = arith.constant 0 : i32
    %add3A_338 = arith.addi %add3A_336, %add3A_337 : i32
    %mul3A_339 = arith.constant 1024 : i32
    %mul3A_340 = arith.muli %add3A_338, %mul3A_339 : i32
    %add3A_341 = arith.constant 3328 : i32
    %add3A_342 = arith.addi %add3A_341, %mul3A_2 : i32
    %add3A_343 = arith.constant 0 : i32
    %add3A_344 = arith.addi %add3A_342, %add3A_343 : i32
    %mul3A_345 = arith.constant 1024 : i32
    %mul3A_346 = arith.muli %add3A_344, %mul3A_345 : i32
    %add3A_347 = arith.constant 3456 : i32
    %add3A_348 = arith.addi %add3A_347, %mul3A_2 : i32
    %add3A_349 = arith.constant 0 : i32
    %add3A_350 = arith.addi %add3A_348, %add3A_349 : i32
    %mul3A_351 = arith.constant 1024 : i32
    %mul3A_352 = arith.muli %add3A_350, %mul3A_351 : i32
    %add3A_353 = arith.constant 3584 : i32
    %add3A_354 = arith.addi %add3A_353, %mul3A_2 : i32
    %add3A_355 = arith.constant 0 : i32
    %add3A_356 = arith.addi %add3A_354, %add3A_355 : i32
    %mul3A_357 = arith.constant 1024 : i32
    %mul3A_358 = arith.muli %add3A_356, %mul3A_357 : i32
    %add3A_359 = arith.constant 3712 : i32
    %add3A_360 = arith.addi %add3A_359, %mul3A_2 : i32
    %add3A_361 = arith.constant 0 : i32
    %add3A_362 = arith.addi %add3A_360, %add3A_361 : i32
    %mul3A_363 = arith.constant 1024 : i32
    %mul3A_364 = arith.muli %add3A_362, %mul3A_363 : i32
    %add3A_365 = arith.constant 3840 : i32
    %add3A_366 = arith.addi %add3A_365, %mul3A_2 : i32
    %add3A_367 = arith.constant 0 : i32
    %add3A_368 = arith.addi %add3A_366, %add3A_367 : i32
    %mul3A_369 = arith.constant 1024 : i32
    %mul3A_370 = arith.muli %add3A_368, %mul3A_369 : i32
    %add3A_371 = arith.constant 3968 : i32
    %add3A_372 = arith.addi %add3A_371, %mul3A_2 : i32
    %add3A_373 = arith.constant 0 : i32
    %add3A_374 = arith.addi %add3A_372, %add3A_373 : i32
    %mul3A_375 = arith.constant 1024 : i32
    %mul3A_376 = arith.muli %add3A_374, %mul3A_375 : i32
    %dma_start3A_377 = arith.constant 0 : i32
    %dma_start3A_378 = tpu.memref_slice %arg10[%dma_start3A_377] : memref<32768xf32, #tpu.memory_space<vmem>> -> memref<1024xf32, #tpu.memory_space<vmem>>
    %dma_start3A_379 = tpu.memref_slice %arg5[%mul3A_190] : memref<4194304xf32, #tpu.memory_space<hbm>> -> memref<1024xf32, #tpu.memory_space<hbm>>
    %dma_start3A_380 = tpu.memref_slice %arg5[%mul3A_190] : memref<4194304xf32, #tpu.memory_space<hbm>> -> memref<1024xf32, #tpu.memory_space<hbm>>
    %dma_start3A_381 = arith.constant 0 : i32
    %dma_start3A_382 = tpu.memref_slice %arg10[%dma_start3A_381] : memref<32768xf32, #tpu.memory_space<vmem>> -> memref<1024xf32, #tpu.memory_space<vmem>>
    tpu.enqueue_dma source(%dma_start3A_382 : memref<1024xf32, #tpu.memory_space<vmem>>) target(%dma_start3A_380 : memref<1024xf32, #tpu.memory_space<hbm>>) target_semaphore(%arg15 : memref<!tpu.dma_semaphore, #tpu.memory_space<semaphore_mem>>)
    %dma_start3A_383 = arith.constant 1024 : i32
    %dma_start3A_384 = tpu.memref_slice %arg10[%dma_start3A_383] : memref<32768xf32, #tpu.memory_space<vmem>> -> memref<1024xf32, #tpu.memory_space<vmem>>
    %dma_start3A_385 = tpu.memref_slice %arg5[%mul3A_196] : memref<4194304xf32, #tpu.memory_space<hbm>> -> memref<1024xf32, #tpu.memory_space<hbm>>
    %dma_start3A_386 = tpu.memref_slice %arg5[%mul3A_196] : memref<4194304xf32, #tpu.memory_space<hbm>> -> memref<1024xf32, #tpu.memory_space<hbm>>
    %dma_start3A_387 = arith.constant 1024 : i32
    %dma_start3A_388 = tpu.memref_slice %arg10[%dma_start3A_387] : memref<32768xf32, #tpu.memory_space<vmem>> -> memref<1024xf32, #tpu.memory_space<vmem>>
    tpu.enqueue_dma source(%dma_start3A_388 : memref<1024xf32, #tpu.memory_space<vmem>>) target(%dma_start3A_386 : memref<1024xf32, #tpu.memory_space<hbm>>) target_semaphore(%arg15 : memref<!tpu.dma_semaphore, #tpu.memory_space<semaphore_mem>>)
    %dma_start3A_389 = arith.constant 2048 : i32
    %dma_start3A_390 = tpu.memref_slice %arg10[%dma_start3A_389] : memref<32768xf32, #tpu.memory_space<vmem>> -> memref<1024xf32, #tpu.memory_space<vmem>>
    %dma_start3A_391 = tpu.memref_slice %arg5[%mul3A_202] : memref<4194304xf32, #tpu.memory_space<hbm>> -> memref<1024xf32, #tpu.memory_space<hbm>>
    %dma_start3A_392 = tpu.memref_slice %arg5[%mul3A_202] : memref<4194304xf32, #tpu.memory_space<hbm>> -> memref<1024xf32, #tpu.memory_space<hbm>>
    %dma_start3A_393 = arith.constant 2048 : i32
    %dma_start3A_394 = tpu.memref_slice %arg10[%dma_start3A_393] : memref<32768xf32, #tpu.memory_space<vmem>> -> memref<1024xf32, #tpu.memory_space<vmem>>
    tpu.enqueue_dma source(%dma_start3A_394 : memref<1024xf32, #tpu.memory_space<vmem>>) target(%dma_start3A_392 : memref<1024xf32, #tpu.memory_space<hbm>>) target_semaphore(%arg15 : memref<!tpu.dma_semaphore, #tpu.memory_space<semaphore_mem>>)
    %dma_start3A_395 = arith.constant 3072 : i32
    %dma_start3A_396 = tpu.memref_slice %arg10[%dma_start3A_395] : memref<32768xf32, #tpu.memory_space<vmem>> -> memref<1024xf32, #tpu.memory_space<vmem>>
    %dma_start3A_397 = tpu.memref_slice %arg5[%mul3A_208] : memref<4194304xf32, #tpu.memory_space<hbm>> -> memref<1024xf32, #tpu.memory_space<hbm>>
    %dma_start3A_398 = tpu.memref_slice %arg5[%mul3A_208] : memref<4194304xf32, #tpu.memory_space<hbm>> -> memref<1024xf32, #tpu.memory_space<hbm>>
    %dma_start3A_399 = arith.constant 3072 : i32
    %dma_start3A_400 = tpu.memref_slice %arg10[%dma_start3A_399] : memref<32768xf32, #tpu.memory_space<vmem>> -> memref<1024xf32, #tpu.memory_space<vmem>>
    tpu.enqueue_dma source(%dma_start3A_400 : memref<1024xf32, #tpu.memory_space<vmem>>) target(%dma_start3A_398 : memref<1024xf32, #tpu.memory_space<hbm>>) target_semaphore(%arg15 : memref<!tpu.dma_semaphore, #tpu.memory_space<semaphore_mem>>)
    %dma_start3A_401 = arith.constant 4096 : i32
    %dma_start3A_402 = tpu.memref_slice %arg10[%dma_start3A_401] : memref<32768xf32, #tpu.memory_space<vmem>> -> memref<1024xf32, #tpu.memory_space<vmem>>
    %dma_start3A_403 = tpu.memref_slice %arg5[%mul3A_214] : memref<4194304xf32, #tpu.memory_space<hbm>> -> memref<1024xf32, #tpu.memory_space<hbm>>
    %dma_start3A_404 = tpu.memref_slice %arg5[%mul3A_214] : memref<4194304xf32, #tpu.memory_space<hbm>> -> memref<1024xf32, #tpu.memory_space<hbm>>
    %dma_start3A_405 = arith.constant 4096 : i32
    %dma_start3A_406 = tpu.memref_slice %arg10[%dma_start3A_405] : memref<32768xf32, #tpu.memory_space<vmem>> -> memref<1024xf32, #tpu.memory_space<vmem>>
    tpu.enqueue_dma source(%dma_start3A_406 : memref<1024xf32, #tpu.memory_space<vmem>>) target(%dma_start3A_404 : memref<1024xf32, #tpu.memory_space<hbm>>) target_semaphore(%arg15 : memref<!tpu.dma_semaphore, #tpu.memory_space<semaphore_mem>>)
    %dma_start3A_407 = arith.constant 5120 : i32
    %dma_start3A_408 = tpu.memref_slice %arg10[%dma_start3A_407] : memref<32768xf32, #tpu.memory_space<vmem>> -> memref<1024xf32, #tpu.memory_space<vmem>>
    %dma_start3A_409 = tpu.memref_slice %arg5[%mul3A_220] : memref<4194304xf32, #tpu.memory_space<hbm>> -> memref<1024xf32, #tpu.memory_space<hbm>>
    %dma_start3A_410 = tpu.memref_slice %arg5[%mul3A_220] : memref<4194304xf32, #tpu.memory_space<hbm>> -> memref<1024xf32, #tpu.memory_space<hbm>>
    %dma_start3A_411 = arith.constant 5120 : i32
    %dma_start3A_412 = tpu.memref_slice %arg10[%dma_start3A_411] : memref<32768xf32, #tpu.memory_space<vmem>> -> memref<1024xf32, #tpu.memory_space<vmem>>
    tpu.enqueue_dma source(%dma_start3A_412 : memref<1024xf32, #tpu.memory_space<vmem>>) target(%dma_start3A_410 : memref<1024xf32, #tpu.memory_space<hbm>>) target_semaphore(%arg15 : memref<!tpu.dma_semaphore, #tpu.memory_space<semaphore_mem>>)
    %dma_start3A_413 = arith.constant 6144 : i32
    %dma_start3A_414 = tpu.memref_slice %arg10[%dma_start3A_413] : memref<32768xf32, #tpu.memory_space<vmem>> -> memref<1024xf32, #tpu.memory_space<vmem>>
    %dma_start3A_415 = tpu.memref_slice %arg5[%mul3A_226] : memref<4194304xf32, #tpu.memory_space<hbm>> -> memref<1024xf32, #tpu.memory_space<hbm>>
    %dma_start3A_416 = tpu.memref_slice %arg5[%mul3A_226] : memref<4194304xf32, #tpu.memory_space<hbm>> -> memref<1024xf32, #tpu.memory_space<hbm>>
    %dma_start3A_417 = arith.constant 6144 : i32
    %dma_start3A_418 = tpu.memref_slice %arg10[%dma_start3A_417] : memref<32768xf32, #tpu.memory_space<vmem>> -> memref<1024xf32, #tpu.memory_space<vmem>>
    tpu.enqueue_dma source(%dma_start3A_418 : memref<1024xf32, #tpu.memory_space<vmem>>) target(%dma_start3A_416 : memref<1024xf32, #tpu.memory_space<hbm>>) target_semaphore(%arg15 : memref<!tpu.dma_semaphore, #tpu.memory_space<semaphore_mem>>)
    %dma_start3A_419 = arith.constant 7168 : i32
    %dma_start3A_420 = tpu.memref_slice %arg10[%dma_start3A_419] : memref<32768xf32, #tpu.memory_space<vmem>> -> memref<1024xf32, #tpu.memory_space<vmem>>
    %dma_start3A_421 = tpu.memref_slice %arg5[%mul3A_232] : memref<4194304xf32, #tpu.memory_space<hbm>> -> memref<1024xf32, #tpu.memory_space<hbm>>
    %dma_start3A_422 = tpu.memref_slice %arg5[%mul3A_232] : memref<4194304xf32, #tpu.memory_space<hbm>> -> memref<1024xf32, #tpu.memory_space<hbm>>
    %dma_start3A_423 = arith.constant 7168 : i32
    %dma_start3A_424 = tpu.memref_slice %arg10[%dma_start3A_423] : memref<32768xf32, #tpu.memory_space<vmem>> -> memref<1024xf32, #tpu.memory_space<vmem>>
    tpu.enqueue_dma source(%dma_start3A_424 : memref<1024xf32, #tpu.memory_space<vmem>>) target(%dma_start3A_422 : memref<1024xf32, #tpu.memory_space<hbm>>) target_semaphore(%arg15 : memref<!tpu.dma_semaphore, #tpu.memory_space<semaphore_mem>>)
    %dma_start3A_425 = arith.constant 8192 : i32
    %dma_start3A_426 = tpu.memref_slice %arg10[%dma_start3A_425] : memref<32768xf32, #tpu.memory_space<vmem>> -> memref<1024xf32, #tpu.memory_space<vmem>>
    %dma_start3A_427 = tpu.memref_slice %arg5[%mul3A_238] : memref<4194304xf32, #tpu.memory_space<hbm>> -> memref<1024xf32, #tpu.memory_space<hbm>>
    %dma_start3A_428 = tpu.memref_slice %arg5[%mul3A_238] : memref<4194304xf32, #tpu.memory_space<hbm>> -> memref<1024xf32, #tpu.memory_space<hbm>>
    %dma_start3A_429 = arith.constant 8192 : i32
    %dma_start3A_430 = tpu.memref_slice %arg10[%dma_start3A_429] : memref<32768xf32, #tpu.memory_space<vmem>> -> memref<1024xf32, #tpu.memory_space<vmem>>
    tpu.enqueue_dma source(%dma_start3A_430 : memref<1024xf32, #tpu.memory_space<vmem>>) target(%dma_start3A_428 : memref<1024xf32, #tpu.memory_space<hbm>>) target_semaphore(%arg15 : memref<!tpu.dma_semaphore, #tpu.memory_space<semaphore_mem>>)
    %dma_start3A_431 = arith.constant 9216 : i32
    %dma_start3A_432 = tpu.memref_slice %arg10[%dma_start3A_431] : memref<32768xf32, #tpu.memory_space<vmem>> -> memref<1024xf32, #tpu.memory_space<vmem>>
    %dma_start3A_433 = tpu.memref_slice %arg5[%mul3A_244] : memref<4194304xf32, #tpu.memory_space<hbm>> -> memref<1024xf32, #tpu.memory_space<hbm>>
    %dma_start3A_434 = tpu.memref_slice %arg5[%mul3A_244] : memref<4194304xf32, #tpu.memory_space<hbm>> -> memref<1024xf32, #tpu.memory_space<hbm>>
    %dma_start3A_435 = arith.constant 9216 : i32
    %dma_start3A_436 = tpu.memref_slice %arg10[%dma_start3A_435] : memref<32768xf32, #tpu.memory_space<vmem>> -> memref<1024xf32, #tpu.memory_space<vmem>>
    tpu.enqueue_dma source(%dma_start3A_436 : memref<1024xf32, #tpu.memory_space<vmem>>) target(%dma_start3A_434 : memref<1024xf32, #tpu.memory_space<hbm>>) target_semaphore(%arg15 : memref<!tpu.dma_semaphore, #tpu.memory_space<semaphore_mem>>)
    %dma_start3A_437 = arith.constant 10240 : i32
    %dma_start3A_438 = tpu.memref_slice %arg10[%dma_start3A_437] : memref<32768xf32, #tpu.memory_space<vmem>> -> memref<1024xf32, #tpu.memory_space<vmem>>
    %dma_start3A_439 = tpu.memref_slice %arg5[%mul3A_250] : memref<4194304xf32, #tpu.memory_space<hbm>> -> memref<1024xf32, #tpu.memory_space<hbm>>
    %dma_start3A_440 = tpu.memref_slice %arg5[%mul3A_250] : memref<4194304xf32, #tpu.memory_space<hbm>> -> memref<1024xf32, #tpu.memory_space<hbm>>
    %dma_start3A_441 = arith.constant 10240 : i32
    %dma_start3A_442 = tpu.memref_slice %arg10[%dma_start3A_441] : memref<32768xf32, #tpu.memory_space<vmem>> -> memref<1024xf32, #tpu.memory_space<vmem>>
    tpu.enqueue_dma source(%dma_start3A_442 : memref<1024xf32, #tpu.memory_space<vmem>>) target(%dma_start3A_440 : memref<1024xf32, #tpu.memory_space<hbm>>) target_semaphore(%arg15 : memref<!tpu.dma_semaphore, #tpu.memory_space<semaphore_mem>>)
    %dma_start3A_443 = arith.constant 11264 : i32
    %dma_start3A_444 = tpu.memref_slice %arg10[%dma_start3A_443] : memref<32768xf32, #tpu.memory_space<vmem>> -> memref<1024xf32, #tpu.memory_space<vmem>>
    %dma_start3A_445 = tpu.memref_slice %arg5[%mul3A_256] : memref<4194304xf32, #tpu.memory_space<hbm>> -> memref<1024xf32, #tpu.memory_space<hbm>>
    %dma_start3A_446 = tpu.memref_slice %arg5[%mul3A_256] : memref<4194304xf32, #tpu.memory_space<hbm>> -> memref<1024xf32, #tpu.memory_space<hbm>>
    %dma_start3A_447 = arith.constant 11264 : i32
    %dma_start3A_448 = tpu.memref_slice %arg10[%dma_start3A_447] : memref<32768xf32, #tpu.memory_space<vmem>> -> memref<1024xf32, #tpu.memory_space<vmem>>
    tpu.enqueue_dma source(%dma_start3A_448 : memref<1024xf32, #tpu.memory_space<vmem>>) target(%dma_start3A_446 : memref<1024xf32, #tpu.memory_space<hbm>>) target_semaphore(%arg15 : memref<!tpu.dma_semaphore, #tpu.memory_space<semaphore_mem>>)
    %dma_start3A_449 = arith.constant 12288 : i32
    %dma_start3A_450 = tpu.memref_slice %arg10[%dma_start3A_449] : memref<32768xf32, #tpu.memory_space<vmem>> -> memref<1024xf32, #tpu.memory_space<vmem>>
    %dma_start3A_451 = tpu.memref_slice %arg5[%mul3A_262] : memref<4194304xf32, #tpu.memory_space<hbm>> -> memref<1024xf32, #tpu.memory_space<hbm>>
    %dma_start3A_452 = tpu.memref_slice %arg5[%mul3A_262] : memref<4194304xf32, #tpu.memory_space<hbm>> -> memref<1024xf32, #tpu.memory_space<hbm>>
    %dma_start3A_453 = arith.constant 12288 : i32
    %dma_start3A_454 = tpu.memref_slice %arg10[%dma_start3A_453] : memref<32768xf32, #tpu.memory_space<vmem>> -> memref<1024xf32, #tpu.memory_space<vmem>>
    tpu.enqueue_dma source(%dma_start3A_454 : memref<1024xf32, #tpu.memory_space<vmem>>) target(%dma_start3A_452 : memref<1024xf32, #tpu.memory_space<hbm>>) target_semaphore(%arg15 : memref<!tpu.dma_semaphore, #tpu.memory_space<semaphore_mem>>)
    %dma_start3A_455 = arith.constant 13312 : i32
    %dma_start3A_456 = tpu.memref_slice %arg10[%dma_start3A_455] : memref<32768xf32, #tpu.memory_space<vmem>> -> memref<1024xf32, #tpu.memory_space<vmem>>
    %dma_start3A_457 = tpu.memref_slice %arg5[%mul3A_268] : memref<4194304xf32, #tpu.memory_space<hbm>> -> memref<1024xf32, #tpu.memory_space<hbm>>
    %dma_start3A_458 = tpu.memref_slice %arg5[%mul3A_268] : memref<4194304xf32, #tpu.memory_space<hbm>> -> memref<1024xf32, #tpu.memory_space<hbm>>
    %dma_start3A_459 = arith.constant 13312 : i32
    %dma_start3A_460 = tpu.memref_slice %arg10[%dma_start3A_459] : memref<32768xf32, #tpu.memory_space<vmem>> -> memref<1024xf32, #tpu.memory_space<vmem>>
    tpu.enqueue_dma source(%dma_start3A_460 : memref<1024xf32, #tpu.memory_space<vmem>>) target(%dma_start3A_458 : memref<1024xf32, #tpu.memory_space<hbm>>) target_semaphore(%arg15 : memref<!tpu.dma_semaphore, #tpu.memory_space<semaphore_mem>>)
    %dma_start3A_461 = arith.constant 14336 : i32
    %dma_start3A_462 = tpu.memref_slice %arg10[%dma_start3A_461] : memref<32768xf32, #tpu.memory_space<vmem>> -> memref<1024xf32, #tpu.memory_space<vmem>>
    %dma_start3A_463 = tpu.memref_slice %arg5[%mul3A_274] : memref<4194304xf32, #tpu.memory_space<hbm>> -> memref<1024xf32, #tpu.memory_space<hbm>>
    %dma_start3A_464 = tpu.memref_slice %arg5[%mul3A_274] : memref<4194304xf32, #tpu.memory_space<hbm>> -> memref<1024xf32, #tpu.memory_space<hbm>>
    %dma_start3A_465 = arith.constant 14336 : i32
    %dma_start3A_466 = tpu.memref_slice %arg10[%dma_start3A_465] : memref<32768xf32, #tpu.memory_space<vmem>> -> memref<1024xf32, #tpu.memory_space<vmem>>
    tpu.enqueue_dma source(%dma_start3A_466 : memref<1024xf32, #tpu.memory_space<vmem>>) target(%dma_start3A_464 : memref<1024xf32, #tpu.memory_space<hbm>>) target_semaphore(%arg15 : memref<!tpu.dma_semaphore, #tpu.memory_space<semaphore_mem>>)
    %dma_start3A_467 = arith.constant 15360 : i32
    %dma_start3A_468 = tpu.memref_slice %arg10[%dma_start3A_467] : memref<32768xf32, #tpu.memory_space<vmem>> -> memref<1024xf32, #tpu.memory_space<vmem>>
    %dma_start3A_469 = tpu.memref_slice %arg5[%mul3A_280] : memref<4194304xf32, #tpu.memory_space<hbm>> -> memref<1024xf32, #tpu.memory_space<hbm>>
    %dma_start3A_470 = tpu.memref_slice %arg5[%mul3A_280] : memref<4194304xf32, #tpu.memory_space<hbm>> -> memref<1024xf32, #tpu.memory_space<hbm>>
    %dma_start3A_471 = arith.constant 15360 : i32
    %dma_start3A_472 = tpu.memref_slice %arg10[%dma_start3A_471] : memref<32768xf32, #tpu.memory_space<vmem>> -> memref<1024xf32, #tpu.memory_space<vmem>>
    tpu.enqueue_dma source(%dma_start3A_472 : memref<1024xf32, #tpu.memory_space<vmem>>) target(%dma_start3A_470 : memref<1024xf32, #tpu.memory_space<hbm>>) target_semaphore(%arg15 : memref<!tpu.dma_semaphore, #tpu.memory_space<semaphore_mem>>)
    %dma_start3A_473 = arith.constant 16384 : i32
    %dma_start3A_474 = tpu.memref_slice %arg10[%dma_start3A_473] : memref<32768xf32, #tpu.memory_space<vmem>> -> memref<1024xf32, #tpu.memory_space<vmem>>
    %dma_start3A_475 = tpu.memref_slice %arg5[%mul3A_286] : memref<4194304xf32, #tpu.memory_space<hbm>> -> memref<1024xf32, #tpu.memory_space<hbm>>
    %dma_start3A_476 = tpu.memref_slice %arg5[%mul3A_286] : memref<4194304xf32, #tpu.memory_space<hbm>> -> memref<1024xf32, #tpu.memory_space<hbm>>
    %dma_start3A_477 = arith.constant 16384 : i32
    %dma_start3A_478 = tpu.memref_slice %arg10[%dma_start3A_477] : memref<32768xf32, #tpu.memory_space<vmem>> -> memref<1024xf32, #tpu.memory_space<vmem>>
    tpu.enqueue_dma source(%dma_start3A_478 : memref<1024xf32, #tpu.memory_space<vmem>>) target(%dma_start3A_476 : memref<1024xf32, #tpu.memory_space<hbm>>) target_semaphore(%arg15 : memref<!tpu.dma_semaphore, #tpu.memory_space<semaphore_mem>>)
    %dma_start3A_479 = arith.constant 17408 : i32
    %dma_start3A_480 = tpu.memref_slice %arg10[%dma_start3A_479] : memref<32768xf32, #tpu.memory_space<vmem>> -> memref<1024xf32, #tpu.memory_space<vmem>>
    %dma_start3A_481 = tpu.memref_slice %arg5[%mul3A_292] : memref<4194304xf32, #tpu.memory_space<hbm>> -> memref<1024xf32, #tpu.memory_space<hbm>>
    %dma_start3A_482 = tpu.memref_slice %arg5[%mul3A_292] : memref<4194304xf32, #tpu.memory_space<hbm>> -> memref<1024xf32, #tpu.memory_space<hbm>>
    %dma_start3A_483 = arith.constant 17408 : i32
    %dma_start3A_484 = tpu.memref_slice %arg10[%dma_start3A_483] : memref<32768xf32, #tpu.memory_space<vmem>> -> memref<1024xf32, #tpu.memory_space<vmem>>
    tpu.enqueue_dma source(%dma_start3A_484 : memref<1024xf32, #tpu.memory_space<vmem>>) target(%dma_start3A_482 : memref<1024xf32, #tpu.memory_space<hbm>>) target_semaphore(%arg15 : memref<!tpu.dma_semaphore, #tpu.memory_space<semaphore_mem>>)
    %dma_start3A_485 = arith.constant 18432 : i32
    %dma_start3A_486 = tpu.memref_slice %arg10[%dma_start3A_485] : memref<32768xf32, #tpu.memory_space<vmem>> -> memref<1024xf32, #tpu.memory_space<vmem>>
    %dma_start3A_487 = tpu.memref_slice %arg5[%mul3A_298] : memref<4194304xf32, #tpu.memory_space<hbm>> -> memref<1024xf32, #tpu.memory_space<hbm>>
    %dma_start3A_488 = tpu.memref_slice %arg5[%mul3A_298] : memref<4194304xf32, #tpu.memory_space<hbm>> -> memref<1024xf32, #tpu.memory_space<hbm>>
    %dma_start3A_489 = arith.constant 18432 : i32
    %dma_start3A_490 = tpu.memref_slice %arg10[%dma_start3A_489] : memref<32768xf32, #tpu.memory_space<vmem>> -> memref<1024xf32, #tpu.memory_space<vmem>>
    tpu.enqueue_dma source(%dma_start3A_490 : memref<1024xf32, #tpu.memory_space<vmem>>) target(%dma_start3A_488 : memref<1024xf32, #tpu.memory_space<hbm>>) target_semaphore(%arg15 : memref<!tpu.dma_semaphore, #tpu.memory_space<semaphore_mem>>)
    %dma_start3A_491 = arith.constant 19456 : i32
    %dma_start3A_492 = tpu.memref_slice %arg10[%dma_start3A_491] : memref<32768xf32, #tpu.memory_space<vmem>> -> memref<1024xf32, #tpu.memory_space<vmem>>
    %dma_start3A_493 = tpu.memref_slice %arg5[%mul3A_304] : memref<4194304xf32, #tpu.memory_space<hbm>> -> memref<1024xf32, #tpu.memory_space<hbm>>
    %dma_start3A_494 = tpu.memref_slice %arg5[%mul3A_304] : memref<4194304xf32, #tpu.memory_space<hbm>> -> memref<1024xf32, #tpu.memory_space<hbm>>
    %dma_start3A_495 = arith.constant 19456 : i32
    %dma_start3A_496 = tpu.memref_slice %arg10[%dma_start3A_495] : memref<32768xf32, #tpu.memory_space<vmem>> -> memref<1024xf32, #tpu.memory_space<vmem>>
    tpu.enqueue_dma source(%dma_start3A_496 : memref<1024xf32, #tpu.memory_space<vmem>>) target(%dma_start3A_494 : memref<1024xf32, #tpu.memory_space<hbm>>) target_semaphore(%arg15 : memref<!tpu.dma_semaphore, #tpu.memory_space<semaphore_mem>>)
    %dma_start3A_497 = arith.constant 20480 : i32
    %dma_start3A_498 = tpu.memref_slice %arg10[%dma_start3A_497] : memref<32768xf32, #tpu.memory_space<vmem>> -> memref<1024xf32, #tpu.memory_space<vmem>>
    %dma_start3A_499 = tpu.memref_slice %arg5[%mul3A_310] : memref<4194304xf32, #tpu.memory_space<hbm>> -> memref<1024xf32, #tpu.memory_space<hbm>>
    %dma_start3A_500 = tpu.memref_slice %arg5[%mul3A_310] : memref<4194304xf32, #tpu.memory_space<hbm>> -> memref<1024xf32, #tpu.memory_space<hbm>>
    %dma_start3A_501 = arith.constant 20480 : i32
    %dma_start3A_502 = tpu.memref_slice %arg10[%dma_start3A_501] : memref<32768xf32, #tpu.memory_space<vmem>> -> memref<1024xf32, #tpu.memory_space<vmem>>
    tpu.enqueue_dma source(%dma_start3A_502 : memref<1024xf32, #tpu.memory_space<vmem>>) target(%dma_start3A_500 : memref<1024xf32, #tpu.memory_space<hbm>>) target_semaphore(%arg15 : memref<!tpu.dma_semaphore, #tpu.memory_space<semaphore_mem>>)
    %dma_start3A_503 = arith.constant 21504 : i32
    %dma_start3A_504 = tpu.memref_slice %arg10[%dma_start3A_503] : memref<32768xf32, #tpu.memory_space<vmem>> -> memref<1024xf32, #tpu.memory_space<vmem>>
    %dma_start3A_505 = tpu.memref_slice %arg5[%mul3A_316] : memref<4194304xf32, #tpu.memory_space<hbm>> -> memref<1024xf32, #tpu.memory_space<hbm>>
    %dma_start3A_506 = tpu.memref_slice %arg5[%mul3A_316] : memref<4194304xf32, #tpu.memory_space<hbm>> -> memref<1024xf32, #tpu.memory_space<hbm>>
    %dma_start3A_507 = arith.constant 21504 : i32
    %dma_start3A_508 = tpu.memref_slice %arg10[%dma_start3A_507] : memref<32768xf32, #tpu.memory_space<vmem>> -> memref<1024xf32, #tpu.memory_space<vmem>>
    tpu.enqueue_dma source(%dma_start3A_508 : memref<1024xf32, #tpu.memory_space<vmem>>) target(%dma_start3A_506 : memref<1024xf32, #tpu.memory_space<hbm>>) target_semaphore(%arg15 : memref<!tpu.dma_semaphore, #tpu.memory_space<semaphore_mem>>)
    %dma_start3A_509 = arith.constant 22528 : i32
    %dma_start3A_510 = tpu.memref_slice %arg10[%dma_start3A_509] : memref<32768xf32, #tpu.memory_space<vmem>> -> memref<1024xf32, #tpu.memory_space<vmem>>
    %dma_start3A_511 = tpu.memref_slice %arg5[%mul3A_322] : memref<4194304xf32, #tpu.memory_space<hbm>> -> memref<1024xf32, #tpu.memory_space<hbm>>
    %dma_start3A_512 = tpu.memref_slice %arg5[%mul3A_322] : memref<4194304xf32, #tpu.memory_space<hbm>> -> memref<1024xf32, #tpu.memory_space<hbm>>
    %dma_start3A_513 = arith.constant 22528 : i32
    %dma_start3A_514 = tpu.memref_slice %arg10[%dma_start3A_513] : memref<32768xf32, #tpu.memory_space<vmem>> -> memref<1024xf32, #tpu.memory_space<vmem>>
    tpu.enqueue_dma source(%dma_start3A_514 : memref<1024xf32, #tpu.memory_space<vmem>>) target(%dma_start3A_512 : memref<1024xf32, #tpu.memory_space<hbm>>) target_semaphore(%arg15 : memref<!tpu.dma_semaphore, #tpu.memory_space<semaphore_mem>>)
    %dma_start3A_515 = arith.constant 23552 : i32
    %dma_start3A_516 = tpu.memref_slice %arg10[%dma_start3A_515] : memref<32768xf32, #tpu.memory_space<vmem>> -> memref<1024xf32, #tpu.memory_space<vmem>>
    %dma_start3A_517 = tpu.memref_slice %arg5[%mul3A_328] : memref<4194304xf32, #tpu.memory_space<hbm>> -> memref<1024xf32, #tpu.memory_space<hbm>>
    %dma_start3A_518 = tpu.memref_slice %arg5[%mul3A_328] : memref<4194304xf32, #tpu.memory_space<hbm>> -> memref<1024xf32, #tpu.memory_space<hbm>>
    %dma_start3A_519 = arith.constant 23552 : i32
    %dma_start3A_520 = tpu.memref_slice %arg10[%dma_start3A_519] : memref<32768xf32, #tpu.memory_space<vmem>> -> memref<1024xf32, #tpu.memory_space<vmem>>
    tpu.enqueue_dma source(%dma_start3A_520 : memref<1024xf32, #tpu.memory_space<vmem>>) target(%dma_start3A_518 : memref<1024xf32, #tpu.memory_space<hbm>>) target_semaphore(%arg15 : memref<!tpu.dma_semaphore, #tpu.memory_space<semaphore_mem>>)
    %dma_start3A_521 = arith.constant 24576 : i32
    %dma_start3A_522 = tpu.memref_slice %arg10[%dma_start3A_521] : memref<32768xf32, #tpu.memory_space<vmem>> -> memref<1024xf32, #tpu.memory_space<vmem>>
    %dma_start3A_523 = tpu.memref_slice %arg5[%mul3A_334] : memref<4194304xf32, #tpu.memory_space<hbm>> -> memref<1024xf32, #tpu.memory_space<hbm>>
    %dma_start3A_524 = tpu.memref_slice %arg5[%mul3A_334] : memref<4194304xf32, #tpu.memory_space<hbm>> -> memref<1024xf32, #tpu.memory_space<hbm>>
    %dma_start3A_525 = arith.constant 24576 : i32
    %dma_start3A_526 = tpu.memref_slice %arg10[%dma_start3A_525] : memref<32768xf32, #tpu.memory_space<vmem>> -> memref<1024xf32, #tpu.memory_space<vmem>>
    tpu.enqueue_dma source(%dma_start3A_526 : memref<1024xf32, #tpu.memory_space<vmem>>) target(%dma_start3A_524 : memref<1024xf32, #tpu.memory_space<hbm>>) target_semaphore(%arg15 : memref<!tpu.dma_semaphore, #tpu.memory_space<semaphore_mem>>)
    %dma_start3A_527 = arith.constant 25600 : i32
    %dma_start3A_528 = tpu.memref_slice %arg10[%dma_start3A_527] : memref<32768xf32, #tpu.memory_space<vmem>> -> memref<1024xf32, #tpu.memory_space<vmem>>
    %dma_start3A_529 = tpu.memref_slice %arg5[%mul3A_340] : memref<4194304xf32, #tpu.memory_space<hbm>> -> memref<1024xf32, #tpu.memory_space<hbm>>
    %dma_start3A_530 = tpu.memref_slice %arg5[%mul3A_340] : memref<4194304xf32, #tpu.memory_space<hbm>> -> memref<1024xf32, #tpu.memory_space<hbm>>
    %dma_start3A_531 = arith.constant 25600 : i32
    %dma_start3A_532 = tpu.memref_slice %arg10[%dma_start3A_531] : memref<32768xf32, #tpu.memory_space<vmem>> -> memref<1024xf32, #tpu.memory_space<vmem>>
    tpu.enqueue_dma source(%dma_start3A_532 : memref<1024xf32, #tpu.memory_space<vmem>>) target(%dma_start3A_530 : memref<1024xf32, #tpu.memory_space<hbm>>) target_semaphore(%arg15 : memref<!tpu.dma_semaphore, #tpu.memory_space<semaphore_mem>>)
    %dma_start3A_533 = arith.constant 26624 : i32
    %dma_start3A_534 = tpu.memref_slice %arg10[%dma_start3A_533] : memref<32768xf32, #tpu.memory_space<vmem>> -> memref<1024xf32, #tpu.memory_space<vmem>>
    %dma_start3A_535 = tpu.memref_slice %arg5[%mul3A_346] : memref<4194304xf32, #tpu.memory_space<hbm>> -> memref<1024xf32, #tpu.memory_space<hbm>>
    %dma_start3A_536 = tpu.memref_slice %arg5[%mul3A_346] : memref<4194304xf32, #tpu.memory_space<hbm>> -> memref<1024xf32, #tpu.memory_space<hbm>>
    %dma_start3A_537 = arith.constant 26624 : i32
    %dma_start3A_538 = tpu.memref_slice %arg10[%dma_start3A_537] : memref<32768xf32, #tpu.memory_space<vmem>> -> memref<1024xf32, #tpu.memory_space<vmem>>
    tpu.enqueue_dma source(%dma_start3A_538 : memref<1024xf32, #tpu.memory_space<vmem>>) target(%dma_start3A_536 : memref<1024xf32, #tpu.memory_space<hbm>>) target_semaphore(%arg15 : memref<!tpu.dma_semaphore, #tpu.memory_space<semaphore_mem>>)
    %dma_start3A_539 = arith.constant 27648 : i32
    %dma_start3A_540 = tpu.memref_slice %arg10[%dma_start3A_539] : memref<32768xf32, #tpu.memory_space<vmem>> -> memref<1024xf32, #tpu.memory_space<vmem>>
    %dma_start3A_541 = tpu.memref_slice %arg5[%mul3A_352] : memref<4194304xf32, #tpu.memory_space<hbm>> -> memref<1024xf32, #tpu.memory_space<hbm>>
    %dma_start3A_542 = tpu.memref_slice %arg5[%mul3A_352] : memref<4194304xf32, #tpu.memory_space<hbm>> -> memref<1024xf32, #tpu.memory_space<hbm>>
    %dma_start3A_543 = arith.constant 27648 : i32
    %dma_start3A_544 = tpu.memref_slice %arg10[%dma_start3A_543] : memref<32768xf32, #tpu.memory_space<vmem>> -> memref<1024xf32, #tpu.memory_space<vmem>>
    tpu.enqueue_dma source(%dma_start3A_544 : memref<1024xf32, #tpu.memory_space<vmem>>) target(%dma_start3A_542 : memref<1024xf32, #tpu.memory_space<hbm>>) target_semaphore(%arg15 : memref<!tpu.dma_semaphore, #tpu.memory_space<semaphore_mem>>)
    %dma_start3A_545 = arith.constant 28672 : i32
    %dma_start3A_546 = tpu.memref_slice %arg10[%dma_start3A_545] : memref<32768xf32, #tpu.memory_space<vmem>> -> memref<1024xf32, #tpu.memory_space<vmem>>
    %dma_start3A_547 = tpu.memref_slice %arg5[%mul3A_358] : memref<4194304xf32, #tpu.memory_space<hbm>> -> memref<1024xf32, #tpu.memory_space<hbm>>
    %dma_start3A_548 = tpu.memref_slice %arg5[%mul3A_358] : memref<4194304xf32, #tpu.memory_space<hbm>> -> memref<1024xf32, #tpu.memory_space<hbm>>
    %dma_start3A_549 = arith.constant 28672 : i32
    %dma_start3A_550 = tpu.memref_slice %arg10[%dma_start3A_549] : memref<32768xf32, #tpu.memory_space<vmem>> -> memref<1024xf32, #tpu.memory_space<vmem>>
    tpu.enqueue_dma source(%dma_start3A_550 : memref<1024xf32, #tpu.memory_space<vmem>>) target(%dma_start3A_548 : memref<1024xf32, #tpu.memory_space<hbm>>) target_semaphore(%arg15 : memref<!tpu.dma_semaphore, #tpu.memory_space<semaphore_mem>>)
    %dma_start3A_551 = arith.constant 29696 : i32
    %dma_start3A_552 = tpu.memref_slice %arg10[%dma_start3A_551] : memref<32768xf32, #tpu.memory_space<vmem>> -> memref<1024xf32, #tpu.memory_space<vmem>>
    %dma_start3A_553 = tpu.memref_slice %arg5[%mul3A_364] : memref<4194304xf32, #tpu.memory_space<hbm>> -> memref<1024xf32, #tpu.memory_space<hbm>>
    %dma_start3A_554 = tpu.memref_slice %arg5[%mul3A_364] : memref<4194304xf32, #tpu.memory_space<hbm>> -> memref<1024xf32, #tpu.memory_space<hbm>>
    %dma_start3A_555 = arith.constant 29696 : i32
    %dma_start3A_556 = tpu.memref_slice %arg10[%dma_start3A_555] : memref<32768xf32, #tpu.memory_space<vmem>> -> memref<1024xf32, #tpu.memory_space<vmem>>
    tpu.enqueue_dma source(%dma_start3A_556 : memref<1024xf32, #tpu.memory_space<vmem>>) target(%dma_start3A_554 : memref<1024xf32, #tpu.memory_space<hbm>>) target_semaphore(%arg15 : memref<!tpu.dma_semaphore, #tpu.memory_space<semaphore_mem>>)
    %dma_start3A_557 = arith.constant 30720 : i32
    %dma_start3A_558 = tpu.memref_slice %arg10[%dma_start3A_557] : memref<32768xf32, #tpu.memory_space<vmem>> -> memref<1024xf32, #tpu.memory_space<vmem>>
    %dma_start3A_559 = tpu.memref_slice %arg5[%mul3A_370] : memref<4194304xf32, #tpu.memory_space<hbm>> -> memref<1024xf32, #tpu.memory_space<hbm>>
    %dma_start3A_560 = tpu.memref_slice %arg5[%mul3A_370] : memref<4194304xf32, #tpu.memory_space<hbm>> -> memref<1024xf32, #tpu.memory_space<hbm>>
    %dma_start3A_561 = arith.constant 30720 : i32
    %dma_start3A_562 = tpu.memref_slice %arg10[%dma_start3A_561] : memref<32768xf32, #tpu.memory_space<vmem>> -> memref<1024xf32, #tpu.memory_space<vmem>>
    tpu.enqueue_dma source(%dma_start3A_562 : memref<1024xf32, #tpu.memory_space<vmem>>) target(%dma_start3A_560 : memref<1024xf32, #tpu.memory_space<hbm>>) target_semaphore(%arg15 : memref<!tpu.dma_semaphore, #tpu.memory_space<semaphore_mem>>)
    %dma_start3A_563 = arith.constant 31744 : i32
    %dma_start3A_564 = tpu.memref_slice %arg10[%dma_start3A_563] : memref<32768xf32, #tpu.memory_space<vmem>> -> memref<1024xf32, #tpu.memory_space<vmem>>
    %dma_start3A_565 = tpu.memref_slice %arg5[%mul3A_376] : memref<4194304xf32, #tpu.memory_space<hbm>> -> memref<1024xf32, #tpu.memory_space<hbm>>
    %dma_start3A_566 = tpu.memref_slice %arg5[%mul3A_376] : memref<4194304xf32, #tpu.memory_space<hbm>> -> memref<1024xf32, #tpu.memory_space<hbm>>
    %dma_start3A_567 = arith.constant 31744 : i32
    %dma_start3A_568 = tpu.memref_slice %arg10[%dma_start3A_567] : memref<32768xf32, #tpu.memory_space<vmem>> -> memref<1024xf32, #tpu.memory_space<vmem>>
    tpu.enqueue_dma source(%dma_start3A_568 : memref<1024xf32, #tpu.memory_space<vmem>>) target(%dma_start3A_566 : memref<1024xf32, #tpu.memory_space<hbm>>) target_semaphore(%arg15 : memref<!tpu.dma_semaphore, #tpu.memory_space<semaphore_mem>>)
    %dma_start3A_569 = arith.constant 3 : i32
    %dma_start3A_570 = arith.constant 0 : i32
    %dma_start3A_571 = tpu.memref_slice %arg7[%dma_start3A_569, %dma_start3A_570] : memref<8x512xi32, #tpu.memory_space<vmem>> -> memref<1x512xi32, #tpu.memory_space<vmem>>
    %dma_start3A_572 = tpu.memref_squeeze %dma_start3A_571 : memref<1x512xi32, #tpu.memory_space<vmem>> -> memref<512xi32, #tpu.memory_space<vmem>>
    %dma_start3A_573 = arith.constant 0 : i32
    %dma_start3A_574 = arith.constant 0 : i32
    %dma_start3A_575 = tpu.memref_slice %arg4[%dma_start3A_573, %dma_start3A_574] : memref<800000x32xf32, #tpu.memory_space<hbm>> -> memref<800000x32xf32, #tpu.memory_space<hbm>>
    tpu.enqueue_indirect_dma source(%dma_start3A_575 : memref<800000x32xf32, #tpu.memory_space<hbm>>) target(%arg9 : memref<512x32xf32, #tpu.memory_space<vmem>>) offsets(%dma_start3A_572 : memref<512xi32, #tpu.memory_space<vmem>>) semaphore(%arg14 : memref<!tpu.dma_semaphore, #tpu.memory_space<semaphore_mem>>)
    %dma_wait3A_576 = arith.constant 2 : i32
    %dma_wait3A_577 = arith.constant 0 : i32
    %dma_wait3A_578 = tpu.memref_slice %arg7[%dma_wait3A_576, %dma_wait3A_577] : memref<8x512xi32, #tpu.memory_space<vmem>> -> memref<1x512xi32, #tpu.memory_space<vmem>>
    %dma_wait3A_579 = tpu.memref_squeeze %dma_wait3A_578 : memref<1x512xi32, #tpu.memory_space<vmem>> -> memref<512xi32, #tpu.memory_space<vmem>>
    %dma_wait3A_580 = arith.constant 0 : i32
    %dma_wait3A_581 = arith.constant 0 : i32
    %dma_wait3A_582 = tpu.memref_slice %arg4[%dma_wait3A_580, %dma_wait3A_581] : memref<800000x32xf32, #tpu.memory_space<hbm>> -> memref<800000x32xf32, #tpu.memory_space<hbm>>
    tpu.wait_indirect_dma semaphore(%arg13 : memref<!tpu.dma_semaphore, #tpu.memory_space<semaphore_mem>>) src(%dma_wait3A_582 : memref<800000x32xf32, #tpu.memory_space<hbm>>) dst(%arg8 : memref<512x32xf32, #tpu.memory_space<vmem>>)
    %scan3A_583 = arith.constant 0 : i32
    %scan3A_584 = arith.constant 0 : i32
    %scan3A_585 = arith.constant 256 : i32
    %scan3A_586 = arith.addi %scan3A_584, %scan3A_585 : i32
    %scan3A_587 = arith.constant 1 : i32
    scf.for %scan3A_3370 = %scan3A_584 to %scan3A_586 step %scan3A_587  : i32 {
      %mul3A_3371 = arith.constant 2 : i32
      %mul3A_3372 = arith.muli %scan3A_3370, %mul3A_3371 : i32
      %add3A_3373 = arith.constant 0 : i32
      %add3A_3374 = arith.addi %mul3A_3372, %add3A_3373 : i32
      %shift_right_arithmetic3A_3375 = arith.constant 7 : i32
      %shift_right_arithmetic3A_3376 = arith.shrsi %add3A_3374, %shift_right_arithmetic3A_3375 : i32
      %add3A_3377 = arith.constant 0 : i32
      %add3A_3378 = arith.addi %add3A_3377, %shift_right_arithmetic3A_3376 : i32
      %mul3A_3379 = arith.constant 4096 : i32
      %mul3A_3380 = arith.muli %add3A_3378, %mul3A_3379 : i32
      %and3A_3381 = arith.constant 127 : i32
      %and3A_3382 = arith.andi %add3A_3374, %and3A_3381 : i32
      %add3A_3383 = arith.addi %mul3A_3380, %and3A_3382 : i32
      %add3A_3384 = vector.broadcast %add3A_3383 : i32 to vector<16xi32>
      %add3A_3385 = arith.addi %add3A_136, %add3A_3384 : vector<16xi32>
      %get3A_3386 = arith.index_cast %add3A_3374 : i32 to index
      %get3A_3387 = arith.constant 0 : index
      %get3A_3388 = tpu.vector_load %arg8[%get3A_3386, %get3A_3387] {strides = array<i32>} : memref<512x32xf32, #tpu.memory_space<vmem>>, vector<16xf32>,
      tpu.vector_store_idx %arg11[%add3A_3385], %get3A_3388 : memref<32768xf32, #tpu.memory_space<vmem>>[vector<16xi32>], vector<16xf32>,
      %add3A_3389 = vector.broadcast %add3A_3383 : i32 to vector<16xi32>
      %add3A_3390 = arith.addi %add3A_139, %add3A_3389 : vector<16xi32>
      %get3A_3391 = arith.index_cast %add3A_3374 : i32 to index
      %get3A_3392 = arith.constant 16 : index
      %get3A_3393 = tpu.vector_load %arg8[%get3A_3391, %get3A_3392] {strides = array<i32>} : memref<512x32xf32, #tpu.memory_space<vmem>>, vector<16xf32>,
      tpu.vector_store_idx %arg11[%add3A_3390], %get3A_3393 : memref<32768xf32, #tpu.memory_space<vmem>>[vector<16xi32>], vector<16xf32>,
      %mul3A_3394 = arith.constant 2 : i32
      %mul3A_3395 = arith.muli %scan3A_3370, %mul3A_3394 : i32
      %add3A_3396 = arith.constant 1 : i32
      %add3A_3397 = arith.addi %mul3A_3395, %add3A_3396 : i32
      %shift_right_arithmetic3A_3398 = arith.constant 7 : i32
      %shift_right_arithmetic3A_3399 = arith.shrsi %add3A_3397, %shift_right_arithmetic3A_3398 : i32
      %add3A_3400 = arith.constant 0 : i32
      %add3A_3401 = arith.addi %add3A_3400, %shift_right_arithmetic3A_3399 : i32
      %mul3A_3402 = arith.constant 4096 : i32
      %mul3A_3403 = arith.muli %add3A_3401, %mul3A_3402 : i32
      %and3A_3404 = arith.constant 127 : i32
      %and3A_3405 = arith.andi %add3A_3397, %and3A_3404 : i32
      %add3A_3406 = arith.addi %mul3A_3403, %and3A_3405 : i32
      %add3A_3407 = vector.broadcast %add3A_3406 : i32 to vector<16xi32>
      %add3A_3408 = arith.addi %add3A_136, %add3A_3407 : vector<16xi32>
      %get3A_3409 = arith.index_cast %add3A_3397 : i32 to index
      %get3A_3410 = arith.constant 0 : index
      %get3A_3411 = tpu.vector_load %arg8[%get3A_3409, %get3A_3410] {strides = array<i32>} : memref<512x32xf32, #tpu.memory_space<vmem>>, vector<16xf32>,
      tpu.vector_store_idx %arg11[%add3A_3408], %get3A_3411 : memref<32768xf32, #tpu.memory_space<vmem>>[vector<16xi32>], vector<16xf32>,
      %add3A_3412 = vector.broadcast %add3A_3406 : i32 to vector<16xi32>
      %add3A_3413 = arith.addi %add3A_139, %add3A_3412 : vector<16xi32>
      %get3A_3414 = arith.index_cast %add3A_3397 : i32 to index
      %get3A_3415 = arith.constant 16 : index
      %get3A_3416 = tpu.vector_load %arg8[%get3A_3414, %get3A_3415] {strides = array<i32>} : memref<512x32xf32, #tpu.memory_space<vmem>>, vector<16xf32>,
      tpu.vector_store_idx %arg11[%add3A_3413], %get3A_3416 : memref<32768xf32, #tpu.memory_space<vmem>>[vector<16xi32>], vector<16xf32>,
    }
    %scan3A_588 = arith.constant 256 : i32
    %dma_start3A_589 = arith.constant 4 : i32
    %dma_start3A_590 = arith.constant 0 : i32
    %dma_start3A_591 = tpu.memref_slice %arg7[%dma_start3A_589, %dma_start3A_590] : memref<8x512xi32, #tpu.memory_space<vmem>> -> memref<1x512xi32, #tpu.memory_space<vmem>>
    %dma_start3A_592 = tpu.memref_squeeze %dma_start3A_591 : memref<1x512xi32, #tpu.memory_space<vmem>> -> memref<512xi32, #tpu.memory_space<vmem>>
    %dma_start3A_593 = arith.constant 0 : i32
    %dma_start3A_594 = arith.constant 0 : i32
    %dma_start3A_595 = tpu.memref_slice %arg4[%dma_start3A_593, %dma_start3A_594] : memref<800000x32xf32, #tpu.memory_space<hbm>> -> memref<800000x32xf32, #tpu.memory_space<hbm>>
    tpu.enqueue_indirect_dma source(%dma_start3A_595 : memref<800000x32xf32, #tpu.memory_space<hbm>>) target(%arg8 : memref<512x32xf32, #tpu.memory_space<vmem>>) offsets(%dma_start3A_592 : memref<512xi32, #tpu.memory_space<vmem>>) semaphore(%arg13 : memref<!tpu.dma_semaphore, #tpu.memory_space<semaphore_mem>>)
    %dma_wait3A_596 = arith.constant 3 : i32
    %dma_wait3A_597 = arith.constant 0 : i32
    %dma_wait3A_598 = tpu.memref_slice %arg7[%dma_wait3A_596, %dma_wait3A_597] : memref<8x512xi32, #tpu.memory_space<vmem>> -> memref<1x512xi32, #tpu.memory_space<vmem>>
    %dma_wait3A_599 = tpu.memref_squeeze %dma_wait3A_598 : memref<1x512xi32, #tpu.memory_space<vmem>> -> memref<512xi32, #tpu.memory_space<vmem>>
    %dma_wait3A_600 = arith.constant 0 : i32
    %dma_wait3A_601 = arith.constant 0 : i32
    %dma_wait3A_602 = tpu.memref_slice %arg4[%dma_wait3A_600, %dma_wait3A_601] : memref<800000x32xf32, #tpu.memory_space<hbm>> -> memref<800000x32xf32, #tpu.memory_space<hbm>>
    tpu.wait_indirect_dma semaphore(%arg14 : memref<!tpu.dma_semaphore, #tpu.memory_space<semaphore_mem>>) src(%dma_wait3A_602 : memref<800000x32xf32, #tpu.memory_space<hbm>>) dst(%arg9 : memref<512x32xf32, #tpu.memory_space<vmem>>)
    %scan3A_603 = arith.constant 0 : i32
    %scan3A_604 = arith.constant 0 : i32
    %scan3A_605 = arith.constant 256 : i32
    %scan3A_606 = arith.addi %scan3A_604, %scan3A_605 : i32
    %scan3A_607 = arith.constant 1 : i32
    scf.for %scan3A_3370 = %scan3A_604 to %scan3A_606 step %scan3A_607  : i32 {
      %mul3A_3371 = arith.constant 2 : i32
      %mul3A_3372 = arith.muli %scan3A_3370, %mul3A_3371 : i32
      %add3A_3373 = arith.constant 0 : i32
      %add3A_3374 = arith.addi %mul3A_3372, %add3A_3373 : i32
      %shift_right_arithmetic3A_3375 = arith.constant 7 : i32
      %shift_right_arithmetic3A_3376 = arith.shrsi %add3A_3374, %shift_right_arithmetic3A_3375 : i32
      %add3A_3377 = arith.constant 4 : i32
      %add3A_3378 = arith.addi %add3A_3377, %shift_right_arithmetic3A_3376 : i32
      %mul3A_3379 = arith.constant 4096 : i32
      %mul3A_3380 = arith.muli %add3A_3378, %mul3A_3379 : i32
      %and3A_3381 = arith.constant 127 : i32
      %and3A_3382 = arith.andi %add3A_3374, %and3A_3381 : i32
      %add3A_3383 = arith.addi %mul3A_3380, %and3A_3382 : i32
      %add3A_3384 = vector.broadcast %add3A_3383 : i32 to vector<16xi32>
      %add3A_3385 = arith.addi %add3A_136, %add3A_3384 : vector<16xi32>
      %get3A_3386 = arith.index_cast %add3A_3374 : i32 to index
      %get3A_3387 = arith.constant 0 : index
      %get3A_3388 = tpu.vector_load %arg9[%get3A_3386, %get3A_3387] {strides = array<i32>} : memref<512x32xf32, #tpu.memory_space<vmem>>, vector<16xf32>,
      tpu.vector_store_idx %arg11[%add3A_3385], %get3A_3388 : memref<32768xf32, #tpu.memory_space<vmem>>[vector<16xi32>], vector<16xf32>,
      %add3A_3389 = vector.broadcast %add3A_3383 : i32 to vector<16xi32>
      %add3A_3390 = arith.addi %add3A_139, %add3A_3389 : vector<16xi32>
      %get3A_3391 = arith.index_cast %add3A_3374 : i32 to index
      %get3A_3392 = arith.constant 16 : index
      %get3A_3393 = tpu.vector_load %arg9[%get3A_3391, %get3A_3392] {strides = array<i32>} : memref<512x32xf32, #tpu.memory_space<vmem>>, vector<16xf32>,
      tpu.vector_store_idx %arg11[%add3A_3390], %get3A_3393 : memref<32768xf32, #tpu.memory_space<vmem>>[vector<16xi32>], vector<16xf32>,
      %mul3A_3394 = arith.constant 2 : i32
      %mul3A_3395 = arith.muli %scan3A_3370, %mul3A_3394 : i32
      %add3A_3396 = arith.constant 1 : i32
      %add3A_3397 = arith.addi %mul3A_3395, %add3A_3396 : i32
      %shift_right_arithmetic3A_3398 = arith.constant 7 : i32
      %shift_right_arithmetic3A_3399 = arith.shrsi %add3A_3397, %shift_right_arithmetic3A_3398 : i32
      %add3A_3400 = arith.constant 4 : i32
      %add3A_3401 = arith.addi %add3A_3400, %shift_right_arithmetic3A_3399 : i32
      %mul3A_3402 = arith.constant 4096 : i32
      %mul3A_3403 = arith.muli %add3A_3401, %mul3A_3402 : i32
      %and3A_3404 = arith.constant 127 : i32
      %and3A_3405 = arith.andi %add3A_3397, %and3A_3404 : i32
      %add3A_3406 = arith.addi %mul3A_3403, %and3A_3405 : i32
      %add3A_3407 = vector.broadcast %add3A_3406 : i32 to vector<16xi32>
      %add3A_3408 = arith.addi %add3A_136, %add3A_3407 : vector<16xi32>
      %get3A_3409 = arith.index_cast %add3A_3397 : i32 to index
      %get3A_3410 = arith.constant 0 : index
      %get3A_3411 = tpu.vector_load %arg9[%get3A_3409, %get3A_3410] {strides = array<i32>} : memref<512x32xf32, #tpu.memory_space<vmem>>, vector<16xf32>,
      tpu.vector_store_idx %arg11[%add3A_3408], %get3A_3411 : memref<32768xf32, #tpu.memory_space<vmem>>[vector<16xi32>], vector<16xf32>,
      %add3A_3412 = vector.broadcast %add3A_3406 : i32 to vector<16xi32>
      %add3A_3413 = arith.addi %add3A_139, %add3A_3412 : vector<16xi32>
      %get3A_3414 = arith.index_cast %add3A_3397 : i32 to index
      %get3A_3415 = arith.constant 16 : index
      %get3A_3416 = tpu.vector_load %arg9[%get3A_3414, %get3A_3415] {strides = array<i32>} : memref<512x32xf32, #tpu.memory_space<vmem>>, vector<16xf32>,
      tpu.vector_store_idx %arg11[%add3A_3413], %get3A_3416 : memref<32768xf32, #tpu.memory_space<vmem>>[vector<16xi32>], vector<16xf32>,
    }
    %scan3A_608 = arith.constant 256 : i32
    %add3A_609 = arith.constant 0 : i32
    %add3A_610 = arith.addi %add3A_609, %mul3A_2 : i32
    %add3A_611 = arith.constant 1 : i32
    %add3A_612 = arith.addi %add3A_610, %add3A_611 : i32
    %mul3A_613 = arith.constant 1024 : i32
    %mul3A_614 = arith.muli %add3A_612, %mul3A_613 : i32
    %add3A_615 = arith.constant 128 : i32
    %add3A_616 = arith.addi %add3A_615, %mul3A_2 : i32
    %add3A_617 = arith.constant 1 : i32
    %add3A_618 = arith.addi %add3A_616, %add3A_617 : i32
    %mul3A_619 = arith.constant 1024 : i32
    %mul3A_620 = arith.muli %add3A_618, %mul3A_619 : i32
    %add3A_621 = arith.constant 256 : i32
    %add3A_622 = arith.addi %add3A_621, %mul3A_2 : i32
    %add3A_623 = arith.constant 1 : i32
    %add3A_624 = arith.addi %add3A_622, %add3A_623 : i32
    %mul3A_625 = arith.constant 1024 : i32
    %mul3A_626 = arith.muli %add3A_624, %mul3A_625 : i32
    %add3A_627 = arith.constant 384 : i32
    %add3A_628 = arith.addi %add3A_627, %mul3A_2 : i32
    %add3A_629 = arith.constant 1 : i32
    %add3A_630 = arith.addi %add3A_628, %add3A_629 : i32
    %mul3A_631 = arith.constant 1024 : i32
    %mul3A_632 = arith.muli %add3A_630, %mul3A_631 : i32
    %add3A_633 = arith.constant 512 : i32
    %add3A_634 = arith.addi %add3A_633, %mul3A_2 : i32
    %add3A_635 = arith.constant 1 : i32
    %add3A_636 = arith.addi %add3A_634, %add3A_635 : i32
    %mul3A_637 = arith.constant 1024 : i32
    %mul3A_638 = arith.muli %add3A_636, %mul3A_637 : i32
    %add3A_639 = arith.constant 640 : i32
    %add3A_640 = arith.addi %add3A_639, %mul3A_2 : i32
    %add3A_641 = arith.constant 1 : i32
    %add3A_642 = arith.addi %add3A_640, %add3A_641 : i32
    %mul3A_643 = arith.constant 1024 : i32
    %mul3A_644 = arith.muli %add3A_642, %mul3A_643 : i32
    %add3A_645 = arith.constant 768 : i32
    %add3A_646 = arith.addi %add3A_645, %mul3A_2 : i32
    %add3A_647 = arith.constant 1 : i32
    %add3A_648 = arith.addi %add3A_646, %add3A_647 : i32
    %mul3A_649 = arith.constant 1024 : i32
    %mul3A_650 = arith.muli %add3A_648, %mul3A_649 : i32
    %add3A_651 = arith.constant 896 : i32
    %add3A_652 = arith.addi %add3A_651, %mul3A_2 : i32
    %add3A_653 = arith.constant 1 : i32
    %add3A_654 = arith.addi %add3A_652, %add3A_653 : i32
    %mul3A_655 = arith.constant 1024 : i32
    %mul3A_656 = arith.muli %add3A_654, %mul3A_655 : i32
    %add3A_657 = arith.constant 1024 : i32
    %add3A_658 = arith.addi %add3A_657, %mul3A_2 : i32
    %add3A_659 = arith.constant 1 : i32
    %add3A_660 = arith.addi %add3A_658, %add3A_659 : i32
    %mul3A_661 = arith.constant 1024 : i32
    %mul3A_662 = arith.muli %add3A_660, %mul3A_661 : i32
    %add3A_663 = arith.constant 1152 : i32
    %add3A_664 = arith.addi %add3A_663, %mul3A_2 : i32
    %add3A_665 = arith.constant 1 : i32
    %add3A_666 = arith.addi %add3A_664, %add3A_665 : i32
    %mul3A_667 = arith.constant 1024 : i32
    %mul3A_668 = arith.muli %add3A_666, %mul3A_667 : i32
    %add3A_669 = arith.constant 1280 : i32
    %add3A_670 = arith.addi %add3A_669, %mul3A_2 : i32
    %add3A_671 = arith.constant 1 : i32
    %add3A_672 = arith.addi %add3A_670, %add3A_671 : i32
    %mul3A_673 = arith.constant 1024 : i32
    %mul3A_674 = arith.muli %add3A_672, %mul3A_673 : i32
    %add3A_675 = arith.constant 1408 : i32
    %add3A_676 = arith.addi %add3A_675, %mul3A_2 : i32
    %add3A_677 = arith.constant 1 : i32
    %add3A_678 = arith.addi %add3A_676, %add3A_677 : i32
    %mul3A_679 = arith.constant 1024 : i32
    %mul3A_680 = arith.muli %add3A_678, %mul3A_679 : i32
    %add3A_681 = arith.constant 1536 : i32
    %add3A_682 = arith.addi %add3A_681, %mul3A_2 : i32
    %add3A_683 = arith.constant 1 : i32
    %add3A_684 = arith.addi %add3A_682, %add3A_683 : i32
    %mul3A_685 = arith.constant 1024 : i32
    %mul3A_686 = arith.muli %add3A_684, %mul3A_685 : i32
    %add3A_687 = arith.constant 1664 : i32
    %add3A_688 = arith.addi %add3A_687, %mul3A_2 : i32
    %add3A_689 = arith.constant 1 : i32
    %add3A_690 = arith.addi %add3A_688, %add3A_689 : i32
    %mul3A_691 = arith.constant 1024 : i32
    %mul3A_692 = arith.muli %add3A_690, %mul3A_691 : i32
    %add3A_693 = arith.constant 1792 : i32
    %add3A_694 = arith.addi %add3A_693, %mul3A_2 : i32
    %add3A_695 = arith.constant 1 : i32
    %add3A_696 = arith.addi %add3A_694, %add3A_695 : i32
    %mul3A_697 = arith.constant 1024 : i32
    %mul3A_698 = arith.muli %add3A_696, %mul3A_697 : i32
    %add3A_699 = arith.constant 1920 : i32
    %add3A_700 = arith.addi %add3A_699, %mul3A_2 : i32
    %add3A_701 = arith.constant 1 : i32
    %add3A_702 = arith.addi %add3A_700, %add3A_701 : i32
    %mul3A_703 = arith.constant 1024 : i32
    %mul3A_704 = arith.muli %add3A_702, %mul3A_703 : i32
    %add3A_705 = arith.constant 2048 : i32
    %add3A_706 = arith.addi %add3A_705, %mul3A_2 : i32
    %add3A_707 = arith.constant 1 : i32
    %add3A_708 = arith.addi %add3A_706, %add3A_707 : i32
    %mul3A_709 = arith.constant 1024 : i32
    %mul3A_710 = arith.muli %add3A_708, %mul3A_709 : i32
    %add3A_711 = arith.constant 2176 : i32
    %add3A_712 = arith.addi %add3A_711, %mul3A_2 : i32
    %add3A_713 = arith.constant 1 : i32
    %add3A_714 = arith.addi %add3A_712, %add3A_713 : i32
    %mul3A_715 = arith.constant 1024 : i32
    %mul3A_716 = arith.muli %add3A_714, %mul3A_715 : i32
    %add3A_717 = arith.constant 2304 : i32
    %add3A_718 = arith.addi %add3A_717, %mul3A_2 : i32
    %add3A_719 = arith.constant 1 : i32
    %add3A_720 = arith.addi %add3A_718, %add3A_719 : i32
    %mul3A_721 = arith.constant 1024 : i32
    %mul3A_722 = arith.muli %add3A_720, %mul3A_721 : i32
    %add3A_723 = arith.constant 2432 : i32
    %add3A_724 = arith.addi %add3A_723, %mul3A_2 : i32
    %add3A_725 = arith.constant 1 : i32
    %add3A_726 = arith.addi %add3A_724, %add3A_725 : i32
    %mul3A_727 = arith.constant 1024 : i32
    %mul3A_728 = arith.muli %add3A_726, %mul3A_727 : i32
    %add3A_729 = arith.constant 2560 : i32
    %add3A_730 = arith.addi %add3A_729, %mul3A_2 : i32
    %add3A_731 = arith.constant 1 : i32
    %add3A_732 = arith.addi %add3A_730, %add3A_731 : i32
    %mul3A_733 = arith.constant 1024 : i32
    %mul3A_734 = arith.muli %add3A_732, %mul3A_733 : i32
    %add3A_735 = arith.constant 2688 : i32
    %add3A_736 = arith.addi %add3A_735, %mul3A_2 : i32
    %add3A_737 = arith.constant 1 : i32
    %add3A_738 = arith.addi %add3A_736, %add3A_737 : i32
    %mul3A_739 = arith.constant 1024 : i32
    %mul3A_740 = arith.muli %add3A_738, %mul3A_739 : i32
    %add3A_741 = arith.constant 2816 : i32
    %add3A_742 = arith.addi %add3A_741, %mul3A_2 : i32
    %add3A_743 = arith.constant 1 : i32
    %add3A_744 = arith.addi %add3A_742, %add3A_743 : i32
    %mul3A_745 = arith.constant 1024 : i32
    %mul3A_746 = arith.muli %add3A_744, %mul3A_745 : i32
    %add3A_747 = arith.constant 2944 : i32
    %add3A_748 = arith.addi %add3A_747, %mul3A_2 : i32
    %add3A_749 = arith.constant 1 : i32
    %add3A_750 = arith.addi %add3A_748, %add3A_749 : i32
    %mul3A_751 = arith.constant 1024 : i32
    %mul3A_752 = arith.muli %add3A_750, %mul3A_751 : i32
    %add3A_753 = arith.constant 3072 : i32
    %add3A_754 = arith.addi %add3A_753, %mul3A_2 : i32
    %add3A_755 = arith.constant 1 : i32
    %add3A_756 = arith.addi %add3A_754, %add3A_755 : i32
    %mul3A_757 = arith.constant 1024 : i32
    %mul3A_758 = arith.muli %add3A_756, %mul3A_757 : i32
    %add3A_759 = arith.constant 3200 : i32
    %add3A_760 = arith.addi %add3A_759, %mul3A_2 : i32
    %add3A_761 = arith.constant 1 : i32
    %add3A_762 = arith.addi %add3A_760, %add3A_761 : i32
    %mul3A_763 = arith.constant 1024 : i32
    %mul3A_764 = arith.muli %add3A_762, %mul3A_763 : i32
    %add3A_765 = arith.constant 3328 : i32
    %add3A_766 = arith.addi %add3A_765, %mul3A_2 : i32
    %add3A_767 = arith.constant 1 : i32
    %add3A_768 = arith.addi %add3A_766, %add3A_767 : i32
    %mul3A_769 = arith.constant 1024 : i32
    %mul3A_770 = arith.muli %add3A_768, %mul3A_769 : i32
    %add3A_771 = arith.constant 3456 : i32
    %add3A_772 = arith.addi %add3A_771, %mul3A_2 : i32
    %add3A_773 = arith.constant 1 : i32
    %add3A_774 = arith.addi %add3A_772, %add3A_773 : i32
    %mul3A_775 = arith.constant 1024 : i32
    %mul3A_776 = arith.muli %add3A_774, %mul3A_775 : i32
    %add3A_777 = arith.constant 3584 : i32
    %add3A_778 = arith.addi %add3A_777, %mul3A_2 : i32
    %add3A_779 = arith.constant 1 : i32
    %add3A_780 = arith.addi %add3A_778, %add3A_779 : i32
    %mul3A_781 = arith.constant 1024 : i32
    %mul3A_782 = arith.muli %add3A_780, %mul3A_781 : i32
    %add3A_783 = arith.constant 3712 : i32
    %add3A_784 = arith.addi %add3A_783, %mul3A_2 : i32
    %add3A_785 = arith.constant 1 : i32
    %add3A_786 = arith.addi %add3A_784, %add3A_785 : i32
    %mul3A_787 = arith.constant 1024 : i32
    %mul3A_788 = arith.muli %add3A_786, %mul3A_787 : i32
    %add3A_789 = arith.constant 3840 : i32
    %add3A_790 = arith.addi %add3A_789, %mul3A_2 : i32
    %add3A_791 = arith.constant 1 : i32
    %add3A_792 = arith.addi %add3A_790, %add3A_791 : i32
    %mul3A_793 = arith.constant 1024 : i32
    %mul3A_794 = arith.muli %add3A_792, %mul3A_793 : i32
    %add3A_795 = arith.constant 3968 : i32
    %add3A_796 = arith.addi %add3A_795, %mul3A_2 : i32
    %add3A_797 = arith.constant 1 : i32
    %add3A_798 = arith.addi %add3A_796, %add3A_797 : i32
    %mul3A_799 = arith.constant 1024 : i32
    %mul3A_800 = arith.muli %add3A_798, %mul3A_799 : i32
    %dma_start3A_801 = arith.constant 0 : i32
    %dma_start3A_802 = tpu.memref_slice %arg11[%dma_start3A_801] : memref<32768xf32, #tpu.memory_space<vmem>> -> memref<1024xf32, #tpu.memory_space<vmem>>
    %dma_start3A_803 = tpu.memref_slice %arg5[%mul3A_614] : memref<4194304xf32, #tpu.memory_space<hbm>> -> memref<1024xf32, #tpu.memory_space<hbm>>
    %dma_start3A_804 = tpu.memref_slice %arg5[%mul3A_614] : memref<4194304xf32, #tpu.memory_space<hbm>> -> memref<1024xf32, #tpu.memory_space<hbm>>
    %dma_start3A_805 = arith.constant 0 : i32
    %dma_start3A_806 = tpu.memref_slice %arg11[%dma_start3A_805] : memref<32768xf32, #tpu.memory_space<vmem>> -> memref<1024xf32, #tpu.memory_space<vmem>>
    tpu.enqueue_dma source(%dma_start3A_806 : memref<1024xf32, #tpu.memory_space<vmem>>) target(%dma_start3A_804 : memref<1024xf32, #tpu.memory_space<hbm>>) target_semaphore(%arg16 : memref<!tpu.dma_semaphore, #tpu.memory_space<semaphore_mem>>)
    %dma_start3A_807 = arith.constant 1024 : i32
    %dma_start3A_808 = tpu.memref_slice %arg11[%dma_start3A_807] : memref<32768xf32, #tpu.memory_space<vmem>> -> memref<1024xf32, #tpu.memory_space<vmem>>
    %dma_start3A_809 = tpu.memref_slice %arg5[%mul3A_620] : memref<4194304xf32, #tpu.memory_space<hbm>> -> memref<1024xf32, #tpu.memory_space<hbm>>
    %dma_start3A_810 = tpu.memref_slice %arg5[%mul3A_620] : memref<4194304xf32, #tpu.memory_space<hbm>> -> memref<1024xf32, #tpu.memory_space<hbm>>
    %dma_start3A_811 = arith.constant 1024 : i32
    %dma_start3A_812 = tpu.memref_slice %arg11[%dma_start3A_811] : memref<32768xf32, #tpu.memory_space<vmem>> -> memref<1024xf32, #tpu.memory_space<vmem>>
    tpu.enqueue_dma source(%dma_start3A_812 : memref<1024xf32, #tpu.memory_space<vmem>>) target(%dma_start3A_810 : memref<1024xf32, #tpu.memory_space<hbm>>) target_semaphore(%arg16 : memref<!tpu.dma_semaphore, #tpu.memory_space<semaphore_mem>>)
    %dma_start3A_813 = arith.constant 2048 : i32
    %dma_start3A_814 = tpu.memref_slice %arg11[%dma_start3A_813] : memref<32768xf32, #tpu.memory_space<vmem>> -> memref<1024xf32, #tpu.memory_space<vmem>>
    %dma_start3A_815 = tpu.memref_slice %arg5[%mul3A_626] : memref<4194304xf32, #tpu.memory_space<hbm>> -> memref<1024xf32, #tpu.memory_space<hbm>>
    %dma_start3A_816 = tpu.memref_slice %arg5[%mul3A_626] : memref<4194304xf32, #tpu.memory_space<hbm>> -> memref<1024xf32, #tpu.memory_space<hbm>>
    %dma_start3A_817 = arith.constant 2048 : i32
    %dma_start3A_818 = tpu.memref_slice %arg11[%dma_start3A_817] : memref<32768xf32, #tpu.memory_space<vmem>> -> memref<1024xf32, #tpu.memory_space<vmem>>
    tpu.enqueue_dma source(%dma_start3A_818 : memref<1024xf32, #tpu.memory_space<vmem>>) target(%dma_start3A_816 : memref<1024xf32, #tpu.memory_space<hbm>>) target_semaphore(%arg16 : memref<!tpu.dma_semaphore, #tpu.memory_space<semaphore_mem>>)
    %dma_start3A_819 = arith.constant 3072 : i32
    %dma_start3A_820 = tpu.memref_slice %arg11[%dma_start3A_819] : memref<32768xf32, #tpu.memory_space<vmem>> -> memref<1024xf32, #tpu.memory_space<vmem>>
    %dma_start3A_821 = tpu.memref_slice %arg5[%mul3A_632] : memref<4194304xf32, #tpu.memory_space<hbm>> -> memref<1024xf32, #tpu.memory_space<hbm>>
    %dma_start3A_822 = tpu.memref_slice %arg5[%mul3A_632] : memref<4194304xf32, #tpu.memory_space<hbm>> -> memref<1024xf32, #tpu.memory_space<hbm>>
    %dma_start3A_823 = arith.constant 3072 : i32
    %dma_start3A_824 = tpu.memref_slice %arg11[%dma_start3A_823] : memref<32768xf32, #tpu.memory_space<vmem>> -> memref<1024xf32, #tpu.memory_space<vmem>>
    tpu.enqueue_dma source(%dma_start3A_824 : memref<1024xf32, #tpu.memory_space<vmem>>) target(%dma_start3A_822 : memref<1024xf32, #tpu.memory_space<hbm>>) target_semaphore(%arg16 : memref<!tpu.dma_semaphore, #tpu.memory_space<semaphore_mem>>)
    %dma_start3A_825 = arith.constant 4096 : i32
    %dma_start3A_826 = tpu.memref_slice %arg11[%dma_start3A_825] : memref<32768xf32, #tpu.memory_space<vmem>> -> memref<1024xf32, #tpu.memory_space<vmem>>
    %dma_start3A_827 = tpu.memref_slice %arg5[%mul3A_638] : memref<4194304xf32, #tpu.memory_space<hbm>> -> memref<1024xf32, #tpu.memory_space<hbm>>
    %dma_start3A_828 = tpu.memref_slice %arg5[%mul3A_638] : memref<4194304xf32, #tpu.memory_space<hbm>> -> memref<1024xf32, #tpu.memory_space<hbm>>
    %dma_start3A_829 = arith.constant 4096 : i32
    %dma_start3A_830 = tpu.memref_slice %arg11[%dma_start3A_829] : memref<32768xf32, #tpu.memory_space<vmem>> -> memref<1024xf32, #tpu.memory_space<vmem>>
    tpu.enqueue_dma source(%dma_start3A_830 : memref<1024xf32, #tpu.memory_space<vmem>>) target(%dma_start3A_828 : memref<1024xf32, #tpu.memory_space<hbm>>) target_semaphore(%arg16 : memref<!tpu.dma_semaphore, #tpu.memory_space<semaphore_mem>>)
    %dma_start3A_831 = arith.constant 5120 : i32
    %dma_start3A_832 = tpu.memref_slice %arg11[%dma_start3A_831] : memref<32768xf32, #tpu.memory_space<vmem>> -> memref<1024xf32, #tpu.memory_space<vmem>>
    %dma_start3A_833 = tpu.memref_slice %arg5[%mul3A_644] : memref<4194304xf32, #tpu.memory_space<hbm>> -> memref<1024xf32, #tpu.memory_space<hbm>>
    %dma_start3A_834 = tpu.memref_slice %arg5[%mul3A_644] : memref<4194304xf32, #tpu.memory_space<hbm>> -> memref<1024xf32, #tpu.memory_space<hbm>>
    %dma_start3A_835 = arith.constant 5120 : i32
    %dma_start3A_836 = tpu.memref_slice %arg11[%dma_start3A_835] : memref<32768xf32, #tpu.memory_space<vmem>> -> memref<1024xf32, #tpu.memory_space<vmem>>
    tpu.enqueue_dma source(%dma_start3A_836 : memref<1024xf32, #tpu.memory_space<vmem>>) target(%dma_start3A_834 : memref<1024xf32, #tpu.memory_space<hbm>>) target_semaphore(%arg16 : memref<!tpu.dma_semaphore, #tpu.memory_space<semaphore_mem>>)
    %dma_start3A_837 = arith.constant 6144 : i32
    %dma_start3A_838 = tpu.memref_slice %arg11[%dma_start3A_837] : memref<32768xf32, #tpu.memory_space<vmem>> -> memref<1024xf32, #tpu.memory_space<vmem>>
    %dma_start3A_839 = tpu.memref_slice %arg5[%mul3A_650] : memref<4194304xf32, #tpu.memory_space<hbm>> -> memref<1024xf32, #tpu.memory_space<hbm>>
    %dma_start3A_840 = tpu.memref_slice %arg5[%mul3A_650] : memref<4194304xf32, #tpu.memory_space<hbm>> -> memref<1024xf32, #tpu.memory_space<hbm>>
    %dma_start3A_841 = arith.constant 6144 : i32
    %dma_start3A_842 = tpu.memref_slice %arg11[%dma_start3A_841] : memref<32768xf32, #tpu.memory_space<vmem>> -> memref<1024xf32, #tpu.memory_space<vmem>>
    tpu.enqueue_dma source(%dma_start3A_842 : memref<1024xf32, #tpu.memory_space<vmem>>) target(%dma_start3A_840 : memref<1024xf32, #tpu.memory_space<hbm>>) target_semaphore(%arg16 : memref<!tpu.dma_semaphore, #tpu.memory_space<semaphore_mem>>)
    %dma_start3A_843 = arith.constant 7168 : i32
    %dma_start3A_844 = tpu.memref_slice %arg11[%dma_start3A_843] : memref<32768xf32, #tpu.memory_space<vmem>> -> memref<1024xf32, #tpu.memory_space<vmem>>
    %dma_start3A_845 = tpu.memref_slice %arg5[%mul3A_656] : memref<4194304xf32, #tpu.memory_space<hbm>> -> memref<1024xf32, #tpu.memory_space<hbm>>
    %dma_start3A_846 = tpu.memref_slice %arg5[%mul3A_656] : memref<4194304xf32, #tpu.memory_space<hbm>> -> memref<1024xf32, #tpu.memory_space<hbm>>
    %dma_start3A_847 = arith.constant 7168 : i32
    %dma_start3A_848 = tpu.memref_slice %arg11[%dma_start3A_847] : memref<32768xf32, #tpu.memory_space<vmem>> -> memref<1024xf32, #tpu.memory_space<vmem>>
    tpu.enqueue_dma source(%dma_start3A_848 : memref<1024xf32, #tpu.memory_space<vmem>>) target(%dma_start3A_846 : memref<1024xf32, #tpu.memory_space<hbm>>) target_semaphore(%arg16 : memref<!tpu.dma_semaphore, #tpu.memory_space<semaphore_mem>>)
    %dma_start3A_849 = arith.constant 8192 : i32
    %dma_start3A_850 = tpu.memref_slice %arg11[%dma_start3A_849] : memref<32768xf32, #tpu.memory_space<vmem>> -> memref<1024xf32, #tpu.memory_space<vmem>>
    %dma_start3A_851 = tpu.memref_slice %arg5[%mul3A_662] : memref<4194304xf32, #tpu.memory_space<hbm>> -> memref<1024xf32, #tpu.memory_space<hbm>>
    %dma_start3A_852 = tpu.memref_slice %arg5[%mul3A_662] : memref<4194304xf32, #tpu.memory_space<hbm>> -> memref<1024xf32, #tpu.memory_space<hbm>>
    %dma_start3A_853 = arith.constant 8192 : i32
    %dma_start3A_854 = tpu.memref_slice %arg11[%dma_start3A_853] : memref<32768xf32, #tpu.memory_space<vmem>> -> memref<1024xf32, #tpu.memory_space<vmem>>
    tpu.enqueue_dma source(%dma_start3A_854 : memref<1024xf32, #tpu.memory_space<vmem>>) target(%dma_start3A_852 : memref<1024xf32, #tpu.memory_space<hbm>>) target_semaphore(%arg16 : memref<!tpu.dma_semaphore, #tpu.memory_space<semaphore_mem>>)
    %dma_start3A_855 = arith.constant 9216 : i32
    %dma_start3A_856 = tpu.memref_slice %arg11[%dma_start3A_855] : memref<32768xf32, #tpu.memory_space<vmem>> -> memref<1024xf32, #tpu.memory_space<vmem>>
    %dma_start3A_857 = tpu.memref_slice %arg5[%mul3A_668] : memref<4194304xf32, #tpu.memory_space<hbm>> -> memref<1024xf32, #tpu.memory_space<hbm>>
    %dma_start3A_858 = tpu.memref_slice %arg5[%mul3A_668] : memref<4194304xf32, #tpu.memory_space<hbm>> -> memref<1024xf32, #tpu.memory_space<hbm>>
    %dma_start3A_859 = arith.constant 9216 : i32
    %dma_start3A_860 = tpu.memref_slice %arg11[%dma_start3A_859] : memref<32768xf32, #tpu.memory_space<vmem>> -> memref<1024xf32, #tpu.memory_space<vmem>>
    tpu.enqueue_dma source(%dma_start3A_860 : memref<1024xf32, #tpu.memory_space<vmem>>) target(%dma_start3A_858 : memref<1024xf32, #tpu.memory_space<hbm>>) target_semaphore(%arg16 : memref<!tpu.dma_semaphore, #tpu.memory_space<semaphore_mem>>)
    %dma_start3A_861 = arith.constant 10240 : i32
    %dma_start3A_862 = tpu.memref_slice %arg11[%dma_start3A_861] : memref<32768xf32, #tpu.memory_space<vmem>> -> memref<1024xf32, #tpu.memory_space<vmem>>
    %dma_start3A_863 = tpu.memref_slice %arg5[%mul3A_674] : memref<4194304xf32, #tpu.memory_space<hbm>> -> memref<1024xf32, #tpu.memory_space<hbm>>
    %dma_start3A_864 = tpu.memref_slice %arg5[%mul3A_674] : memref<4194304xf32, #tpu.memory_space<hbm>> -> memref<1024xf32, #tpu.memory_space<hbm>>
    %dma_start3A_865 = arith.constant 10240 : i32
    %dma_start3A_866 = tpu.memref_slice %arg11[%dma_start3A_865] : memref<32768xf32, #tpu.memory_space<vmem>> -> memref<1024xf32, #tpu.memory_space<vmem>>
    tpu.enqueue_dma source(%dma_start3A_866 : memref<1024xf32, #tpu.memory_space<vmem>>) target(%dma_start3A_864 : memref<1024xf32, #tpu.memory_space<hbm>>) target_semaphore(%arg16 : memref<!tpu.dma_semaphore, #tpu.memory_space<semaphore_mem>>)
    %dma_start3A_867 = arith.constant 11264 : i32
    %dma_start3A_868 = tpu.memref_slice %arg11[%dma_start3A_867] : memref<32768xf32, #tpu.memory_space<vmem>> -> memref<1024xf32, #tpu.memory_space<vmem>>
    %dma_start3A_869 = tpu.memref_slice %arg5[%mul3A_680] : memref<4194304xf32, #tpu.memory_space<hbm>> -> memref<1024xf32, #tpu.memory_space<hbm>>
    %dma_start3A_870 = tpu.memref_slice %arg5[%mul3A_680] : memref<4194304xf32, #tpu.memory_space<hbm>> -> memref<1024xf32, #tpu.memory_space<hbm>>
    %dma_start3A_871 = arith.constant 11264 : i32
    %dma_start3A_872 = tpu.memref_slice %arg11[%dma_start3A_871] : memref<32768xf32, #tpu.memory_space<vmem>> -> memref<1024xf32, #tpu.memory_space<vmem>>
    tpu.enqueue_dma source(%dma_start3A_872 : memref<1024xf32, #tpu.memory_space<vmem>>) target(%dma_start3A_870 : memref<1024xf32, #tpu.memory_space<hbm>>) target_semaphore(%arg16 : memref<!tpu.dma_semaphore, #tpu.memory_space<semaphore_mem>>)
    %dma_start3A_873 = arith.constant 12288 : i32
    %dma_start3A_874 = tpu.memref_slice %arg11[%dma_start3A_873] : memref<32768xf32, #tpu.memory_space<vmem>> -> memref<1024xf32, #tpu.memory_space<vmem>>
    %dma_start3A_875 = tpu.memref_slice %arg5[%mul3A_686] : memref<4194304xf32, #tpu.memory_space<hbm>> -> memref<1024xf32, #tpu.memory_space<hbm>>
    %dma_start3A_876 = tpu.memref_slice %arg5[%mul3A_686] : memref<4194304xf32, #tpu.memory_space<hbm>> -> memref<1024xf32, #tpu.memory_space<hbm>>
    %dma_start3A_877 = arith.constant 12288 : i32
    %dma_start3A_878 = tpu.memref_slice %arg11[%dma_start3A_877] : memref<32768xf32, #tpu.memory_space<vmem>> -> memref<1024xf32, #tpu.memory_space<vmem>>
    tpu.enqueue_dma source(%dma_start3A_878 : memref<1024xf32, #tpu.memory_space<vmem>>) target(%dma_start3A_876 : memref<1024xf32, #tpu.memory_space<hbm>>) target_semaphore(%arg16 : memref<!tpu.dma_semaphore, #tpu.memory_space<semaphore_mem>>)
    %dma_start3A_879 = arith.constant 13312 : i32
    %dma_start3A_880 = tpu.memref_slice %arg11[%dma_start3A_879] : memref<32768xf32, #tpu.memory_space<vmem>> -> memref<1024xf32, #tpu.memory_space<vmem>>
    %dma_start3A_881 = tpu.memref_slice %arg5[%mul3A_692] : memref<4194304xf32, #tpu.memory_space<hbm>> -> memref<1024xf32, #tpu.memory_space<hbm>>
    %dma_start3A_882 = tpu.memref_slice %arg5[%mul3A_692] : memref<4194304xf32, #tpu.memory_space<hbm>> -> memref<1024xf32, #tpu.memory_space<hbm>>
    %dma_start3A_883 = arith.constant 13312 : i32
    %dma_start3A_884 = tpu.memref_slice %arg11[%dma_start3A_883] : memref<32768xf32, #tpu.memory_space<vmem>> -> memref<1024xf32, #tpu.memory_space<vmem>>
    tpu.enqueue_dma source(%dma_start3A_884 : memref<1024xf32, #tpu.memory_space<vmem>>) target(%dma_start3A_882 : memref<1024xf32, #tpu.memory_space<hbm>>) target_semaphore(%arg16 : memref<!tpu.dma_semaphore, #tpu.memory_space<semaphore_mem>>)
    %dma_start3A_885 = arith.constant 14336 : i32
    %dma_start3A_886 = tpu.memref_slice %arg11[%dma_start3A_885] : memref<32768xf32, #tpu.memory_space<vmem>> -> memref<1024xf32, #tpu.memory_space<vmem>>
    %dma_start3A_887 = tpu.memref_slice %arg5[%mul3A_698] : memref<4194304xf32, #tpu.memory_space<hbm>> -> memref<1024xf32, #tpu.memory_space<hbm>>
    %dma_start3A_888 = tpu.memref_slice %arg5[%mul3A_698] : memref<4194304xf32, #tpu.memory_space<hbm>> -> memref<1024xf32, #tpu.memory_space<hbm>>
    %dma_start3A_889 = arith.constant 14336 : i32
    %dma_start3A_890 = tpu.memref_slice %arg11[%dma_start3A_889] : memref<32768xf32, #tpu.memory_space<vmem>> -> memref<1024xf32, #tpu.memory_space<vmem>>
    tpu.enqueue_dma source(%dma_start3A_890 : memref<1024xf32, #tpu.memory_space<vmem>>) target(%dma_start3A_888 : memref<1024xf32, #tpu.memory_space<hbm>>) target_semaphore(%arg16 : memref<!tpu.dma_semaphore, #tpu.memory_space<semaphore_mem>>)
    %dma_start3A_891 = arith.constant 15360 : i32
    %dma_start3A_892 = tpu.memref_slice %arg11[%dma_start3A_891] : memref<32768xf32, #tpu.memory_space<vmem>> -> memref<1024xf32, #tpu.memory_space<vmem>>
    %dma_start3A_893 = tpu.memref_slice %arg5[%mul3A_704] : memref<4194304xf32, #tpu.memory_space<hbm>> -> memref<1024xf32, #tpu.memory_space<hbm>>
    %dma_start3A_894 = tpu.memref_slice %arg5[%mul3A_704] : memref<4194304xf32, #tpu.memory_space<hbm>> -> memref<1024xf32, #tpu.memory_space<hbm>>
    %dma_start3A_895 = arith.constant 15360 : i32
    %dma_start3A_896 = tpu.memref_slice %arg11[%dma_start3A_895] : memref<32768xf32, #tpu.memory_space<vmem>> -> memref<1024xf32, #tpu.memory_space<vmem>>
    tpu.enqueue_dma source(%dma_start3A_896 : memref<1024xf32, #tpu.memory_space<vmem>>) target(%dma_start3A_894 : memref<1024xf32, #tpu.memory_space<hbm>>) target_semaphore(%arg16 : memref<!tpu.dma_semaphore, #tpu.memory_space<semaphore_mem>>)
    %dma_start3A_897 = arith.constant 16384 : i32
    %dma_start3A_898 = tpu.memref_slice %arg11[%dma_start3A_897] : memref<32768xf32, #tpu.memory_space<vmem>> -> memref<1024xf32, #tpu.memory_space<vmem>>
    %dma_start3A_899 = tpu.memref_slice %arg5[%mul3A_710] : memref<4194304xf32, #tpu.memory_space<hbm>> -> memref<1024xf32, #tpu.memory_space<hbm>>
    %dma_start3A_900 = tpu.memref_slice %arg5[%mul3A_710] : memref<4194304xf32, #tpu.memory_space<hbm>> -> memref<1024xf32, #tpu.memory_space<hbm>>
    %dma_start3A_901 = arith.constant 16384 : i32
    %dma_start3A_902 = tpu.memref_slice %arg11[%dma_start3A_901] : memref<32768xf32, #tpu.memory_space<vmem>> -> memref<1024xf32, #tpu.memory_space<vmem>>
    tpu.enqueue_dma source(%dma_start3A_902 : memref<1024xf32, #tpu.memory_space<vmem>>) target(%dma_start3A_900 : memref<1024xf32, #tpu.memory_space<hbm>>) target_semaphore(%arg16 : memref<!tpu.dma_semaphore, #tpu.memory_space<semaphore_mem>>)
    %dma_start3A_903 = arith.constant 17408 : i32
    %dma_start3A_904 = tpu.memref_slice %arg11[%dma_start3A_903] : memref<32768xf32, #tpu.memory_space<vmem>> -> memref<1024xf32, #tpu.memory_space<vmem>>
    %dma_start3A_905 = tpu.memref_slice %arg5[%mul3A_716] : memref<4194304xf32, #tpu.memory_space<hbm>> -> memref<1024xf32, #tpu.memory_space<hbm>>
    %dma_start3A_906 = tpu.memref_slice %arg5[%mul3A_716] : memref<4194304xf32, #tpu.memory_space<hbm>> -> memref<1024xf32, #tpu.memory_space<hbm>>
    %dma_start3A_907 = arith.constant 17408 : i32
    %dma_start3A_908 = tpu.memref_slice %arg11[%dma_start3A_907] : memref<32768xf32, #tpu.memory_space<vmem>> -> memref<1024xf32, #tpu.memory_space<vmem>>
    tpu.enqueue_dma source(%dma_start3A_908 : memref<1024xf32, #tpu.memory_space<vmem>>) target(%dma_start3A_906 : memref<1024xf32, #tpu.memory_space<hbm>>) target_semaphore(%arg16 : memref<!tpu.dma_semaphore, #tpu.memory_space<semaphore_mem>>)
    %dma_start3A_909 = arith.constant 18432 : i32
    %dma_start3A_910 = tpu.memref_slice %arg11[%dma_start3A_909] : memref<32768xf32, #tpu.memory_space<vmem>> -> memref<1024xf32, #tpu.memory_space<vmem>>
    %dma_start3A_911 = tpu.memref_slice %arg5[%mul3A_722] : memref<4194304xf32, #tpu.memory_space<hbm>> -> memref<1024xf32, #tpu.memory_space<hbm>>
    %dma_start3A_912 = tpu.memref_slice %arg5[%mul3A_722] : memref<4194304xf32, #tpu.memory_space<hbm>> -> memref<1024xf32, #tpu.memory_space<hbm>>
    %dma_start3A_913 = arith.constant 18432 : i32
    %dma_start3A_914 = tpu.memref_slice %arg11[%dma_start3A_913] : memref<32768xf32, #tpu.memory_space<vmem>> -> memref<1024xf32, #tpu.memory_space<vmem>>
    tpu.enqueue_dma source(%dma_start3A_914 : memref<1024xf32, #tpu.memory_space<vmem>>) target(%dma_start3A_912 : memref<1024xf32, #tpu.memory_space<hbm>>) target_semaphore(%arg16 : memref<!tpu.dma_semaphore, #tpu.memory_space<semaphore_mem>>)
    %dma_start3A_915 = arith.constant 19456 : i32
    %dma_start3A_916 = tpu.memref_slice %arg11[%dma_start3A_915] : memref<32768xf32, #tpu.memory_space<vmem>> -> memref<1024xf32, #tpu.memory_space<vmem>>
    %dma_start3A_917 = tpu.memref_slice %arg5[%mul3A_728] : memref<4194304xf32, #tpu.memory_space<hbm>> -> memref<1024xf32, #tpu.memory_space<hbm>>
    %dma_start3A_918 = tpu.memref_slice %arg5[%mul3A_728] : memref<4194304xf32, #tpu.memory_space<hbm>> -> memref<1024xf32, #tpu.memory_space<hbm>>
    %dma_start3A_919 = arith.constant 19456 : i32
    %dma_start3A_920 = tpu.memref_slice %arg11[%dma_start3A_919] : memref<32768xf32, #tpu.memory_space<vmem>> -> memref<1024xf32, #tpu.memory_space<vmem>>
    tpu.enqueue_dma source(%dma_start3A_920 : memref<1024xf32, #tpu.memory_space<vmem>>) target(%dma_start3A_918 : memref<1024xf32, #tpu.memory_space<hbm>>) target_semaphore(%arg16 : memref<!tpu.dma_semaphore, #tpu.memory_space<semaphore_mem>>)
    %dma_start3A_921 = arith.constant 20480 : i32
    %dma_start3A_922 = tpu.memref_slice %arg11[%dma_start3A_921] : memref<32768xf32, #tpu.memory_space<vmem>> -> memref<1024xf32, #tpu.memory_space<vmem>>
    %dma_start3A_923 = tpu.memref_slice %arg5[%mul3A_734] : memref<4194304xf32, #tpu.memory_space<hbm>> -> memref<1024xf32, #tpu.memory_space<hbm>>
    %dma_start3A_924 = tpu.memref_slice %arg5[%mul3A_734] : memref<4194304xf32, #tpu.memory_space<hbm>> -> memref<1024xf32, #tpu.memory_space<hbm>>
    %dma_start3A_925 = arith.constant 20480 : i32
    %dma_start3A_926 = tpu.memref_slice %arg11[%dma_start3A_925] : memref<32768xf32, #tpu.memory_space<vmem>> -> memref<1024xf32, #tpu.memory_space<vmem>>
    tpu.enqueue_dma source(%dma_start3A_926 : memref<1024xf32, #tpu.memory_space<vmem>>) target(%dma_start3A_924 : memref<1024xf32, #tpu.memory_space<hbm>>) target_semaphore(%arg16 : memref<!tpu.dma_semaphore, #tpu.memory_space<semaphore_mem>>)
    %dma_start3A_927 = arith.constant 21504 : i32
    %dma_start3A_928 = tpu.memref_slice %arg11[%dma_start3A_927] : memref<32768xf32, #tpu.memory_space<vmem>> -> memref<1024xf32, #tpu.memory_space<vmem>>
    %dma_start3A_929 = tpu.memref_slice %arg5[%mul3A_740] : memref<4194304xf32, #tpu.memory_space<hbm>> -> memref<1024xf32, #tpu.memory_space<hbm>>
    %dma_start3A_930 = tpu.memref_slice %arg5[%mul3A_740] : memref<4194304xf32, #tpu.memory_space<hbm>> -> memref<1024xf32, #tpu.memory_space<hbm>>
    %dma_start3A_931 = arith.constant 21504 : i32
    %dma_start3A_932 = tpu.memref_slice %arg11[%dma_start3A_931] : memref<32768xf32, #tpu.memory_space<vmem>> -> memref<1024xf32, #tpu.memory_space<vmem>>
    tpu.enqueue_dma source(%dma_start3A_932 : memref<1024xf32, #tpu.memory_space<vmem>>) target(%dma_start3A_930 : memref<1024xf32, #tpu.memory_space<hbm>>) target_semaphore(%arg16 : memref<!tpu.dma_semaphore, #tpu.memory_space<semaphore_mem>>)
    %dma_start3A_933 = arith.constant 22528 : i32
    %dma_start3A_934 = tpu.memref_slice %arg11[%dma_start3A_933] : memref<32768xf32, #tpu.memory_space<vmem>> -> memref<1024xf32, #tpu.memory_space<vmem>>
    %dma_start3A_935 = tpu.memref_slice %arg5[%mul3A_746] : memref<4194304xf32, #tpu.memory_space<hbm>> -> memref<1024xf32, #tpu.memory_space<hbm>>
    %dma_start3A_936 = tpu.memref_slice %arg5[%mul3A_746] : memref<4194304xf32, #tpu.memory_space<hbm>> -> memref<1024xf32, #tpu.memory_space<hbm>>
    %dma_start3A_937 = arith.constant 22528 : i32
    %dma_start3A_938 = tpu.memref_slice %arg11[%dma_start3A_937] : memref<32768xf32, #tpu.memory_space<vmem>> -> memref<1024xf32, #tpu.memory_space<vmem>>
    tpu.enqueue_dma source(%dma_start3A_938 : memref<1024xf32, #tpu.memory_space<vmem>>) target(%dma_start3A_936 : memref<1024xf32, #tpu.memory_space<hbm>>) target_semaphore(%arg16 : memref<!tpu.dma_semaphore, #tpu.memory_space<semaphore_mem>>)
    %dma_start3A_939 = arith.constant 23552 : i32
    %dma_start3A_940 = tpu.memref_slice %arg11[%dma_start3A_939] : memref<32768xf32, #tpu.memory_space<vmem>> -> memref<1024xf32, #tpu.memory_space<vmem>>
    %dma_start3A_941 = tpu.memref_slice %arg5[%mul3A_752] : memref<4194304xf32, #tpu.memory_space<hbm>> -> memref<1024xf32, #tpu.memory_space<hbm>>
    %dma_start3A_942 = tpu.memref_slice %arg5[%mul3A_752] : memref<4194304xf32, #tpu.memory_space<hbm>> -> memref<1024xf32, #tpu.memory_space<hbm>>
    %dma_start3A_943 = arith.constant 23552 : i32
    %dma_start3A_944 = tpu.memref_slice %arg11[%dma_start3A_943] : memref<32768xf32, #tpu.memory_space<vmem>> -> memref<1024xf32, #tpu.memory_space<vmem>>
    tpu.enqueue_dma source(%dma_start3A_944 : memref<1024xf32, #tpu.memory_space<vmem>>) target(%dma_start3A_942 : memref<1024xf32, #tpu.memory_space<hbm>>) target_semaphore(%arg16 : memref<!tpu.dma_semaphore, #tpu.memory_space<semaphore_mem>>)
    %dma_start3A_945 = arith.constant 24576 : i32
    %dma_start3A_946 = tpu.memref_slice %arg11[%dma_start3A_945] : memref<32768xf32, #tpu.memory_space<vmem>> -> memref<1024xf32, #tpu.memory_space<vmem>>
    %dma_start3A_947 = tpu.memref_slice %arg5[%mul3A_758] : memref<4194304xf32, #tpu.memory_space<hbm>> -> memref<1024xf32, #tpu.memory_space<hbm>>
    %dma_start3A_948 = tpu.memref_slice %arg5[%mul3A_758] : memref<4194304xf32, #tpu.memory_space<hbm>> -> memref<1024xf32, #tpu.memory_space<hbm>>
    %dma_start3A_949 = arith.constant 24576 : i32
    %dma_start3A_950 = tpu.memref_slice %arg11[%dma_start3A_949] : memref<32768xf32, #tpu.memory_space<vmem>> -> memref<1024xf32, #tpu.memory_space<vmem>>
    tpu.enqueue_dma source(%dma_start3A_950 : memref<1024xf32, #tpu.memory_space<vmem>>) target(%dma_start3A_948 : memref<1024xf32, #tpu.memory_space<hbm>>) target_semaphore(%arg16 : memref<!tpu.dma_semaphore, #tpu.memory_space<semaphore_mem>>)
    %dma_start3A_951 = arith.constant 25600 : i32
    %dma_start3A_952 = tpu.memref_slice %arg11[%dma_start3A_951] : memref<32768xf32, #tpu.memory_space<vmem>> -> memref<1024xf32, #tpu.memory_space<vmem>>
    %dma_start3A_953 = tpu.memref_slice %arg5[%mul3A_764] : memref<4194304xf32, #tpu.memory_space<hbm>> -> memref<1024xf32, #tpu.memory_space<hbm>>
    %dma_start3A_954 = tpu.memref_slice %arg5[%mul3A_764] : memref<4194304xf32, #tpu.memory_space<hbm>> -> memref<1024xf32, #tpu.memory_space<hbm>>
    %dma_start3A_955 = arith.constant 25600 : i32
    %dma_start3A_956 = tpu.memref_slice %arg11[%dma_start3A_955] : memref<32768xf32, #tpu.memory_space<vmem>> -> memref<1024xf32, #tpu.memory_space<vmem>>
    tpu.enqueue_dma source(%dma_start3A_956 : memref<1024xf32, #tpu.memory_space<vmem>>) target(%dma_start3A_954 : memref<1024xf32, #tpu.memory_space<hbm>>) target_semaphore(%arg16 : memref<!tpu.dma_semaphore, #tpu.memory_space<semaphore_mem>>)
    %dma_start3A_957 = arith.constant 26624 : i32
    %dma_start3A_958 = tpu.memref_slice %arg11[%dma_start3A_957] : memref<32768xf32, #tpu.memory_space<vmem>> -> memref<1024xf32, #tpu.memory_space<vmem>>
    %dma_start3A_959 = tpu.memref_slice %arg5[%mul3A_770] : memref<4194304xf32, #tpu.memory_space<hbm>> -> memref<1024xf32, #tpu.memory_space<hbm>>
    %dma_start3A_960 = tpu.memref_slice %arg5[%mul3A_770] : memref<4194304xf32, #tpu.memory_space<hbm>> -> memref<1024xf32, #tpu.memory_space<hbm>>
    %dma_start3A_961 = arith.constant 26624 : i32
    %dma_start3A_962 = tpu.memref_slice %arg11[%dma_start3A_961] : memref<32768xf32, #tpu.memory_space<vmem>> -> memref<1024xf32, #tpu.memory_space<vmem>>
    tpu.enqueue_dma source(%dma_start3A_962 : memref<1024xf32, #tpu.memory_space<vmem>>) target(%dma_start3A_960 : memref<1024xf32, #tpu.memory_space<hbm>>) target_semaphore(%arg16 : memref<!tpu.dma_semaphore, #tpu.memory_space<semaphore_mem>>)
    %dma_start3A_963 = arith.constant 27648 : i32
    %dma_start3A_964 = tpu.memref_slice %arg11[%dma_start3A_963] : memref<32768xf32, #tpu.memory_space<vmem>> -> memref<1024xf32, #tpu.memory_space<vmem>>
    %dma_start3A_965 = tpu.memref_slice %arg5[%mul3A_776] : memref<4194304xf32, #tpu.memory_space<hbm>> -> memref<1024xf32, #tpu.memory_space<hbm>>
    %dma_start3A_966 = tpu.memref_slice %arg5[%mul3A_776] : memref<4194304xf32, #tpu.memory_space<hbm>> -> memref<1024xf32, #tpu.memory_space<hbm>>
    %dma_start3A_967 = arith.constant 27648 : i32
    %dma_start3A_968 = tpu.memref_slice %arg11[%dma_start3A_967] : memref<32768xf32, #tpu.memory_space<vmem>> -> memref<1024xf32, #tpu.memory_space<vmem>>
    tpu.enqueue_dma source(%dma_start3A_968 : memref<1024xf32, #tpu.memory_space<vmem>>) target(%dma_start3A_966 : memref<1024xf32, #tpu.memory_space<hbm>>) target_semaphore(%arg16 : memref<!tpu.dma_semaphore, #tpu.memory_space<semaphore_mem>>)
    %dma_start3A_969 = arith.constant 28672 : i32
    %dma_start3A_970 = tpu.memref_slice %arg11[%dma_start3A_969] : memref<32768xf32, #tpu.memory_space<vmem>> -> memref<1024xf32, #tpu.memory_space<vmem>>
    %dma_start3A_971 = tpu.memref_slice %arg5[%mul3A_782] : memref<4194304xf32, #tpu.memory_space<hbm>> -> memref<1024xf32, #tpu.memory_space<hbm>>
    %dma_start3A_972 = tpu.memref_slice %arg5[%mul3A_782] : memref<4194304xf32, #tpu.memory_space<hbm>> -> memref<1024xf32, #tpu.memory_space<hbm>>
    %dma_start3A_973 = arith.constant 28672 : i32
    %dma_start3A_974 = tpu.memref_slice %arg11[%dma_start3A_973] : memref<32768xf32, #tpu.memory_space<vmem>> -> memref<1024xf32, #tpu.memory_space<vmem>>
    tpu.enqueue_dma source(%dma_start3A_974 : memref<1024xf32, #tpu.memory_space<vmem>>) target(%dma_start3A_972 : memref<1024xf32, #tpu.memory_space<hbm>>) target_semaphore(%arg16 : memref<!tpu.dma_semaphore, #tpu.memory_space<semaphore_mem>>)
    %dma_start3A_975 = arith.constant 29696 : i32
    %dma_start3A_976 = tpu.memref_slice %arg11[%dma_start3A_975] : memref<32768xf32, #tpu.memory_space<vmem>> -> memref<1024xf32, #tpu.memory_space<vmem>>
    %dma_start3A_977 = tpu.memref_slice %arg5[%mul3A_788] : memref<4194304xf32, #tpu.memory_space<hbm>> -> memref<1024xf32, #tpu.memory_space<hbm>>
    %dma_start3A_978 = tpu.memref_slice %arg5[%mul3A_788] : memref<4194304xf32, #tpu.memory_space<hbm>> -> memref<1024xf32, #tpu.memory_space<hbm>>
    %dma_start3A_979 = arith.constant 29696 : i32
    %dma_start3A_980 = tpu.memref_slice %arg11[%dma_start3A_979] : memref<32768xf32, #tpu.memory_space<vmem>> -> memref<1024xf32, #tpu.memory_space<vmem>>
    tpu.enqueue_dma source(%dma_start3A_980 : memref<1024xf32, #tpu.memory_space<vmem>>) target(%dma_start3A_978 : memref<1024xf32, #tpu.memory_space<hbm>>) target_semaphore(%arg16 : memref<!tpu.dma_semaphore, #tpu.memory_space<semaphore_mem>>)
    %dma_start3A_981 = arith.constant 30720 : i32
    %dma_start3A_982 = tpu.memref_slice %arg11[%dma_start3A_981] : memref<32768xf32, #tpu.memory_space<vmem>> -> memref<1024xf32, #tpu.memory_space<vmem>>
    %dma_start3A_983 = tpu.memref_slice %arg5[%mul3A_794] : memref<4194304xf32, #tpu.memory_space<hbm>> -> memref<1024xf32, #tpu.memory_space<hbm>>
    %dma_start3A_984 = tpu.memref_slice %arg5[%mul3A_794] : memref<4194304xf32, #tpu.memory_space<hbm>> -> memref<1024xf32, #tpu.memory_space<hbm>>
    %dma_start3A_985 = arith.constant 30720 : i32
    %dma_start3A_986 = tpu.memref_slice %arg11[%dma_start3A_985] : memref<32768xf32, #tpu.memory_space<vmem>> -> memref<1024xf32, #tpu.memory_space<vmem>>
    tpu.enqueue_dma source(%dma_start3A_986 : memref<1024xf32, #tpu.memory_space<vmem>>) target(%dma_start3A_984 : memref<1024xf32, #tpu.memory_space<hbm>>) target_semaphore(%arg16 : memref<!tpu.dma_semaphore, #tpu.memory_space<semaphore_mem>>)
    %dma_start3A_987 = arith.constant 31744 : i32
    %dma_start3A_988 = tpu.memref_slice %arg11[%dma_start3A_987] : memref<32768xf32, #tpu.memory_space<vmem>> -> memref<1024xf32, #tpu.memory_space<vmem>>
    %dma_start3A_989 = tpu.memref_slice %arg5[%mul3A_800] : memref<4194304xf32, #tpu.memory_space<hbm>> -> memref<1024xf32, #tpu.memory_space<hbm>>
    %dma_start3A_990 = tpu.memref_slice %arg5[%mul3A_800] : memref<4194304xf32, #tpu.memory_space<hbm>> -> memref<1024xf32, #tpu.memory_space<hbm>>
    %dma_start3A_991 = arith.constant 31744 : i32
    %dma_start3A_992 = tpu.memref_slice %arg11[%dma_start3A_991] : memref<32768xf32, #tpu.memory_space<vmem>> -> memref<1024xf32, #tpu.memory_space<vmem>>
    tpu.enqueue_dma source(%dma_start3A_992 : memref<1024xf32, #tpu.memory_space<vmem>>) target(%dma_start3A_990 : memref<1024xf32, #tpu.memory_space<hbm>>) target_semaphore(%arg16 : memref<!tpu.dma_semaphore, #tpu.memory_space<semaphore_mem>>)
    %dma_start3A_993 = arith.constant 5 : i32
    %dma_start3A_994 = arith.constant 0 : i32
    %dma_start3A_995 = tpu.memref_slice %arg7[%dma_start3A_993, %dma_start3A_994] : memref<8x512xi32, #tpu.memory_space<vmem>> -> memref<1x512xi32, #tpu.memory_space<vmem>>
    %dma_start3A_996 = tpu.memref_squeeze %dma_start3A_995 : memref<1x512xi32, #tpu.memory_space<vmem>> -> memref<512xi32, #tpu.memory_space<vmem>>
    %dma_start3A_997 = arith.constant 0 : i32
    %dma_start3A_998 = arith.constant 0 : i32
    %dma_start3A_999 = tpu.memref_slice %arg4[%dma_start3A_997, %dma_start3A_998] : memref<800000x32xf32, #tpu.memory_space<hbm>> -> memref<800000x32xf32, #tpu.memory_space<hbm>>
    tpu.enqueue_indirect_dma source(%dma_start3A_999 : memref<800000x32xf32, #tpu.memory_space<hbm>>) target(%arg9 : memref<512x32xf32, #tpu.memory_space<vmem>>) offsets(%dma_start3A_996 : memref<512xi32, #tpu.memory_space<vmem>>) semaphore(%arg14 : memref<!tpu.dma_semaphore, #tpu.memory_space<semaphore_mem>>)
    %dma_wait3A_1000 = arith.constant 4 : i32
    %dma_wait3A_1001 = arith.constant 0 : i32
    %dma_wait3A_1002 = tpu.memref_slice %arg7[%dma_wait3A_1000, %dma_wait3A_1001] : memref<8x512xi32, #tpu.memory_space<vmem>> -> memref<1x512xi32, #tpu.memory_space<vmem>>
    %dma_wait3A_1003 = tpu.memref_squeeze %dma_wait3A_1002 : memref<1x512xi32, #tpu.memory_space<vmem>> -> memref<512xi32, #tpu.memory_space<vmem>>
    %dma_wait3A_1004 = arith.constant 0 : i32
    %dma_wait3A_1005 = arith.constant 0 : i32
    %dma_wait3A_1006 = tpu.memref_slice %arg4[%dma_wait3A_1004, %dma_wait3A_1005] : memref<800000x32xf32, #tpu.memory_space<hbm>> -> memref<800000x32xf32, #tpu.memory_space<hbm>>
    tpu.wait_indirect_dma semaphore(%arg13 : memref<!tpu.dma_semaphore, #tpu.memory_space<semaphore_mem>>) src(%dma_wait3A_1006 : memref<800000x32xf32, #tpu.memory_space<hbm>>) dst(%arg8 : memref<512x32xf32, #tpu.memory_space<vmem>>)
    %add3A_1007 = arith.constant 0 : i32
    %add3A_1008 = arith.addi %add3A_1007, %mul3A_2 : i32
    %add3A_1009 = arith.constant 0 : i32
    %add3A_1010 = arith.addi %add3A_1008, %add3A_1009 : i32
    %mul3A_1011 = arith.constant 1024 : i32
    %mul3A_1012 = arith.muli %add3A_1010, %mul3A_1011 : i32
    %add3A_1013 = arith.constant 128 : i32
    %add3A_1014 = arith.addi %add3A_1013, %mul3A_2 : i32
    %add3A_1015 = arith.constant 0 : i32
    %add3A_1016 = arith.addi %add3A_1014, %add3A_1015 : i32
    %mul3A_1017 = arith.constant 1024 : i32
    %mul3A_1018 = arith.muli %add3A_1016, %mul3A_1017 : i32
    %add3A_1019 = arith.constant 256 : i32
    %add3A_1020 = arith.addi %add3A_1019, %mul3A_2 : i32
    %add3A_1021 = arith.constant 0 : i32
    %add3A_1022 = arith.addi %add3A_1020, %add3A_1021 : i32
    %mul3A_1023 = arith.constant 1024 : i32
    %mul3A_1024 = arith.muli %add3A_1022, %mul3A_1023 : i32
    %add3A_1025 = arith.constant 384 : i32
    %add3A_1026 = arith.addi %add3A_1025, %mul3A_2 : i32
    %add3A_1027 = arith.constant 0 : i32
    %add3A_1028 = arith.addi %add3A_1026, %add3A_1027 : i32
    %mul3A_1029 = arith.constant 1024 : i32
    %mul3A_1030 = arith.muli %add3A_1028, %mul3A_1029 : i32
    %add3A_1031 = arith.constant 512 : i32
    %add3A_1032 = arith.addi %add3A_1031, %mul3A_2 : i32
    %add3A_1033 = arith.constant 0 : i32
    %add3A_1034 = arith.addi %add3A_1032, %add3A_1033 : i32
    %mul3A_1035 = arith.constant 1024 : i32
    %mul3A_1036 = arith.muli %add3A_1034, %mul3A_1035 : i32
    %add3A_1037 = arith.constant 640 : i32
    %add3A_1038 = arith.addi %add3A_1037, %mul3A_2 : i32
    %add3A_1039 = arith.constant 0 : i32
    %add3A_1040 = arith.addi %add3A_1038, %add3A_1039 : i32
    %mul3A_1041 = arith.constant 1024 : i32
    %mul3A_1042 = arith.muli %add3A_1040, %mul3A_1041 : i32
    %add3A_1043 = arith.constant 768 : i32
    %add3A_1044 = arith.addi %add3A_1043, %mul3A_2 : i32
    %add3A_1045 = arith.constant 0 : i32
    %add3A_1046 = arith.addi %add3A_1044, %add3A_1045 : i32
    %mul3A_1047 = arith.constant 1024 : i32
    %mul3A_1048 = arith.muli %add3A_1046, %mul3A_1047 : i32
    %add3A_1049 = arith.constant 896 : i32
    %add3A_1050 = arith.addi %add3A_1049, %mul3A_2 : i32
    %add3A_1051 = arith.constant 0 : i32
    %add3A_1052 = arith.addi %add3A_1050, %add3A_1051 : i32
    %mul3A_1053 = arith.constant 1024 : i32
    %mul3A_1054 = arith.muli %add3A_1052, %mul3A_1053 : i32
    %add3A_1055 = arith.constant 1024 : i32
    %add3A_1056 = arith.addi %add3A_1055, %mul3A_2 : i32
    %add3A_1057 = arith.constant 0 : i32
    %add3A_1058 = arith.addi %add3A_1056, %add3A_1057 : i32
    %mul3A_1059 = arith.constant 1024 : i32
    %mul3A_1060 = arith.muli %add3A_1058, %mul3A_1059 : i32
    %add3A_1061 = arith.constant 1152 : i32
    %add3A_1062 = arith.addi %add3A_1061, %mul3A_2 : i32
    %add3A_1063 = arith.constant 0 : i32
    %add3A_1064 = arith.addi %add3A_1062, %add3A_1063 : i32
    %mul3A_1065 = arith.constant 1024 : i32
    %mul3A_1066 = arith.muli %add3A_1064, %mul3A_1065 : i32
    %add3A_1067 = arith.constant 1280 : i32
    %add3A_1068 = arith.addi %add3A_1067, %mul3A_2 : i32
    %add3A_1069 = arith.constant 0 : i32
    %add3A_1070 = arith.addi %add3A_1068, %add3A_1069 : i32
    %mul3A_1071 = arith.constant 1024 : i32
    %mul3A_1072 = arith.muli %add3A_1070, %mul3A_1071 : i32
    %add3A_1073 = arith.constant 1408 : i32
    %add3A_1074 = arith.addi %add3A_1073, %mul3A_2 : i32
    %add3A_1075 = arith.constant 0 : i32
    %add3A_1076 = arith.addi %add3A_1074, %add3A_1075 : i32
    %mul3A_1077 = arith.constant 1024 : i32
    %mul3A_1078 = arith.muli %add3A_1076, %mul3A_1077 : i32
    %add3A_1079 = arith.constant 1536 : i32
    %add3A_1080 = arith.addi %add3A_1079, %mul3A_2 : i32
    %add3A_1081 = arith.constant 0 : i32
    %add3A_1082 = arith.addi %add3A_1080, %add3A_1081 : i32
    %mul3A_1083 = arith.constant 1024 : i32
    %mul3A_1084 = arith.muli %add3A_1082, %mul3A_1083 : i32
    %add3A_1085 = arith.constant 1664 : i32
    %add3A_1086 = arith.addi %add3A_1085, %mul3A_2 : i32
    %add3A_1087 = arith.constant 0 : i32
    %add3A_1088 = arith.addi %add3A_1086, %add3A_1087 : i32
    %mul3A_1089 = arith.constant 1024 : i32
    %mul3A_1090 = arith.muli %add3A_1088, %mul3A_1089 : i32
    %add3A_1091 = arith.constant 1792 : i32
    %add3A_1092 = arith.addi %add3A_1091, %mul3A_2 : i32
    %add3A_1093 = arith.constant 0 : i32
    %add3A_1094 = arith.addi %add3A_1092, %add3A_1093 : i32
    %mul3A_1095 = arith.constant 1024 : i32
    %mul3A_1096 = arith.muli %add3A_1094, %mul3A_1095 : i32
    %add3A_1097 = arith.constant 1920 : i32
    %add3A_1098 = arith.addi %add3A_1097, %mul3A_2 : i32
    %add3A_1099 = arith.constant 0 : i32
    %add3A_1100 = arith.addi %add3A_1098, %add3A_1099 : i32
    %mul3A_1101 = arith.constant 1024 : i32
    %mul3A_1102 = arith.muli %add3A_1100, %mul3A_1101 : i32
    %add3A_1103 = arith.constant 2048 : i32
    %add3A_1104 = arith.addi %add3A_1103, %mul3A_2 : i32
    %add3A_1105 = arith.constant 0 : i32
    %add3A_1106 = arith.addi %add3A_1104, %add3A_1105 : i32
    %mul3A_1107 = arith.constant 1024 : i32
    %mul3A_1108 = arith.muli %add3A_1106, %mul3A_1107 : i32
    %add3A_1109 = arith.constant 2176 : i32
    %add3A_1110 = arith.addi %add3A_1109, %mul3A_2 : i32
    %add3A_1111 = arith.constant 0 : i32
    %add3A_1112 = arith.addi %add3A_1110, %add3A_1111 : i32
    %mul3A_1113 = arith.constant 1024 : i32
    %mul3A_1114 = arith.muli %add3A_1112, %mul3A_1113 : i32
    %add3A_1115 = arith.constant 2304 : i32
    %add3A_1116 = arith.addi %add3A_1115, %mul3A_2 : i32
    %add3A_1117 = arith.constant 0 : i32
    %add3A_1118 = arith.addi %add3A_1116, %add3A_1117 : i32
    %mul3A_1119 = arith.constant 1024 : i32
    %mul3A_1120 = arith.muli %add3A_1118, %mul3A_1119 : i32
    %add3A_1121 = arith.constant 2432 : i32
    %add3A_1122 = arith.addi %add3A_1121, %mul3A_2 : i32
    %add3A_1123 = arith.constant 0 : i32
    %add3A_1124 = arith.addi %add3A_1122, %add3A_1123 : i32
    %mul3A_1125 = arith.constant 1024 : i32
    %mul3A_1126 = arith.muli %add3A_1124, %mul3A_1125 : i32
    %add3A_1127 = arith.constant 2560 : i32
    %add3A_1128 = arith.addi %add3A_1127, %mul3A_2 : i32
    %add3A_1129 = arith.constant 0 : i32
    %add3A_1130 = arith.addi %add3A_1128, %add3A_1129 : i32
    %mul3A_1131 = arith.constant 1024 : i32
    %mul3A_1132 = arith.muli %add3A_1130, %mul3A_1131 : i32
    %add3A_1133 = arith.constant 2688 : i32
    %add3A_1134 = arith.addi %add3A_1133, %mul3A_2 : i32
    %add3A_1135 = arith.constant 0 : i32
    %add3A_1136 = arith.addi %add3A_1134, %add3A_1135 : i32
    %mul3A_1137 = arith.constant 1024 : i32
    %mul3A_1138 = arith.muli %add3A_1136, %mul3A_1137 : i32
    %add3A_1139 = arith.constant 2816 : i32
    %add3A_1140 = arith.addi %add3A_1139, %mul3A_2 : i32
    %add3A_1141 = arith.constant 0 : i32
    %add3A_1142 = arith.addi %add3A_1140, %add3A_1141 : i32
    %mul3A_1143 = arith.constant 1024 : i32
    %mul3A_1144 = arith.muli %add3A_1142, %mul3A_1143 : i32
    %add3A_1145 = arith.constant 2944 : i32
    %add3A_1146 = arith.addi %add3A_1145, %mul3A_2 : i32
    %add3A_1147 = arith.constant 0 : i32
    %add3A_1148 = arith.addi %add3A_1146, %add3A_1147 : i32
    %mul3A_1149 = arith.constant 1024 : i32
    %mul3A_1150 = arith.muli %add3A_1148, %mul3A_1149 : i32
    %add3A_1151 = arith.constant 3072 : i32
    %add3A_1152 = arith.addi %add3A_1151, %mul3A_2 : i32
    %add3A_1153 = arith.constant 0 : i32
    %add3A_1154 = arith.addi %add3A_1152, %add3A_1153 : i32
    %mul3A_1155 = arith.constant 1024 : i32
    %mul3A_1156 = arith.muli %add3A_1154, %mul3A_1155 : i32
    %add3A_1157 = arith.constant 3200 : i32
    %add3A_1158 = arith.addi %add3A_1157, %mul3A_2 : i32
    %add3A_1159 = arith.constant 0 : i32
    %add3A_1160 = arith.addi %add3A_1158, %add3A_1159 : i32
    %mul3A_1161 = arith.constant 1024 : i32
    %mul3A_1162 = arith.muli %add3A_1160, %mul3A_1161 : i32
    %add3A_1163 = arith.constant 3328 : i32
    %add3A_1164 = arith.addi %add3A_1163, %mul3A_2 : i32
    %add3A_1165 = arith.constant 0 : i32
    %add3A_1166 = arith.addi %add3A_1164, %add3A_1165 : i32
    %mul3A_1167 = arith.constant 1024 : i32
    %mul3A_1168 = arith.muli %add3A_1166, %mul3A_1167 : i32
    %add3A_1169 = arith.constant 3456 : i32
    %add3A_1170 = arith.addi %add3A_1169, %mul3A_2 : i32
    %add3A_1171 = arith.constant 0 : i32
    %add3A_1172 = arith.addi %add3A_1170, %add3A_1171 : i32
    %mul3A_1173 = arith.constant 1024 : i32
    %mul3A_1174 = arith.muli %add3A_1172, %mul3A_1173 : i32
    %add3A_1175 = arith.constant 3584 : i32
    %add3A_1176 = arith.addi %add3A_1175, %mul3A_2 : i32
    %add3A_1177 = arith.constant 0 : i32
    %add3A_1178 = arith.addi %add3A_1176, %add3A_1177 : i32
    %mul3A_1179 = arith.constant 1024 : i32
    %mul3A_1180 = arith.muli %add3A_1178, %mul3A_1179 : i32
    %add3A_1181 = arith.constant 3712 : i32
    %add3A_1182 = arith.addi %add3A_1181, %mul3A_2 : i32
    %add3A_1183 = arith.constant 0 : i32
    %add3A_1184 = arith.addi %add3A_1182, %add3A_1183 : i32
    %mul3A_1185 = arith.constant 1024 : i32
    %mul3A_1186 = arith.muli %add3A_1184, %mul3A_1185 : i32
    %add3A_1187 = arith.constant 3840 : i32
    %add3A_1188 = arith.addi %add3A_1187, %mul3A_2 : i32
    %add3A_1189 = arith.constant 0 : i32
    %add3A_1190 = arith.addi %add3A_1188, %add3A_1189 : i32
    %mul3A_1191 = arith.constant 1024 : i32
    %mul3A_1192 = arith.muli %add3A_1190, %mul3A_1191 : i32
    %add3A_1193 = arith.constant 3968 : i32
    %add3A_1194 = arith.addi %add3A_1193, %mul3A_2 : i32
    %add3A_1195 = arith.constant 0 : i32
    %add3A_1196 = arith.addi %add3A_1194, %add3A_1195 : i32
    %mul3A_1197 = arith.constant 1024 : i32
    %mul3A_1198 = arith.muli %add3A_1196, %mul3A_1197 : i32
    %dma_wait3A_1199 = arith.constant 0 : i32
    %dma_wait3A_1200 = tpu.memref_slice %arg10[%dma_wait3A_1199] : memref<32768xf32, #tpu.memory_space<vmem>> -> memref<1024xf32, #tpu.memory_space<vmem>>
    %dma_wait3A_1201 = tpu.memref_slice %arg5[%mul3A_1012] : memref<4194304xf32, #tpu.memory_space<hbm>> -> memref<1024xf32, #tpu.memory_space<hbm>>
    %dma_wait3A_1202 = tpu.memref_slice %arg5[%mul3A_1012] : memref<4194304xf32, #tpu.memory_space<hbm>> -> memref<1024xf32, #tpu.memory_space<hbm>>
    %dma_wait3A_1203 = arith.constant 0 : i32
    %dma_wait3A_1204 = tpu.memref_slice %arg10[%dma_wait3A_1203] : memref<32768xf32, #tpu.memory_space<vmem>> -> memref<1024xf32, #tpu.memory_space<vmem>>
    tpu.wait_dma2 semaphore(%arg15 : memref<!tpu.dma_semaphore, #tpu.memory_space<semaphore_mem>>) src(%dma_wait3A_1204 : memref<1024xf32, #tpu.memory_space<vmem>>) dst(%dma_wait3A_1202 : memref<1024xf32, #tpu.memory_space<hbm>>)
    %dma_wait3A_1205 = arith.constant 1024 : i32
    %dma_wait3A_1206 = tpu.memref_slice %arg10[%dma_wait3A_1205] : memref<32768xf32, #tpu.memory_space<vmem>> -> memref<1024xf32, #tpu.memory_space<vmem>>
    %dma_wait3A_1207 = tpu.memref_slice %arg5[%mul3A_1018] : memref<4194304xf32, #tpu.memory_space<hbm>> -> memref<1024xf32, #tpu.memory_space<hbm>>
    %dma_wait3A_1208 = tpu.memref_slice %arg5[%mul3A_1018] : memref<4194304xf32, #tpu.memory_space<hbm>> -> memref<1024xf32, #tpu.memory_space<hbm>>
    %dma_wait3A_1209 = arith.constant 1024 : i32
    %dma_wait3A_1210 = tpu.memref_slice %arg10[%dma_wait3A_1209] : memref<32768xf32, #tpu.memory_space<vmem>> -> memref<1024xf32, #tpu.memory_space<vmem>>
    tpu.wait_dma2 semaphore(%arg15 : memref<!tpu.dma_semaphore, #tpu.memory_space<semaphore_mem>>) src(%dma_wait3A_1210 : memref<1024xf32, #tpu.memory_space<vmem>>) dst(%dma_wait3A_1208 : memref<1024xf32, #tpu.memory_space<hbm>>)
    %dma_wait3A_1211 = arith.constant 2048 : i32
    %dma_wait3A_1212 = tpu.memref_slice %arg10[%dma_wait3A_1211] : memref<32768xf32, #tpu.memory_space<vmem>> -> memref<1024xf32, #tpu.memory_space<vmem>>
    %dma_wait3A_1213 = tpu.memref_slice %arg5[%mul3A_1024] : memref<4194304xf32, #tpu.memory_space<hbm>> -> memref<1024xf32, #tpu.memory_space<hbm>>
    %dma_wait3A_1214 = tpu.memref_slice %arg5[%mul3A_1024] : memref<4194304xf32, #tpu.memory_space<hbm>> -> memref<1024xf32, #tpu.memory_space<hbm>>
    %dma_wait3A_1215 = arith.constant 2048 : i32
    %dma_wait3A_1216 = tpu.memref_slice %arg10[%dma_wait3A_1215] : memref<32768xf32, #tpu.memory_space<vmem>> -> memref<1024xf32, #tpu.memory_space<vmem>>
    tpu.wait_dma2 semaphore(%arg15 : memref<!tpu.dma_semaphore, #tpu.memory_space<semaphore_mem>>) src(%dma_wait3A_1216 : memref<1024xf32, #tpu.memory_space<vmem>>) dst(%dma_wait3A_1214 : memref<1024xf32, #tpu.memory_space<hbm>>)
    %dma_wait3A_1217 = arith.constant 3072 : i32
    %dma_wait3A_1218 = tpu.memref_slice %arg10[%dma_wait3A_1217] : memref<32768xf32, #tpu.memory_space<vmem>> -> memref<1024xf32, #tpu.memory_space<vmem>>
    %dma_wait3A_1219 = tpu.memref_slice %arg5[%mul3A_1030] : memref<4194304xf32, #tpu.memory_space<hbm>> -> memref<1024xf32, #tpu.memory_space<hbm>>
    %dma_wait3A_1220 = tpu.memref_slice %arg5[%mul3A_1030] : memref<4194304xf32, #tpu.memory_space<hbm>> -> memref<1024xf32, #tpu.memory_space<hbm>>
    %dma_wait3A_1221 = arith.constant 3072 : i32
    %dma_wait3A_1222 = tpu.memref_slice %arg10[%dma_wait3A_1221] : memref<32768xf32, #tpu.memory_space<vmem>> -> memref<1024xf32, #tpu.memory_space<vmem>>
    tpu.wait_dma2 semaphore(%arg15 : memref<!tpu.dma_semaphore, #tpu.memory_space<semaphore_mem>>) src(%dma_wait3A_1222 : memref<1024xf32, #tpu.memory_space<vmem>>) dst(%dma_wait3A_1220 : memref<1024xf32, #tpu.memory_space<hbm>>)
    %dma_wait3A_1223 = arith.constant 4096 : i32
    %dma_wait3A_1224 = tpu.memref_slice %arg10[%dma_wait3A_1223] : memref<32768xf32, #tpu.memory_space<vmem>> -> memref<1024xf32, #tpu.memory_space<vmem>>
    %dma_wait3A_1225 = tpu.memref_slice %arg5[%mul3A_1036] : memref<4194304xf32, #tpu.memory_space<hbm>> -> memref<1024xf32, #tpu.memory_space<hbm>>
    %dma_wait3A_1226 = tpu.memref_slice %arg5[%mul3A_1036] : memref<4194304xf32, #tpu.memory_space<hbm>> -> memref<1024xf32, #tpu.memory_space<hbm>>
    %dma_wait3A_1227 = arith.constant 4096 : i32
    %dma_wait3A_1228 = tpu.memref_slice %arg10[%dma_wait3A_1227] : memref<32768xf32, #tpu.memory_space<vmem>> -> memref<1024xf32, #tpu.memory_space<vmem>>
    tpu.wait_dma2 semaphore(%arg15 : memref<!tpu.dma_semaphore, #tpu.memory_space<semaphore_mem>>) src(%dma_wait3A_1228 : memref<1024xf32, #tpu.memory_space<vmem>>) dst(%dma_wait3A_1226 : memref<1024xf32, #tpu.memory_space<hbm>>)
    %dma_wait3A_1229 = arith.constant 5120 : i32
    %dma_wait3A_1230 = tpu.memref_slice %arg10[%dma_wait3A_1229] : memref<32768xf32, #tpu.memory_space<vmem>> -> memref<1024xf32, #tpu.memory_space<vmem>>
    %dma_wait3A_1231 = tpu.memref_slice %arg5[%mul3A_1042] : memref<4194304xf32, #tpu.memory_space<hbm>> -> memref<1024xf32, #tpu.memory_space<hbm>>
    %dma_wait3A_1232 = tpu.memref_slice %arg5[%mul3A_1042] : memref<4194304xf32, #tpu.memory_space<hbm>> -> memref<1024xf32, #tpu.memory_space<hbm>>
    %dma_wait3A_1233 = arith.constant 5120 : i32
    %dma_wait3A_1234 = tpu.memref_slice %arg10[%dma_wait3A_1233] : memref<32768xf32, #tpu.memory_space<vmem>> -> memref<1024xf32, #tpu.memory_space<vmem>>
    tpu.wait_dma2 semaphore(%arg15 : memref<!tpu.dma_semaphore, #tpu.memory_space<semaphore_mem>>) src(%dma_wait3A_1234 : memref<1024xf32, #tpu.memory_space<vmem>>) dst(%dma_wait3A_1232 : memref<1024xf32, #tpu.memory_space<hbm>>)
    %dma_wait3A_1235 = arith.constant 6144 : i32
    %dma_wait3A_1236 = tpu.memref_slice %arg10[%dma_wait3A_1235] : memref<32768xf32, #tpu.memory_space<vmem>> -> memref<1024xf32, #tpu.memory_space<vmem>>
    %dma_wait3A_1237 = tpu.memref_slice %arg5[%mul3A_1048] : memref<4194304xf32, #tpu.memory_space<hbm>> -> memref<1024xf32, #tpu.memory_space<hbm>>
    %dma_wait3A_1238 = tpu.memref_slice %arg5[%mul3A_1048] : memref<4194304xf32, #tpu.memory_space<hbm>> -> memref<1024xf32, #tpu.memory_space<hbm>>
    %dma_wait3A_1239 = arith.constant 6144 : i32
    %dma_wait3A_1240 = tpu.memref_slice %arg10[%dma_wait3A_1239] : memref<32768xf32, #tpu.memory_space<vmem>> -> memref<1024xf32, #tpu.memory_space<vmem>>
    tpu.wait_dma2 semaphore(%arg15 : memref<!tpu.dma_semaphore, #tpu.memory_space<semaphore_mem>>) src(%dma_wait3A_1240 : memref<1024xf32, #tpu.memory_space<vmem>>) dst(%dma_wait3A_1238 : memref<1024xf32, #tpu.memory_space<hbm>>)
    %dma_wait3A_1241 = arith.constant 7168 : i32
    %dma_wait3A_1242 = tpu.memref_slice %arg10[%dma_wait3A_1241] : memref<32768xf32, #tpu.memory_space<vmem>> -> memref<1024xf32, #tpu.memory_space<vmem>>
    %dma_wait3A_1243 = tpu.memref_slice %arg5[%mul3A_1054] : memref<4194304xf32, #tpu.memory_space<hbm>> -> memref<1024xf32, #tpu.memory_space<hbm>>
    %dma_wait3A_1244 = tpu.memref_slice %arg5[%mul3A_1054] : memref<4194304xf32, #tpu.memory_space<hbm>> -> memref<1024xf32, #tpu.memory_space<hbm>>
    %dma_wait3A_1245 = arith.constant 7168 : i32
    %dma_wait3A_1246 = tpu.memref_slice %arg10[%dma_wait3A_1245] : memref<32768xf32, #tpu.memory_space<vmem>> -> memref<1024xf32, #tpu.memory_space<vmem>>
    tpu.wait_dma2 semaphore(%arg15 : memref<!tpu.dma_semaphore, #tpu.memory_space<semaphore_mem>>) src(%dma_wait3A_1246 : memref<1024xf32, #tpu.memory_space<vmem>>) dst(%dma_wait3A_1244 : memref<1024xf32, #tpu.memory_space<hbm>>)
    %dma_wait3A_1247 = arith.constant 8192 : i32
    %dma_wait3A_1248 = tpu.memref_slice %arg10[%dma_wait3A_1247] : memref<32768xf32, #tpu.memory_space<vmem>> -> memref<1024xf32, #tpu.memory_space<vmem>>
    %dma_wait3A_1249 = tpu.memref_slice %arg5[%mul3A_1060] : memref<4194304xf32, #tpu.memory_space<hbm>> -> memref<1024xf32, #tpu.memory_space<hbm>>
    %dma_wait3A_1250 = tpu.memref_slice %arg5[%mul3A_1060] : memref<4194304xf32, #tpu.memory_space<hbm>> -> memref<1024xf32, #tpu.memory_space<hbm>>
    %dma_wait3A_1251 = arith.constant 8192 : i32
    %dma_wait3A_1252 = tpu.memref_slice %arg10[%dma_wait3A_1251] : memref<32768xf32, #tpu.memory_space<vmem>> -> memref<1024xf32, #tpu.memory_space<vmem>>
    tpu.wait_dma2 semaphore(%arg15 : memref<!tpu.dma_semaphore, #tpu.memory_space<semaphore_mem>>) src(%dma_wait3A_1252 : memref<1024xf32, #tpu.memory_space<vmem>>) dst(%dma_wait3A_1250 : memref<1024xf32, #tpu.memory_space<hbm>>)
    %dma_wait3A_1253 = arith.constant 9216 : i32
    %dma_wait3A_1254 = tpu.memref_slice %arg10[%dma_wait3A_1253] : memref<32768xf32, #tpu.memory_space<vmem>> -> memref<1024xf32, #tpu.memory_space<vmem>>
    %dma_wait3A_1255 = tpu.memref_slice %arg5[%mul3A_1066] : memref<4194304xf32, #tpu.memory_space<hbm>> -> memref<1024xf32, #tpu.memory_space<hbm>>
    %dma_wait3A_1256 = tpu.memref_slice %arg5[%mul3A_1066] : memref<4194304xf32, #tpu.memory_space<hbm>> -> memref<1024xf32, #tpu.memory_space<hbm>>
    %dma_wait3A_1257 = arith.constant 9216 : i32
    %dma_wait3A_1258 = tpu.memref_slice %arg10[%dma_wait3A_1257] : memref<32768xf32, #tpu.memory_space<vmem>> -> memref<1024xf32, #tpu.memory_space<vmem>>
    tpu.wait_dma2 semaphore(%arg15 : memref<!tpu.dma_semaphore, #tpu.memory_space<semaphore_mem>>) src(%dma_wait3A_1258 : memref<1024xf32, #tpu.memory_space<vmem>>) dst(%dma_wait3A_1256 : memref<1024xf32, #tpu.memory_space<hbm>>)
    %dma_wait3A_1259 = arith.constant 10240 : i32
    %dma_wait3A_1260 = tpu.memref_slice %arg10[%dma_wait3A_1259] : memref<32768xf32, #tpu.memory_space<vmem>> -> memref<1024xf32, #tpu.memory_space<vmem>>
    %dma_wait3A_1261 = tpu.memref_slice %arg5[%mul3A_1072] : memref<4194304xf32, #tpu.memory_space<hbm>> -> memref<1024xf32, #tpu.memory_space<hbm>>
    %dma_wait3A_1262 = tpu.memref_slice %arg5[%mul3A_1072] : memref<4194304xf32, #tpu.memory_space<hbm>> -> memref<1024xf32, #tpu.memory_space<hbm>>
    %dma_wait3A_1263 = arith.constant 10240 : i32
    %dma_wait3A_1264 = tpu.memref_slice %arg10[%dma_wait3A_1263] : memref<32768xf32, #tpu.memory_space<vmem>> -> memref<1024xf32, #tpu.memory_space<vmem>>
    tpu.wait_dma2 semaphore(%arg15 : memref<!tpu.dma_semaphore, #tpu.memory_space<semaphore_mem>>) src(%dma_wait3A_1264 : memref<1024xf32, #tpu.memory_space<vmem>>) dst(%dma_wait3A_1262 : memref<1024xf32, #tpu.memory_space<hbm>>)
    %dma_wait3A_1265 = arith.constant 11264 : i32
    %dma_wait3A_1266 = tpu.memref_slice %arg10[%dma_wait3A_1265] : memref<32768xf32, #tpu.memory_space<vmem>> -> memref<1024xf32, #tpu.memory_space<vmem>>
    %dma_wait3A_1267 = tpu.memref_slice %arg5[%mul3A_1078] : memref<4194304xf32, #tpu.memory_space<hbm>> -> memref<1024xf32, #tpu.memory_space<hbm>>
    %dma_wait3A_1268 = tpu.memref_slice %arg5[%mul3A_1078] : memref<4194304xf32, #tpu.memory_space<hbm>> -> memref<1024xf32, #tpu.memory_space<hbm>>
    %dma_wait3A_1269 = arith.constant 11264 : i32
    %dma_wait3A_1270 = tpu.memref_slice %arg10[%dma_wait3A_1269] : memref<32768xf32, #tpu.memory_space<vmem>> -> memref<1024xf32, #tpu.memory_space<vmem>>
    tpu.wait_dma2 semaphore(%arg15 : memref<!tpu.dma_semaphore, #tpu.memory_space<semaphore_mem>>) src(%dma_wait3A_1270 : memref<1024xf32, #tpu.memory_space<vmem>>) dst(%dma_wait3A_1268 : memref<1024xf32, #tpu.memory_space<hbm>>)
    %dma_wait3A_1271 = arith.constant 12288 : i32
    %dma_wait3A_1272 = tpu.memref_slice %arg10[%dma_wait3A_1271] : memref<32768xf32, #tpu.memory_space<vmem>> -> memref<1024xf32, #tpu.memory_space<vmem>>
    %dma_wait3A_1273 = tpu.memref_slice %arg5[%mul3A_1084] : memref<4194304xf32, #tpu.memory_space<hbm>> -> memref<1024xf32, #tpu.memory_space<hbm>>
    %dma_wait3A_1274 = tpu.memref_slice %arg5[%mul3A_1084] : memref<4194304xf32, #tpu.memory_space<hbm>> -> memref<1024xf32, #tpu.memory_space<hbm>>
    %dma_wait3A_1275 = arith.constant 12288 : i32
    %dma_wait3A_1276 = tpu.memref_slice %arg10[%dma_wait3A_1275] : memref<32768xf32, #tpu.memory_space<vmem>> -> memref<1024xf32, #tpu.memory_space<vmem>>
    tpu.wait_dma2 semaphore(%arg15 : memref<!tpu.dma_semaphore, #tpu.memory_space<semaphore_mem>>) src(%dma_wait3A_1276 : memref<1024xf32, #tpu.memory_space<vmem>>) dst(%dma_wait3A_1274 : memref<1024xf32, #tpu.memory_space<hbm>>)
    %dma_wait3A_1277 = arith.constant 13312 : i32
    %dma_wait3A_1278 = tpu.memref_slice %arg10[%dma_wait3A_1277] : memref<32768xf32, #tpu.memory_space<vmem>> -> memref<1024xf32, #tpu.memory_space<vmem>>
    %dma_wait3A_1279 = tpu.memref_slice %arg5[%mul3A_1090] : memref<4194304xf32, #tpu.memory_space<hbm>> -> memref<1024xf32, #tpu.memory_space<hbm>>
    %dma_wait3A_1280 = tpu.memref_slice %arg5[%mul3A_1090] : memref<4194304xf32, #tpu.memory_space<hbm>> -> memref<1024xf32, #tpu.memory_space<hbm>>
    %dma_wait3A_1281 = arith.constant 13312 : i32
    %dma_wait3A_1282 = tpu.memref_slice %arg10[%dma_wait3A_1281] : memref<32768xf32, #tpu.memory_space<vmem>> -> memref<1024xf32, #tpu.memory_space<vmem>>
    tpu.wait_dma2 semaphore(%arg15 : memref<!tpu.dma_semaphore, #tpu.memory_space<semaphore_mem>>) src(%dma_wait3A_1282 : memref<1024xf32, #tpu.memory_space<vmem>>) dst(%dma_wait3A_1280 : memref<1024xf32, #tpu.memory_space<hbm>>)
    %dma_wait3A_1283 = arith.constant 14336 : i32
    %dma_wait3A_1284 = tpu.memref_slice %arg10[%dma_wait3A_1283] : memref<32768xf32, #tpu.memory_space<vmem>> -> memref<1024xf32, #tpu.memory_space<vmem>>
    %dma_wait3A_1285 = tpu.memref_slice %arg5[%mul3A_1096] : memref<4194304xf32, #tpu.memory_space<hbm>> -> memref<1024xf32, #tpu.memory_space<hbm>>
    %dma_wait3A_1286 = tpu.memref_slice %arg5[%mul3A_1096] : memref<4194304xf32, #tpu.memory_space<hbm>> -> memref<1024xf32, #tpu.memory_space<hbm>>
    %dma_wait3A_1287 = arith.constant 14336 : i32
    %dma_wait3A_1288 = tpu.memref_slice %arg10[%dma_wait3A_1287] : memref<32768xf32, #tpu.memory_space<vmem>> -> memref<1024xf32, #tpu.memory_space<vmem>>
    tpu.wait_dma2 semaphore(%arg15 : memref<!tpu.dma_semaphore, #tpu.memory_space<semaphore_mem>>) src(%dma_wait3A_1288 : memref<1024xf32, #tpu.memory_space<vmem>>) dst(%dma_wait3A_1286 : memref<1024xf32, #tpu.memory_space<hbm>>)
    %dma_wait3A_1289 = arith.constant 15360 : i32
    %dma_wait3A_1290 = tpu.memref_slice %arg10[%dma_wait3A_1289] : memref<32768xf32, #tpu.memory_space<vmem>> -> memref<1024xf32, #tpu.memory_space<vmem>>
    %dma_wait3A_1291 = tpu.memref_slice %arg5[%mul3A_1102] : memref<4194304xf32, #tpu.memory_space<hbm>> -> memref<1024xf32, #tpu.memory_space<hbm>>
    %dma_wait3A_1292 = tpu.memref_slice %arg5[%mul3A_1102] : memref<4194304xf32, #tpu.memory_space<hbm>> -> memref<1024xf32, #tpu.memory_space<hbm>>
    %dma_wait3A_1293 = arith.constant 15360 : i32
    %dma_wait3A_1294 = tpu.memref_slice %arg10[%dma_wait3A_1293] : memref<32768xf32, #tpu.memory_space<vmem>> -> memref<1024xf32, #tpu.memory_space<vmem>>
    tpu.wait_dma2 semaphore(%arg15 : memref<!tpu.dma_semaphore, #tpu.memory_space<semaphore_mem>>) src(%dma_wait3A_1294 : memref<1024xf32, #tpu.memory_space<vmem>>) dst(%dma_wait3A_1292 : memref<1024xf32, #tpu.memory_space<hbm>>)
    %dma_wait3A_1295 = arith.constant 16384 : i32
    %dma_wait3A_1296 = tpu.memref_slice %arg10[%dma_wait3A_1295] : memref<32768xf32, #tpu.memory_space<vmem>> -> memref<1024xf32, #tpu.memory_space<vmem>>
    %dma_wait3A_1297 = tpu.memref_slice %arg5[%mul3A_1108] : memref<4194304xf32, #tpu.memory_space<hbm>> -> memref<1024xf32, #tpu.memory_space<hbm>>
    %dma_wait3A_1298 = tpu.memref_slice %arg5[%mul3A_1108] : memref<4194304xf32, #tpu.memory_space<hbm>> -> memref<1024xf32, #tpu.memory_space<hbm>>
    %dma_wait3A_1299 = arith.constant 16384 : i32
    %dma_wait3A_1300 = tpu.memref_slice %arg10[%dma_wait3A_1299] : memref<32768xf32, #tpu.memory_space<vmem>> -> memref<1024xf32, #tpu.memory_space<vmem>>
    tpu.wait_dma2 semaphore(%arg15 : memref<!tpu.dma_semaphore, #tpu.memory_space<semaphore_mem>>) src(%dma_wait3A_1300 : memref<1024xf32, #tpu.memory_space<vmem>>) dst(%dma_wait3A_1298 : memref<1024xf32, #tpu.memory_space<hbm>>)
    %dma_wait3A_1301 = arith.constant 17408 : i32
    %dma_wait3A_1302 = tpu.memref_slice %arg10[%dma_wait3A_1301] : memref<32768xf32, #tpu.memory_space<vmem>> -> memref<1024xf32, #tpu.memory_space<vmem>>
    %dma_wait3A_1303 = tpu.memref_slice %arg5[%mul3A_1114] : memref<4194304xf32, #tpu.memory_space<hbm>> -> memref<1024xf32, #tpu.memory_space<hbm>>
    %dma_wait3A_1304 = tpu.memref_slice %arg5[%mul3A_1114] : memref<4194304xf32, #tpu.memory_space<hbm>> -> memref<1024xf32, #tpu.memory_space<hbm>>
    %dma_wait3A_1305 = arith.constant 17408 : i32
    %dma_wait3A_1306 = tpu.memref_slice %arg10[%dma_wait3A_1305] : memref<32768xf32, #tpu.memory_space<vmem>> -> memref<1024xf32, #tpu.memory_space<vmem>>
    tpu.wait_dma2 semaphore(%arg15 : memref<!tpu.dma_semaphore, #tpu.memory_space<semaphore_mem>>) src(%dma_wait3A_1306 : memref<1024xf32, #tpu.memory_space<vmem>>) dst(%dma_wait3A_1304 : memref<1024xf32, #tpu.memory_space<hbm>>)
    %dma_wait3A_1307 = arith.constant 18432 : i32
    %dma_wait3A_1308 = tpu.memref_slice %arg10[%dma_wait3A_1307] : memref<32768xf32, #tpu.memory_space<vmem>> -> memref<1024xf32, #tpu.memory_space<vmem>>
    %dma_wait3A_1309 = tpu.memref_slice %arg5[%mul3A_1120] : memref<4194304xf32, #tpu.memory_space<hbm>> -> memref<1024xf32, #tpu.memory_space<hbm>>
    %dma_wait3A_1310 = tpu.memref_slice %arg5[%mul3A_1120] : memref<4194304xf32, #tpu.memory_space<hbm>> -> memref<1024xf32, #tpu.memory_space<hbm>>
    %dma_wait3A_1311 = arith.constant 18432 : i32
    %dma_wait3A_1312 = tpu.memref_slice %arg10[%dma_wait3A_1311] : memref<32768xf32, #tpu.memory_space<vmem>> -> memref<1024xf32, #tpu.memory_space<vmem>>
    tpu.wait_dma2 semaphore(%arg15 : memref<!tpu.dma_semaphore, #tpu.memory_space<semaphore_mem>>) src(%dma_wait3A_1312 : memref<1024xf32, #tpu.memory_space<vmem>>) dst(%dma_wait3A_1310 : memref<1024xf32, #tpu.memory_space<hbm>>)
    %dma_wait3A_1313 = arith.constant 19456 : i32
    %dma_wait3A_1314 = tpu.memref_slice %arg10[%dma_wait3A_1313] : memref<32768xf32, #tpu.memory_space<vmem>> -> memref<1024xf32, #tpu.memory_space<vmem>>
    %dma_wait3A_1315 = tpu.memref_slice %arg5[%mul3A_1126] : memref<4194304xf32, #tpu.memory_space<hbm>> -> memref<1024xf32, #tpu.memory_space<hbm>>
    %dma_wait3A_1316 = tpu.memref_slice %arg5[%mul3A_1126] : memref<4194304xf32, #tpu.memory_space<hbm>> -> memref<1024xf32, #tpu.memory_space<hbm>>
    %dma_wait3A_1317 = arith.constant 19456 : i32
    %dma_wait3A_1318 = tpu.memref_slice %arg10[%dma_wait3A_1317] : memref<32768xf32, #tpu.memory_space<vmem>> -> memref<1024xf32, #tpu.memory_space<vmem>>
    tpu.wait_dma2 semaphore(%arg15 : memref<!tpu.dma_semaphore, #tpu.memory_space<semaphore_mem>>) src(%dma_wait3A_1318 : memref<1024xf32, #tpu.memory_space<vmem>>) dst(%dma_wait3A_1316 : memref<1024xf32, #tpu.memory_space<hbm>>)
    %dma_wait3A_1319 = arith.constant 20480 : i32
    %dma_wait3A_1320 = tpu.memref_slice %arg10[%dma_wait3A_1319] : memref<32768xf32, #tpu.memory_space<vmem>> -> memref<1024xf32, #tpu.memory_space<vmem>>
    %dma_wait3A_1321 = tpu.memref_slice %arg5[%mul3A_1132] : memref<4194304xf32, #tpu.memory_space<hbm>> -> memref<1024xf32, #tpu.memory_space<hbm>>
    %dma_wait3A_1322 = tpu.memref_slice %arg5[%mul3A_1132] : memref<4194304xf32, #tpu.memory_space<hbm>> -> memref<1024xf32, #tpu.memory_space<hbm>>
    %dma_wait3A_1323 = arith.constant 20480 : i32
    %dma_wait3A_1324 = tpu.memref_slice %arg10[%dma_wait3A_1323] : memref<32768xf32, #tpu.memory_space<vmem>> -> memref<1024xf32, #tpu.memory_space<vmem>>
    tpu.wait_dma2 semaphore(%arg15 : memref<!tpu.dma_semaphore, #tpu.memory_space<semaphore_mem>>) src(%dma_wait3A_1324 : memref<1024xf32, #tpu.memory_space<vmem>>) dst(%dma_wait3A_1322 : memref<1024xf32, #tpu.memory_space<hbm>>)
    %dma_wait3A_1325 = arith.constant 21504 : i32
    %dma_wait3A_1326 = tpu.memref_slice %arg10[%dma_wait3A_1325] : memref<32768xf32, #tpu.memory_space<vmem>> -> memref<1024xf32, #tpu.memory_space<vmem>>
    %dma_wait3A_1327 = tpu.memref_slice %arg5[%mul3A_1138] : memref<4194304xf32, #tpu.memory_space<hbm>> -> memref<1024xf32, #tpu.memory_space<hbm>>
    %dma_wait3A_1328 = tpu.memref_slice %arg5[%mul3A_1138] : memref<4194304xf32, #tpu.memory_space<hbm>> -> memref<1024xf32, #tpu.memory_space<hbm>>
    %dma_wait3A_1329 = arith.constant 21504 : i32
    %dma_wait3A_1330 = tpu.memref_slice %arg10[%dma_wait3A_1329] : memref<32768xf32, #tpu.memory_space<vmem>> -> memref<1024xf32, #tpu.memory_space<vmem>>
    tpu.wait_dma2 semaphore(%arg15 : memref<!tpu.dma_semaphore, #tpu.memory_space<semaphore_mem>>) src(%dma_wait3A_1330 : memref<1024xf32, #tpu.memory_space<vmem>>) dst(%dma_wait3A_1328 : memref<1024xf32, #tpu.memory_space<hbm>>)
    %dma_wait3A_1331 = arith.constant 22528 : i32
    %dma_wait3A_1332 = tpu.memref_slice %arg10[%dma_wait3A_1331] : memref<32768xf32, #tpu.memory_space<vmem>> -> memref<1024xf32, #tpu.memory_space<vmem>>
    %dma_wait3A_1333 = tpu.memref_slice %arg5[%mul3A_1144] : memref<4194304xf32, #tpu.memory_space<hbm>> -> memref<1024xf32, #tpu.memory_space<hbm>>
    %dma_wait3A_1334 = tpu.memref_slice %arg5[%mul3A_1144] : memref<4194304xf32, #tpu.memory_space<hbm>> -> memref<1024xf32, #tpu.memory_space<hbm>>
    %dma_wait3A_1335 = arith.constant 22528 : i32
    %dma_wait3A_1336 = tpu.memref_slice %arg10[%dma_wait3A_1335] : memref<32768xf32, #tpu.memory_space<vmem>> -> memref<1024xf32, #tpu.memory_space<vmem>>
    tpu.wait_dma2 semaphore(%arg15 : memref<!tpu.dma_semaphore, #tpu.memory_space<semaphore_mem>>) src(%dma_wait3A_1336 : memref<1024xf32, #tpu.memory_space<vmem>>) dst(%dma_wait3A_1334 : memref<1024xf32, #tpu.memory_space<hbm>>)
    %dma_wait3A_1337 = arith.constant 23552 : i32
    %dma_wait3A_1338 = tpu.memref_slice %arg10[%dma_wait3A_1337] : memref<32768xf32, #tpu.memory_space<vmem>> -> memref<1024xf32, #tpu.memory_space<vmem>>
    %dma_wait3A_1339 = tpu.memref_slice %arg5[%mul3A_1150] : memref<4194304xf32, #tpu.memory_space<hbm>> -> memref<1024xf32, #tpu.memory_space<hbm>>
    %dma_wait3A_1340 = tpu.memref_slice %arg5[%mul3A_1150] : memref<4194304xf32, #tpu.memory_space<hbm>> -> memref<1024xf32, #tpu.memory_space<hbm>>
    %dma_wait3A_1341 = arith.constant 23552 : i32
    %dma_wait3A_1342 = tpu.memref_slice %arg10[%dma_wait3A_1341] : memref<32768xf32, #tpu.memory_space<vmem>> -> memref<1024xf32, #tpu.memory_space<vmem>>
    tpu.wait_dma2 semaphore(%arg15 : memref<!tpu.dma_semaphore, #tpu.memory_space<semaphore_mem>>) src(%dma_wait3A_1342 : memref<1024xf32, #tpu.memory_space<vmem>>) dst(%dma_wait3A_1340 : memref<1024xf32, #tpu.memory_space<hbm>>)
    %dma_wait3A_1343 = arith.constant 24576 : i32
    %dma_wait3A_1344 = tpu.memref_slice %arg10[%dma_wait3A_1343] : memref<32768xf32, #tpu.memory_space<vmem>> -> memref<1024xf32, #tpu.memory_space<vmem>>
    %dma_wait3A_1345 = tpu.memref_slice %arg5[%mul3A_1156] : memref<4194304xf32, #tpu.memory_space<hbm>> -> memref<1024xf32, #tpu.memory_space<hbm>>
    %dma_wait3A_1346 = tpu.memref_slice %arg5[%mul3A_1156] : memref<4194304xf32, #tpu.memory_space<hbm>> -> memref<1024xf32, #tpu.memory_space<hbm>>
    %dma_wait3A_1347 = arith.constant 24576 : i32
    %dma_wait3A_1348 = tpu.memref_slice %arg10[%dma_wait3A_1347] : memref<32768xf32, #tpu.memory_space<vmem>> -> memref<1024xf32, #tpu.memory_space<vmem>>
    tpu.wait_dma2 semaphore(%arg15 : memref<!tpu.dma_semaphore, #tpu.memory_space<semaphore_mem>>) src(%dma_wait3A_1348 : memref<1024xf32, #tpu.memory_space<vmem>>) dst(%dma_wait3A_1346 : memref<1024xf32, #tpu.memory_space<hbm>>)
    %dma_wait3A_1349 = arith.constant 25600 : i32
    %dma_wait3A_1350 = tpu.memref_slice %arg10[%dma_wait3A_1349] : memref<32768xf32, #tpu.memory_space<vmem>> -> memref<1024xf32, #tpu.memory_space<vmem>>
    %dma_wait3A_1351 = tpu.memref_slice %arg5[%mul3A_1162] : memref<4194304xf32, #tpu.memory_space<hbm>> -> memref<1024xf32, #tpu.memory_space<hbm>>
    %dma_wait3A_1352 = tpu.memref_slice %arg5[%mul3A_1162] : memref<4194304xf32, #tpu.memory_space<hbm>> -> memref<1024xf32, #tpu.memory_space<hbm>>
    %dma_wait3A_1353 = arith.constant 25600 : i32
    %dma_wait3A_1354 = tpu.memref_slice %arg10[%dma_wait3A_1353] : memref<32768xf32, #tpu.memory_space<vmem>> -> memref<1024xf32, #tpu.memory_space<vmem>>
    tpu.wait_dma2 semaphore(%arg15 : memref<!tpu.dma_semaphore, #tpu.memory_space<semaphore_mem>>) src(%dma_wait3A_1354 : memref<1024xf32, #tpu.memory_space<vmem>>) dst(%dma_wait3A_1352 : memref<1024xf32, #tpu.memory_space<hbm>>)
    %dma_wait3A_1355 = arith.constant 26624 : i32
    %dma_wait3A_1356 = tpu.memref_slice %arg10[%dma_wait3A_1355] : memref<32768xf32, #tpu.memory_space<vmem>> -> memref<1024xf32, #tpu.memory_space<vmem>>
    %dma_wait3A_1357 = tpu.memref_slice %arg5[%mul3A_1168] : memref<4194304xf32, #tpu.memory_space<hbm>> -> memref<1024xf32, #tpu.memory_space<hbm>>
    %dma_wait3A_1358 = tpu.memref_slice %arg5[%mul3A_1168] : memref<4194304xf32, #tpu.memory_space<hbm>> -> memref<1024xf32, #tpu.memory_space<hbm>>
    %dma_wait3A_1359 = arith.constant 26624 : i32
    %dma_wait3A_1360 = tpu.memref_slice %arg10[%dma_wait3A_1359] : memref<32768xf32, #tpu.memory_space<vmem>> -> memref<1024xf32, #tpu.memory_space<vmem>>
    tpu.wait_dma2 semaphore(%arg15 : memref<!tpu.dma_semaphore, #tpu.memory_space<semaphore_mem>>) src(%dma_wait3A_1360 : memref<1024xf32, #tpu.memory_space<vmem>>) dst(%dma_wait3A_1358 : memref<1024xf32, #tpu.memory_space<hbm>>)
    %dma_wait3A_1361 = arith.constant 27648 : i32
    %dma_wait3A_1362 = tpu.memref_slice %arg10[%dma_wait3A_1361] : memref<32768xf32, #tpu.memory_space<vmem>> -> memref<1024xf32, #tpu.memory_space<vmem>>
    %dma_wait3A_1363 = tpu.memref_slice %arg5[%mul3A_1174] : memref<4194304xf32, #tpu.memory_space<hbm>> -> memref<1024xf32, #tpu.memory_space<hbm>>
    %dma_wait3A_1364 = tpu.memref_slice %arg5[%mul3A_1174] : memref<4194304xf32, #tpu.memory_space<hbm>> -> memref<1024xf32, #tpu.memory_space<hbm>>
    %dma_wait3A_1365 = arith.constant 27648 : i32
    %dma_wait3A_1366 = tpu.memref_slice %arg10[%dma_wait3A_1365] : memref<32768xf32, #tpu.memory_space<vmem>> -> memref<1024xf32, #tpu.memory_space<vmem>>
    tpu.wait_dma2 semaphore(%arg15 : memref<!tpu.dma_semaphore, #tpu.memory_space<semaphore_mem>>) src(%dma_wait3A_1366 : memref<1024xf32, #tpu.memory_space<vmem>>) dst(%dma_wait3A_1364 : memref<1024xf32, #tpu.memory_space<hbm>>)
    %dma_wait3A_1367 = arith.constant 28672 : i32
    %dma_wait3A_1368 = tpu.memref_slice %arg10[%dma_wait3A_1367] : memref<32768xf32, #tpu.memory_space<vmem>> -> memref<1024xf32, #tpu.memory_space<vmem>>
    %dma_wait3A_1369 = tpu.memref_slice %arg5[%mul3A_1180] : memref<4194304xf32, #tpu.memory_space<hbm>> -> memref<1024xf32, #tpu.memory_space<hbm>>
    %dma_wait3A_1370 = tpu.memref_slice %arg5[%mul3A_1180] : memref<4194304xf32, #tpu.memory_space<hbm>> -> memref<1024xf32, #tpu.memory_space<hbm>>
    %dma_wait3A_1371 = arith.constant 28672 : i32
    %dma_wait3A_1372 = tpu.memref_slice %arg10[%dma_wait3A_1371] : memref<32768xf32, #tpu.memory_space<vmem>> -> memref<1024xf32, #tpu.memory_space<vmem>>
    tpu.wait_dma2 semaphore(%arg15 : memref<!tpu.dma_semaphore, #tpu.memory_space<semaphore_mem>>) src(%dma_wait3A_1372 : memref<1024xf32, #tpu.memory_space<vmem>>) dst(%dma_wait3A_1370 : memref<1024xf32, #tpu.memory_space<hbm>>)
    %dma_wait3A_1373 = arith.constant 29696 : i32
    %dma_wait3A_1374 = tpu.memref_slice %arg10[%dma_wait3A_1373] : memref<32768xf32, #tpu.memory_space<vmem>> -> memref<1024xf32, #tpu.memory_space<vmem>>
    %dma_wait3A_1375 = tpu.memref_slice %arg5[%mul3A_1186] : memref<4194304xf32, #tpu.memory_space<hbm>> -> memref<1024xf32, #tpu.memory_space<hbm>>
    %dma_wait3A_1376 = tpu.memref_slice %arg5[%mul3A_1186] : memref<4194304xf32, #tpu.memory_space<hbm>> -> memref<1024xf32, #tpu.memory_space<hbm>>
    %dma_wait3A_1377 = arith.constant 29696 : i32
    %dma_wait3A_1378 = tpu.memref_slice %arg10[%dma_wait3A_1377] : memref<32768xf32, #tpu.memory_space<vmem>> -> memref<1024xf32, #tpu.memory_space<vmem>>
    tpu.wait_dma2 semaphore(%arg15 : memref<!tpu.dma_semaphore, #tpu.memory_space<semaphore_mem>>) src(%dma_wait3A_1378 : memref<1024xf32, #tpu.memory_space<vmem>>) dst(%dma_wait3A_1376 : memref<1024xf32, #tpu.memory_space<hbm>>)
    %dma_wait3A_1379 = arith.constant 30720 : i32
    %dma_wait3A_1380 = tpu.memref_slice %arg10[%dma_wait3A_1379] : memref<32768xf32, #tpu.memory_space<vmem>> -> memref<1024xf32, #tpu.memory_space<vmem>>
    %dma_wait3A_1381 = tpu.memref_slice %arg5[%mul3A_1192] : memref<4194304xf32, #tpu.memory_space<hbm>> -> memref<1024xf32, #tpu.memory_space<hbm>>
    %dma_wait3A_1382 = tpu.memref_slice %arg5[%mul3A_1192] : memref<4194304xf32, #tpu.memory_space<hbm>> -> memref<1024xf32, #tpu.memory_space<hbm>>
    %dma_wait3A_1383 = arith.constant 30720 : i32
    %dma_wait3A_1384 = tpu.memref_slice %arg10[%dma_wait3A_1383] : memref<32768xf32, #tpu.memory_space<vmem>> -> memref<1024xf32, #tpu.memory_space<vmem>>
    tpu.wait_dma2 semaphore(%arg15 : memref<!tpu.dma_semaphore, #tpu.memory_space<semaphore_mem>>) src(%dma_wait3A_1384 : memref<1024xf32, #tpu.memory_space<vmem>>) dst(%dma_wait3A_1382 : memref<1024xf32, #tpu.memory_space<hbm>>)
    %dma_wait3A_1385 = arith.constant 31744 : i32
    %dma_wait3A_1386 = tpu.memref_slice %arg10[%dma_wait3A_1385] : memref<32768xf32, #tpu.memory_space<vmem>> -> memref<1024xf32, #tpu.memory_space<vmem>>
    %dma_wait3A_1387 = tpu.memref_slice %arg5[%mul3A_1198] : memref<4194304xf32, #tpu.memory_space<hbm>> -> memref<1024xf32, #tpu.memory_space<hbm>>
    %dma_wait3A_1388 = tpu.memref_slice %arg5[%mul3A_1198] : memref<4194304xf32, #tpu.memory_space<hbm>> -> memref<1024xf32, #tpu.memory_space<hbm>>
    %dma_wait3A_1389 = arith.constant 31744 : i32
    %dma_wait3A_1390 = tpu.memref_slice %arg10[%dma_wait3A_1389] : memref<32768xf32, #tpu.memory_space<vmem>> -> memref<1024xf32, #tpu.memory_space<vmem>>
    tpu.wait_dma2 semaphore(%arg15 : memref<!tpu.dma_semaphore, #tpu.memory_space<semaphore_mem>>) src(%dma_wait3A_1390 : memref<1024xf32, #tpu.memory_space<vmem>>) dst(%dma_wait3A_1388 : memref<1024xf32, #tpu.memory_space<hbm>>)
    %scan3A_1391 = arith.constant 0 : i32
    %scan3A_1392 = arith.constant 0 : i32
    %scan3A_1393 = arith.constant 256 : i32
    %scan3A_1394 = arith.addi %scan3A_1392, %scan3A_1393 : i32
    %scan3A_1395 = arith.constant 1 : i32
    scf.for %scan3A_3370 = %scan3A_1392 to %scan3A_1394 step %scan3A_1395  : i32 {
      %mul3A_3371 = arith.constant 2 : i32
      %mul3A_3372 = arith.muli %scan3A_3370, %mul3A_3371 : i32
      %add3A_3373 = arith.constant 0 : i32
      %add3A_3374 = arith.addi %mul3A_3372, %add3A_3373 : i32
      %shift_right_arithmetic3A_3375 = arith.constant 7 : i32
      %shift_right_arithmetic3A_3376 = arith.shrsi %add3A_3374, %shift_right_arithmetic3A_3375 : i32
      %add3A_3377 = arith.constant 0 : i32
      %add3A_3378 = arith.addi %add3A_3377, %shift_right_arithmetic3A_3376 : i32
      %mul3A_3379 = arith.constant 4096 : i32
      %mul3A_3380 = arith.muli %add3A_3378, %mul3A_3379 : i32
      %and3A_3381 = arith.constant 127 : i32
      %and3A_3382 = arith.andi %add3A_3374, %and3A_3381 : i32
      %add3A_3383 = arith.addi %mul3A_3380, %and3A_3382 : i32
      %add3A_3384 = vector.broadcast %add3A_3383 : i32 to vector<16xi32>
      %add3A_3385 = arith.addi %add3A_136, %add3A_3384 : vector<16xi32>
      %get3A_3386 = arith.index_cast %add3A_3374 : i32 to index
      %get3A_3387 = arith.constant 0 : index
      %get3A_3388 = tpu.vector_load %arg8[%get3A_3386, %get3A_3387] {strides = array<i32>} : memref<512x32xf32, #tpu.memory_space<vmem>>, vector<16xf32>,
      tpu.vector_store_idx %arg10[%add3A_3385], %get3A_3388 : memref<32768xf32, #tpu.memory_space<vmem>>[vector<16xi32>], vector<16xf32>,
      %add3A_3389 = vector.broadcast %add3A_3383 : i32 to vector<16xi32>
      %add3A_3390 = arith.addi %add3A_139, %add3A_3389 : vector<16xi32>
      %get3A_3391 = arith.index_cast %add3A_3374 : i32 to index
      %get3A_3392 = arith.constant 16 : index
      %get3A_3393 = tpu.vector_load %arg8[%get3A_3391, %get3A_3392] {strides = array<i32>} : memref<512x32xf32, #tpu.memory_space<vmem>>, vector<16xf32>,
      tpu.vector_store_idx %arg10[%add3A_3390], %get3A_3393 : memref<32768xf32, #tpu.memory_space<vmem>>[vector<16xi32>], vector<16xf32>,
      %mul3A_3394 = arith.constant 2 : i32
      %mul3A_3395 = arith.muli %scan3A_3370, %mul3A_3394 : i32
      %add3A_3396 = arith.constant 1 : i32
      %add3A_3397 = arith.addi %mul3A_3395, %add3A_3396 : i32
      %shift_right_arithmetic3A_3398 = arith.constant 7 : i32
      %shift_right_arithmetic3A_3399 = arith.shrsi %add3A_3397, %shift_right_arithmetic3A_3398 : i32
      %add3A_3400 = arith.constant 0 : i32
      %add3A_3401 = arith.addi %add3A_3400, %shift_right_arithmetic3A_3399 : i32
      %mul3A_3402 = arith.constant 4096 : i32
      %mul3A_3403 = arith.muli %add3A_3401, %mul3A_3402 : i32
      %and3A_3404 = arith.constant 127 : i32
      %and3A_3405 = arith.andi %add3A_3397, %and3A_3404 : i32
      %add3A_3406 = arith.addi %mul3A_3403, %and3A_3405 : i32
      %add3A_3407 = vector.broadcast %add3A_3406 : i32 to vector<16xi32>
      %add3A_3408 = arith.addi %add3A_136, %add3A_3407 : vector<16xi32>
      %get3A_3409 = arith.index_cast %add3A_3397 : i32 to index
      %get3A_3410 = arith.constant 0 : index
      %get3A_3411 = tpu.vector_load %arg8[%get3A_3409, %get3A_3410] {strides = array<i32>} : memref<512x32xf32, #tpu.memory_space<vmem>>, vector<16xf32>,
      tpu.vector_store_idx %arg10[%add3A_3408], %get3A_3411 : memref<32768xf32, #tpu.memory_space<vmem>>[vector<16xi32>], vector<16xf32>,
      %add3A_3412 = vector.broadcast %add3A_3406 : i32 to vector<16xi32>
      %add3A_3413 = arith.addi %add3A_139, %add3A_3412 : vector<16xi32>
      %get3A_3414 = arith.index_cast %add3A_3397 : i32 to index
      %get3A_3415 = arith.constant 16 : index
      %get3A_3416 = tpu.vector_load %arg8[%get3A_3414, %get3A_3415] {strides = array<i32>} : memref<512x32xf32, #tpu.memory_space<vmem>>, vector<16xf32>,
      tpu.vector_store_idx %arg10[%add3A_3413], %get3A_3416 : memref<32768xf32, #tpu.memory_space<vmem>>[vector<16xi32>], vector<16xf32>,
    }
    %scan3A_1396 = arith.constant 256 : i32
    %dma_start3A_1397 = arith.constant 6 : i32
    %dma_start3A_1398 = arith.constant 0 : i32
    %dma_start3A_1399 = tpu.memref_slice %arg7[%dma_start3A_1397, %dma_start3A_1398] : memref<8x512xi32, #tpu.memory_space<vmem>> -> memref<1x512xi32, #tpu.memory_space<vmem>>
    %dma_start3A_1400 = tpu.memref_squeeze %dma_start3A_1399 : memref<1x512xi32, #tpu.memory_space<vmem>> -> memref<512xi32, #tpu.memory_space<vmem>>
    %dma_start3A_1401 = arith.constant 0 : i32
    %dma_start3A_1402 = arith.constant 0 : i32
    %dma_start3A_1403 = tpu.memref_slice %arg4[%dma_start3A_1401, %dma_start3A_1402] : memref<800000x32xf32, #tpu.memory_space<hbm>> -> memref<800000x32xf32, #tpu.memory_space<hbm>>
    tpu.enqueue_indirect_dma source(%dma_start3A_1403 : memref<800000x32xf32, #tpu.memory_space<hbm>>) target(%arg8 : memref<512x32xf32, #tpu.memory_space<vmem>>) offsets(%dma_start3A_1400 : memref<512xi32, #tpu.memory_space<vmem>>) semaphore(%arg13 : memref<!tpu.dma_semaphore, #tpu.memory_space<semaphore_mem>>)
    %dma_wait3A_1404 = arith.constant 5 : i32
    %dma_wait3A_1405 = arith.constant 0 : i32
    %dma_wait3A_1406 = tpu.memref_slice %arg7[%dma_wait3A_1404, %dma_wait3A_1405] : memref<8x512xi32, #tpu.memory_space<vmem>> -> memref<1x512xi32, #tpu.memory_space<vmem>>
    %dma_wait3A_1407 = tpu.memref_squeeze %dma_wait3A_1406 : memref<1x512xi32, #tpu.memory_space<vmem>> -> memref<512xi32, #tpu.memory_space<vmem>>
    %dma_wait3A_1408 = arith.constant 0 : i32
    %dma_wait3A_1409 = arith.constant 0 : i32
    %dma_wait3A_1410 = tpu.memref_slice %arg4[%dma_wait3A_1408, %dma_wait3A_1409] : memref<800000x32xf32, #tpu.memory_space<hbm>> -> memref<800000x32xf32, #tpu.memory_space<hbm>>
    tpu.wait_indirect_dma semaphore(%arg14 : memref<!tpu.dma_semaphore, #tpu.memory_space<semaphore_mem>>) src(%dma_wait3A_1410 : memref<800000x32xf32, #tpu.memory_space<hbm>>) dst(%arg9 : memref<512x32xf32, #tpu.memory_space<vmem>>)
    %scan3A_1411 = arith.constant 0 : i32
    %scan3A_1412 = arith.constant 0 : i32
    %scan3A_1413 = arith.constant 256 : i32
    %scan3A_1414 = arith.addi %scan3A_1412, %scan3A_1413 : i32
    %scan3A_1415 = arith.constant 1 : i32
    scf.for %scan3A_3370 = %scan3A_1412 to %scan3A_1414 step %scan3A_1415  : i32 {
      %mul3A_3371 = arith.constant 2 : i32
      %mul3A_3372 = arith.muli %scan3A_3370, %mul3A_3371 : i32
      %add3A_3373 = arith.constant 0 : i32
      %add3A_3374 = arith.addi %mul3A_3372, %add3A_3373 : i32
      %shift_right_arithmetic3A_3375 = arith.constant 7 : i32
      %shift_right_arithmetic3A_3376 = arith.shrsi %add3A_3374, %shift_right_arithmetic3A_3375 : i32
      %add3A_3377 = arith.constant 4 : i32
      %add3A_3378 = arith.addi %add3A_3377, %shift_right_arithmetic3A_3376 : i32
      %mul3A_3379 = arith.constant 4096 : i32
      %mul3A_3380 = arith.muli %add3A_3378, %mul3A_3379 : i32
      %and3A_3381 = arith.constant 127 : i32
      %and3A_3382 = arith.andi %add3A_3374, %and3A_3381 : i32
      %add3A_3383 = arith.addi %mul3A_3380, %and3A_3382 : i32
      %add3A_3384 = vector.broadcast %add3A_3383 : i32 to vector<16xi32>
      %add3A_3385 = arith.addi %add3A_136, %add3A_3384 : vector<16xi32>
      %get3A_3386 = arith.index_cast %add3A_3374 : i32 to index
      %get3A_3387 = arith.constant 0 : index
      %get3A_3388 = tpu.vector_load %arg9[%get3A_3386, %get3A_3387] {strides = array<i32>} : memref<512x32xf32, #tpu.memory_space<vmem>>, vector<16xf32>,
      tpu.vector_store_idx %arg10[%add3A_3385], %get3A_3388 : memref<32768xf32, #tpu.memory_space<vmem>>[vector<16xi32>], vector<16xf32>,
      %add3A_3389 = vector.broadcast %add3A_3383 : i32 to vector<16xi32>
      %add3A_3390 = arith.addi %add3A_139, %add3A_3389 : vector<16xi32>
      %get3A_3391 = arith.index_cast %add3A_3374 : i32 to index
      %get3A_3392 = arith.constant 16 : index
      %get3A_3393 = tpu.vector_load %arg9[%get3A_3391, %get3A_3392] {strides = array<i32>} : memref<512x32xf32, #tpu.memory_space<vmem>>, vector<16xf32>,
      tpu.vector_store_idx %arg10[%add3A_3390], %get3A_3393 : memref<32768xf32, #tpu.memory_space<vmem>>[vector<16xi32>], vector<16xf32>,
      %mul3A_3394 = arith.constant 2 : i32
      %mul3A_3395 = arith.muli %scan3A_3370, %mul3A_3394 : i32
      %add3A_3396 = arith.constant 1 : i32
      %add3A_3397 = arith.addi %mul3A_3395, %add3A_3396 : i32
      %shift_right_arithmetic3A_3398 = arith.constant 7 : i32
      %shift_right_arithmetic3A_3399 = arith.shrsi %add3A_3397, %shift_right_arithmetic3A_3398 : i32
      %add3A_3400 = arith.constant 4 : i32
      %add3A_3401 = arith.addi %add3A_3400, %shift_right_arithmetic3A_3399 : i32
      %mul3A_3402 = arith.constant 4096 : i32
      %mul3A_3403 = arith.muli %add3A_3401, %mul3A_3402 : i32
      %and3A_3404 = arith.constant 127 : i32
      %and3A_3405 = arith.andi %add3A_3397, %and3A_3404 : i32
      %add3A_3406 = arith.addi %mul3A_3403, %and3A_3405 : i32
      %add3A_3407 = vector.broadcast %add3A_3406 : i32 to vector<16xi32>
      %add3A_3408 = arith.addi %add3A_136, %add3A_3407 : vector<16xi32>
      %get3A_3409 = arith.index_cast %add3A_3397 : i32 to index
      %get3A_3410 = arith.constant 0 : index
      %get3A_3411 = tpu.vector_load %arg9[%get3A_3409, %get3A_3410] {strides = array<i32>} : memref<512x32xf32, #tpu.memory_space<vmem>>, vector<16xf32>,
      tpu.vector_store_idx %arg10[%add3A_3408], %get3A_3411 : memref<32768xf32, #tpu.memory_space<vmem>>[vector<16xi32>], vector<16xf32>,
      %add3A_3412 = vector.broadcast %add3A_3406 : i32 to vector<16xi32>
      %add3A_3413 = arith.addi %add3A_139, %add3A_3412 : vector<16xi32>
      %get3A_3414 = arith.index_cast %add3A_3397 : i32 to index
      %get3A_3415 = arith.constant 16 : index
      %get3A_3416 = tpu.vector_load %arg9[%get3A_3414, %get3A_3415] {strides = array<i32>} : memref<512x32xf32, #tpu.memory_space<vmem>>, vector<16xf32>,
      tpu.vector_store_idx %arg10[%add3A_3413], %get3A_3416 : memref<32768xf32, #tpu.memory_space<vmem>>[vector<16xi32>], vector<16xf32>,
    }
    %scan3A_1416 = arith.constant 256 : i32
    %add3A_1417 = arith.constant 0 : i32
    %add3A_1418 = arith.addi %add3A_1417, %mul3A_2 : i32
    %add3A_1419 = arith.constant 2 : i32
    %add3A_1420 = arith.addi %add3A_1418, %add3A_1419 : i32
    %mul3A_1421 = arith.constant 1024 : i32
    %mul3A_1422 = arith.muli %add3A_1420, %mul3A_1421 : i32
    %add3A_1423 = arith.constant 128 : i32
    %add3A_1424 = arith.addi %add3A_1423, %mul3A_2 : i32
    %add3A_1425 = arith.constant 2 : i32
    %add3A_1426 = arith.addi %add3A_1424, %add3A_1425 : i32
    %mul3A_1427 = arith.constant 1024 : i32
    %mul3A_1428 = arith.muli %add3A_1426, %mul3A_1427 : i32
    %add3A_1429 = arith.constant 256 : i32
    %add3A_1430 = arith.addi %add3A_1429, %mul3A_2 : i32
    %add3A_1431 = arith.constant 2 : i32
    %add3A_1432 = arith.addi %add3A_1430, %add3A_1431 : i32
    %mul3A_1433 = arith.constant 1024 : i32
    %mul3A_1434 = arith.muli %add3A_1432, %mul3A_1433 : i32
    %add3A_1435 = arith.constant 384 : i32
    %add3A_1436 = arith.addi %add3A_1435, %mul3A_2 : i32
    %add3A_1437 = arith.constant 2 : i32
    %add3A_1438 = arith.addi %add3A_1436, %add3A_1437 : i32
    %mul3A_1439 = arith.constant 1024 : i32
    %mul3A_1440 = arith.muli %add3A_1438, %mul3A_1439 : i32
    %add3A_1441 = arith.constant 512 : i32
    %add3A_1442 = arith.addi %add3A_1441, %mul3A_2 : i32
    %add3A_1443 = arith.constant 2 : i32
    %add3A_1444 = arith.addi %add3A_1442, %add3A_1443 : i32
    %mul3A_1445 = arith.constant 1024 : i32
    %mul3A_1446 = arith.muli %add3A_1444, %mul3A_1445 : i32
    %add3A_1447 = arith.constant 640 : i32
    %add3A_1448 = arith.addi %add3A_1447, %mul3A_2 : i32
    %add3A_1449 = arith.constant 2 : i32
    %add3A_1450 = arith.addi %add3A_1448, %add3A_1449 : i32
    %mul3A_1451 = arith.constant 1024 : i32
    %mul3A_1452 = arith.muli %add3A_1450, %mul3A_1451 : i32
    %add3A_1453 = arith.constant 768 : i32
    %add3A_1454 = arith.addi %add3A_1453, %mul3A_2 : i32
    %add3A_1455 = arith.constant 2 : i32
    %add3A_1456 = arith.addi %add3A_1454, %add3A_1455 : i32
    %mul3A_1457 = arith.constant 1024 : i32
    %mul3A_1458 = arith.muli %add3A_1456, %mul3A_1457 : i32
    %add3A_1459 = arith.constant 896 : i32
    %add3A_1460 = arith.addi %add3A_1459, %mul3A_2 : i32
    %add3A_1461 = arith.constant 2 : i32
    %add3A_1462 = arith.addi %add3A_1460, %add3A_1461 : i32
    %mul3A_1463 = arith.constant 1024 : i32
    %mul3A_1464 = arith.muli %add3A_1462, %mul3A_1463 : i32
    %add3A_1465 = arith.constant 1024 : i32
    %add3A_1466 = arith.addi %add3A_1465, %mul3A_2 : i32
    %add3A_1467 = arith.constant 2 : i32
    %add3A_1468 = arith.addi %add3A_1466, %add3A_1467 : i32
    %mul3A_1469 = arith.constant 1024 : i32
    %mul3A_1470 = arith.muli %add3A_1468, %mul3A_1469 : i32
    %add3A_1471 = arith.constant 1152 : i32
    %add3A_1472 = arith.addi %add3A_1471, %mul3A_2 : i32
    %add3A_1473 = arith.constant 2 : i32
    %add3A_1474 = arith.addi %add3A_1472, %add3A_1473 : i32
    %mul3A_1475 = arith.constant 1024 : i32
    %mul3A_1476 = arith.muli %add3A_1474, %mul3A_1475 : i32
    %add3A_1477 = arith.constant 1280 : i32
    %add3A_1478 = arith.addi %add3A_1477, %mul3A_2 : i32
    %add3A_1479 = arith.constant 2 : i32
    %add3A_1480 = arith.addi %add3A_1478, %add3A_1479 : i32
    %mul3A_1481 = arith.constant 1024 : i32
    %mul3A_1482 = arith.muli %add3A_1480, %mul3A_1481 : i32
    %add3A_1483 = arith.constant 1408 : i32
    %add3A_1484 = arith.addi %add3A_1483, %mul3A_2 : i32
    %add3A_1485 = arith.constant 2 : i32
    %add3A_1486 = arith.addi %add3A_1484, %add3A_1485 : i32
    %mul3A_1487 = arith.constant 1024 : i32
    %mul3A_1488 = arith.muli %add3A_1486, %mul3A_1487 : i32
    %add3A_1489 = arith.constant 1536 : i32
    %add3A_1490 = arith.addi %add3A_1489, %mul3A_2 : i32
    %add3A_1491 = arith.constant 2 : i32
    %add3A_1492 = arith.addi %add3A_1490, %add3A_1491 : i32
    %mul3A_1493 = arith.constant 1024 : i32
    %mul3A_1494 = arith.muli %add3A_1492, %mul3A_1493 : i32
    %add3A_1495 = arith.constant 1664 : i32
    %add3A_1496 = arith.addi %add3A_1495, %mul3A_2 : i32
    %add3A_1497 = arith.constant 2 : i32
    %add3A_1498 = arith.addi %add3A_1496, %add3A_1497 : i32
    %mul3A_1499 = arith.constant 1024 : i32
    %mul3A_1500 = arith.muli %add3A_1498, %mul3A_1499 : i32
    %add3A_1501 = arith.constant 1792 : i32
    %add3A_1502 = arith.addi %add3A_1501, %mul3A_2 : i32
    %add3A_1503 = arith.constant 2 : i32
    %add3A_1504 = arith.addi %add3A_1502, %add3A_1503 : i32
    %mul3A_1505 = arith.constant 1024 : i32
    %mul3A_1506 = arith.muli %add3A_1504, %mul3A_1505 : i32
    %add3A_1507 = arith.constant 1920 : i32
    %add3A_1508 = arith.addi %add3A_1507, %mul3A_2 : i32
    %add3A_1509 = arith.constant 2 : i32
    %add3A_1510 = arith.addi %add3A_1508, %add3A_1509 : i32
    %mul3A_1511 = arith.constant 1024 : i32
    %mul3A_1512 = arith.muli %add3A_1510, %mul3A_1511 : i32
    %add3A_1513 = arith.constant 2048 : i32
    %add3A_1514 = arith.addi %add3A_1513, %mul3A_2 : i32
    %add3A_1515 = arith.constant 2 : i32
    %add3A_1516 = arith.addi %add3A_1514, %add3A_1515 : i32
    %mul3A_1517 = arith.constant 1024 : i32
    %mul3A_1518 = arith.muli %add3A_1516, %mul3A_1517 : i32
    %add3A_1519 = arith.constant 2176 : i32
    %add3A_1520 = arith.addi %add3A_1519, %mul3A_2 : i32
    %add3A_1521 = arith.constant 2 : i32
    %add3A_1522 = arith.addi %add3A_1520, %add3A_1521 : i32
    %mul3A_1523 = arith.constant 1024 : i32
    %mul3A_1524 = arith.muli %add3A_1522, %mul3A_1523 : i32
    %add3A_1525 = arith.constant 2304 : i32
    %add3A_1526 = arith.addi %add3A_1525, %mul3A_2 : i32
    %add3A_1527 = arith.constant 2 : i32
    %add3A_1528 = arith.addi %add3A_1526, %add3A_1527 : i32
    %mul3A_1529 = arith.constant 1024 : i32
    %mul3A_1530 = arith.muli %add3A_1528, %mul3A_1529 : i32
    %add3A_1531 = arith.constant 2432 : i32
    %add3A_1532 = arith.addi %add3A_1531, %mul3A_2 : i32
    %add3A_1533 = arith.constant 2 : i32
    %add3A_1534 = arith.addi %add3A_1532, %add3A_1533 : i32
    %mul3A_1535 = arith.constant 1024 : i32
    %mul3A_1536 = arith.muli %add3A_1534, %mul3A_1535 : i32
    %add3A_1537 = arith.constant 2560 : i32
    %add3A_1538 = arith.addi %add3A_1537, %mul3A_2 : i32
    %add3A_1539 = arith.constant 2 : i32
    %add3A_1540 = arith.addi %add3A_1538, %add3A_1539 : i32
    %mul3A_1541 = arith.constant 1024 : i32
    %mul3A_1542 = arith.muli %add3A_1540, %mul3A_1541 : i32
    %add3A_1543 = arith.constant 2688 : i32
    %add3A_1544 = arith.addi %add3A_1543, %mul3A_2 : i32
    %add3A_1545 = arith.constant 2 : i32
    %add3A_1546 = arith.addi %add3A_1544, %add3A_1545 : i32
    %mul3A_1547 = arith.constant 1024 : i32
    %mul3A_1548 = arith.muli %add3A_1546, %mul3A_1547 : i32
    %add3A_1549 = arith.constant 2816 : i32
    %add3A_1550 = arith.addi %add3A_1549, %mul3A_2 : i32
    %add3A_1551 = arith.constant 2 : i32
    %add3A_1552 = arith.addi %add3A_1550, %add3A_1551 : i32
    %mul3A_1553 = arith.constant 1024 : i32
    %mul3A_1554 = arith.muli %add3A_1552, %mul3A_1553 : i32
    %add3A_1555 = arith.constant 2944 : i32
    %add3A_1556 = arith.addi %add3A_1555, %mul3A_2 : i32
    %add3A_1557 = arith.constant 2 : i32
    %add3A_1558 = arith.addi %add3A_1556, %add3A_1557 : i32
    %mul3A_1559 = arith.constant 1024 : i32
    %mul3A_1560 = arith.muli %add3A_1558, %mul3A_1559 : i32
    %add3A_1561 = arith.constant 3072 : i32
    %add3A_1562 = arith.addi %add3A_1561, %mul3A_2 : i32
    %add3A_1563 = arith.constant 2 : i32
    %add3A_1564 = arith.addi %add3A_1562, %add3A_1563 : i32
    %mul3A_1565 = arith.constant 1024 : i32
    %mul3A_1566 = arith.muli %add3A_1564, %mul3A_1565 : i32
    %add3A_1567 = arith.constant 3200 : i32
    %add3A_1568 = arith.addi %add3A_1567, %mul3A_2 : i32
    %add3A_1569 = arith.constant 2 : i32
    %add3A_1570 = arith.addi %add3A_1568, %add3A_1569 : i32
    %mul3A_1571 = arith.constant 1024 : i32
    %mul3A_1572 = arith.muli %add3A_1570, %mul3A_1571 : i32
    %add3A_1573 = arith.constant 3328 : i32
    %add3A_1574 = arith.addi %add3A_1573, %mul3A_2 : i32
    %add3A_1575 = arith.constant 2 : i32
    %add3A_1576 = arith.addi %add3A_1574, %add3A_1575 : i32
    %mul3A_1577 = arith.constant 1024 : i32
    %mul3A_1578 = arith.muli %add3A_1576, %mul3A_1577 : i32
    %add3A_1579 = arith.constant 3456 : i32
    %add3A_1580 = arith.addi %add3A_1579, %mul3A_2 : i32
    %add3A_1581 = arith.constant 2 : i32
    %add3A_1582 = arith.addi %add3A_1580, %add3A_1581 : i32
    %mul3A_1583 = arith.constant 1024 : i32
    %mul3A_1584 = arith.muli %add3A_1582, %mul3A_1583 : i32
    %add3A_1585 = arith.constant 3584 : i32
    %add3A_1586 = arith.addi %add3A_1585, %mul3A_2 : i32
    %add3A_1587 = arith.constant 2 : i32
    %add3A_1588 = arith.addi %add3A_1586, %add3A_1587 : i32
    %mul3A_1589 = arith.constant 1024 : i32
    %mul3A_1590 = arith.muli %add3A_1588, %mul3A_1589 : i32
    %add3A_1591 = arith.constant 3712 : i32
    %add3A_1592 = arith.addi %add3A_1591, %mul3A_2 : i32
    %add3A_1593 = arith.constant 2 : i32
    %add3A_1594 = arith.addi %add3A_1592, %add3A_1593 : i32
    %mul3A_1595 = arith.constant 1024 : i32
    %mul3A_1596 = arith.muli %add3A_1594, %mul3A_1595 : i32
    %add3A_1597 = arith.constant 3840 : i32
    %add3A_1598 = arith.addi %add3A_1597, %mul3A_2 : i32
    %add3A_1599 = arith.constant 2 : i32
    %add3A_1600 = arith.addi %add3A_1598, %add3A_1599 : i32
    %mul3A_1601 = arith.constant 1024 : i32
    %mul3A_1602 = arith.muli %add3A_1600, %mul3A_1601 : i32
    %add3A_1603 = arith.constant 3968 : i32
    %add3A_1604 = arith.addi %add3A_1603, %mul3A_2 : i32
    %add3A_1605 = arith.constant 2 : i32
    %add3A_1606 = arith.addi %add3A_1604, %add3A_1605 : i32
    %mul3A_1607 = arith.constant 1024 : i32
    %mul3A_1608 = arith.muli %add3A_1606, %mul3A_1607 : i32
    %dma_start3A_1609 = arith.constant 0 : i32
    %dma_start3A_1610 = tpu.memref_slice %arg10[%dma_start3A_1609] : memref<32768xf32, #tpu.memory_space<vmem>> -> memref<1024xf32, #tpu.memory_space<vmem>>
    %dma_start3A_1611 = tpu.memref_slice %arg5[%mul3A_1422] : memref<4194304xf32, #tpu.memory_space<hbm>> -> memref<1024xf32, #tpu.memory_space<hbm>>
    %dma_start3A_1612 = tpu.memref_slice %arg5[%mul3A_1422] : memref<4194304xf32, #tpu.memory_space<hbm>> -> memref<1024xf32, #tpu.memory_space<hbm>>
    %dma_start3A_1613 = arith.constant 0 : i32
    %dma_start3A_1614 = tpu.memref_slice %arg10[%dma_start3A_1613] : memref<32768xf32, #tpu.memory_space<vmem>> -> memref<1024xf32, #tpu.memory_space<vmem>>
    tpu.enqueue_dma source(%dma_start3A_1614 : memref<1024xf32, #tpu.memory_space<vmem>>) target(%dma_start3A_1612 : memref<1024xf32, #tpu.memory_space<hbm>>) target_semaphore(%arg15 : memref<!tpu.dma_semaphore, #tpu.memory_space<semaphore_mem>>)
    %dma_start3A_1615 = arith.constant 1024 : i32
    %dma_start3A_1616 = tpu.memref_slice %arg10[%dma_start3A_1615] : memref<32768xf32, #tpu.memory_space<vmem>> -> memref<1024xf32, #tpu.memory_space<vmem>>
    %dma_start3A_1617 = tpu.memref_slice %arg5[%mul3A_1428] : memref<4194304xf32, #tpu.memory_space<hbm>> -> memref<1024xf32, #tpu.memory_space<hbm>>
    %dma_start3A_1618 = tpu.memref_slice %arg5[%mul3A_1428] : memref<4194304xf32, #tpu.memory_space<hbm>> -> memref<1024xf32, #tpu.memory_space<hbm>>
    %dma_start3A_1619 = arith.constant 1024 : i32
    %dma_start3A_1620 = tpu.memref_slice %arg10[%dma_start3A_1619] : memref<32768xf32, #tpu.memory_space<vmem>> -> memref<1024xf32, #tpu.memory_space<vmem>>
    tpu.enqueue_dma source(%dma_start3A_1620 : memref<1024xf32, #tpu.memory_space<vmem>>) target(%dma_start3A_1618 : memref<1024xf32, #tpu.memory_space<hbm>>) target_semaphore(%arg15 : memref<!tpu.dma_semaphore, #tpu.memory_space<semaphore_mem>>)
    %dma_start3A_1621 = arith.constant 2048 : i32
    %dma_start3A_1622 = tpu.memref_slice %arg10[%dma_start3A_1621] : memref<32768xf32, #tpu.memory_space<vmem>> -> memref<1024xf32, #tpu.memory_space<vmem>>
    %dma_start3A_1623 = tpu.memref_slice %arg5[%mul3A_1434] : memref<4194304xf32, #tpu.memory_space<hbm>> -> memref<1024xf32, #tpu.memory_space<hbm>>
    %dma_start3A_1624 = tpu.memref_slice %arg5[%mul3A_1434] : memref<4194304xf32, #tpu.memory_space<hbm>> -> memref<1024xf32, #tpu.memory_space<hbm>>
    %dma_start3A_1625 = arith.constant 2048 : i32
    %dma_start3A_1626 = tpu.memref_slice %arg10[%dma_start3A_1625] : memref<32768xf32, #tpu.memory_space<vmem>> -> memref<1024xf32, #tpu.memory_space<vmem>>
    tpu.enqueue_dma source(%dma_start3A_1626 : memref<1024xf32, #tpu.memory_space<vmem>>) target(%dma_start3A_1624 : memref<1024xf32, #tpu.memory_space<hbm>>) target_semaphore(%arg15 : memref<!tpu.dma_semaphore, #tpu.memory_space<semaphore_mem>>)
    %dma_start3A_1627 = arith.constant 3072 : i32
    %dma_start3A_1628 = tpu.memref_slice %arg10[%dma_start3A_1627] : memref<32768xf32, #tpu.memory_space<vmem>> -> memref<1024xf32, #tpu.memory_space<vmem>>
    %dma_start3A_1629 = tpu.memref_slice %arg5[%mul3A_1440] : memref<4194304xf32, #tpu.memory_space<hbm>> -> memref<1024xf32, #tpu.memory_space<hbm>>
    %dma_start3A_1630 = tpu.memref_slice %arg5[%mul3A_1440] : memref<4194304xf32, #tpu.memory_space<hbm>> -> memref<1024xf32, #tpu.memory_space<hbm>>
    %dma_start3A_1631 = arith.constant 3072 : i32
    %dma_start3A_1632 = tpu.memref_slice %arg10[%dma_start3A_1631] : memref<32768xf32, #tpu.memory_space<vmem>> -> memref<1024xf32, #tpu.memory_space<vmem>>
    tpu.enqueue_dma source(%dma_start3A_1632 : memref<1024xf32, #tpu.memory_space<vmem>>) target(%dma_start3A_1630 : memref<1024xf32, #tpu.memory_space<hbm>>) target_semaphore(%arg15 : memref<!tpu.dma_semaphore, #tpu.memory_space<semaphore_mem>>)
    %dma_start3A_1633 = arith.constant 4096 : i32
    %dma_start3A_1634 = tpu.memref_slice %arg10[%dma_start3A_1633] : memref<32768xf32, #tpu.memory_space<vmem>> -> memref<1024xf32, #tpu.memory_space<vmem>>
    %dma_start3A_1635 = tpu.memref_slice %arg5[%mul3A_1446] : memref<4194304xf32, #tpu.memory_space<hbm>> -> memref<1024xf32, #tpu.memory_space<hbm>>
    %dma_start3A_1636 = tpu.memref_slice %arg5[%mul3A_1446] : memref<4194304xf32, #tpu.memory_space<hbm>> -> memref<1024xf32, #tpu.memory_space<hbm>>
    %dma_start3A_1637 = arith.constant 4096 : i32
    %dma_start3A_1638 = tpu.memref_slice %arg10[%dma_start3A_1637] : memref<32768xf32, #tpu.memory_space<vmem>> -> memref<1024xf32, #tpu.memory_space<vmem>>
    tpu.enqueue_dma source(%dma_start3A_1638 : memref<1024xf32, #tpu.memory_space<vmem>>) target(%dma_start3A_1636 : memref<1024xf32, #tpu.memory_space<hbm>>) target_semaphore(%arg15 : memref<!tpu.dma_semaphore, #tpu.memory_space<semaphore_mem>>)
    %dma_start3A_1639 = arith.constant 5120 : i32
    %dma_start3A_1640 = tpu.memref_slice %arg10[%dma_start3A_1639] : memref<32768xf32, #tpu.memory_space<vmem>> -> memref<1024xf32, #tpu.memory_space<vmem>>
    %dma_start3A_1641 = tpu.memref_slice %arg5[%mul3A_1452] : memref<4194304xf32, #tpu.memory_space<hbm>> -> memref<1024xf32, #tpu.memory_space<hbm>>
    %dma_start3A_1642 = tpu.memref_slice %arg5[%mul3A_1452] : memref<4194304xf32, #tpu.memory_space<hbm>> -> memref<1024xf32, #tpu.memory_space<hbm>>
    %dma_start3A_1643 = arith.constant 5120 : i32
    %dma_start3A_1644 = tpu.memref_slice %arg10[%dma_start3A_1643] : memref<32768xf32, #tpu.memory_space<vmem>> -> memref<1024xf32, #tpu.memory_space<vmem>>
    tpu.enqueue_dma source(%dma_start3A_1644 : memref<1024xf32, #tpu.memory_space<vmem>>) target(%dma_start3A_1642 : memref<1024xf32, #tpu.memory_space<hbm>>) target_semaphore(%arg15 : memref<!tpu.dma_semaphore, #tpu.memory_space<semaphore_mem>>)
    %dma_start3A_1645 = arith.constant 6144 : i32
    %dma_start3A_1646 = tpu.memref_slice %arg10[%dma_start3A_1645] : memref<32768xf32, #tpu.memory_space<vmem>> -> memref<1024xf32, #tpu.memory_space<vmem>>
    %dma_start3A_1647 = tpu.memref_slice %arg5[%mul3A_1458] : memref<4194304xf32, #tpu.memory_space<hbm>> -> memref<1024xf32, #tpu.memory_space<hbm>>
    %dma_start3A_1648 = tpu.memref_slice %arg5[%mul3A_1458] : memref<4194304xf32, #tpu.memory_space<hbm>> -> memref<1024xf32, #tpu.memory_space<hbm>>
    %dma_start3A_1649 = arith.constant 6144 : i32
    %dma_start3A_1650 = tpu.memref_slice %arg10[%dma_start3A_1649] : memref<32768xf32, #tpu.memory_space<vmem>> -> memref<1024xf32, #tpu.memory_space<vmem>>
    tpu.enqueue_dma source(%dma_start3A_1650 : memref<1024xf32, #tpu.memory_space<vmem>>) target(%dma_start3A_1648 : memref<1024xf32, #tpu.memory_space<hbm>>) target_semaphore(%arg15 : memref<!tpu.dma_semaphore, #tpu.memory_space<semaphore_mem>>)
    %dma_start3A_1651 = arith.constant 7168 : i32
    %dma_start3A_1652 = tpu.memref_slice %arg10[%dma_start3A_1651] : memref<32768xf32, #tpu.memory_space<vmem>> -> memref<1024xf32, #tpu.memory_space<vmem>>
    %dma_start3A_1653 = tpu.memref_slice %arg5[%mul3A_1464] : memref<4194304xf32, #tpu.memory_space<hbm>> -> memref<1024xf32, #tpu.memory_space<hbm>>
    %dma_start3A_1654 = tpu.memref_slice %arg5[%mul3A_1464] : memref<4194304xf32, #tpu.memory_space<hbm>> -> memref<1024xf32, #tpu.memory_space<hbm>>
    %dma_start3A_1655 = arith.constant 7168 : i32
    %dma_start3A_1656 = tpu.memref_slice %arg10[%dma_start3A_1655] : memref<32768xf32, #tpu.memory_space<vmem>> -> memref<1024xf32, #tpu.memory_space<vmem>>
    tpu.enqueue_dma source(%dma_start3A_1656 : memref<1024xf32, #tpu.memory_space<vmem>>) target(%dma_start3A_1654 : memref<1024xf32, #tpu.memory_space<hbm>>) target_semaphore(%arg15 : memref<!tpu.dma_semaphore, #tpu.memory_space<semaphore_mem>>)
    %dma_start3A_1657 = arith.constant 8192 : i32
    %dma_start3A_1658 = tpu.memref_slice %arg10[%dma_start3A_1657] : memref<32768xf32, #tpu.memory_space<vmem>> -> memref<1024xf32, #tpu.memory_space<vmem>>
    %dma_start3A_1659 = tpu.memref_slice %arg5[%mul3A_1470] : memref<4194304xf32, #tpu.memory_space<hbm>> -> memref<1024xf32, #tpu.memory_space<hbm>>
    %dma_start3A_1660 = tpu.memref_slice %arg5[%mul3A_1470] : memref<4194304xf32, #tpu.memory_space<hbm>> -> memref<1024xf32, #tpu.memory_space<hbm>>
    %dma_start3A_1661 = arith.constant 8192 : i32
    %dma_start3A_1662 = tpu.memref_slice %arg10[%dma_start3A_1661] : memref<32768xf32, #tpu.memory_space<vmem>> -> memref<1024xf32, #tpu.memory_space<vmem>>
    tpu.enqueue_dma source(%dma_start3A_1662 : memref<1024xf32, #tpu.memory_space<vmem>>) target(%dma_start3A_1660 : memref<1024xf32, #tpu.memory_space<hbm>>) target_semaphore(%arg15 : memref<!tpu.dma_semaphore, #tpu.memory_space<semaphore_mem>>)
    %dma_start3A_1663 = arith.constant 9216 : i32
    %dma_start3A_1664 = tpu.memref_slice %arg10[%dma_start3A_1663] : memref<32768xf32, #tpu.memory_space<vmem>> -> memref<1024xf32, #tpu.memory_space<vmem>>
    %dma_start3A_1665 = tpu.memref_slice %arg5[%mul3A_1476] : memref<4194304xf32, #tpu.memory_space<hbm>> -> memref<1024xf32, #tpu.memory_space<hbm>>
    %dma_start3A_1666 = tpu.memref_slice %arg5[%mul3A_1476] : memref<4194304xf32, #tpu.memory_space<hbm>> -> memref<1024xf32, #tpu.memory_space<hbm>>
    %dma_start3A_1667 = arith.constant 9216 : i32
    %dma_start3A_1668 = tpu.memref_slice %arg10[%dma_start3A_1667] : memref<32768xf32, #tpu.memory_space<vmem>> -> memref<1024xf32, #tpu.memory_space<vmem>>
    tpu.enqueue_dma source(%dma_start3A_1668 : memref<1024xf32, #tpu.memory_space<vmem>>) target(%dma_start3A_1666 : memref<1024xf32, #tpu.memory_space<hbm>>) target_semaphore(%arg15 : memref<!tpu.dma_semaphore, #tpu.memory_space<semaphore_mem>>)
    %dma_start3A_1669 = arith.constant 10240 : i32
    %dma_start3A_1670 = tpu.memref_slice %arg10[%dma_start3A_1669] : memref<32768xf32, #tpu.memory_space<vmem>> -> memref<1024xf32, #tpu.memory_space<vmem>>
    %dma_start3A_1671 = tpu.memref_slice %arg5[%mul3A_1482] : memref<4194304xf32, #tpu.memory_space<hbm>> -> memref<1024xf32, #tpu.memory_space<hbm>>
    %dma_start3A_1672 = tpu.memref_slice %arg5[%mul3A_1482] : memref<4194304xf32, #tpu.memory_space<hbm>> -> memref<1024xf32, #tpu.memory_space<hbm>>
    %dma_start3A_1673 = arith.constant 10240 : i32
    %dma_start3A_1674 = tpu.memref_slice %arg10[%dma_start3A_1673] : memref<32768xf32, #tpu.memory_space<vmem>> -> memref<1024xf32, #tpu.memory_space<vmem>>
    tpu.enqueue_dma source(%dma_start3A_1674 : memref<1024xf32, #tpu.memory_space<vmem>>) target(%dma_start3A_1672 : memref<1024xf32, #tpu.memory_space<hbm>>) target_semaphore(%arg15 : memref<!tpu.dma_semaphore, #tpu.memory_space<semaphore_mem>>)
    %dma_start3A_1675 = arith.constant 11264 : i32
    %dma_start3A_1676 = tpu.memref_slice %arg10[%dma_start3A_1675] : memref<32768xf32, #tpu.memory_space<vmem>> -> memref<1024xf32, #tpu.memory_space<vmem>>
    %dma_start3A_1677 = tpu.memref_slice %arg5[%mul3A_1488] : memref<4194304xf32, #tpu.memory_space<hbm>> -> memref<1024xf32, #tpu.memory_space<hbm>>
    %dma_start3A_1678 = tpu.memref_slice %arg5[%mul3A_1488] : memref<4194304xf32, #tpu.memory_space<hbm>> -> memref<1024xf32, #tpu.memory_space<hbm>>
    %dma_start3A_1679 = arith.constant 11264 : i32
    %dma_start3A_1680 = tpu.memref_slice %arg10[%dma_start3A_1679] : memref<32768xf32, #tpu.memory_space<vmem>> -> memref<1024xf32, #tpu.memory_space<vmem>>
    tpu.enqueue_dma source(%dma_start3A_1680 : memref<1024xf32, #tpu.memory_space<vmem>>) target(%dma_start3A_1678 : memref<1024xf32, #tpu.memory_space<hbm>>) target_semaphore(%arg15 : memref<!tpu.dma_semaphore, #tpu.memory_space<semaphore_mem>>)
    %dma_start3A_1681 = arith.constant 12288 : i32
    %dma_start3A_1682 = tpu.memref_slice %arg10[%dma_start3A_1681] : memref<32768xf32, #tpu.memory_space<vmem>> -> memref<1024xf32, #tpu.memory_space<vmem>>
    %dma_start3A_1683 = tpu.memref_slice %arg5[%mul3A_1494] : memref<4194304xf32, #tpu.memory_space<hbm>> -> memref<1024xf32, #tpu.memory_space<hbm>>
    %dma_start3A_1684 = tpu.memref_slice %arg5[%mul3A_1494] : memref<4194304xf32, #tpu.memory_space<hbm>> -> memref<1024xf32, #tpu.memory_space<hbm>>
    %dma_start3A_1685 = arith.constant 12288 : i32
    %dma_start3A_1686 = tpu.memref_slice %arg10[%dma_start3A_1685] : memref<32768xf32, #tpu.memory_space<vmem>> -> memref<1024xf32, #tpu.memory_space<vmem>>
    tpu.enqueue_dma source(%dma_start3A_1686 : memref<1024xf32, #tpu.memory_space<vmem>>) target(%dma_start3A_1684 : memref<1024xf32, #tpu.memory_space<hbm>>) target_semaphore(%arg15 : memref<!tpu.dma_semaphore, #tpu.memory_space<semaphore_mem>>)
    %dma_start3A_1687 = arith.constant 13312 : i32
    %dma_start3A_1688 = tpu.memref_slice %arg10[%dma_start3A_1687] : memref<32768xf32, #tpu.memory_space<vmem>> -> memref<1024xf32, #tpu.memory_space<vmem>>
    %dma_start3A_1689 = tpu.memref_slice %arg5[%mul3A_1500] : memref<4194304xf32, #tpu.memory_space<hbm>> -> memref<1024xf32, #tpu.memory_space<hbm>>
    %dma_start3A_1690 = tpu.memref_slice %arg5[%mul3A_1500] : memref<4194304xf32, #tpu.memory_space<hbm>> -> memref<1024xf32, #tpu.memory_space<hbm>>
    %dma_start3A_1691 = arith.constant 13312 : i32
    %dma_start3A_1692 = tpu.memref_slice %arg10[%dma_start3A_1691] : memref<32768xf32, #tpu.memory_space<vmem>> -> memref<1024xf32, #tpu.memory_space<vmem>>
    tpu.enqueue_dma source(%dma_start3A_1692 : memref<1024xf32, #tpu.memory_space<vmem>>) target(%dma_start3A_1690 : memref<1024xf32, #tpu.memory_space<hbm>>) target_semaphore(%arg15 : memref<!tpu.dma_semaphore, #tpu.memory_space<semaphore_mem>>)
    %dma_start3A_1693 = arith.constant 14336 : i32
    %dma_start3A_1694 = tpu.memref_slice %arg10[%dma_start3A_1693] : memref<32768xf32, #tpu.memory_space<vmem>> -> memref<1024xf32, #tpu.memory_space<vmem>>
    %dma_start3A_1695 = tpu.memref_slice %arg5[%mul3A_1506] : memref<4194304xf32, #tpu.memory_space<hbm>> -> memref<1024xf32, #tpu.memory_space<hbm>>
    %dma_start3A_1696 = tpu.memref_slice %arg5[%mul3A_1506] : memref<4194304xf32, #tpu.memory_space<hbm>> -> memref<1024xf32, #tpu.memory_space<hbm>>
    %dma_start3A_1697 = arith.constant 14336 : i32
    %dma_start3A_1698 = tpu.memref_slice %arg10[%dma_start3A_1697] : memref<32768xf32, #tpu.memory_space<vmem>> -> memref<1024xf32, #tpu.memory_space<vmem>>
    tpu.enqueue_dma source(%dma_start3A_1698 : memref<1024xf32, #tpu.memory_space<vmem>>) target(%dma_start3A_1696 : memref<1024xf32, #tpu.memory_space<hbm>>) target_semaphore(%arg15 : memref<!tpu.dma_semaphore, #tpu.memory_space<semaphore_mem>>)
    %dma_start3A_1699 = arith.constant 15360 : i32
    %dma_start3A_1700 = tpu.memref_slice %arg10[%dma_start3A_1699] : memref<32768xf32, #tpu.memory_space<vmem>> -> memref<1024xf32, #tpu.memory_space<vmem>>
    %dma_start3A_1701 = tpu.memref_slice %arg5[%mul3A_1512] : memref<4194304xf32, #tpu.memory_space<hbm>> -> memref<1024xf32, #tpu.memory_space<hbm>>
    %dma_start3A_1702 = tpu.memref_slice %arg5[%mul3A_1512] : memref<4194304xf32, #tpu.memory_space<hbm>> -> memref<1024xf32, #tpu.memory_space<hbm>>
    %dma_start3A_1703 = arith.constant 15360 : i32
    %dma_start3A_1704 = tpu.memref_slice %arg10[%dma_start3A_1703] : memref<32768xf32, #tpu.memory_space<vmem>> -> memref<1024xf32, #tpu.memory_space<vmem>>
    tpu.enqueue_dma source(%dma_start3A_1704 : memref<1024xf32, #tpu.memory_space<vmem>>) target(%dma_start3A_1702 : memref<1024xf32, #tpu.memory_space<hbm>>) target_semaphore(%arg15 : memref<!tpu.dma_semaphore, #tpu.memory_space<semaphore_mem>>)
    %dma_start3A_1705 = arith.constant 16384 : i32
    %dma_start3A_1706 = tpu.memref_slice %arg10[%dma_start3A_1705] : memref<32768xf32, #tpu.memory_space<vmem>> -> memref<1024xf32, #tpu.memory_space<vmem>>
    %dma_start3A_1707 = tpu.memref_slice %arg5[%mul3A_1518] : memref<4194304xf32, #tpu.memory_space<hbm>> -> memref<1024xf32, #tpu.memory_space<hbm>>
    %dma_start3A_1708 = tpu.memref_slice %arg5[%mul3A_1518] : memref<4194304xf32, #tpu.memory_space<hbm>> -> memref<1024xf32, #tpu.memory_space<hbm>>
    %dma_start3A_1709 = arith.constant 16384 : i32
    %dma_start3A_1710 = tpu.memref_slice %arg10[%dma_start3A_1709] : memref<32768xf32, #tpu.memory_space<vmem>> -> memref<1024xf32, #tpu.memory_space<vmem>>
    tpu.enqueue_dma source(%dma_start3A_1710 : memref<1024xf32, #tpu.memory_space<vmem>>) target(%dma_start3A_1708 : memref<1024xf32, #tpu.memory_space<hbm>>) target_semaphore(%arg15 : memref<!tpu.dma_semaphore, #tpu.memory_space<semaphore_mem>>)
    %dma_start3A_1711 = arith.constant 17408 : i32
    %dma_start3A_1712 = tpu.memref_slice %arg10[%dma_start3A_1711] : memref<32768xf32, #tpu.memory_space<vmem>> -> memref<1024xf32, #tpu.memory_space<vmem>>
    %dma_start3A_1713 = tpu.memref_slice %arg5[%mul3A_1524] : memref<4194304xf32, #tpu.memory_space<hbm>> -> memref<1024xf32, #tpu.memory_space<hbm>>
    %dma_start3A_1714 = tpu.memref_slice %arg5[%mul3A_1524] : memref<4194304xf32, #tpu.memory_space<hbm>> -> memref<1024xf32, #tpu.memory_space<hbm>>
    %dma_start3A_1715 = arith.constant 17408 : i32
    %dma_start3A_1716 = tpu.memref_slice %arg10[%dma_start3A_1715] : memref<32768xf32, #tpu.memory_space<vmem>> -> memref<1024xf32, #tpu.memory_space<vmem>>
    tpu.enqueue_dma source(%dma_start3A_1716 : memref<1024xf32, #tpu.memory_space<vmem>>) target(%dma_start3A_1714 : memref<1024xf32, #tpu.memory_space<hbm>>) target_semaphore(%arg15 : memref<!tpu.dma_semaphore, #tpu.memory_space<semaphore_mem>>)
    %dma_start3A_1717 = arith.constant 18432 : i32
    %dma_start3A_1718 = tpu.memref_slice %arg10[%dma_start3A_1717] : memref<32768xf32, #tpu.memory_space<vmem>> -> memref<1024xf32, #tpu.memory_space<vmem>>
    %dma_start3A_1719 = tpu.memref_slice %arg5[%mul3A_1530] : memref<4194304xf32, #tpu.memory_space<hbm>> -> memref<1024xf32, #tpu.memory_space<hbm>>
    %dma_start3A_1720 = tpu.memref_slice %arg5[%mul3A_1530] : memref<4194304xf32, #tpu.memory_space<hbm>> -> memref<1024xf32, #tpu.memory_space<hbm>>
    %dma_start3A_1721 = arith.constant 18432 : i32
    %dma_start3A_1722 = tpu.memref_slice %arg10[%dma_start3A_1721] : memref<32768xf32, #tpu.memory_space<vmem>> -> memref<1024xf32, #tpu.memory_space<vmem>>
    tpu.enqueue_dma source(%dma_start3A_1722 : memref<1024xf32, #tpu.memory_space<vmem>>) target(%dma_start3A_1720 : memref<1024xf32, #tpu.memory_space<hbm>>) target_semaphore(%arg15 : memref<!tpu.dma_semaphore, #tpu.memory_space<semaphore_mem>>)
    %dma_start3A_1723 = arith.constant 19456 : i32
    %dma_start3A_1724 = tpu.memref_slice %arg10[%dma_start3A_1723] : memref<32768xf32, #tpu.memory_space<vmem>> -> memref<1024xf32, #tpu.memory_space<vmem>>
    %dma_start3A_1725 = tpu.memref_slice %arg5[%mul3A_1536] : memref<4194304xf32, #tpu.memory_space<hbm>> -> memref<1024xf32, #tpu.memory_space<hbm>>
    %dma_start3A_1726 = tpu.memref_slice %arg5[%mul3A_1536] : memref<4194304xf32, #tpu.memory_space<hbm>> -> memref<1024xf32, #tpu.memory_space<hbm>>
    %dma_start3A_1727 = arith.constant 19456 : i32
    %dma_start3A_1728 = tpu.memref_slice %arg10[%dma_start3A_1727] : memref<32768xf32, #tpu.memory_space<vmem>> -> memref<1024xf32, #tpu.memory_space<vmem>>
    tpu.enqueue_dma source(%dma_start3A_1728 : memref<1024xf32, #tpu.memory_space<vmem>>) target(%dma_start3A_1726 : memref<1024xf32, #tpu.memory_space<hbm>>) target_semaphore(%arg15 : memref<!tpu.dma_semaphore, #tpu.memory_space<semaphore_mem>>)
    %dma_start3A_1729 = arith.constant 20480 : i32
    %dma_start3A_1730 = tpu.memref_slice %arg10[%dma_start3A_1729] : memref<32768xf32, #tpu.memory_space<vmem>> -> memref<1024xf32, #tpu.memory_space<vmem>>
    %dma_start3A_1731 = tpu.memref_slice %arg5[%mul3A_1542] : memref<4194304xf32, #tpu.memory_space<hbm>> -> memref<1024xf32, #tpu.memory_space<hbm>>
    %dma_start3A_1732 = tpu.memref_slice %arg5[%mul3A_1542] : memref<4194304xf32, #tpu.memory_space<hbm>> -> memref<1024xf32, #tpu.memory_space<hbm>>
    %dma_start3A_1733 = arith.constant 20480 : i32
    %dma_start3A_1734 = tpu.memref_slice %arg10[%dma_start3A_1733] : memref<32768xf32, #tpu.memory_space<vmem>> -> memref<1024xf32, #tpu.memory_space<vmem>>
    tpu.enqueue_dma source(%dma_start3A_1734 : memref<1024xf32, #tpu.memory_space<vmem>>) target(%dma_start3A_1732 : memref<1024xf32, #tpu.memory_space<hbm>>) target_semaphore(%arg15 : memref<!tpu.dma_semaphore, #tpu.memory_space<semaphore_mem>>)
    %dma_start3A_1735 = arith.constant 21504 : i32
    %dma_start3A_1736 = tpu.memref_slice %arg10[%dma_start3A_1735] : memref<32768xf32, #tpu.memory_space<vmem>> -> memref<1024xf32, #tpu.memory_space<vmem>>
    %dma_start3A_1737 = tpu.memref_slice %arg5[%mul3A_1548] : memref<4194304xf32, #tpu.memory_space<hbm>> -> memref<1024xf32, #tpu.memory_space<hbm>>
    %dma_start3A_1738 = tpu.memref_slice %arg5[%mul3A_1548] : memref<4194304xf32, #tpu.memory_space<hbm>> -> memref<1024xf32, #tpu.memory_space<hbm>>
    %dma_start3A_1739 = arith.constant 21504 : i32
    %dma_start3A_1740 = tpu.memref_slice %arg10[%dma_start3A_1739] : memref<32768xf32, #tpu.memory_space<vmem>> -> memref<1024xf32, #tpu.memory_space<vmem>>
    tpu.enqueue_dma source(%dma_start3A_1740 : memref<1024xf32, #tpu.memory_space<vmem>>) target(%dma_start3A_1738 : memref<1024xf32, #tpu.memory_space<hbm>>) target_semaphore(%arg15 : memref<!tpu.dma_semaphore, #tpu.memory_space<semaphore_mem>>)
    %dma_start3A_1741 = arith.constant 22528 : i32
    %dma_start3A_1742 = tpu.memref_slice %arg10[%dma_start3A_1741] : memref<32768xf32, #tpu.memory_space<vmem>> -> memref<1024xf32, #tpu.memory_space<vmem>>
    %dma_start3A_1743 = tpu.memref_slice %arg5[%mul3A_1554] : memref<4194304xf32, #tpu.memory_space<hbm>> -> memref<1024xf32, #tpu.memory_space<hbm>>
    %dma_start3A_1744 = tpu.memref_slice %arg5[%mul3A_1554] : memref<4194304xf32, #tpu.memory_space<hbm>> -> memref<1024xf32, #tpu.memory_space<hbm>>
    %dma_start3A_1745 = arith.constant 22528 : i32
    %dma_start3A_1746 = tpu.memref_slice %arg10[%dma_start3A_1745] : memref<32768xf32, #tpu.memory_space<vmem>> -> memref<1024xf32, #tpu.memory_space<vmem>>
    tpu.enqueue_dma source(%dma_start3A_1746 : memref<1024xf32, #tpu.memory_space<vmem>>) target(%dma_start3A_1744 : memref<1024xf32, #tpu.memory_space<hbm>>) target_semaphore(%arg15 : memref<!tpu.dma_semaphore, #tpu.memory_space<semaphore_mem>>)
    %dma_start3A_1747 = arith.constant 23552 : i32
    %dma_start3A_1748 = tpu.memref_slice %arg10[%dma_start3A_1747] : memref<32768xf32, #tpu.memory_space<vmem>> -> memref<1024xf32, #tpu.memory_space<vmem>>
    %dma_start3A_1749 = tpu.memref_slice %arg5[%mul3A_1560] : memref<4194304xf32, #tpu.memory_space<hbm>> -> memref<1024xf32, #tpu.memory_space<hbm>>
    %dma_start3A_1750 = tpu.memref_slice %arg5[%mul3A_1560] : memref<4194304xf32, #tpu.memory_space<hbm>> -> memref<1024xf32, #tpu.memory_space<hbm>>
    %dma_start3A_1751 = arith.constant 23552 : i32
    %dma_start3A_1752 = tpu.memref_slice %arg10[%dma_start3A_1751] : memref<32768xf32, #tpu.memory_space<vmem>> -> memref<1024xf32, #tpu.memory_space<vmem>>
    tpu.enqueue_dma source(%dma_start3A_1752 : memref<1024xf32, #tpu.memory_space<vmem>>) target(%dma_start3A_1750 : memref<1024xf32, #tpu.memory_space<hbm>>) target_semaphore(%arg15 : memref<!tpu.dma_semaphore, #tpu.memory_space<semaphore_mem>>)
    %dma_start3A_1753 = arith.constant 24576 : i32
    %dma_start3A_1754 = tpu.memref_slice %arg10[%dma_start3A_1753] : memref<32768xf32, #tpu.memory_space<vmem>> -> memref<1024xf32, #tpu.memory_space<vmem>>
    %dma_start3A_1755 = tpu.memref_slice %arg5[%mul3A_1566] : memref<4194304xf32, #tpu.memory_space<hbm>> -> memref<1024xf32, #tpu.memory_space<hbm>>
    %dma_start3A_1756 = tpu.memref_slice %arg5[%mul3A_1566] : memref<4194304xf32, #tpu.memory_space<hbm>> -> memref<1024xf32, #tpu.memory_space<hbm>>
    %dma_start3A_1757 = arith.constant 24576 : i32
    %dma_start3A_1758 = tpu.memref_slice %arg10[%dma_start3A_1757] : memref<32768xf32, #tpu.memory_space<vmem>> -> memref<1024xf32, #tpu.memory_space<vmem>>
    tpu.enqueue_dma source(%dma_start3A_1758 : memref<1024xf32, #tpu.memory_space<vmem>>) target(%dma_start3A_1756 : memref<1024xf32, #tpu.memory_space<hbm>>) target_semaphore(%arg15 : memref<!tpu.dma_semaphore, #tpu.memory_space<semaphore_mem>>)
    %dma_start3A_1759 = arith.constant 25600 : i32
    %dma_start3A_1760 = tpu.memref_slice %arg10[%dma_start3A_1759] : memref<32768xf32, #tpu.memory_space<vmem>> -> memref<1024xf32, #tpu.memory_space<vmem>>
    %dma_start3A_1761 = tpu.memref_slice %arg5[%mul3A_1572] : memref<4194304xf32, #tpu.memory_space<hbm>> -> memref<1024xf32, #tpu.memory_space<hbm>>
    %dma_start3A_1762 = tpu.memref_slice %arg5[%mul3A_1572] : memref<4194304xf32, #tpu.memory_space<hbm>> -> memref<1024xf32, #tpu.memory_space<hbm>>
    %dma_start3A_1763 = arith.constant 25600 : i32
    %dma_start3A_1764 = tpu.memref_slice %arg10[%dma_start3A_1763] : memref<32768xf32, #tpu.memory_space<vmem>> -> memref<1024xf32, #tpu.memory_space<vmem>>
    tpu.enqueue_dma source(%dma_start3A_1764 : memref<1024xf32, #tpu.memory_space<vmem>>) target(%dma_start3A_1762 : memref<1024xf32, #tpu.memory_space<hbm>>) target_semaphore(%arg15 : memref<!tpu.dma_semaphore, #tpu.memory_space<semaphore_mem>>)
    %dma_start3A_1765 = arith.constant 26624 : i32
    %dma_start3A_1766 = tpu.memref_slice %arg10[%dma_start3A_1765] : memref<32768xf32, #tpu.memory_space<vmem>> -> memref<1024xf32, #tpu.memory_space<vmem>>
    %dma_start3A_1767 = tpu.memref_slice %arg5[%mul3A_1578] : memref<4194304xf32, #tpu.memory_space<hbm>> -> memref<1024xf32, #tpu.memory_space<hbm>>
    %dma_start3A_1768 = tpu.memref_slice %arg5[%mul3A_1578] : memref<4194304xf32, #tpu.memory_space<hbm>> -> memref<1024xf32, #tpu.memory_space<hbm>>
    %dma_start3A_1769 = arith.constant 26624 : i32
    %dma_start3A_1770 = tpu.memref_slice %arg10[%dma_start3A_1769] : memref<32768xf32, #tpu.memory_space<vmem>> -> memref<1024xf32, #tpu.memory_space<vmem>>
    tpu.enqueue_dma source(%dma_start3A_1770 : memref<1024xf32, #tpu.memory_space<vmem>>) target(%dma_start3A_1768 : memref<1024xf32, #tpu.memory_space<hbm>>) target_semaphore(%arg15 : memref<!tpu.dma_semaphore, #tpu.memory_space<semaphore_mem>>)
    %dma_start3A_1771 = arith.constant 27648 : i32
    %dma_start3A_1772 = tpu.memref_slice %arg10[%dma_start3A_1771] : memref<32768xf32, #tpu.memory_space<vmem>> -> memref<1024xf32, #tpu.memory_space<vmem>>
    %dma_start3A_1773 = tpu.memref_slice %arg5[%mul3A_1584] : memref<4194304xf32, #tpu.memory_space<hbm>> -> memref<1024xf32, #tpu.memory_space<hbm>>
    %dma_start3A_1774 = tpu.memref_slice %arg5[%mul3A_1584] : memref<4194304xf32, #tpu.memory_space<hbm>> -> memref<1024xf32, #tpu.memory_space<hbm>>
    %dma_start3A_1775 = arith.constant 27648 : i32
    %dma_start3A_1776 = tpu.memref_slice %arg10[%dma_start3A_1775] : memref<32768xf32, #tpu.memory_space<vmem>> -> memref<1024xf32, #tpu.memory_space<vmem>>
    tpu.enqueue_dma source(%dma_start3A_1776 : memref<1024xf32, #tpu.memory_space<vmem>>) target(%dma_start3A_1774 : memref<1024xf32, #tpu.memory_space<hbm>>) target_semaphore(%arg15 : memref<!tpu.dma_semaphore, #tpu.memory_space<semaphore_mem>>)
    %dma_start3A_1777 = arith.constant 28672 : i32
    %dma_start3A_1778 = tpu.memref_slice %arg10[%dma_start3A_1777] : memref<32768xf32, #tpu.memory_space<vmem>> -> memref<1024xf32, #tpu.memory_space<vmem>>
    %dma_start3A_1779 = tpu.memref_slice %arg5[%mul3A_1590] : memref<4194304xf32, #tpu.memory_space<hbm>> -> memref<1024xf32, #tpu.memory_space<hbm>>
    %dma_start3A_1780 = tpu.memref_slice %arg5[%mul3A_1590] : memref<4194304xf32, #tpu.memory_space<hbm>> -> memref<1024xf32, #tpu.memory_space<hbm>>
    %dma_start3A_1781 = arith.constant 28672 : i32
    %dma_start3A_1782 = tpu.memref_slice %arg10[%dma_start3A_1781] : memref<32768xf32, #tpu.memory_space<vmem>> -> memref<1024xf32, #tpu.memory_space<vmem>>
    tpu.enqueue_dma source(%dma_start3A_1782 : memref<1024xf32, #tpu.memory_space<vmem>>) target(%dma_start3A_1780 : memref<1024xf32, #tpu.memory_space<hbm>>) target_semaphore(%arg15 : memref<!tpu.dma_semaphore, #tpu.memory_space<semaphore_mem>>)
    %dma_start3A_1783 = arith.constant 29696 : i32
    %dma_start3A_1784 = tpu.memref_slice %arg10[%dma_start3A_1783] : memref<32768xf32, #tpu.memory_space<vmem>> -> memref<1024xf32, #tpu.memory_space<vmem>>
    %dma_start3A_1785 = tpu.memref_slice %arg5[%mul3A_1596] : memref<4194304xf32, #tpu.memory_space<hbm>> -> memref<1024xf32, #tpu.memory_space<hbm>>
    %dma_start3A_1786 = tpu.memref_slice %arg5[%mul3A_1596] : memref<4194304xf32, #tpu.memory_space<hbm>> -> memref<1024xf32, #tpu.memory_space<hbm>>
    %dma_start3A_1787 = arith.constant 29696 : i32
    %dma_start3A_1788 = tpu.memref_slice %arg10[%dma_start3A_1787] : memref<32768xf32, #tpu.memory_space<vmem>> -> memref<1024xf32, #tpu.memory_space<vmem>>
    tpu.enqueue_dma source(%dma_start3A_1788 : memref<1024xf32, #tpu.memory_space<vmem>>) target(%dma_start3A_1786 : memref<1024xf32, #tpu.memory_space<hbm>>) target_semaphore(%arg15 : memref<!tpu.dma_semaphore, #tpu.memory_space<semaphore_mem>>)
    %dma_start3A_1789 = arith.constant 30720 : i32
    %dma_start3A_1790 = tpu.memref_slice %arg10[%dma_start3A_1789] : memref<32768xf32, #tpu.memory_space<vmem>> -> memref<1024xf32, #tpu.memory_space<vmem>>
    %dma_start3A_1791 = tpu.memref_slice %arg5[%mul3A_1602] : memref<4194304xf32, #tpu.memory_space<hbm>> -> memref<1024xf32, #tpu.memory_space<hbm>>
    %dma_start3A_1792 = tpu.memref_slice %arg5[%mul3A_1602] : memref<4194304xf32, #tpu.memory_space<hbm>> -> memref<1024xf32, #tpu.memory_space<hbm>>
    %dma_start3A_1793 = arith.constant 30720 : i32
    %dma_start3A_1794 = tpu.memref_slice %arg10[%dma_start3A_1793] : memref<32768xf32, #tpu.memory_space<vmem>> -> memref<1024xf32, #tpu.memory_space<vmem>>
    tpu.enqueue_dma source(%dma_start3A_1794 : memref<1024xf32, #tpu.memory_space<vmem>>) target(%dma_start3A_1792 : memref<1024xf32, #tpu.memory_space<hbm>>) target_semaphore(%arg15 : memref<!tpu.dma_semaphore, #tpu.memory_space<semaphore_mem>>)
    %dma_start3A_1795 = arith.constant 31744 : i32
    %dma_start3A_1796 = tpu.memref_slice %arg10[%dma_start3A_1795] : memref<32768xf32, #tpu.memory_space<vmem>> -> memref<1024xf32, #tpu.memory_space<vmem>>
    %dma_start3A_1797 = tpu.memref_slice %arg5[%mul3A_1608] : memref<4194304xf32, #tpu.memory_space<hbm>> -> memref<1024xf32, #tpu.memory_space<hbm>>
    %dma_start3A_1798 = tpu.memref_slice %arg5[%mul3A_1608] : memref<4194304xf32, #tpu.memory_space<hbm>> -> memref<1024xf32, #tpu.memory_space<hbm>>
    %dma_start3A_1799 = arith.constant 31744 : i32
    %dma_start3A_1800 = tpu.memref_slice %arg10[%dma_start3A_1799] : memref<32768xf32, #tpu.memory_space<vmem>> -> memref<1024xf32, #tpu.memory_space<vmem>>
    tpu.enqueue_dma source(%dma_start3A_1800 : memref<1024xf32, #tpu.memory_space<vmem>>) target(%dma_start3A_1798 : memref<1024xf32, #tpu.memory_space<hbm>>) target_semaphore(%arg15 : memref<!tpu.dma_semaphore, #tpu.memory_space<semaphore_mem>>)
    %dma_start3A_1801 = arith.constant 7 : i32
    %dma_start3A_1802 = arith.constant 0 : i32
    %dma_start3A_1803 = tpu.memref_slice %arg7[%dma_start3A_1801, %dma_start3A_1802] : memref<8x512xi32, #tpu.memory_space<vmem>> -> memref<1x512xi32, #tpu.memory_space<vmem>>
    %dma_start3A_1804 = tpu.memref_squeeze %dma_start3A_1803 : memref<1x512xi32, #tpu.memory_space<vmem>> -> memref<512xi32, #tpu.memory_space<vmem>>
    %dma_start3A_1805 = arith.constant 0 : i32
    %dma_start3A_1806 = arith.constant 0 : i32
    %dma_start3A_1807 = tpu.memref_slice %arg4[%dma_start3A_1805, %dma_start3A_1806] : memref<800000x32xf32, #tpu.memory_space<hbm>> -> memref<800000x32xf32, #tpu.memory_space<hbm>>
    tpu.enqueue_indirect_dma source(%dma_start3A_1807 : memref<800000x32xf32, #tpu.memory_space<hbm>>) target(%arg9 : memref<512x32xf32, #tpu.memory_space<vmem>>) offsets(%dma_start3A_1804 : memref<512xi32, #tpu.memory_space<vmem>>) semaphore(%arg14 : memref<!tpu.dma_semaphore, #tpu.memory_space<semaphore_mem>>)
    %dma_wait3A_1808 = arith.constant 6 : i32
    %dma_wait3A_1809 = arith.constant 0 : i32
    %dma_wait3A_1810 = tpu.memref_slice %arg7[%dma_wait3A_1808, %dma_wait3A_1809] : memref<8x512xi32, #tpu.memory_space<vmem>> -> memref<1x512xi32, #tpu.memory_space<vmem>>
    %dma_wait3A_1811 = tpu.memref_squeeze %dma_wait3A_1810 : memref<1x512xi32, #tpu.memory_space<vmem>> -> memref<512xi32, #tpu.memory_space<vmem>>
    %dma_wait3A_1812 = arith.constant 0 : i32
    %dma_wait3A_1813 = arith.constant 0 : i32
    %dma_wait3A_1814 = tpu.memref_slice %arg4[%dma_wait3A_1812, %dma_wait3A_1813] : memref<800000x32xf32, #tpu.memory_space<hbm>> -> memref<800000x32xf32, #tpu.memory_space<hbm>>
    tpu.wait_indirect_dma semaphore(%arg13 : memref<!tpu.dma_semaphore, #tpu.memory_space<semaphore_mem>>) src(%dma_wait3A_1814 : memref<800000x32xf32, #tpu.memory_space<hbm>>) dst(%arg8 : memref<512x32xf32, #tpu.memory_space<vmem>>)
    %add3A_1815 = arith.constant 0 : i32
    %add3A_1816 = arith.addi %add3A_1815, %mul3A_2 : i32
    %add3A_1817 = arith.constant 1 : i32
    %add3A_1818 = arith.addi %add3A_1816, %add3A_1817 : i32
    %mul3A_1819 = arith.constant 1024 : i32
    %mul3A_1820 = arith.muli %add3A_1818, %mul3A_1819 : i32
    %add3A_1821 = arith.constant 128 : i32
    %add3A_1822 = arith.addi %add3A_1821, %mul3A_2 : i32
    %add3A_1823 = arith.constant 1 : i32
    %add3A_1824 = arith.addi %add3A_1822, %add3A_1823 : i32
    %mul3A_1825 = arith.constant 1024 : i32
    %mul3A_1826 = arith.muli %add3A_1824, %mul3A_1825 : i32
    %add3A_1827 = arith.constant 256 : i32
    %add3A_1828 = arith.addi %add3A_1827, %mul3A_2 : i32
    %add3A_1829 = arith.constant 1 : i32
    %add3A_1830 = arith.addi %add3A_1828, %add3A_1829 : i32
    %mul3A_1831 = arith.constant 1024 : i32
    %mul3A_1832 = arith.muli %add3A_1830, %mul3A_1831 : i32
    %add3A_1833 = arith.constant 384 : i32
    %add3A_1834 = arith.addi %add3A_1833, %mul3A_2 : i32
    %add3A_1835 = arith.constant 1 : i32
    %add3A_1836 = arith.addi %add3A_1834, %add3A_1835 : i32
    %mul3A_1837 = arith.constant 1024 : i32
    %mul3A_1838 = arith.muli %add3A_1836, %mul3A_1837 : i32
    %add3A_1839 = arith.constant 512 : i32
    %add3A_1840 = arith.addi %add3A_1839, %mul3A_2 : i32
    %add3A_1841 = arith.constant 1 : i32
    %add3A_1842 = arith.addi %add3A_1840, %add3A_1841 : i32
    %mul3A_1843 = arith.constant 1024 : i32
    %mul3A_1844 = arith.muli %add3A_1842, %mul3A_1843 : i32
    %add3A_1845 = arith.constant 640 : i32
    %add3A_1846 = arith.addi %add3A_1845, %mul3A_2 : i32
    %add3A_1847 = arith.constant 1 : i32
    %add3A_1848 = arith.addi %add3A_1846, %add3A_1847 : i32
    %mul3A_1849 = arith.constant 1024 : i32
    %mul3A_1850 = arith.muli %add3A_1848, %mul3A_1849 : i32
    %add3A_1851 = arith.constant 768 : i32
    %add3A_1852 = arith.addi %add3A_1851, %mul3A_2 : i32
    %add3A_1853 = arith.constant 1 : i32
    %add3A_1854 = arith.addi %add3A_1852, %add3A_1853 : i32
    %mul3A_1855 = arith.constant 1024 : i32
    %mul3A_1856 = arith.muli %add3A_1854, %mul3A_1855 : i32
    %add3A_1857 = arith.constant 896 : i32
    %add3A_1858 = arith.addi %add3A_1857, %mul3A_2 : i32
    %add3A_1859 = arith.constant 1 : i32
    %add3A_1860 = arith.addi %add3A_1858, %add3A_1859 : i32
    %mul3A_1861 = arith.constant 1024 : i32
    %mul3A_1862 = arith.muli %add3A_1860, %mul3A_1861 : i32
    %add3A_1863 = arith.constant 1024 : i32
    %add3A_1864 = arith.addi %add3A_1863, %mul3A_2 : i32
    %add3A_1865 = arith.constant 1 : i32
    %add3A_1866 = arith.addi %add3A_1864, %add3A_1865 : i32
    %mul3A_1867 = arith.constant 1024 : i32
    %mul3A_1868 = arith.muli %add3A_1866, %mul3A_1867 : i32
    %add3A_1869 = arith.constant 1152 : i32
    %add3A_1870 = arith.addi %add3A_1869, %mul3A_2 : i32
    %add3A_1871 = arith.constant 1 : i32
    %add3A_1872 = arith.addi %add3A_1870, %add3A_1871 : i32
    %mul3A_1873 = arith.constant 1024 : i32
    %mul3A_1874 = arith.muli %add3A_1872, %mul3A_1873 : i32
    %add3A_1875 = arith.constant 1280 : i32
    %add3A_1876 = arith.addi %add3A_1875, %mul3A_2 : i32
    %add3A_1877 = arith.constant 1 : i32
    %add3A_1878 = arith.addi %add3A_1876, %add3A_1877 : i32
    %mul3A_1879 = arith.constant 1024 : i32
    %mul3A_1880 = arith.muli %add3A_1878, %mul3A_1879 : i32
    %add3A_1881 = arith.constant 1408 : i32
    %add3A_1882 = arith.addi %add3A_1881, %mul3A_2 : i32
    %add3A_1883 = arith.constant 1 : i32
    %add3A_1884 = arith.addi %add3A_1882, %add3A_1883 : i32
    %mul3A_1885 = arith.constant 1024 : i32
    %mul3A_1886 = arith.muli %add3A_1884, %mul3A_1885 : i32
    %add3A_1887 = arith.constant 1536 : i32
    %add3A_1888 = arith.addi %add3A_1887, %mul3A_2 : i32
    %add3A_1889 = arith.constant 1 : i32
    %add3A_1890 = arith.addi %add3A_1888, %add3A_1889 : i32
    %mul3A_1891 = arith.constant 1024 : i32
    %mul3A_1892 = arith.muli %add3A_1890, %mul3A_1891 : i32
    %add3A_1893 = arith.constant 1664 : i32
    %add3A_1894 = arith.addi %add3A_1893, %mul3A_2 : i32
    %add3A_1895 = arith.constant 1 : i32
    %add3A_1896 = arith.addi %add3A_1894, %add3A_1895 : i32
    %mul3A_1897 = arith.constant 1024 : i32
    %mul3A_1898 = arith.muli %add3A_1896, %mul3A_1897 : i32
    %add3A_1899 = arith.constant 1792 : i32
    %add3A_1900 = arith.addi %add3A_1899, %mul3A_2 : i32
    %add3A_1901 = arith.constant 1 : i32
    %add3A_1902 = arith.addi %add3A_1900, %add3A_1901 : i32
    %mul3A_1903 = arith.constant 1024 : i32
    %mul3A_1904 = arith.muli %add3A_1902, %mul3A_1903 : i32
    %add3A_1905 = arith.constant 1920 : i32
    %add3A_1906 = arith.addi %add3A_1905, %mul3A_2 : i32
    %add3A_1907 = arith.constant 1 : i32
    %add3A_1908 = arith.addi %add3A_1906, %add3A_1907 : i32
    %mul3A_1909 = arith.constant 1024 : i32
    %mul3A_1910 = arith.muli %add3A_1908, %mul3A_1909 : i32
    %add3A_1911 = arith.constant 2048 : i32
    %add3A_1912 = arith.addi %add3A_1911, %mul3A_2 : i32
    %add3A_1913 = arith.constant 1 : i32
    %add3A_1914 = arith.addi %add3A_1912, %add3A_1913 : i32
    %mul3A_1915 = arith.constant 1024 : i32
    %mul3A_1916 = arith.muli %add3A_1914, %mul3A_1915 : i32
    %add3A_1917 = arith.constant 2176 : i32
    %add3A_1918 = arith.addi %add3A_1917, %mul3A_2 : i32
    %add3A_1919 = arith.constant 1 : i32
    %add3A_1920 = arith.addi %add3A_1918, %add3A_1919 : i32
    %mul3A_1921 = arith.constant 1024 : i32
    %mul3A_1922 = arith.muli %add3A_1920, %mul3A_1921 : i32
    %add3A_1923 = arith.constant 2304 : i32
    %add3A_1924 = arith.addi %add3A_1923, %mul3A_2 : i32
    %add3A_1925 = arith.constant 1 : i32
    %add3A_1926 = arith.addi %add3A_1924, %add3A_1925 : i32
    %mul3A_1927 = arith.constant 1024 : i32
    %mul3A_1928 = arith.muli %add3A_1926, %mul3A_1927 : i32
    %add3A_1929 = arith.constant 2432 : i32
    %add3A_1930 = arith.addi %add3A_1929, %mul3A_2 : i32
    %add3A_1931 = arith.constant 1 : i32
    %add3A_1932 = arith.addi %add3A_1930, %add3A_1931 : i32
    %mul3A_1933 = arith.constant 1024 : i32
    %mul3A_1934 = arith.muli %add3A_1932, %mul3A_1933 : i32
    %add3A_1935 = arith.constant 2560 : i32
    %add3A_1936 = arith.addi %add3A_1935, %mul3A_2 : i32
    %add3A_1937 = arith.constant 1 : i32
    %add3A_1938 = arith.addi %add3A_1936, %add3A_1937 : i32
    %mul3A_1939 = arith.constant 1024 : i32
    %mul3A_1940 = arith.muli %add3A_1938, %mul3A_1939 : i32
    %add3A_1941 = arith.constant 2688 : i32
    %add3A_1942 = arith.addi %add3A_1941, %mul3A_2 : i32
    %add3A_1943 = arith.constant 1 : i32
    %add3A_1944 = arith.addi %add3A_1942, %add3A_1943 : i32
    %mul3A_1945 = arith.constant 1024 : i32
    %mul3A_1946 = arith.muli %add3A_1944, %mul3A_1945 : i32
    %add3A_1947 = arith.constant 2816 : i32
    %add3A_1948 = arith.addi %add3A_1947, %mul3A_2 : i32
    %add3A_1949 = arith.constant 1 : i32
    %add3A_1950 = arith.addi %add3A_1948, %add3A_1949 : i32
    %mul3A_1951 = arith.constant 1024 : i32
    %mul3A_1952 = arith.muli %add3A_1950, %mul3A_1951 : i32
    %add3A_1953 = arith.constant 2944 : i32
    %add3A_1954 = arith.addi %add3A_1953, %mul3A_2 : i32
    %add3A_1955 = arith.constant 1 : i32
    %add3A_1956 = arith.addi %add3A_1954, %add3A_1955 : i32
    %mul3A_1957 = arith.constant 1024 : i32
    %mul3A_1958 = arith.muli %add3A_1956, %mul3A_1957 : i32
    %add3A_1959 = arith.constant 3072 : i32
    %add3A_1960 = arith.addi %add3A_1959, %mul3A_2 : i32
    %add3A_1961 = arith.constant 1 : i32
    %add3A_1962 = arith.addi %add3A_1960, %add3A_1961 : i32
    %mul3A_1963 = arith.constant 1024 : i32
    %mul3A_1964 = arith.muli %add3A_1962, %mul3A_1963 : i32
    %add3A_1965 = arith.constant 3200 : i32
    %add3A_1966 = arith.addi %add3A_1965, %mul3A_2 : i32
    %add3A_1967 = arith.constant 1 : i32
    %add3A_1968 = arith.addi %add3A_1966, %add3A_1967 : i32
    %mul3A_1969 = arith.constant 1024 : i32
    %mul3A_1970 = arith.muli %add3A_1968, %mul3A_1969 : i32
    %add3A_1971 = arith.constant 3328 : i32
    %add3A_1972 = arith.addi %add3A_1971, %mul3A_2 : i32
    %add3A_1973 = arith.constant 1 : i32
    %add3A_1974 = arith.addi %add3A_1972, %add3A_1973 : i32
    %mul3A_1975 = arith.constant 1024 : i32
    %mul3A_1976 = arith.muli %add3A_1974, %mul3A_1975 : i32
    %add3A_1977 = arith.constant 3456 : i32
    %add3A_1978 = arith.addi %add3A_1977, %mul3A_2 : i32
    %add3A_1979 = arith.constant 1 : i32
    %add3A_1980 = arith.addi %add3A_1978, %add3A_1979 : i32
    %mul3A_1981 = arith.constant 1024 : i32
    %mul3A_1982 = arith.muli %add3A_1980, %mul3A_1981 : i32
    %add3A_1983 = arith.constant 3584 : i32
    %add3A_1984 = arith.addi %add3A_1983, %mul3A_2 : i32
    %add3A_1985 = arith.constant 1 : i32
    %add3A_1986 = arith.addi %add3A_1984, %add3A_1985 : i32
    %mul3A_1987 = arith.constant 1024 : i32
    %mul3A_1988 = arith.muli %add3A_1986, %mul3A_1987 : i32
    %add3A_1989 = arith.constant 3712 : i32
    %add3A_1990 = arith.addi %add3A_1989, %mul3A_2 : i32
    %add3A_1991 = arith.constant 1 : i32
    %add3A_1992 = arith.addi %add3A_1990, %add3A_1991 : i32
    %mul3A_1993 = arith.constant 1024 : i32
    %mul3A_1994 = arith.muli %add3A_1992, %mul3A_1993 : i32
    %add3A_1995 = arith.constant 3840 : i32
    %add3A_1996 = arith.addi %add3A_1995, %mul3A_2 : i32
    %add3A_1997 = arith.constant 1 : i32
    %add3A_1998 = arith.addi %add3A_1996, %add3A_1997 : i32
    %mul3A_1999 = arith.constant 1024 : i32
    %mul3A_2000 = arith.muli %add3A_1998, %mul3A_1999 : i32
    %add3A_2001 = arith.constant 3968 : i32
    %add3A_2002 = arith.addi %add3A_2001, %mul3A_2 : i32
    %add3A_2003 = arith.constant 1 : i32
    %add3A_2004 = arith.addi %add3A_2002, %add3A_2003 : i32
    %mul3A_2005 = arith.constant 1024 : i32
    %mul3A_2006 = arith.muli %add3A_2004, %mul3A_2005 : i32
    %dma_wait3A_2007 = arith.constant 0 : i32
    %dma_wait3A_2008 = tpu.memref_slice %arg11[%dma_wait3A_2007] : memref<32768xf32, #tpu.memory_space<vmem>> -> memref<1024xf32, #tpu.memory_space<vmem>>
    %dma_wait3A_2009 = tpu.memref_slice %arg5[%mul3A_1820] : memref<4194304xf32, #tpu.memory_space<hbm>> -> memref<1024xf32, #tpu.memory_space<hbm>>
    %dma_wait3A_2010 = tpu.memref_slice %arg5[%mul3A_1820] : memref<4194304xf32, #tpu.memory_space<hbm>> -> memref<1024xf32, #tpu.memory_space<hbm>>
    %dma_wait3A_2011 = arith.constant 0 : i32
    %dma_wait3A_2012 = tpu.memref_slice %arg11[%dma_wait3A_2011] : memref<32768xf32, #tpu.memory_space<vmem>> -> memref<1024xf32, #tpu.memory_space<vmem>>
    tpu.wait_dma2 semaphore(%arg16 : memref<!tpu.dma_semaphore, #tpu.memory_space<semaphore_mem>>) src(%dma_wait3A_2012 : memref<1024xf32, #tpu.memory_space<vmem>>) dst(%dma_wait3A_2010 : memref<1024xf32, #tpu.memory_space<hbm>>)
    %dma_wait3A_2013 = arith.constant 1024 : i32
    %dma_wait3A_2014 = tpu.memref_slice %arg11[%dma_wait3A_2013] : memref<32768xf32, #tpu.memory_space<vmem>> -> memref<1024xf32, #tpu.memory_space<vmem>>
    %dma_wait3A_2015 = tpu.memref_slice %arg5[%mul3A_1826] : memref<4194304xf32, #tpu.memory_space<hbm>> -> memref<1024xf32, #tpu.memory_space<hbm>>
    %dma_wait3A_2016 = tpu.memref_slice %arg5[%mul3A_1826] : memref<4194304xf32, #tpu.memory_space<hbm>> -> memref<1024xf32, #tpu.memory_space<hbm>>
    %dma_wait3A_2017 = arith.constant 1024 : i32
    %dma_wait3A_2018 = tpu.memref_slice %arg11[%dma_wait3A_2017] : memref<32768xf32, #tpu.memory_space<vmem>> -> memref<1024xf32, #tpu.memory_space<vmem>>
    tpu.wait_dma2 semaphore(%arg16 : memref<!tpu.dma_semaphore, #tpu.memory_space<semaphore_mem>>) src(%dma_wait3A_2018 : memref<1024xf32, #tpu.memory_space<vmem>>) dst(%dma_wait3A_2016 : memref<1024xf32, #tpu.memory_space<hbm>>)
    %dma_wait3A_2019 = arith.constant 2048 : i32
    %dma_wait3A_2020 = tpu.memref_slice %arg11[%dma_wait3A_2019] : memref<32768xf32, #tpu.memory_space<vmem>> -> memref<1024xf32, #tpu.memory_space<vmem>>
    %dma_wait3A_2021 = tpu.memref_slice %arg5[%mul3A_1832] : memref<4194304xf32, #tpu.memory_space<hbm>> -> memref<1024xf32, #tpu.memory_space<hbm>>
    %dma_wait3A_2022 = tpu.memref_slice %arg5[%mul3A_1832] : memref<4194304xf32, #tpu.memory_space<hbm>> -> memref<1024xf32, #tpu.memory_space<hbm>>
    %dma_wait3A_2023 = arith.constant 2048 : i32
    %dma_wait3A_2024 = tpu.memref_slice %arg11[%dma_wait3A_2023] : memref<32768xf32, #tpu.memory_space<vmem>> -> memref<1024xf32, #tpu.memory_space<vmem>>
    tpu.wait_dma2 semaphore(%arg16 : memref<!tpu.dma_semaphore, #tpu.memory_space<semaphore_mem>>) src(%dma_wait3A_2024 : memref<1024xf32, #tpu.memory_space<vmem>>) dst(%dma_wait3A_2022 : memref<1024xf32, #tpu.memory_space<hbm>>)
    %dma_wait3A_2025 = arith.constant 3072 : i32
    %dma_wait3A_2026 = tpu.memref_slice %arg11[%dma_wait3A_2025] : memref<32768xf32, #tpu.memory_space<vmem>> -> memref<1024xf32, #tpu.memory_space<vmem>>
    %dma_wait3A_2027 = tpu.memref_slice %arg5[%mul3A_1838] : memref<4194304xf32, #tpu.memory_space<hbm>> -> memref<1024xf32, #tpu.memory_space<hbm>>
    %dma_wait3A_2028 = tpu.memref_slice %arg5[%mul3A_1838] : memref<4194304xf32, #tpu.memory_space<hbm>> -> memref<1024xf32, #tpu.memory_space<hbm>>
    %dma_wait3A_2029 = arith.constant 3072 : i32
    %dma_wait3A_2030 = tpu.memref_slice %arg11[%dma_wait3A_2029] : memref<32768xf32, #tpu.memory_space<vmem>> -> memref<1024xf32, #tpu.memory_space<vmem>>
    tpu.wait_dma2 semaphore(%arg16 : memref<!tpu.dma_semaphore, #tpu.memory_space<semaphore_mem>>) src(%dma_wait3A_2030 : memref<1024xf32, #tpu.memory_space<vmem>>) dst(%dma_wait3A_2028 : memref<1024xf32, #tpu.memory_space<hbm>>)
    %dma_wait3A_2031 = arith.constant 4096 : i32
    %dma_wait3A_2032 = tpu.memref_slice %arg11[%dma_wait3A_2031] : memref<32768xf32, #tpu.memory_space<vmem>> -> memref<1024xf32, #tpu.memory_space<vmem>>
    %dma_wait3A_2033 = tpu.memref_slice %arg5[%mul3A_1844] : memref<4194304xf32, #tpu.memory_space<hbm>> -> memref<1024xf32, #tpu.memory_space<hbm>>
    %dma_wait3A_2034 = tpu.memref_slice %arg5[%mul3A_1844] : memref<4194304xf32, #tpu.memory_space<hbm>> -> memref<1024xf32, #tpu.memory_space<hbm>>
    %dma_wait3A_2035 = arith.constant 4096 : i32
    %dma_wait3A_2036 = tpu.memref_slice %arg11[%dma_wait3A_2035] : memref<32768xf32, #tpu.memory_space<vmem>> -> memref<1024xf32, #tpu.memory_space<vmem>>
    tpu.wait_dma2 semaphore(%arg16 : memref<!tpu.dma_semaphore, #tpu.memory_space<semaphore_mem>>) src(%dma_wait3A_2036 : memref<1024xf32, #tpu.memory_space<vmem>>) dst(%dma_wait3A_2034 : memref<1024xf32, #tpu.memory_space<hbm>>)
    %dma_wait3A_2037 = arith.constant 5120 : i32
    %dma_wait3A_2038 = tpu.memref_slice %arg11[%dma_wait3A_2037] : memref<32768xf32, #tpu.memory_space<vmem>> -> memref<1024xf32, #tpu.memory_space<vmem>>
    %dma_wait3A_2039 = tpu.memref_slice %arg5[%mul3A_1850] : memref<4194304xf32, #tpu.memory_space<hbm>> -> memref<1024xf32, #tpu.memory_space<hbm>>
    %dma_wait3A_2040 = tpu.memref_slice %arg5[%mul3A_1850] : memref<4194304xf32, #tpu.memory_space<hbm>> -> memref<1024xf32, #tpu.memory_space<hbm>>
    %dma_wait3A_2041 = arith.constant 5120 : i32
    %dma_wait3A_2042 = tpu.memref_slice %arg11[%dma_wait3A_2041] : memref<32768xf32, #tpu.memory_space<vmem>> -> memref<1024xf32, #tpu.memory_space<vmem>>
    tpu.wait_dma2 semaphore(%arg16 : memref<!tpu.dma_semaphore, #tpu.memory_space<semaphore_mem>>) src(%dma_wait3A_2042 : memref<1024xf32, #tpu.memory_space<vmem>>) dst(%dma_wait3A_2040 : memref<1024xf32, #tpu.memory_space<hbm>>)
    %dma_wait3A_2043 = arith.constant 6144 : i32
    %dma_wait3A_2044 = tpu.memref_slice %arg11[%dma_wait3A_2043] : memref<32768xf32, #tpu.memory_space<vmem>> -> memref<1024xf32, #tpu.memory_space<vmem>>
    %dma_wait3A_2045 = tpu.memref_slice %arg5[%mul3A_1856] : memref<4194304xf32, #tpu.memory_space<hbm>> -> memref<1024xf32, #tpu.memory_space<hbm>>
    %dma_wait3A_2046 = tpu.memref_slice %arg5[%mul3A_1856] : memref<4194304xf32, #tpu.memory_space<hbm>> -> memref<1024xf32, #tpu.memory_space<hbm>>
    %dma_wait3A_2047 = arith.constant 6144 : i32
    %dma_wait3A_2048 = tpu.memref_slice %arg11[%dma_wait3A_2047] : memref<32768xf32, #tpu.memory_space<vmem>> -> memref<1024xf32, #tpu.memory_space<vmem>>
    tpu.wait_dma2 semaphore(%arg16 : memref<!tpu.dma_semaphore, #tpu.memory_space<semaphore_mem>>) src(%dma_wait3A_2048 : memref<1024xf32, #tpu.memory_space<vmem>>) dst(%dma_wait3A_2046 : memref<1024xf32, #tpu.memory_space<hbm>>)
    %dma_wait3A_2049 = arith.constant 7168 : i32
    %dma_wait3A_2050 = tpu.memref_slice %arg11[%dma_wait3A_2049] : memref<32768xf32, #tpu.memory_space<vmem>> -> memref<1024xf32, #tpu.memory_space<vmem>>
    %dma_wait3A_2051 = tpu.memref_slice %arg5[%mul3A_1862] : memref<4194304xf32, #tpu.memory_space<hbm>> -> memref<1024xf32, #tpu.memory_space<hbm>>
    %dma_wait3A_2052 = tpu.memref_slice %arg5[%mul3A_1862] : memref<4194304xf32, #tpu.memory_space<hbm>> -> memref<1024xf32, #tpu.memory_space<hbm>>
    %dma_wait3A_2053 = arith.constant 7168 : i32
    %dma_wait3A_2054 = tpu.memref_slice %arg11[%dma_wait3A_2053] : memref<32768xf32, #tpu.memory_space<vmem>> -> memref<1024xf32, #tpu.memory_space<vmem>>
    tpu.wait_dma2 semaphore(%arg16 : memref<!tpu.dma_semaphore, #tpu.memory_space<semaphore_mem>>) src(%dma_wait3A_2054 : memref<1024xf32, #tpu.memory_space<vmem>>) dst(%dma_wait3A_2052 : memref<1024xf32, #tpu.memory_space<hbm>>)
    %dma_wait3A_2055 = arith.constant 8192 : i32
    %dma_wait3A_2056 = tpu.memref_slice %arg11[%dma_wait3A_2055] : memref<32768xf32, #tpu.memory_space<vmem>> -> memref<1024xf32, #tpu.memory_space<vmem>>
    %dma_wait3A_2057 = tpu.memref_slice %arg5[%mul3A_1868] : memref<4194304xf32, #tpu.memory_space<hbm>> -> memref<1024xf32, #tpu.memory_space<hbm>>
    %dma_wait3A_2058 = tpu.memref_slice %arg5[%mul3A_1868] : memref<4194304xf32, #tpu.memory_space<hbm>> -> memref<1024xf32, #tpu.memory_space<hbm>>
    %dma_wait3A_2059 = arith.constant 8192 : i32
    %dma_wait3A_2060 = tpu.memref_slice %arg11[%dma_wait3A_2059] : memref<32768xf32, #tpu.memory_space<vmem>> -> memref<1024xf32, #tpu.memory_space<vmem>>
    tpu.wait_dma2 semaphore(%arg16 : memref<!tpu.dma_semaphore, #tpu.memory_space<semaphore_mem>>) src(%dma_wait3A_2060 : memref<1024xf32, #tpu.memory_space<vmem>>) dst(%dma_wait3A_2058 : memref<1024xf32, #tpu.memory_space<hbm>>)
    %dma_wait3A_2061 = arith.constant 9216 : i32
    %dma_wait3A_2062 = tpu.memref_slice %arg11[%dma_wait3A_2061] : memref<32768xf32, #tpu.memory_space<vmem>> -> memref<1024xf32, #tpu.memory_space<vmem>>
    %dma_wait3A_2063 = tpu.memref_slice %arg5[%mul3A_1874] : memref<4194304xf32, #tpu.memory_space<hbm>> -> memref<1024xf32, #tpu.memory_space<hbm>>
    %dma_wait3A_2064 = tpu.memref_slice %arg5[%mul3A_1874] : memref<4194304xf32, #tpu.memory_space<hbm>> -> memref<1024xf32, #tpu.memory_space<hbm>>
    %dma_wait3A_2065 = arith.constant 9216 : i32
    %dma_wait3A_2066 = tpu.memref_slice %arg11[%dma_wait3A_2065] : memref<32768xf32, #tpu.memory_space<vmem>> -> memref<1024xf32, #tpu.memory_space<vmem>>
    tpu.wait_dma2 semaphore(%arg16 : memref<!tpu.dma_semaphore, #tpu.memory_space<semaphore_mem>>) src(%dma_wait3A_2066 : memref<1024xf32, #tpu.memory_space<vmem>>) dst(%dma_wait3A_2064 : memref<1024xf32, #tpu.memory_space<hbm>>)
    %dma_wait3A_2067 = arith.constant 10240 : i32
    %dma_wait3A_2068 = tpu.memref_slice %arg11[%dma_wait3A_2067] : memref<32768xf32, #tpu.memory_space<vmem>> -> memref<1024xf32, #tpu.memory_space<vmem>>
    %dma_wait3A_2069 = tpu.memref_slice %arg5[%mul3A_1880] : memref<4194304xf32, #tpu.memory_space<hbm>> -> memref<1024xf32, #tpu.memory_space<hbm>>
    %dma_wait3A_2070 = tpu.memref_slice %arg5[%mul3A_1880] : memref<4194304xf32, #tpu.memory_space<hbm>> -> memref<1024xf32, #tpu.memory_space<hbm>>
    %dma_wait3A_2071 = arith.constant 10240 : i32
    %dma_wait3A_2072 = tpu.memref_slice %arg11[%dma_wait3A_2071] : memref<32768xf32, #tpu.memory_space<vmem>> -> memref<1024xf32, #tpu.memory_space<vmem>>
    tpu.wait_dma2 semaphore(%arg16 : memref<!tpu.dma_semaphore, #tpu.memory_space<semaphore_mem>>) src(%dma_wait3A_2072 : memref<1024xf32, #tpu.memory_space<vmem>>) dst(%dma_wait3A_2070 : memref<1024xf32, #tpu.memory_space<hbm>>)
    %dma_wait3A_2073 = arith.constant 11264 : i32
    %dma_wait3A_2074 = tpu.memref_slice %arg11[%dma_wait3A_2073] : memref<32768xf32, #tpu.memory_space<vmem>> -> memref<1024xf32, #tpu.memory_space<vmem>>
    %dma_wait3A_2075 = tpu.memref_slice %arg5[%mul3A_1886] : memref<4194304xf32, #tpu.memory_space<hbm>> -> memref<1024xf32, #tpu.memory_space<hbm>>
    %dma_wait3A_2076 = tpu.memref_slice %arg5[%mul3A_1886] : memref<4194304xf32, #tpu.memory_space<hbm>> -> memref<1024xf32, #tpu.memory_space<hbm>>
    %dma_wait3A_2077 = arith.constant 11264 : i32
    %dma_wait3A_2078 = tpu.memref_slice %arg11[%dma_wait3A_2077] : memref<32768xf32, #tpu.memory_space<vmem>> -> memref<1024xf32, #tpu.memory_space<vmem>>
    tpu.wait_dma2 semaphore(%arg16 : memref<!tpu.dma_semaphore, #tpu.memory_space<semaphore_mem>>) src(%dma_wait3A_2078 : memref<1024xf32, #tpu.memory_space<vmem>>) dst(%dma_wait3A_2076 : memref<1024xf32, #tpu.memory_space<hbm>>)
    %dma_wait3A_2079 = arith.constant 12288 : i32
    %dma_wait3A_2080 = tpu.memref_slice %arg11[%dma_wait3A_2079] : memref<32768xf32, #tpu.memory_space<vmem>> -> memref<1024xf32, #tpu.memory_space<vmem>>
    %dma_wait3A_2081 = tpu.memref_slice %arg5[%mul3A_1892] : memref<4194304xf32, #tpu.memory_space<hbm>> -> memref<1024xf32, #tpu.memory_space<hbm>>
    %dma_wait3A_2082 = tpu.memref_slice %arg5[%mul3A_1892] : memref<4194304xf32, #tpu.memory_space<hbm>> -> memref<1024xf32, #tpu.memory_space<hbm>>
    %dma_wait3A_2083 = arith.constant 12288 : i32
    %dma_wait3A_2084 = tpu.memref_slice %arg11[%dma_wait3A_2083] : memref<32768xf32, #tpu.memory_space<vmem>> -> memref<1024xf32, #tpu.memory_space<vmem>>
    tpu.wait_dma2 semaphore(%arg16 : memref<!tpu.dma_semaphore, #tpu.memory_space<semaphore_mem>>) src(%dma_wait3A_2084 : memref<1024xf32, #tpu.memory_space<vmem>>) dst(%dma_wait3A_2082 : memref<1024xf32, #tpu.memory_space<hbm>>)
    %dma_wait3A_2085 = arith.constant 13312 : i32
    %dma_wait3A_2086 = tpu.memref_slice %arg11[%dma_wait3A_2085] : memref<32768xf32, #tpu.memory_space<vmem>> -> memref<1024xf32, #tpu.memory_space<vmem>>
    %dma_wait3A_2087 = tpu.memref_slice %arg5[%mul3A_1898] : memref<4194304xf32, #tpu.memory_space<hbm>> -> memref<1024xf32, #tpu.memory_space<hbm>>
    %dma_wait3A_2088 = tpu.memref_slice %arg5[%mul3A_1898] : memref<4194304xf32, #tpu.memory_space<hbm>> -> memref<1024xf32, #tpu.memory_space<hbm>>
    %dma_wait3A_2089 = arith.constant 13312 : i32
    %dma_wait3A_2090 = tpu.memref_slice %arg11[%dma_wait3A_2089] : memref<32768xf32, #tpu.memory_space<vmem>> -> memref<1024xf32, #tpu.memory_space<vmem>>
    tpu.wait_dma2 semaphore(%arg16 : memref<!tpu.dma_semaphore, #tpu.memory_space<semaphore_mem>>) src(%dma_wait3A_2090 : memref<1024xf32, #tpu.memory_space<vmem>>) dst(%dma_wait3A_2088 : memref<1024xf32, #tpu.memory_space<hbm>>)
    %dma_wait3A_2091 = arith.constant 14336 : i32
    %dma_wait3A_2092 = tpu.memref_slice %arg11[%dma_wait3A_2091] : memref<32768xf32, #tpu.memory_space<vmem>> -> memref<1024xf32, #tpu.memory_space<vmem>>
    %dma_wait3A_2093 = tpu.memref_slice %arg5[%mul3A_1904] : memref<4194304xf32, #tpu.memory_space<hbm>> -> memref<1024xf32, #tpu.memory_space<hbm>>
    %dma_wait3A_2094 = tpu.memref_slice %arg5[%mul3A_1904] : memref<4194304xf32, #tpu.memory_space<hbm>> -> memref<1024xf32, #tpu.memory_space<hbm>>
    %dma_wait3A_2095 = arith.constant 14336 : i32
    %dma_wait3A_2096 = tpu.memref_slice %arg11[%dma_wait3A_2095] : memref<32768xf32, #tpu.memory_space<vmem>> -> memref<1024xf32, #tpu.memory_space<vmem>>
    tpu.wait_dma2 semaphore(%arg16 : memref<!tpu.dma_semaphore, #tpu.memory_space<semaphore_mem>>) src(%dma_wait3A_2096 : memref<1024xf32, #tpu.memory_space<vmem>>) dst(%dma_wait3A_2094 : memref<1024xf32, #tpu.memory_space<hbm>>)
    %dma_wait3A_2097 = arith.constant 15360 : i32
    %dma_wait3A_2098 = tpu.memref_slice %arg11[%dma_wait3A_2097] : memref<32768xf32, #tpu.memory_space<vmem>> -> memref<1024xf32, #tpu.memory_space<vmem>>
    %dma_wait3A_2099 = tpu.memref_slice %arg5[%mul3A_1910] : memref<4194304xf32, #tpu.memory_space<hbm>> -> memref<1024xf32, #tpu.memory_space<hbm>>
    %dma_wait3A_2100 = tpu.memref_slice %arg5[%mul3A_1910] : memref<4194304xf32, #tpu.memory_space<hbm>> -> memref<1024xf32, #tpu.memory_space<hbm>>
    %dma_wait3A_2101 = arith.constant 15360 : i32
    %dma_wait3A_2102 = tpu.memref_slice %arg11[%dma_wait3A_2101] : memref<32768xf32, #tpu.memory_space<vmem>> -> memref<1024xf32, #tpu.memory_space<vmem>>
    tpu.wait_dma2 semaphore(%arg16 : memref<!tpu.dma_semaphore, #tpu.memory_space<semaphore_mem>>) src(%dma_wait3A_2102 : memref<1024xf32, #tpu.memory_space<vmem>>) dst(%dma_wait3A_2100 : memref<1024xf32, #tpu.memory_space<hbm>>)
    %dma_wait3A_2103 = arith.constant 16384 : i32
    %dma_wait3A_2104 = tpu.memref_slice %arg11[%dma_wait3A_2103] : memref<32768xf32, #tpu.memory_space<vmem>> -> memref<1024xf32, #tpu.memory_space<vmem>>
    %dma_wait3A_2105 = tpu.memref_slice %arg5[%mul3A_1916] : memref<4194304xf32, #tpu.memory_space<hbm>> -> memref<1024xf32, #tpu.memory_space<hbm>>
    %dma_wait3A_2106 = tpu.memref_slice %arg5[%mul3A_1916] : memref<4194304xf32, #tpu.memory_space<hbm>> -> memref<1024xf32, #tpu.memory_space<hbm>>
    %dma_wait3A_2107 = arith.constant 16384 : i32
    %dma_wait3A_2108 = tpu.memref_slice %arg11[%dma_wait3A_2107] : memref<32768xf32, #tpu.memory_space<vmem>> -> memref<1024xf32, #tpu.memory_space<vmem>>
    tpu.wait_dma2 semaphore(%arg16 : memref<!tpu.dma_semaphore, #tpu.memory_space<semaphore_mem>>) src(%dma_wait3A_2108 : memref<1024xf32, #tpu.memory_space<vmem>>) dst(%dma_wait3A_2106 : memref<1024xf32, #tpu.memory_space<hbm>>)
    %dma_wait3A_2109 = arith.constant 17408 : i32
    %dma_wait3A_2110 = tpu.memref_slice %arg11[%dma_wait3A_2109] : memref<32768xf32, #tpu.memory_space<vmem>> -> memref<1024xf32, #tpu.memory_space<vmem>>
    %dma_wait3A_2111 = tpu.memref_slice %arg5[%mul3A_1922] : memref<4194304xf32, #tpu.memory_space<hbm>> -> memref<1024xf32, #tpu.memory_space<hbm>>
    %dma_wait3A_2112 = tpu.memref_slice %arg5[%mul3A_1922] : memref<4194304xf32, #tpu.memory_space<hbm>> -> memref<1024xf32, #tpu.memory_space<hbm>>
    %dma_wait3A_2113 = arith.constant 17408 : i32
    %dma_wait3A_2114 = tpu.memref_slice %arg11[%dma_wait3A_2113] : memref<32768xf32, #tpu.memory_space<vmem>> -> memref<1024xf32, #tpu.memory_space<vmem>>
    tpu.wait_dma2 semaphore(%arg16 : memref<!tpu.dma_semaphore, #tpu.memory_space<semaphore_mem>>) src(%dma_wait3A_2114 : memref<1024xf32, #tpu.memory_space<vmem>>) dst(%dma_wait3A_2112 : memref<1024xf32, #tpu.memory_space<hbm>>)
    %dma_wait3A_2115 = arith.constant 18432 : i32
    %dma_wait3A_2116 = tpu.memref_slice %arg11[%dma_wait3A_2115] : memref<32768xf32, #tpu.memory_space<vmem>> -> memref<1024xf32, #tpu.memory_space<vmem>>
    %dma_wait3A_2117 = tpu.memref_slice %arg5[%mul3A_1928] : memref<4194304xf32, #tpu.memory_space<hbm>> -> memref<1024xf32, #tpu.memory_space<hbm>>
    %dma_wait3A_2118 = tpu.memref_slice %arg5[%mul3A_1928] : memref<4194304xf32, #tpu.memory_space<hbm>> -> memref<1024xf32, #tpu.memory_space<hbm>>
    %dma_wait3A_2119 = arith.constant 18432 : i32
    %dma_wait3A_2120 = tpu.memref_slice %arg11[%dma_wait3A_2119] : memref<32768xf32, #tpu.memory_space<vmem>> -> memref<1024xf32, #tpu.memory_space<vmem>>
    tpu.wait_dma2 semaphore(%arg16 : memref<!tpu.dma_semaphore, #tpu.memory_space<semaphore_mem>>) src(%dma_wait3A_2120 : memref<1024xf32, #tpu.memory_space<vmem>>) dst(%dma_wait3A_2118 : memref<1024xf32, #tpu.memory_space<hbm>>)
    %dma_wait3A_2121 = arith.constant 19456 : i32
    %dma_wait3A_2122 = tpu.memref_slice %arg11[%dma_wait3A_2121] : memref<32768xf32, #tpu.memory_space<vmem>> -> memref<1024xf32, #tpu.memory_space<vmem>>
    %dma_wait3A_2123 = tpu.memref_slice %arg5[%mul3A_1934] : memref<4194304xf32, #tpu.memory_space<hbm>> -> memref<1024xf32, #tpu.memory_space<hbm>>
    %dma_wait3A_2124 = tpu.memref_slice %arg5[%mul3A_1934] : memref<4194304xf32, #tpu.memory_space<hbm>> -> memref<1024xf32, #tpu.memory_space<hbm>>
    %dma_wait3A_2125 = arith.constant 19456 : i32
    %dma_wait3A_2126 = tpu.memref_slice %arg11[%dma_wait3A_2125] : memref<32768xf32, #tpu.memory_space<vmem>> -> memref<1024xf32, #tpu.memory_space<vmem>>
    tpu.wait_dma2 semaphore(%arg16 : memref<!tpu.dma_semaphore, #tpu.memory_space<semaphore_mem>>) src(%dma_wait3A_2126 : memref<1024xf32, #tpu.memory_space<vmem>>) dst(%dma_wait3A_2124 : memref<1024xf32, #tpu.memory_space<hbm>>)
    %dma_wait3A_2127 = arith.constant 20480 : i32
    %dma_wait3A_2128 = tpu.memref_slice %arg11[%dma_wait3A_2127] : memref<32768xf32, #tpu.memory_space<vmem>> -> memref<1024xf32, #tpu.memory_space<vmem>>
    %dma_wait3A_2129 = tpu.memref_slice %arg5[%mul3A_1940] : memref<4194304xf32, #tpu.memory_space<hbm>> -> memref<1024xf32, #tpu.memory_space<hbm>>
    %dma_wait3A_2130 = tpu.memref_slice %arg5[%mul3A_1940] : memref<4194304xf32, #tpu.memory_space<hbm>> -> memref<1024xf32, #tpu.memory_space<hbm>>
    %dma_wait3A_2131 = arith.constant 20480 : i32
    %dma_wait3A_2132 = tpu.memref_slice %arg11[%dma_wait3A_2131] : memref<32768xf32, #tpu.memory_space<vmem>> -> memref<1024xf32, #tpu.memory_space<vmem>>
    tpu.wait_dma2 semaphore(%arg16 : memref<!tpu.dma_semaphore, #tpu.memory_space<semaphore_mem>>) src(%dma_wait3A_2132 : memref<1024xf32, #tpu.memory_space<vmem>>) dst(%dma_wait3A_2130 : memref<1024xf32, #tpu.memory_space<hbm>>)
    %dma_wait3A_2133 = arith.constant 21504 : i32
    %dma_wait3A_2134 = tpu.memref_slice %arg11[%dma_wait3A_2133] : memref<32768xf32, #tpu.memory_space<vmem>> -> memref<1024xf32, #tpu.memory_space<vmem>>
    %dma_wait3A_2135 = tpu.memref_slice %arg5[%mul3A_1946] : memref<4194304xf32, #tpu.memory_space<hbm>> -> memref<1024xf32, #tpu.memory_space<hbm>>
    %dma_wait3A_2136 = tpu.memref_slice %arg5[%mul3A_1946] : memref<4194304xf32, #tpu.memory_space<hbm>> -> memref<1024xf32, #tpu.memory_space<hbm>>
    %dma_wait3A_2137 = arith.constant 21504 : i32
    %dma_wait3A_2138 = tpu.memref_slice %arg11[%dma_wait3A_2137] : memref<32768xf32, #tpu.memory_space<vmem>> -> memref<1024xf32, #tpu.memory_space<vmem>>
    tpu.wait_dma2 semaphore(%arg16 : memref<!tpu.dma_semaphore, #tpu.memory_space<semaphore_mem>>) src(%dma_wait3A_2138 : memref<1024xf32, #tpu.memory_space<vmem>>) dst(%dma_wait3A_2136 : memref<1024xf32, #tpu.memory_space<hbm>>)
    %dma_wait3A_2139 = arith.constant 22528 : i32
    %dma_wait3A_2140 = tpu.memref_slice %arg11[%dma_wait3A_2139] : memref<32768xf32, #tpu.memory_space<vmem>> -> memref<1024xf32, #tpu.memory_space<vmem>>
    %dma_wait3A_2141 = tpu.memref_slice %arg5[%mul3A_1952] : memref<4194304xf32, #tpu.memory_space<hbm>> -> memref<1024xf32, #tpu.memory_space<hbm>>
    %dma_wait3A_2142 = tpu.memref_slice %arg5[%mul3A_1952] : memref<4194304xf32, #tpu.memory_space<hbm>> -> memref<1024xf32, #tpu.memory_space<hbm>>
    %dma_wait3A_2143 = arith.constant 22528 : i32
    %dma_wait3A_2144 = tpu.memref_slice %arg11[%dma_wait3A_2143] : memref<32768xf32, #tpu.memory_space<vmem>> -> memref<1024xf32, #tpu.memory_space<vmem>>
    tpu.wait_dma2 semaphore(%arg16 : memref<!tpu.dma_semaphore, #tpu.memory_space<semaphore_mem>>) src(%dma_wait3A_2144 : memref<1024xf32, #tpu.memory_space<vmem>>) dst(%dma_wait3A_2142 : memref<1024xf32, #tpu.memory_space<hbm>>)
    %dma_wait3A_2145 = arith.constant 23552 : i32
    %dma_wait3A_2146 = tpu.memref_slice %arg11[%dma_wait3A_2145] : memref<32768xf32, #tpu.memory_space<vmem>> -> memref<1024xf32, #tpu.memory_space<vmem>>
    %dma_wait3A_2147 = tpu.memref_slice %arg5[%mul3A_1958] : memref<4194304xf32, #tpu.memory_space<hbm>> -> memref<1024xf32, #tpu.memory_space<hbm>>
    %dma_wait3A_2148 = tpu.memref_slice %arg5[%mul3A_1958] : memref<4194304xf32, #tpu.memory_space<hbm>> -> memref<1024xf32, #tpu.memory_space<hbm>>
    %dma_wait3A_2149 = arith.constant 23552 : i32
    %dma_wait3A_2150 = tpu.memref_slice %arg11[%dma_wait3A_2149] : memref<32768xf32, #tpu.memory_space<vmem>> -> memref<1024xf32, #tpu.memory_space<vmem>>
    tpu.wait_dma2 semaphore(%arg16 : memref<!tpu.dma_semaphore, #tpu.memory_space<semaphore_mem>>) src(%dma_wait3A_2150 : memref<1024xf32, #tpu.memory_space<vmem>>) dst(%dma_wait3A_2148 : memref<1024xf32, #tpu.memory_space<hbm>>)
    %dma_wait3A_2151 = arith.constant 24576 : i32
    %dma_wait3A_2152 = tpu.memref_slice %arg11[%dma_wait3A_2151] : memref<32768xf32, #tpu.memory_space<vmem>> -> memref<1024xf32, #tpu.memory_space<vmem>>
    %dma_wait3A_2153 = tpu.memref_slice %arg5[%mul3A_1964] : memref<4194304xf32, #tpu.memory_space<hbm>> -> memref<1024xf32, #tpu.memory_space<hbm>>
    %dma_wait3A_2154 = tpu.memref_slice %arg5[%mul3A_1964] : memref<4194304xf32, #tpu.memory_space<hbm>> -> memref<1024xf32, #tpu.memory_space<hbm>>
    %dma_wait3A_2155 = arith.constant 24576 : i32
    %dma_wait3A_2156 = tpu.memref_slice %arg11[%dma_wait3A_2155] : memref<32768xf32, #tpu.memory_space<vmem>> -> memref<1024xf32, #tpu.memory_space<vmem>>
    tpu.wait_dma2 semaphore(%arg16 : memref<!tpu.dma_semaphore, #tpu.memory_space<semaphore_mem>>) src(%dma_wait3A_2156 : memref<1024xf32, #tpu.memory_space<vmem>>) dst(%dma_wait3A_2154 : memref<1024xf32, #tpu.memory_space<hbm>>)
    %dma_wait3A_2157 = arith.constant 25600 : i32
    %dma_wait3A_2158 = tpu.memref_slice %arg11[%dma_wait3A_2157] : memref<32768xf32, #tpu.memory_space<vmem>> -> memref<1024xf32, #tpu.memory_space<vmem>>
    %dma_wait3A_2159 = tpu.memref_slice %arg5[%mul3A_1970] : memref<4194304xf32, #tpu.memory_space<hbm>> -> memref<1024xf32, #tpu.memory_space<hbm>>
    %dma_wait3A_2160 = tpu.memref_slice %arg5[%mul3A_1970] : memref<4194304xf32, #tpu.memory_space<hbm>> -> memref<1024xf32, #tpu.memory_space<hbm>>
    %dma_wait3A_2161 = arith.constant 25600 : i32
    %dma_wait3A_2162 = tpu.memref_slice %arg11[%dma_wait3A_2161] : memref<32768xf32, #tpu.memory_space<vmem>> -> memref<1024xf32, #tpu.memory_space<vmem>>
    tpu.wait_dma2 semaphore(%arg16 : memref<!tpu.dma_semaphore, #tpu.memory_space<semaphore_mem>>) src(%dma_wait3A_2162 : memref<1024xf32, #tpu.memory_space<vmem>>) dst(%dma_wait3A_2160 : memref<1024xf32, #tpu.memory_space<hbm>>)
    %dma_wait3A_2163 = arith.constant 26624 : i32
    %dma_wait3A_2164 = tpu.memref_slice %arg11[%dma_wait3A_2163] : memref<32768xf32, #tpu.memory_space<vmem>> -> memref<1024xf32, #tpu.memory_space<vmem>>
    %dma_wait3A_2165 = tpu.memref_slice %arg5[%mul3A_1976] : memref<4194304xf32, #tpu.memory_space<hbm>> -> memref<1024xf32, #tpu.memory_space<hbm>>
    %dma_wait3A_2166 = tpu.memref_slice %arg5[%mul3A_1976] : memref<4194304xf32, #tpu.memory_space<hbm>> -> memref<1024xf32, #tpu.memory_space<hbm>>
    %dma_wait3A_2167 = arith.constant 26624 : i32
    %dma_wait3A_2168 = tpu.memref_slice %arg11[%dma_wait3A_2167] : memref<32768xf32, #tpu.memory_space<vmem>> -> memref<1024xf32, #tpu.memory_space<vmem>>
    tpu.wait_dma2 semaphore(%arg16 : memref<!tpu.dma_semaphore, #tpu.memory_space<semaphore_mem>>) src(%dma_wait3A_2168 : memref<1024xf32, #tpu.memory_space<vmem>>) dst(%dma_wait3A_2166 : memref<1024xf32, #tpu.memory_space<hbm>>)
    %dma_wait3A_2169 = arith.constant 27648 : i32
    %dma_wait3A_2170 = tpu.memref_slice %arg11[%dma_wait3A_2169] : memref<32768xf32, #tpu.memory_space<vmem>> -> memref<1024xf32, #tpu.memory_space<vmem>>
    %dma_wait3A_2171 = tpu.memref_slice %arg5[%mul3A_1982] : memref<4194304xf32, #tpu.memory_space<hbm>> -> memref<1024xf32, #tpu.memory_space<hbm>>
    %dma_wait3A_2172 = tpu.memref_slice %arg5[%mul3A_1982] : memref<4194304xf32, #tpu.memory_space<hbm>> -> memref<1024xf32, #tpu.memory_space<hbm>>
    %dma_wait3A_2173 = arith.constant 27648 : i32
    %dma_wait3A_2174 = tpu.memref_slice %arg11[%dma_wait3A_2173] : memref<32768xf32, #tpu.memory_space<vmem>> -> memref<1024xf32, #tpu.memory_space<vmem>>
    tpu.wait_dma2 semaphore(%arg16 : memref<!tpu.dma_semaphore, #tpu.memory_space<semaphore_mem>>) src(%dma_wait3A_2174 : memref<1024xf32, #tpu.memory_space<vmem>>) dst(%dma_wait3A_2172 : memref<1024xf32, #tpu.memory_space<hbm>>)
    %dma_wait3A_2175 = arith.constant 28672 : i32
    %dma_wait3A_2176 = tpu.memref_slice %arg11[%dma_wait3A_2175] : memref<32768xf32, #tpu.memory_space<vmem>> -> memref<1024xf32, #tpu.memory_space<vmem>>
    %dma_wait3A_2177 = tpu.memref_slice %arg5[%mul3A_1988] : memref<4194304xf32, #tpu.memory_space<hbm>> -> memref<1024xf32, #tpu.memory_space<hbm>>
    %dma_wait3A_2178 = tpu.memref_slice %arg5[%mul3A_1988] : memref<4194304xf32, #tpu.memory_space<hbm>> -> memref<1024xf32, #tpu.memory_space<hbm>>
    %dma_wait3A_2179 = arith.constant 28672 : i32
    %dma_wait3A_2180 = tpu.memref_slice %arg11[%dma_wait3A_2179] : memref<32768xf32, #tpu.memory_space<vmem>> -> memref<1024xf32, #tpu.memory_space<vmem>>
    tpu.wait_dma2 semaphore(%arg16 : memref<!tpu.dma_semaphore, #tpu.memory_space<semaphore_mem>>) src(%dma_wait3A_2180 : memref<1024xf32, #tpu.memory_space<vmem>>) dst(%dma_wait3A_2178 : memref<1024xf32, #tpu.memory_space<hbm>>)
    %dma_wait3A_2181 = arith.constant 29696 : i32
    %dma_wait3A_2182 = tpu.memref_slice %arg11[%dma_wait3A_2181] : memref<32768xf32, #tpu.memory_space<vmem>> -> memref<1024xf32, #tpu.memory_space<vmem>>
    %dma_wait3A_2183 = tpu.memref_slice %arg5[%mul3A_1994] : memref<4194304xf32, #tpu.memory_space<hbm>> -> memref<1024xf32, #tpu.memory_space<hbm>>
    %dma_wait3A_2184 = tpu.memref_slice %arg5[%mul3A_1994] : memref<4194304xf32, #tpu.memory_space<hbm>> -> memref<1024xf32, #tpu.memory_space<hbm>>
    %dma_wait3A_2185 = arith.constant 29696 : i32
    %dma_wait3A_2186 = tpu.memref_slice %arg11[%dma_wait3A_2185] : memref<32768xf32, #tpu.memory_space<vmem>> -> memref<1024xf32, #tpu.memory_space<vmem>>
    tpu.wait_dma2 semaphore(%arg16 : memref<!tpu.dma_semaphore, #tpu.memory_space<semaphore_mem>>) src(%dma_wait3A_2186 : memref<1024xf32, #tpu.memory_space<vmem>>) dst(%dma_wait3A_2184 : memref<1024xf32, #tpu.memory_space<hbm>>)
    %dma_wait3A_2187 = arith.constant 30720 : i32
    %dma_wait3A_2188 = tpu.memref_slice %arg11[%dma_wait3A_2187] : memref<32768xf32, #tpu.memory_space<vmem>> -> memref<1024xf32, #tpu.memory_space<vmem>>
    %dma_wait3A_2189 = tpu.memref_slice %arg5[%mul3A_2000] : memref<4194304xf32, #tpu.memory_space<hbm>> -> memref<1024xf32, #tpu.memory_space<hbm>>
    %dma_wait3A_2190 = tpu.memref_slice %arg5[%mul3A_2000] : memref<4194304xf32, #tpu.memory_space<hbm>> -> memref<1024xf32, #tpu.memory_space<hbm>>
    %dma_wait3A_2191 = arith.constant 30720 : i32
    %dma_wait3A_2192 = tpu.memref_slice %arg11[%dma_wait3A_2191] : memref<32768xf32, #tpu.memory_space<vmem>> -> memref<1024xf32, #tpu.memory_space<vmem>>
    tpu.wait_dma2 semaphore(%arg16 : memref<!tpu.dma_semaphore, #tpu.memory_space<semaphore_mem>>) src(%dma_wait3A_2192 : memref<1024xf32, #tpu.memory_space<vmem>>) dst(%dma_wait3A_2190 : memref<1024xf32, #tpu.memory_space<hbm>>)
    %dma_wait3A_2193 = arith.constant 31744 : i32
    %dma_wait3A_2194 = tpu.memref_slice %arg11[%dma_wait3A_2193] : memref<32768xf32, #tpu.memory_space<vmem>> -> memref<1024xf32, #tpu.memory_space<vmem>>
    %dma_wait3A_2195 = tpu.memref_slice %arg5[%mul3A_2006] : memref<4194304xf32, #tpu.memory_space<hbm>> -> memref<1024xf32, #tpu.memory_space<hbm>>
    %dma_wait3A_2196 = tpu.memref_slice %arg5[%mul3A_2006] : memref<4194304xf32, #tpu.memory_space<hbm>> -> memref<1024xf32, #tpu.memory_space<hbm>>
    %dma_wait3A_2197 = arith.constant 31744 : i32
    %dma_wait3A_2198 = tpu.memref_slice %arg11[%dma_wait3A_2197] : memref<32768xf32, #tpu.memory_space<vmem>> -> memref<1024xf32, #tpu.memory_space<vmem>>
    tpu.wait_dma2 semaphore(%arg16 : memref<!tpu.dma_semaphore, #tpu.memory_space<semaphore_mem>>) src(%dma_wait3A_2198 : memref<1024xf32, #tpu.memory_space<vmem>>) dst(%dma_wait3A_2196 : memref<1024xf32, #tpu.memory_space<hbm>>)
    %scan3A_2199 = arith.constant 0 : i32
    %scan3A_2200 = arith.constant 0 : i32
    %scan3A_2201 = arith.constant 256 : i32
    %scan3A_2202 = arith.addi %scan3A_2200, %scan3A_2201 : i32
    %scan3A_2203 = arith.constant 1 : i32
    scf.for %scan3A_3370 = %scan3A_2200 to %scan3A_2202 step %scan3A_2203  : i32 {
      %mul3A_3371 = arith.constant 2 : i32
      %mul3A_3372 = arith.muli %scan3A_3370, %mul3A_3371 : i32
      %add3A_3373 = arith.constant 0 : i32
      %add3A_3374 = arith.addi %mul3A_3372, %add3A_3373 : i32
      %shift_right_arithmetic3A_3375 = arith.constant 7 : i32
      %shift_right_arithmetic3A_3376 = arith.shrsi %add3A_3374, %shift_right_arithmetic3A_3375 : i32
      %add3A_3377 = arith.constant 0 : i32
      %add3A_3378 = arith.addi %add3A_3377, %shift_right_arithmetic3A_3376 : i32
      %mul3A_3379 = arith.constant 4096 : i32
      %mul3A_3380 = arith.muli %add3A_3378, %mul3A_3379 : i32
      %and3A_3381 = arith.constant 127 : i32
      %and3A_3382 = arith.andi %add3A_3374, %and3A_3381 : i32
      %add3A_3383 = arith.addi %mul3A_3380, %and3A_3382 : i32
      %add3A_3384 = vector.broadcast %add3A_3383 : i32 to vector<16xi32>
      %add3A_3385 = arith.addi %add3A_136, %add3A_3384 : vector<16xi32>
      %get3A_3386 = arith.index_cast %add3A_3374 : i32 to index
      %get3A_3387 = arith.constant 0 : index
      %get3A_3388 = tpu.vector_load %arg8[%get3A_3386, %get3A_3387] {strides = array<i32>} : memref<512x32xf32, #tpu.memory_space<vmem>>, vector<16xf32>,
      tpu.vector_store_idx %arg11[%add3A_3385], %get3A_3388 : memref<32768xf32, #tpu.memory_space<vmem>>[vector<16xi32>], vector<16xf32>,
      %add3A_3389 = vector.broadcast %add3A_3383 : i32 to vector<16xi32>
      %add3A_3390 = arith.addi %add3A_139, %add3A_3389 : vector<16xi32>
      %get3A_3391 = arith.index_cast %add3A_3374 : i32 to index
      %get3A_3392 = arith.constant 16 : index
      %get3A_3393 = tpu.vector_load %arg8[%get3A_3391, %get3A_3392] {strides = array<i32>} : memref<512x32xf32, #tpu.memory_space<vmem>>, vector<16xf32>,
      tpu.vector_store_idx %arg11[%add3A_3390], %get3A_3393 : memref<32768xf32, #tpu.memory_space<vmem>>[vector<16xi32>], vector<16xf32>,
      %mul3A_3394 = arith.constant 2 : i32
      %mul3A_3395 = arith.muli %scan3A_3370, %mul3A_3394 : i32
      %add3A_3396 = arith.constant 1 : i32
      %add3A_3397 = arith.addi %mul3A_3395, %add3A_3396 : i32
      %shift_right_arithmetic3A_3398 = arith.constant 7 : i32
      %shift_right_arithmetic3A_3399 = arith.shrsi %add3A_3397, %shift_right_arithmetic3A_3398 : i32
      %add3A_3400 = arith.constant 0 : i32
      %add3A_3401 = arith.addi %add3A_3400, %shift_right_arithmetic3A_3399 : i32
      %mul3A_3402 = arith.constant 4096 : i32
      %mul3A_3403 = arith.muli %add3A_3401, %mul3A_3402 : i32
      %and3A_3404 = arith.constant 127 : i32
      %and3A_3405 = arith.andi %add3A_3397, %and3A_3404 : i32
      %add3A_3406 = arith.addi %mul3A_3403, %and3A_3405 : i32
      %add3A_3407 = vector.broadcast %add3A_3406 : i32 to vector<16xi32>
      %add3A_3408 = arith.addi %add3A_136, %add3A_3407 : vector<16xi32>
      %get3A_3409 = arith.index_cast %add3A_3397 : i32 to index
      %get3A_3410 = arith.constant 0 : index
      %get3A_3411 = tpu.vector_load %arg8[%get3A_3409, %get3A_3410] {strides = array<i32>} : memref<512x32xf32, #tpu.memory_space<vmem>>, vector<16xf32>,
      tpu.vector_store_idx %arg11[%add3A_3408], %get3A_3411 : memref<32768xf32, #tpu.memory_space<vmem>>[vector<16xi32>], vector<16xf32>,
      %add3A_3412 = vector.broadcast %add3A_3406 : i32 to vector<16xi32>
      %add3A_3413 = arith.addi %add3A_139, %add3A_3412 : vector<16xi32>
      %get3A_3414 = arith.index_cast %add3A_3397 : i32 to index
      %get3A_3415 = arith.constant 16 : index
      %get3A_3416 = tpu.vector_load %arg8[%get3A_3414, %get3A_3415] {strides = array<i32>} : memref<512x32xf32, #tpu.memory_space<vmem>>, vector<16xf32>,
      tpu.vector_store_idx %arg11[%add3A_3413], %get3A_3416 : memref<32768xf32, #tpu.memory_space<vmem>>[vector<16xi32>], vector<16xf32>,
    }
    %scan3A_2204 = arith.constant 256 : i32
    %dma_wait3A_2205 = arith.constant 7 : i32
    %dma_wait3A_2206 = arith.constant 0 : i32
    %dma_wait3A_2207 = tpu.memref_slice %arg7[%dma_wait3A_2205, %dma_wait3A_2206] : memref<8x512xi32, #tpu.memory_space<vmem>> -> memref<1x512xi32, #tpu.memory_space<vmem>>
    %dma_wait3A_2208 = tpu.memref_squeeze %dma_wait3A_2207 : memref<1x512xi32, #tpu.memory_space<vmem>> -> memref<512xi32, #tpu.memory_space<vmem>>
    %dma_wait3A_2209 = arith.constant 0 : i32
    %dma_wait3A_2210 = arith.constant 0 : i32
    %dma_wait3A_2211 = tpu.memref_slice %arg4[%dma_wait3A_2209, %dma_wait3A_2210] : memref<800000x32xf32, #tpu.memory_space<hbm>> -> memref<800000x32xf32, #tpu.memory_space<hbm>>
    tpu.wait_indirect_dma semaphore(%arg14 : memref<!tpu.dma_semaphore, #tpu.memory_space<semaphore_mem>>) src(%dma_wait3A_2211 : memref<800000x32xf32, #tpu.memory_space<hbm>>) dst(%arg9 : memref<512x32xf32, #tpu.memory_space<vmem>>)
    %scan3A_2212 = arith.constant 0 : i32
    %scan3A_2213 = arith.constant 0 : i32
    %scan3A_2214 = arith.constant 256 : i32
    %scan3A_2215 = arith.addi %scan3A_2213, %scan3A_2214 : i32
    %scan3A_2216 = arith.constant 1 : i32
    scf.for %scan3A_3370 = %scan3A_2213 to %scan3A_2215 step %scan3A_2216  : i32 {
      %mul3A_3371 = arith.constant 2 : i32
      %mul3A_3372 = arith.muli %scan3A_3370, %mul3A_3371 : i32
      %add3A_3373 = arith.constant 0 : i32
      %add3A_3374 = arith.addi %mul3A_3372, %add3A_3373 : i32
      %shift_right_arithmetic3A_3375 = arith.constant 7 : i32
      %shift_right_arithmetic3A_3376 = arith.shrsi %add3A_3374, %shift_right_arithmetic3A_3375 : i32
      %add3A_3377 = arith.constant 4 : i32
      %add3A_3378 = arith.addi %add3A_3377, %shift_right_arithmetic3A_3376 : i32
      %mul3A_3379 = arith.constant 4096 : i32
      %mul3A_3380 = arith.muli %add3A_3378, %mul3A_3379 : i32
      %and3A_3381 = arith.constant 127 : i32
      %and3A_3382 = arith.andi %add3A_3374, %and3A_3381 : i32
      %add3A_3383 = arith.addi %mul3A_3380, %and3A_3382 : i32
      %add3A_3384 = vector.broadcast %add3A_3383 : i32 to vector<16xi32>
      %add3A_3385 = arith.addi %add3A_136, %add3A_3384 : vector<16xi32>
      %get3A_3386 = arith.index_cast %add3A_3374 : i32 to index
      %get3A_3387 = arith.constant 0 : index
      %get3A_3388 = tpu.vector_load %arg9[%get3A_3386, %get3A_3387] {strides = array<i32>} : memref<512x32xf32, #tpu.memory_space<vmem>>, vector<16xf32>,
      tpu.vector_store_idx %arg11[%add3A_3385], %get3A_3388 : memref<32768xf32, #tpu.memory_space<vmem>>[vector<16xi32>], vector<16xf32>,
      %add3A_3389 = vector.broadcast %add3A_3383 : i32 to vector<16xi32>
      %add3A_3390 = arith.addi %add3A_139, %add3A_3389 : vector<16xi32>
      %get3A_3391 = arith.index_cast %add3A_3374 : i32 to index
      %get3A_3392 = arith.constant 16 : index
      %get3A_3393 = tpu.vector_load %arg9[%get3A_3391, %get3A_3392] {strides = array<i32>} : memref<512x32xf32, #tpu.memory_space<vmem>>, vector<16xf32>,
      tpu.vector_store_idx %arg11[%add3A_3390], %get3A_3393 : memref<32768xf32, #tpu.memory_space<vmem>>[vector<16xi32>], vector<16xf32>,
      %mul3A_3394 = arith.constant 2 : i32
      %mul3A_3395 = arith.muli %scan3A_3370, %mul3A_3394 : i32
      %add3A_3396 = arith.constant 1 : i32
      %add3A_3397 = arith.addi %mul3A_3395, %add3A_3396 : i32
      %shift_right_arithmetic3A_3398 = arith.constant 7 : i32
      %shift_right_arithmetic3A_3399 = arith.shrsi %add3A_3397, %shift_right_arithmetic3A_3398 : i32
      %add3A_3400 = arith.constant 4 : i32
      %add3A_3401 = arith.addi %add3A_3400, %shift_right_arithmetic3A_3399 : i32
      %mul3A_3402 = arith.constant 4096 : i32
      %mul3A_3403 = arith.muli %add3A_3401, %mul3A_3402 : i32
      %and3A_3404 = arith.constant 127 : i32
      %and3A_3405 = arith.andi %add3A_3397, %and3A_3404 : i32
      %add3A_3406 = arith.addi %mul3A_3403, %and3A_3405 : i32
      %add3A_3407 = vector.broadcast %add3A_3406 : i32 to vector<16xi32>
      %add3A_3408 = arith.addi %add3A_136, %add3A_3407 : vector<16xi32>
      %get3A_3409 = arith.index_cast %add3A_3397 : i32 to index
      %get3A_3410 = arith.constant 0 : index
      %get3A_3411 = tpu.vector_load %arg9[%get3A_3409, %get3A_3410] {strides = array<i32>} : memref<512x32xf32, #tpu.memory_space<vmem>>, vector<16xf32>,
      tpu.vector_store_idx %arg11[%add3A_3408], %get3A_3411 : memref<32768xf32, #tpu.memory_space<vmem>>[vector<16xi32>], vector<16xf32>,
      %add3A_3412 = vector.broadcast %add3A_3406 : i32 to vector<16xi32>
      %add3A_3413 = arith.addi %add3A_139, %add3A_3412 : vector<16xi32>
      %get3A_3414 = arith.index_cast %add3A_3397 : i32 to index
      %get3A_3415 = arith.constant 16 : index
      %get3A_3416 = tpu.vector_load %arg9[%get3A_3414, %get3A_3415] {strides = array<i32>} : memref<512x32xf32, #tpu.memory_space<vmem>>, vector<16xf32>,
      tpu.vector_store_idx %arg11[%add3A_3413], %get3A_3416 : memref<32768xf32, #tpu.memory_space<vmem>>[vector<16xi32>], vector<16xf32>,
    }
    %scan3A_2217 = arith.constant 256 : i32
    %add3A_2218 = arith.constant 0 : i32
    %add3A_2219 = arith.addi %add3A_2218, %mul3A_2 : i32
    %add3A_2220 = arith.constant 3 : i32
    %add3A_2221 = arith.addi %add3A_2219, %add3A_2220 : i32
    %mul3A_2222 = arith.constant 1024 : i32
    %mul3A_2223 = arith.muli %add3A_2221, %mul3A_2222 : i32
    %add3A_2224 = arith.constant 128 : i32
    %add3A_2225 = arith.addi %add3A_2224, %mul3A_2 : i32
    %add3A_2226 = arith.constant 3 : i32
    %add3A_2227 = arith.addi %add3A_2225, %add3A_2226 : i32
    %mul3A_2228 = arith.constant 1024 : i32
    %mul3A_2229 = arith.muli %add3A_2227, %mul3A_2228 : i32
    %add3A_2230 = arith.constant 256 : i32
    %add3A_2231 = arith.addi %add3A_2230, %mul3A_2 : i32
    %add3A_2232 = arith.constant 3 : i32
    %add3A_2233 = arith.addi %add3A_2231, %add3A_2232 : i32
    %mul3A_2234 = arith.constant 1024 : i32
    %mul3A_2235 = arith.muli %add3A_2233, %mul3A_2234 : i32
    %add3A_2236 = arith.constant 384 : i32
    %add3A_2237 = arith.addi %add3A_2236, %mul3A_2 : i32
    %add3A_2238 = arith.constant 3 : i32
    %add3A_2239 = arith.addi %add3A_2237, %add3A_2238 : i32
    %mul3A_2240 = arith.constant 1024 : i32
    %mul3A_2241 = arith.muli %add3A_2239, %mul3A_2240 : i32
    %add3A_2242 = arith.constant 512 : i32
    %add3A_2243 = arith.addi %add3A_2242, %mul3A_2 : i32
    %add3A_2244 = arith.constant 3 : i32
    %add3A_2245 = arith.addi %add3A_2243, %add3A_2244 : i32
    %mul3A_2246 = arith.constant 1024 : i32
    %mul3A_2247 = arith.muli %add3A_2245, %mul3A_2246 : i32
    %add3A_2248 = arith.constant 640 : i32
    %add3A_2249 = arith.addi %add3A_2248, %mul3A_2 : i32
    %add3A_2250 = arith.constant 3 : i32
    %add3A_2251 = arith.addi %add3A_2249, %add3A_2250 : i32
    %mul3A_2252 = arith.constant 1024 : i32
    %mul3A_2253 = arith.muli %add3A_2251, %mul3A_2252 : i32
    %add3A_2254 = arith.constant 768 : i32
    %add3A_2255 = arith.addi %add3A_2254, %mul3A_2 : i32
    %add3A_2256 = arith.constant 3 : i32
    %add3A_2257 = arith.addi %add3A_2255, %add3A_2256 : i32
    %mul3A_2258 = arith.constant 1024 : i32
    %mul3A_2259 = arith.muli %add3A_2257, %mul3A_2258 : i32
    %add3A_2260 = arith.constant 896 : i32
    %add3A_2261 = arith.addi %add3A_2260, %mul3A_2 : i32
    %add3A_2262 = arith.constant 3 : i32
    %add3A_2263 = arith.addi %add3A_2261, %add3A_2262 : i32
    %mul3A_2264 = arith.constant 1024 : i32
    %mul3A_2265 = arith.muli %add3A_2263, %mul3A_2264 : i32
    %add3A_2266 = arith.constant 1024 : i32
    %add3A_2267 = arith.addi %add3A_2266, %mul3A_2 : i32
    %add3A_2268 = arith.constant 3 : i32
    %add3A_2269 = arith.addi %add3A_2267, %add3A_2268 : i32
    %mul3A_2270 = arith.constant 1024 : i32
    %mul3A_2271 = arith.muli %add3A_2269, %mul3A_2270 : i32
    %add3A_2272 = arith.constant 1152 : i32
    %add3A_2273 = arith.addi %add3A_2272, %mul3A_2 : i32
    %add3A_2274 = arith.constant 3 : i32
    %add3A_2275 = arith.addi %add3A_2273, %add3A_2274 : i32
    %mul3A_2276 = arith.constant 1024 : i32
    %mul3A_2277 = arith.muli %add3A_2275, %mul3A_2276 : i32
    %add3A_2278 = arith.constant 1280 : i32
    %add3A_2279 = arith.addi %add3A_2278, %mul3A_2 : i32
    %add3A_2280 = arith.constant 3 : i32
    %add3A_2281 = arith.addi %add3A_2279, %add3A_2280 : i32
    %mul3A_2282 = arith.constant 1024 : i32
    %mul3A_2283 = arith.muli %add3A_2281, %mul3A_2282 : i32
    %add3A_2284 = arith.constant 1408 : i32
    %add3A_2285 = arith.addi %add3A_2284, %mul3A_2 : i32
    %add3A_2286 = arith.constant 3 : i32
    %add3A_2287 = arith.addi %add3A_2285, %add3A_2286 : i32
    %mul3A_2288 = arith.constant 1024 : i32
    %mul3A_2289 = arith.muli %add3A_2287, %mul3A_2288 : i32
    %add3A_2290 = arith.constant 1536 : i32
    %add3A_2291 = arith.addi %add3A_2290, %mul3A_2 : i32
    %add3A_2292 = arith.constant 3 : i32
    %add3A_2293 = arith.addi %add3A_2291, %add3A_2292 : i32
    %mul3A_2294 = arith.constant 1024 : i32
    %mul3A_2295 = arith.muli %add3A_2293, %mul3A_2294 : i32
    %add3A_2296 = arith.constant 1664 : i32
    %add3A_2297 = arith.addi %add3A_2296, %mul3A_2 : i32
    %add3A_2298 = arith.constant 3 : i32
    %add3A_2299 = arith.addi %add3A_2297, %add3A_2298 : i32
    %mul3A_2300 = arith.constant 1024 : i32
    %mul3A_2301 = arith.muli %add3A_2299, %mul3A_2300 : i32
    %add3A_2302 = arith.constant 1792 : i32
    %add3A_2303 = arith.addi %add3A_2302, %mul3A_2 : i32
    %add3A_2304 = arith.constant 3 : i32
    %add3A_2305 = arith.addi %add3A_2303, %add3A_2304 : i32
    %mul3A_2306 = arith.constant 1024 : i32
    %mul3A_2307 = arith.muli %add3A_2305, %mul3A_2306 : i32
    %add3A_2308 = arith.constant 1920 : i32
    %add3A_2309 = arith.addi %add3A_2308, %mul3A_2 : i32
    %add3A_2310 = arith.constant 3 : i32
    %add3A_2311 = arith.addi %add3A_2309, %add3A_2310 : i32
    %mul3A_2312 = arith.constant 1024 : i32
    %mul3A_2313 = arith.muli %add3A_2311, %mul3A_2312 : i32
    %add3A_2314 = arith.constant 2048 : i32
    %add3A_2315 = arith.addi %add3A_2314, %mul3A_2 : i32
    %add3A_2316 = arith.constant 3 : i32
    %add3A_2317 = arith.addi %add3A_2315, %add3A_2316 : i32
    %mul3A_2318 = arith.constant 1024 : i32
    %mul3A_2319 = arith.muli %add3A_2317, %mul3A_2318 : i32
    %add3A_2320 = arith.constant 2176 : i32
    %add3A_2321 = arith.addi %add3A_2320, %mul3A_2 : i32
    %add3A_2322 = arith.constant 3 : i32
    %add3A_2323 = arith.addi %add3A_2321, %add3A_2322 : i32
    %mul3A_2324 = arith.constant 1024 : i32
    %mul3A_2325 = arith.muli %add3A_2323, %mul3A_2324 : i32
    %add3A_2326 = arith.constant 2304 : i32
    %add3A_2327 = arith.addi %add3A_2326, %mul3A_2 : i32
    %add3A_2328 = arith.constant 3 : i32
    %add3A_2329 = arith.addi %add3A_2327, %add3A_2328 : i32
    %mul3A_2330 = arith.constant 1024 : i32
    %mul3A_2331 = arith.muli %add3A_2329, %mul3A_2330 : i32
    %add3A_2332 = arith.constant 2432 : i32
    %add3A_2333 = arith.addi %add3A_2332, %mul3A_2 : i32
    %add3A_2334 = arith.constant 3 : i32
    %add3A_2335 = arith.addi %add3A_2333, %add3A_2334 : i32
    %mul3A_2336 = arith.constant 1024 : i32
    %mul3A_2337 = arith.muli %add3A_2335, %mul3A_2336 : i32
    %add3A_2338 = arith.constant 2560 : i32
    %add3A_2339 = arith.addi %add3A_2338, %mul3A_2 : i32
    %add3A_2340 = arith.constant 3 : i32
    %add3A_2341 = arith.addi %add3A_2339, %add3A_2340 : i32
    %mul3A_2342 = arith.constant 1024 : i32
    %mul3A_2343 = arith.muli %add3A_2341, %mul3A_2342 : i32
    %add3A_2344 = arith.constant 2688 : i32
    %add3A_2345 = arith.addi %add3A_2344, %mul3A_2 : i32
    %add3A_2346 = arith.constant 3 : i32
    %add3A_2347 = arith.addi %add3A_2345, %add3A_2346 : i32
    %mul3A_2348 = arith.constant 1024 : i32
    %mul3A_2349 = arith.muli %add3A_2347, %mul3A_2348 : i32
    %add3A_2350 = arith.constant 2816 : i32
    %add3A_2351 = arith.addi %add3A_2350, %mul3A_2 : i32
    %add3A_2352 = arith.constant 3 : i32
    %add3A_2353 = arith.addi %add3A_2351, %add3A_2352 : i32
    %mul3A_2354 = arith.constant 1024 : i32
    %mul3A_2355 = arith.muli %add3A_2353, %mul3A_2354 : i32
    %add3A_2356 = arith.constant 2944 : i32
    %add3A_2357 = arith.addi %add3A_2356, %mul3A_2 : i32
    %add3A_2358 = arith.constant 3 : i32
    %add3A_2359 = arith.addi %add3A_2357, %add3A_2358 : i32
    %mul3A_2360 = arith.constant 1024 : i32
    %mul3A_2361 = arith.muli %add3A_2359, %mul3A_2360 : i32
    %add3A_2362 = arith.constant 3072 : i32
    %add3A_2363 = arith.addi %add3A_2362, %mul3A_2 : i32
    %add3A_2364 = arith.constant 3 : i32
    %add3A_2365 = arith.addi %add3A_2363, %add3A_2364 : i32
    %mul3A_2366 = arith.constant 1024 : i32
    %mul3A_2367 = arith.muli %add3A_2365, %mul3A_2366 : i32
    %add3A_2368 = arith.constant 3200 : i32
    %add3A_2369 = arith.addi %add3A_2368, %mul3A_2 : i32
    %add3A_2370 = arith.constant 3 : i32
    %add3A_2371 = arith.addi %add3A_2369, %add3A_2370 : i32
    %mul3A_2372 = arith.constant 1024 : i32
    %mul3A_2373 = arith.muli %add3A_2371, %mul3A_2372 : i32
    %add3A_2374 = arith.constant 3328 : i32
    %add3A_2375 = arith.addi %add3A_2374, %mul3A_2 : i32
    %add3A_2376 = arith.constant 3 : i32
    %add3A_2377 = arith.addi %add3A_2375, %add3A_2376 : i32
    %mul3A_2378 = arith.constant 1024 : i32
    %mul3A_2379 = arith.muli %add3A_2377, %mul3A_2378 : i32
    %add3A_2380 = arith.constant 3456 : i32
    %add3A_2381 = arith.addi %add3A_2380, %mul3A_2 : i32
    %add3A_2382 = arith.constant 3 : i32
    %add3A_2383 = arith.addi %add3A_2381, %add3A_2382 : i32
    %mul3A_2384 = arith.constant 1024 : i32
    %mul3A_2385 = arith.muli %add3A_2383, %mul3A_2384 : i32
    %add3A_2386 = arith.constant 3584 : i32
    %add3A_2387 = arith.addi %add3A_2386, %mul3A_2 : i32
    %add3A_2388 = arith.constant 3 : i32
    %add3A_2389 = arith.addi %add3A_2387, %add3A_2388 : i32
    %mul3A_2390 = arith.constant 1024 : i32
    %mul3A_2391 = arith.muli %add3A_2389, %mul3A_2390 : i32
    %add3A_2392 = arith.constant 3712 : i32
    %add3A_2393 = arith.addi %add3A_2392, %mul3A_2 : i32
    %add3A_2394 = arith.constant 3 : i32
    %add3A_2395 = arith.addi %add3A_2393, %add3A_2394 : i32
    %mul3A_2396 = arith.constant 1024 : i32
    %mul3A_2397 = arith.muli %add3A_2395, %mul3A_2396 : i32
    %add3A_2398 = arith.constant 3840 : i32
    %add3A_2399 = arith.addi %add3A_2398, %mul3A_2 : i32
    %add3A_2400 = arith.constant 3 : i32
    %add3A_2401 = arith.addi %add3A_2399, %add3A_2400 : i32
    %mul3A_2402 = arith.constant 1024 : i32
    %mul3A_2403 = arith.muli %add3A_2401, %mul3A_2402 : i32
    %add3A_2404 = arith.constant 3968 : i32
    %add3A_2405 = arith.addi %add3A_2404, %mul3A_2 : i32
    %add3A_2406 = arith.constant 3 : i32
    %add3A_2407 = arith.addi %add3A_2405, %add3A_2406 : i32
    %mul3A_2408 = arith.constant 1024 : i32
    %mul3A_2409 = arith.muli %add3A_2407, %mul3A_2408 : i32
    %dma_start3A_2410 = arith.constant 0 : i32
    %dma_start3A_2411 = tpu.memref_slice %arg11[%dma_start3A_2410] : memref<32768xf32, #tpu.memory_space<vmem>> -> memref<1024xf32, #tpu.memory_space<vmem>>
    %dma_start3A_2412 = tpu.memref_slice %arg5[%mul3A_2223] : memref<4194304xf32, #tpu.memory_space<hbm>> -> memref<1024xf32, #tpu.memory_space<hbm>>
    %dma_start3A_2413 = tpu.memref_slice %arg5[%mul3A_2223] : memref<4194304xf32, #tpu.memory_space<hbm>> -> memref<1024xf32, #tpu.memory_space<hbm>>
    %dma_start3A_2414 = arith.constant 0 : i32
    %dma_start3A_2415 = tpu.memref_slice %arg11[%dma_start3A_2414] : memref<32768xf32, #tpu.memory_space<vmem>> -> memref<1024xf32, #tpu.memory_space<vmem>>
    tpu.enqueue_dma source(%dma_start3A_2415 : memref<1024xf32, #tpu.memory_space<vmem>>) target(%dma_start3A_2413 : memref<1024xf32, #tpu.memory_space<hbm>>) target_semaphore(%arg16 : memref<!tpu.dma_semaphore, #tpu.memory_space<semaphore_mem>>)
    %dma_start3A_2416 = arith.constant 1024 : i32
    %dma_start3A_2417 = tpu.memref_slice %arg11[%dma_start3A_2416] : memref<32768xf32, #tpu.memory_space<vmem>> -> memref<1024xf32, #tpu.memory_space<vmem>>
    %dma_start3A_2418 = tpu.memref_slice %arg5[%mul3A_2229] : memref<4194304xf32, #tpu.memory_space<hbm>> -> memref<1024xf32, #tpu.memory_space<hbm>>
    %dma_start3A_2419 = tpu.memref_slice %arg5[%mul3A_2229] : memref<4194304xf32, #tpu.memory_space<hbm>> -> memref<1024xf32, #tpu.memory_space<hbm>>
    %dma_start3A_2420 = arith.constant 1024 : i32
    %dma_start3A_2421 = tpu.memref_slice %arg11[%dma_start3A_2420] : memref<32768xf32, #tpu.memory_space<vmem>> -> memref<1024xf32, #tpu.memory_space<vmem>>
    tpu.enqueue_dma source(%dma_start3A_2421 : memref<1024xf32, #tpu.memory_space<vmem>>) target(%dma_start3A_2419 : memref<1024xf32, #tpu.memory_space<hbm>>) target_semaphore(%arg16 : memref<!tpu.dma_semaphore, #tpu.memory_space<semaphore_mem>>)
    %dma_start3A_2422 = arith.constant 2048 : i32
    %dma_start3A_2423 = tpu.memref_slice %arg11[%dma_start3A_2422] : memref<32768xf32, #tpu.memory_space<vmem>> -> memref<1024xf32, #tpu.memory_space<vmem>>
    %dma_start3A_2424 = tpu.memref_slice %arg5[%mul3A_2235] : memref<4194304xf32, #tpu.memory_space<hbm>> -> memref<1024xf32, #tpu.memory_space<hbm>>
    %dma_start3A_2425 = tpu.memref_slice %arg5[%mul3A_2235] : memref<4194304xf32, #tpu.memory_space<hbm>> -> memref<1024xf32, #tpu.memory_space<hbm>>
    %dma_start3A_2426 = arith.constant 2048 : i32
    %dma_start3A_2427 = tpu.memref_slice %arg11[%dma_start3A_2426] : memref<32768xf32, #tpu.memory_space<vmem>> -> memref<1024xf32, #tpu.memory_space<vmem>>
    tpu.enqueue_dma source(%dma_start3A_2427 : memref<1024xf32, #tpu.memory_space<vmem>>) target(%dma_start3A_2425 : memref<1024xf32, #tpu.memory_space<hbm>>) target_semaphore(%arg16 : memref<!tpu.dma_semaphore, #tpu.memory_space<semaphore_mem>>)
    %dma_start3A_2428 = arith.constant 3072 : i32
    %dma_start3A_2429 = tpu.memref_slice %arg11[%dma_start3A_2428] : memref<32768xf32, #tpu.memory_space<vmem>> -> memref<1024xf32, #tpu.memory_space<vmem>>
    %dma_start3A_2430 = tpu.memref_slice %arg5[%mul3A_2241] : memref<4194304xf32, #tpu.memory_space<hbm>> -> memref<1024xf32, #tpu.memory_space<hbm>>
    %dma_start3A_2431 = tpu.memref_slice %arg5[%mul3A_2241] : memref<4194304xf32, #tpu.memory_space<hbm>> -> memref<1024xf32, #tpu.memory_space<hbm>>
    %dma_start3A_2432 = arith.constant 3072 : i32
    %dma_start3A_2433 = tpu.memref_slice %arg11[%dma_start3A_2432] : memref<32768xf32, #tpu.memory_space<vmem>> -> memref<1024xf32, #tpu.memory_space<vmem>>
    tpu.enqueue_dma source(%dma_start3A_2433 : memref<1024xf32, #tpu.memory_space<vmem>>) target(%dma_start3A_2431 : memref<1024xf32, #tpu.memory_space<hbm>>) target_semaphore(%arg16 : memref<!tpu.dma_semaphore, #tpu.memory_space<semaphore_mem>>)
    %dma_start3A_2434 = arith.constant 4096 : i32
    %dma_start3A_2435 = tpu.memref_slice %arg11[%dma_start3A_2434] : memref<32768xf32, #tpu.memory_space<vmem>> -> memref<1024xf32, #tpu.memory_space<vmem>>
    %dma_start3A_2436 = tpu.memref_slice %arg5[%mul3A_2247] : memref<4194304xf32, #tpu.memory_space<hbm>> -> memref<1024xf32, #tpu.memory_space<hbm>>
    %dma_start3A_2437 = tpu.memref_slice %arg5[%mul3A_2247] : memref<4194304xf32, #tpu.memory_space<hbm>> -> memref<1024xf32, #tpu.memory_space<hbm>>
    %dma_start3A_2438 = arith.constant 4096 : i32
    %dma_start3A_2439 = tpu.memref_slice %arg11[%dma_start3A_2438] : memref<32768xf32, #tpu.memory_space<vmem>> -> memref<1024xf32, #tpu.memory_space<vmem>>
    tpu.enqueue_dma source(%dma_start3A_2439 : memref<1024xf32, #tpu.memory_space<vmem>>) target(%dma_start3A_2437 : memref<1024xf32, #tpu.memory_space<hbm>>) target_semaphore(%arg16 : memref<!tpu.dma_semaphore, #tpu.memory_space<semaphore_mem>>)
    %dma_start3A_2440 = arith.constant 5120 : i32
    %dma_start3A_2441 = tpu.memref_slice %arg11[%dma_start3A_2440] : memref<32768xf32, #tpu.memory_space<vmem>> -> memref<1024xf32, #tpu.memory_space<vmem>>
    %dma_start3A_2442 = tpu.memref_slice %arg5[%mul3A_2253] : memref<4194304xf32, #tpu.memory_space<hbm>> -> memref<1024xf32, #tpu.memory_space<hbm>>
    %dma_start3A_2443 = tpu.memref_slice %arg5[%mul3A_2253] : memref<4194304xf32, #tpu.memory_space<hbm>> -> memref<1024xf32, #tpu.memory_space<hbm>>
    %dma_start3A_2444 = arith.constant 5120 : i32
    %dma_start3A_2445 = tpu.memref_slice %arg11[%dma_start3A_2444] : memref<32768xf32, #tpu.memory_space<vmem>> -> memref<1024xf32, #tpu.memory_space<vmem>>
    tpu.enqueue_dma source(%dma_start3A_2445 : memref<1024xf32, #tpu.memory_space<vmem>>) target(%dma_start3A_2443 : memref<1024xf32, #tpu.memory_space<hbm>>) target_semaphore(%arg16 : memref<!tpu.dma_semaphore, #tpu.memory_space<semaphore_mem>>)
    %dma_start3A_2446 = arith.constant 6144 : i32
    %dma_start3A_2447 = tpu.memref_slice %arg11[%dma_start3A_2446] : memref<32768xf32, #tpu.memory_space<vmem>> -> memref<1024xf32, #tpu.memory_space<vmem>>
    %dma_start3A_2448 = tpu.memref_slice %arg5[%mul3A_2259] : memref<4194304xf32, #tpu.memory_space<hbm>> -> memref<1024xf32, #tpu.memory_space<hbm>>
    %dma_start3A_2449 = tpu.memref_slice %arg5[%mul3A_2259] : memref<4194304xf32, #tpu.memory_space<hbm>> -> memref<1024xf32, #tpu.memory_space<hbm>>
    %dma_start3A_2450 = arith.constant 6144 : i32
    %dma_start3A_2451 = tpu.memref_slice %arg11[%dma_start3A_2450] : memref<32768xf32, #tpu.memory_space<vmem>> -> memref<1024xf32, #tpu.memory_space<vmem>>
    tpu.enqueue_dma source(%dma_start3A_2451 : memref<1024xf32, #tpu.memory_space<vmem>>) target(%dma_start3A_2449 : memref<1024xf32, #tpu.memory_space<hbm>>) target_semaphore(%arg16 : memref<!tpu.dma_semaphore, #tpu.memory_space<semaphore_mem>>)
    %dma_start3A_2452 = arith.constant 7168 : i32
    %dma_start3A_2453 = tpu.memref_slice %arg11[%dma_start3A_2452] : memref<32768xf32, #tpu.memory_space<vmem>> -> memref<1024xf32, #tpu.memory_space<vmem>>
    %dma_start3A_2454 = tpu.memref_slice %arg5[%mul3A_2265] : memref<4194304xf32, #tpu.memory_space<hbm>> -> memref<1024xf32, #tpu.memory_space<hbm>>
    %dma_start3A_2455 = tpu.memref_slice %arg5[%mul3A_2265] : memref<4194304xf32, #tpu.memory_space<hbm>> -> memref<1024xf32, #tpu.memory_space<hbm>>
    %dma_start3A_2456 = arith.constant 7168 : i32
    %dma_start3A_2457 = tpu.memref_slice %arg11[%dma_start3A_2456] : memref<32768xf32, #tpu.memory_space<vmem>> -> memref<1024xf32, #tpu.memory_space<vmem>>
    tpu.enqueue_dma source(%dma_start3A_2457 : memref<1024xf32, #tpu.memory_space<vmem>>) target(%dma_start3A_2455 : memref<1024xf32, #tpu.memory_space<hbm>>) target_semaphore(%arg16 : memref<!tpu.dma_semaphore, #tpu.memory_space<semaphore_mem>>)
    %dma_start3A_2458 = arith.constant 8192 : i32
    %dma_start3A_2459 = tpu.memref_slice %arg11[%dma_start3A_2458] : memref<32768xf32, #tpu.memory_space<vmem>> -> memref<1024xf32, #tpu.memory_space<vmem>>
    %dma_start3A_2460 = tpu.memref_slice %arg5[%mul3A_2271] : memref<4194304xf32, #tpu.memory_space<hbm>> -> memref<1024xf32, #tpu.memory_space<hbm>>
    %dma_start3A_2461 = tpu.memref_slice %arg5[%mul3A_2271] : memref<4194304xf32, #tpu.memory_space<hbm>> -> memref<1024xf32, #tpu.memory_space<hbm>>
    %dma_start3A_2462 = arith.constant 8192 : i32
    %dma_start3A_2463 = tpu.memref_slice %arg11[%dma_start3A_2462] : memref<32768xf32, #tpu.memory_space<vmem>> -> memref<1024xf32, #tpu.memory_space<vmem>>
    tpu.enqueue_dma source(%dma_start3A_2463 : memref<1024xf32, #tpu.memory_space<vmem>>) target(%dma_start3A_2461 : memref<1024xf32, #tpu.memory_space<hbm>>) target_semaphore(%arg16 : memref<!tpu.dma_semaphore, #tpu.memory_space<semaphore_mem>>)
    %dma_start3A_2464 = arith.constant 9216 : i32
    %dma_start3A_2465 = tpu.memref_slice %arg11[%dma_start3A_2464] : memref<32768xf32, #tpu.memory_space<vmem>> -> memref<1024xf32, #tpu.memory_space<vmem>>
    %dma_start3A_2466 = tpu.memref_slice %arg5[%mul3A_2277] : memref<4194304xf32, #tpu.memory_space<hbm>> -> memref<1024xf32, #tpu.memory_space<hbm>>
    %dma_start3A_2467 = tpu.memref_slice %arg5[%mul3A_2277] : memref<4194304xf32, #tpu.memory_space<hbm>> -> memref<1024xf32, #tpu.memory_space<hbm>>
    %dma_start3A_2468 = arith.constant 9216 : i32
    %dma_start3A_2469 = tpu.memref_slice %arg11[%dma_start3A_2468] : memref<32768xf32, #tpu.memory_space<vmem>> -> memref<1024xf32, #tpu.memory_space<vmem>>
    tpu.enqueue_dma source(%dma_start3A_2469 : memref<1024xf32, #tpu.memory_space<vmem>>) target(%dma_start3A_2467 : memref<1024xf32, #tpu.memory_space<hbm>>) target_semaphore(%arg16 : memref<!tpu.dma_semaphore, #tpu.memory_space<semaphore_mem>>)
    %dma_start3A_2470 = arith.constant 10240 : i32
    %dma_start3A_2471 = tpu.memref_slice %arg11[%dma_start3A_2470] : memref<32768xf32, #tpu.memory_space<vmem>> -> memref<1024xf32, #tpu.memory_space<vmem>>
    %dma_start3A_2472 = tpu.memref_slice %arg5[%mul3A_2283] : memref<4194304xf32, #tpu.memory_space<hbm>> -> memref<1024xf32, #tpu.memory_space<hbm>>
    %dma_start3A_2473 = tpu.memref_slice %arg5[%mul3A_2283] : memref<4194304xf32, #tpu.memory_space<hbm>> -> memref<1024xf32, #tpu.memory_space<hbm>>
    %dma_start3A_2474 = arith.constant 10240 : i32
    %dma_start3A_2475 = tpu.memref_slice %arg11[%dma_start3A_2474] : memref<32768xf32, #tpu.memory_space<vmem>> -> memref<1024xf32, #tpu.memory_space<vmem>>
    tpu.enqueue_dma source(%dma_start3A_2475 : memref<1024xf32, #tpu.memory_space<vmem>>) target(%dma_start3A_2473 : memref<1024xf32, #tpu.memory_space<hbm>>) target_semaphore(%arg16 : memref<!tpu.dma_semaphore, #tpu.memory_space<semaphore_mem>>)
    %dma_start3A_2476 = arith.constant 11264 : i32
    %dma_start3A_2477 = tpu.memref_slice %arg11[%dma_start3A_2476] : memref<32768xf32, #tpu.memory_space<vmem>> -> memref<1024xf32, #tpu.memory_space<vmem>>
    %dma_start3A_2478 = tpu.memref_slice %arg5[%mul3A_2289] : memref<4194304xf32, #tpu.memory_space<hbm>> -> memref<1024xf32, #tpu.memory_space<hbm>>
    %dma_start3A_2479 = tpu.memref_slice %arg5[%mul3A_2289] : memref<4194304xf32, #tpu.memory_space<hbm>> -> memref<1024xf32, #tpu.memory_space<hbm>>
    %dma_start3A_2480 = arith.constant 11264 : i32
    %dma_start3A_2481 = tpu.memref_slice %arg11[%dma_start3A_2480] : memref<32768xf32, #tpu.memory_space<vmem>> -> memref<1024xf32, #tpu.memory_space<vmem>>
    tpu.enqueue_dma source(%dma_start3A_2481 : memref<1024xf32, #tpu.memory_space<vmem>>) target(%dma_start3A_2479 : memref<1024xf32, #tpu.memory_space<hbm>>) target_semaphore(%arg16 : memref<!tpu.dma_semaphore, #tpu.memory_space<semaphore_mem>>)
    %dma_start3A_2482 = arith.constant 12288 : i32
    %dma_start3A_2483 = tpu.memref_slice %arg11[%dma_start3A_2482] : memref<32768xf32, #tpu.memory_space<vmem>> -> memref<1024xf32, #tpu.memory_space<vmem>>
    %dma_start3A_2484 = tpu.memref_slice %arg5[%mul3A_2295] : memref<4194304xf32, #tpu.memory_space<hbm>> -> memref<1024xf32, #tpu.memory_space<hbm>>
    %dma_start3A_2485 = tpu.memref_slice %arg5[%mul3A_2295] : memref<4194304xf32, #tpu.memory_space<hbm>> -> memref<1024xf32, #tpu.memory_space<hbm>>
    %dma_start3A_2486 = arith.constant 12288 : i32
    %dma_start3A_2487 = tpu.memref_slice %arg11[%dma_start3A_2486] : memref<32768xf32, #tpu.memory_space<vmem>> -> memref<1024xf32, #tpu.memory_space<vmem>>
    tpu.enqueue_dma source(%dma_start3A_2487 : memref<1024xf32, #tpu.memory_space<vmem>>) target(%dma_start3A_2485 : memref<1024xf32, #tpu.memory_space<hbm>>) target_semaphore(%arg16 : memref<!tpu.dma_semaphore, #tpu.memory_space<semaphore_mem>>)
    %dma_start3A_2488 = arith.constant 13312 : i32
    %dma_start3A_2489 = tpu.memref_slice %arg11[%dma_start3A_2488] : memref<32768xf32, #tpu.memory_space<vmem>> -> memref<1024xf32, #tpu.memory_space<vmem>>
    %dma_start3A_2490 = tpu.memref_slice %arg5[%mul3A_2301] : memref<4194304xf32, #tpu.memory_space<hbm>> -> memref<1024xf32, #tpu.memory_space<hbm>>
    %dma_start3A_2491 = tpu.memref_slice %arg5[%mul3A_2301] : memref<4194304xf32, #tpu.memory_space<hbm>> -> memref<1024xf32, #tpu.memory_space<hbm>>
    %dma_start3A_2492 = arith.constant 13312 : i32
    %dma_start3A_2493 = tpu.memref_slice %arg11[%dma_start3A_2492] : memref<32768xf32, #tpu.memory_space<vmem>> -> memref<1024xf32, #tpu.memory_space<vmem>>
    tpu.enqueue_dma source(%dma_start3A_2493 : memref<1024xf32, #tpu.memory_space<vmem>>) target(%dma_start3A_2491 : memref<1024xf32, #tpu.memory_space<hbm>>) target_semaphore(%arg16 : memref<!tpu.dma_semaphore, #tpu.memory_space<semaphore_mem>>)
    %dma_start3A_2494 = arith.constant 14336 : i32
    %dma_start3A_2495 = tpu.memref_slice %arg11[%dma_start3A_2494] : memref<32768xf32, #tpu.memory_space<vmem>> -> memref<1024xf32, #tpu.memory_space<vmem>>
    %dma_start3A_2496 = tpu.memref_slice %arg5[%mul3A_2307] : memref<4194304xf32, #tpu.memory_space<hbm>> -> memref<1024xf32, #tpu.memory_space<hbm>>
    %dma_start3A_2497 = tpu.memref_slice %arg5[%mul3A_2307] : memref<4194304xf32, #tpu.memory_space<hbm>> -> memref<1024xf32, #tpu.memory_space<hbm>>
    %dma_start3A_2498 = arith.constant 14336 : i32
    %dma_start3A_2499 = tpu.memref_slice %arg11[%dma_start3A_2498] : memref<32768xf32, #tpu.memory_space<vmem>> -> memref<1024xf32, #tpu.memory_space<vmem>>
    tpu.enqueue_dma source(%dma_start3A_2499 : memref<1024xf32, #tpu.memory_space<vmem>>) target(%dma_start3A_2497 : memref<1024xf32, #tpu.memory_space<hbm>>) target_semaphore(%arg16 : memref<!tpu.dma_semaphore, #tpu.memory_space<semaphore_mem>>)
    %dma_start3A_2500 = arith.constant 15360 : i32
    %dma_start3A_2501 = tpu.memref_slice %arg11[%dma_start3A_2500] : memref<32768xf32, #tpu.memory_space<vmem>> -> memref<1024xf32, #tpu.memory_space<vmem>>
    %dma_start3A_2502 = tpu.memref_slice %arg5[%mul3A_2313] : memref<4194304xf32, #tpu.memory_space<hbm>> -> memref<1024xf32, #tpu.memory_space<hbm>>
    %dma_start3A_2503 = tpu.memref_slice %arg5[%mul3A_2313] : memref<4194304xf32, #tpu.memory_space<hbm>> -> memref<1024xf32, #tpu.memory_space<hbm>>
    %dma_start3A_2504 = arith.constant 15360 : i32
    %dma_start3A_2505 = tpu.memref_slice %arg11[%dma_start3A_2504] : memref<32768xf32, #tpu.memory_space<vmem>> -> memref<1024xf32, #tpu.memory_space<vmem>>
    tpu.enqueue_dma source(%dma_start3A_2505 : memref<1024xf32, #tpu.memory_space<vmem>>) target(%dma_start3A_2503 : memref<1024xf32, #tpu.memory_space<hbm>>) target_semaphore(%arg16 : memref<!tpu.dma_semaphore, #tpu.memory_space<semaphore_mem>>)
    %dma_start3A_2506 = arith.constant 16384 : i32
    %dma_start3A_2507 = tpu.memref_slice %arg11[%dma_start3A_2506] : memref<32768xf32, #tpu.memory_space<vmem>> -> memref<1024xf32, #tpu.memory_space<vmem>>
    %dma_start3A_2508 = tpu.memref_slice %arg5[%mul3A_2319] : memref<4194304xf32, #tpu.memory_space<hbm>> -> memref<1024xf32, #tpu.memory_space<hbm>>
    %dma_start3A_2509 = tpu.memref_slice %arg5[%mul3A_2319] : memref<4194304xf32, #tpu.memory_space<hbm>> -> memref<1024xf32, #tpu.memory_space<hbm>>
    %dma_start3A_2510 = arith.constant 16384 : i32
    %dma_start3A_2511 = tpu.memref_slice %arg11[%dma_start3A_2510] : memref<32768xf32, #tpu.memory_space<vmem>> -> memref<1024xf32, #tpu.memory_space<vmem>>
    tpu.enqueue_dma source(%dma_start3A_2511 : memref<1024xf32, #tpu.memory_space<vmem>>) target(%dma_start3A_2509 : memref<1024xf32, #tpu.memory_space<hbm>>) target_semaphore(%arg16 : memref<!tpu.dma_semaphore, #tpu.memory_space<semaphore_mem>>)
    %dma_start3A_2512 = arith.constant 17408 : i32
    %dma_start3A_2513 = tpu.memref_slice %arg11[%dma_start3A_2512] : memref<32768xf32, #tpu.memory_space<vmem>> -> memref<1024xf32, #tpu.memory_space<vmem>>
    %dma_start3A_2514 = tpu.memref_slice %arg5[%mul3A_2325] : memref<4194304xf32, #tpu.memory_space<hbm>> -> memref<1024xf32, #tpu.memory_space<hbm>>
    %dma_start3A_2515 = tpu.memref_slice %arg5[%mul3A_2325] : memref<4194304xf32, #tpu.memory_space<hbm>> -> memref<1024xf32, #tpu.memory_space<hbm>>
    %dma_start3A_2516 = arith.constant 17408 : i32
    %dma_start3A_2517 = tpu.memref_slice %arg11[%dma_start3A_2516] : memref<32768xf32, #tpu.memory_space<vmem>> -> memref<1024xf32, #tpu.memory_space<vmem>>
    tpu.enqueue_dma source(%dma_start3A_2517 : memref<1024xf32, #tpu.memory_space<vmem>>) target(%dma_start3A_2515 : memref<1024xf32, #tpu.memory_space<hbm>>) target_semaphore(%arg16 : memref<!tpu.dma_semaphore, #tpu.memory_space<semaphore_mem>>)
    %dma_start3A_2518 = arith.constant 18432 : i32
    %dma_start3A_2519 = tpu.memref_slice %arg11[%dma_start3A_2518] : memref<32768xf32, #tpu.memory_space<vmem>> -> memref<1024xf32, #tpu.memory_space<vmem>>
    %dma_start3A_2520 = tpu.memref_slice %arg5[%mul3A_2331] : memref<4194304xf32, #tpu.memory_space<hbm>> -> memref<1024xf32, #tpu.memory_space<hbm>>
    %dma_start3A_2521 = tpu.memref_slice %arg5[%mul3A_2331] : memref<4194304xf32, #tpu.memory_space<hbm>> -> memref<1024xf32, #tpu.memory_space<hbm>>
    %dma_start3A_2522 = arith.constant 18432 : i32
    %dma_start3A_2523 = tpu.memref_slice %arg11[%dma_start3A_2522] : memref<32768xf32, #tpu.memory_space<vmem>> -> memref<1024xf32, #tpu.memory_space<vmem>>
    tpu.enqueue_dma source(%dma_start3A_2523 : memref<1024xf32, #tpu.memory_space<vmem>>) target(%dma_start3A_2521 : memref<1024xf32, #tpu.memory_space<hbm>>) target_semaphore(%arg16 : memref<!tpu.dma_semaphore, #tpu.memory_space<semaphore_mem>>)
    %dma_start3A_2524 = arith.constant 19456 : i32
    %dma_start3A_2525 = tpu.memref_slice %arg11[%dma_start3A_2524] : memref<32768xf32, #tpu.memory_space<vmem>> -> memref<1024xf32, #tpu.memory_space<vmem>>
    %dma_start3A_2526 = tpu.memref_slice %arg5[%mul3A_2337] : memref<4194304xf32, #tpu.memory_space<hbm>> -> memref<1024xf32, #tpu.memory_space<hbm>>
    %dma_start3A_2527 = tpu.memref_slice %arg5[%mul3A_2337] : memref<4194304xf32, #tpu.memory_space<hbm>> -> memref<1024xf32, #tpu.memory_space<hbm>>
    %dma_start3A_2528 = arith.constant 19456 : i32
    %dma_start3A_2529 = tpu.memref_slice %arg11[%dma_start3A_2528] : memref<32768xf32, #tpu.memory_space<vmem>> -> memref<1024xf32, #tpu.memory_space<vmem>>
    tpu.enqueue_dma source(%dma_start3A_2529 : memref<1024xf32, #tpu.memory_space<vmem>>) target(%dma_start3A_2527 : memref<1024xf32, #tpu.memory_space<hbm>>) target_semaphore(%arg16 : memref<!tpu.dma_semaphore, #tpu.memory_space<semaphore_mem>>)
    %dma_start3A_2530 = arith.constant 20480 : i32
    %dma_start3A_2531 = tpu.memref_slice %arg11[%dma_start3A_2530] : memref<32768xf32, #tpu.memory_space<vmem>> -> memref<1024xf32, #tpu.memory_space<vmem>>
    %dma_start3A_2532 = tpu.memref_slice %arg5[%mul3A_2343] : memref<4194304xf32, #tpu.memory_space<hbm>> -> memref<1024xf32, #tpu.memory_space<hbm>>
    %dma_start3A_2533 = tpu.memref_slice %arg5[%mul3A_2343] : memref<4194304xf32, #tpu.memory_space<hbm>> -> memref<1024xf32, #tpu.memory_space<hbm>>
    %dma_start3A_2534 = arith.constant 20480 : i32
    %dma_start3A_2535 = tpu.memref_slice %arg11[%dma_start3A_2534] : memref<32768xf32, #tpu.memory_space<vmem>> -> memref<1024xf32, #tpu.memory_space<vmem>>
    tpu.enqueue_dma source(%dma_start3A_2535 : memref<1024xf32, #tpu.memory_space<vmem>>) target(%dma_start3A_2533 : memref<1024xf32, #tpu.memory_space<hbm>>) target_semaphore(%arg16 : memref<!tpu.dma_semaphore, #tpu.memory_space<semaphore_mem>>)
    %dma_start3A_2536 = arith.constant 21504 : i32
    %dma_start3A_2537 = tpu.memref_slice %arg11[%dma_start3A_2536] : memref<32768xf32, #tpu.memory_space<vmem>> -> memref<1024xf32, #tpu.memory_space<vmem>>
    %dma_start3A_2538 = tpu.memref_slice %arg5[%mul3A_2349] : memref<4194304xf32, #tpu.memory_space<hbm>> -> memref<1024xf32, #tpu.memory_space<hbm>>
    %dma_start3A_2539 = tpu.memref_slice %arg5[%mul3A_2349] : memref<4194304xf32, #tpu.memory_space<hbm>> -> memref<1024xf32, #tpu.memory_space<hbm>>
    %dma_start3A_2540 = arith.constant 21504 : i32
    %dma_start3A_2541 = tpu.memref_slice %arg11[%dma_start3A_2540] : memref<32768xf32, #tpu.memory_space<vmem>> -> memref<1024xf32, #tpu.memory_space<vmem>>
    tpu.enqueue_dma source(%dma_start3A_2541 : memref<1024xf32, #tpu.memory_space<vmem>>) target(%dma_start3A_2539 : memref<1024xf32, #tpu.memory_space<hbm>>) target_semaphore(%arg16 : memref<!tpu.dma_semaphore, #tpu.memory_space<semaphore_mem>>)
    %dma_start3A_2542 = arith.constant 22528 : i32
    %dma_start3A_2543 = tpu.memref_slice %arg11[%dma_start3A_2542] : memref<32768xf32, #tpu.memory_space<vmem>> -> memref<1024xf32, #tpu.memory_space<vmem>>
    %dma_start3A_2544 = tpu.memref_slice %arg5[%mul3A_2355] : memref<4194304xf32, #tpu.memory_space<hbm>> -> memref<1024xf32, #tpu.memory_space<hbm>>
    %dma_start3A_2545 = tpu.memref_slice %arg5[%mul3A_2355] : memref<4194304xf32, #tpu.memory_space<hbm>> -> memref<1024xf32, #tpu.memory_space<hbm>>
    %dma_start3A_2546 = arith.constant 22528 : i32
    %dma_start3A_2547 = tpu.memref_slice %arg11[%dma_start3A_2546] : memref<32768xf32, #tpu.memory_space<vmem>> -> memref<1024xf32, #tpu.memory_space<vmem>>
    tpu.enqueue_dma source(%dma_start3A_2547 : memref<1024xf32, #tpu.memory_space<vmem>>) target(%dma_start3A_2545 : memref<1024xf32, #tpu.memory_space<hbm>>) target_semaphore(%arg16 : memref<!tpu.dma_semaphore, #tpu.memory_space<semaphore_mem>>)
    %dma_start3A_2548 = arith.constant 23552 : i32
    %dma_start3A_2549 = tpu.memref_slice %arg11[%dma_start3A_2548] : memref<32768xf32, #tpu.memory_space<vmem>> -> memref<1024xf32, #tpu.memory_space<vmem>>
    %dma_start3A_2550 = tpu.memref_slice %arg5[%mul3A_2361] : memref<4194304xf32, #tpu.memory_space<hbm>> -> memref<1024xf32, #tpu.memory_space<hbm>>
    %dma_start3A_2551 = tpu.memref_slice %arg5[%mul3A_2361] : memref<4194304xf32, #tpu.memory_space<hbm>> -> memref<1024xf32, #tpu.memory_space<hbm>>
    %dma_start3A_2552 = arith.constant 23552 : i32
    %dma_start3A_2553 = tpu.memref_slice %arg11[%dma_start3A_2552] : memref<32768xf32, #tpu.memory_space<vmem>> -> memref<1024xf32, #tpu.memory_space<vmem>>
    tpu.enqueue_dma source(%dma_start3A_2553 : memref<1024xf32, #tpu.memory_space<vmem>>) target(%dma_start3A_2551 : memref<1024xf32, #tpu.memory_space<hbm>>) target_semaphore(%arg16 : memref<!tpu.dma_semaphore, #tpu.memory_space<semaphore_mem>>)
    %dma_start3A_2554 = arith.constant 24576 : i32
    %dma_start3A_2555 = tpu.memref_slice %arg11[%dma_start3A_2554] : memref<32768xf32, #tpu.memory_space<vmem>> -> memref<1024xf32, #tpu.memory_space<vmem>>
    %dma_start3A_2556 = tpu.memref_slice %arg5[%mul3A_2367] : memref<4194304xf32, #tpu.memory_space<hbm>> -> memref<1024xf32, #tpu.memory_space<hbm>>
    %dma_start3A_2557 = tpu.memref_slice %arg5[%mul3A_2367] : memref<4194304xf32, #tpu.memory_space<hbm>> -> memref<1024xf32, #tpu.memory_space<hbm>>
    %dma_start3A_2558 = arith.constant 24576 : i32
    %dma_start3A_2559 = tpu.memref_slice %arg11[%dma_start3A_2558] : memref<32768xf32, #tpu.memory_space<vmem>> -> memref<1024xf32, #tpu.memory_space<vmem>>
    tpu.enqueue_dma source(%dma_start3A_2559 : memref<1024xf32, #tpu.memory_space<vmem>>) target(%dma_start3A_2557 : memref<1024xf32, #tpu.memory_space<hbm>>) target_semaphore(%arg16 : memref<!tpu.dma_semaphore, #tpu.memory_space<semaphore_mem>>)
    %dma_start3A_2560 = arith.constant 25600 : i32
    %dma_start3A_2561 = tpu.memref_slice %arg11[%dma_start3A_2560] : memref<32768xf32, #tpu.memory_space<vmem>> -> memref<1024xf32, #tpu.memory_space<vmem>>
    %dma_start3A_2562 = tpu.memref_slice %arg5[%mul3A_2373] : memref<4194304xf32, #tpu.memory_space<hbm>> -> memref<1024xf32, #tpu.memory_space<hbm>>
    %dma_start3A_2563 = tpu.memref_slice %arg5[%mul3A_2373] : memref<4194304xf32, #tpu.memory_space<hbm>> -> memref<1024xf32, #tpu.memory_space<hbm>>
    %dma_start3A_2564 = arith.constant 25600 : i32
    %dma_start3A_2565 = tpu.memref_slice %arg11[%dma_start3A_2564] : memref<32768xf32, #tpu.memory_space<vmem>> -> memref<1024xf32, #tpu.memory_space<vmem>>
    tpu.enqueue_dma source(%dma_start3A_2565 : memref<1024xf32, #tpu.memory_space<vmem>>) target(%dma_start3A_2563 : memref<1024xf32, #tpu.memory_space<hbm>>) target_semaphore(%arg16 : memref<!tpu.dma_semaphore, #tpu.memory_space<semaphore_mem>>)
    %dma_start3A_2566 = arith.constant 26624 : i32
    %dma_start3A_2567 = tpu.memref_slice %arg11[%dma_start3A_2566] : memref<32768xf32, #tpu.memory_space<vmem>> -> memref<1024xf32, #tpu.memory_space<vmem>>
    %dma_start3A_2568 = tpu.memref_slice %arg5[%mul3A_2379] : memref<4194304xf32, #tpu.memory_space<hbm>> -> memref<1024xf32, #tpu.memory_space<hbm>>
    %dma_start3A_2569 = tpu.memref_slice %arg5[%mul3A_2379] : memref<4194304xf32, #tpu.memory_space<hbm>> -> memref<1024xf32, #tpu.memory_space<hbm>>
    %dma_start3A_2570 = arith.constant 26624 : i32
    %dma_start3A_2571 = tpu.memref_slice %arg11[%dma_start3A_2570] : memref<32768xf32, #tpu.memory_space<vmem>> -> memref<1024xf32, #tpu.memory_space<vmem>>
    tpu.enqueue_dma source(%dma_start3A_2571 : memref<1024xf32, #tpu.memory_space<vmem>>) target(%dma_start3A_2569 : memref<1024xf32, #tpu.memory_space<hbm>>) target_semaphore(%arg16 : memref<!tpu.dma_semaphore, #tpu.memory_space<semaphore_mem>>)
    %dma_start3A_2572 = arith.constant 27648 : i32
    %dma_start3A_2573 = tpu.memref_slice %arg11[%dma_start3A_2572] : memref<32768xf32, #tpu.memory_space<vmem>> -> memref<1024xf32, #tpu.memory_space<vmem>>
    %dma_start3A_2574 = tpu.memref_slice %arg5[%mul3A_2385] : memref<4194304xf32, #tpu.memory_space<hbm>> -> memref<1024xf32, #tpu.memory_space<hbm>>
    %dma_start3A_2575 = tpu.memref_slice %arg5[%mul3A_2385] : memref<4194304xf32, #tpu.memory_space<hbm>> -> memref<1024xf32, #tpu.memory_space<hbm>>
    %dma_start3A_2576 = arith.constant 27648 : i32
    %dma_start3A_2577 = tpu.memref_slice %arg11[%dma_start3A_2576] : memref<32768xf32, #tpu.memory_space<vmem>> -> memref<1024xf32, #tpu.memory_space<vmem>>
    tpu.enqueue_dma source(%dma_start3A_2577 : memref<1024xf32, #tpu.memory_space<vmem>>) target(%dma_start3A_2575 : memref<1024xf32, #tpu.memory_space<hbm>>) target_semaphore(%arg16 : memref<!tpu.dma_semaphore, #tpu.memory_space<semaphore_mem>>)
    %dma_start3A_2578 = arith.constant 28672 : i32
    %dma_start3A_2579 = tpu.memref_slice %arg11[%dma_start3A_2578] : memref<32768xf32, #tpu.memory_space<vmem>> -> memref<1024xf32, #tpu.memory_space<vmem>>
    %dma_start3A_2580 = tpu.memref_slice %arg5[%mul3A_2391] : memref<4194304xf32, #tpu.memory_space<hbm>> -> memref<1024xf32, #tpu.memory_space<hbm>>
    %dma_start3A_2581 = tpu.memref_slice %arg5[%mul3A_2391] : memref<4194304xf32, #tpu.memory_space<hbm>> -> memref<1024xf32, #tpu.memory_space<hbm>>
    %dma_start3A_2582 = arith.constant 28672 : i32
    %dma_start3A_2583 = tpu.memref_slice %arg11[%dma_start3A_2582] : memref<32768xf32, #tpu.memory_space<vmem>> -> memref<1024xf32, #tpu.memory_space<vmem>>
    tpu.enqueue_dma source(%dma_start3A_2583 : memref<1024xf32, #tpu.memory_space<vmem>>) target(%dma_start3A_2581 : memref<1024xf32, #tpu.memory_space<hbm>>) target_semaphore(%arg16 : memref<!tpu.dma_semaphore, #tpu.memory_space<semaphore_mem>>)
    %dma_start3A_2584 = arith.constant 29696 : i32
    %dma_start3A_2585 = tpu.memref_slice %arg11[%dma_start3A_2584] : memref<32768xf32, #tpu.memory_space<vmem>> -> memref<1024xf32, #tpu.memory_space<vmem>>
    %dma_start3A_2586 = tpu.memref_slice %arg5[%mul3A_2397] : memref<4194304xf32, #tpu.memory_space<hbm>> -> memref<1024xf32, #tpu.memory_space<hbm>>
    %dma_start3A_2587 = tpu.memref_slice %arg5[%mul3A_2397] : memref<4194304xf32, #tpu.memory_space<hbm>> -> memref<1024xf32, #tpu.memory_space<hbm>>
    %dma_start3A_2588 = arith.constant 29696 : i32
    %dma_start3A_2589 = tpu.memref_slice %arg11[%dma_start3A_2588] : memref<32768xf32, #tpu.memory_space<vmem>> -> memref<1024xf32, #tpu.memory_space<vmem>>
    tpu.enqueue_dma source(%dma_start3A_2589 : memref<1024xf32, #tpu.memory_space<vmem>>) target(%dma_start3A_2587 : memref<1024xf32, #tpu.memory_space<hbm>>) target_semaphore(%arg16 : memref<!tpu.dma_semaphore, #tpu.memory_space<semaphore_mem>>)
    %dma_start3A_2590 = arith.constant 30720 : i32
    %dma_start3A_2591 = tpu.memref_slice %arg11[%dma_start3A_2590] : memref<32768xf32, #tpu.memory_space<vmem>> -> memref<1024xf32, #tpu.memory_space<vmem>>
    %dma_start3A_2592 = tpu.memref_slice %arg5[%mul3A_2403] : memref<4194304xf32, #tpu.memory_space<hbm>> -> memref<1024xf32, #tpu.memory_space<hbm>>
    %dma_start3A_2593 = tpu.memref_slice %arg5[%mul3A_2403] : memref<4194304xf32, #tpu.memory_space<hbm>> -> memref<1024xf32, #tpu.memory_space<hbm>>
    %dma_start3A_2594 = arith.constant 30720 : i32
    %dma_start3A_2595 = tpu.memref_slice %arg11[%dma_start3A_2594] : memref<32768xf32, #tpu.memory_space<vmem>> -> memref<1024xf32, #tpu.memory_space<vmem>>
    tpu.enqueue_dma source(%dma_start3A_2595 : memref<1024xf32, #tpu.memory_space<vmem>>) target(%dma_start3A_2593 : memref<1024xf32, #tpu.memory_space<hbm>>) target_semaphore(%arg16 : memref<!tpu.dma_semaphore, #tpu.memory_space<semaphore_mem>>)
    %dma_start3A_2596 = arith.constant 31744 : i32
    %dma_start3A_2597 = tpu.memref_slice %arg11[%dma_start3A_2596] : memref<32768xf32, #tpu.memory_space<vmem>> -> memref<1024xf32, #tpu.memory_space<vmem>>
    %dma_start3A_2598 = tpu.memref_slice %arg5[%mul3A_2409] : memref<4194304xf32, #tpu.memory_space<hbm>> -> memref<1024xf32, #tpu.memory_space<hbm>>
    %dma_start3A_2599 = tpu.memref_slice %arg5[%mul3A_2409] : memref<4194304xf32, #tpu.memory_space<hbm>> -> memref<1024xf32, #tpu.memory_space<hbm>>
    %dma_start3A_2600 = arith.constant 31744 : i32
    %dma_start3A_2601 = tpu.memref_slice %arg11[%dma_start3A_2600] : memref<32768xf32, #tpu.memory_space<vmem>> -> memref<1024xf32, #tpu.memory_space<vmem>>
    tpu.enqueue_dma source(%dma_start3A_2601 : memref<1024xf32, #tpu.memory_space<vmem>>) target(%dma_start3A_2599 : memref<1024xf32, #tpu.memory_space<hbm>>) target_semaphore(%arg16 : memref<!tpu.dma_semaphore, #tpu.memory_space<semaphore_mem>>)
    %add3A_2602 = arith.constant 0 : i32
    %add3A_2603 = arith.addi %add3A_2602, %mul3A_2 : i32
    %add3A_2604 = arith.constant 2 : i32
    %add3A_2605 = arith.addi %add3A_2603, %add3A_2604 : i32
    %mul3A_2606 = arith.constant 1024 : i32
    %mul3A_2607 = arith.muli %add3A_2605, %mul3A_2606 : i32
    %add3A_2608 = arith.constant 128 : i32
    %add3A_2609 = arith.addi %add3A_2608, %mul3A_2 : i32
    %add3A_2610 = arith.constant 2 : i32
    %add3A_2611 = arith.addi %add3A_2609, %add3A_2610 : i32
    %mul3A_2612 = arith.constant 1024 : i32
    %mul3A_2613 = arith.muli %add3A_2611, %mul3A_2612 : i32
    %add3A_2614 = arith.constant 256 : i32
    %add3A_2615 = arith.addi %add3A_2614, %mul3A_2 : i32
    %add3A_2616 = arith.constant 2 : i32
    %add3A_2617 = arith.addi %add3A_2615, %add3A_2616 : i32
    %mul3A_2618 = arith.constant 1024 : i32
    %mul3A_2619 = arith.muli %add3A_2617, %mul3A_2618 : i32
    %add3A_2620 = arith.constant 384 : i32
    %add3A_2621 = arith.addi %add3A_2620, %mul3A_2 : i32
    %add3A_2622 = arith.constant 2 : i32
    %add3A_2623 = arith.addi %add3A_2621, %add3A_2622 : i32
    %mul3A_2624 = arith.constant 1024 : i32
    %mul3A_2625 = arith.muli %add3A_2623, %mul3A_2624 : i32
    %add3A_2626 = arith.constant 512 : i32
    %add3A_2627 = arith.addi %add3A_2626, %mul3A_2 : i32
    %add3A_2628 = arith.constant 2 : i32
    %add3A_2629 = arith.addi %add3A_2627, %add3A_2628 : i32
    %mul3A_2630 = arith.constant 1024 : i32
    %mul3A_2631 = arith.muli %add3A_2629, %mul3A_2630 : i32
    %add3A_2632 = arith.constant 640 : i32
    %add3A_2633 = arith.addi %add3A_2632, %mul3A_2 : i32
    %add3A_2634 = arith.constant 2 : i32
    %add3A_2635 = arith.addi %add3A_2633, %add3A_2634 : i32
    %mul3A_2636 = arith.constant 1024 : i32
    %mul3A_2637 = arith.muli %add3A_2635, %mul3A_2636 : i32
    %add3A_2638 = arith.constant 768 : i32
    %add3A_2639 = arith.addi %add3A_2638, %mul3A_2 : i32
    %add3A_2640 = arith.constant 2 : i32
    %add3A_2641 = arith.addi %add3A_2639, %add3A_2640 : i32
    %mul3A_2642 = arith.constant 1024 : i32
    %mul3A_2643 = arith.muli %add3A_2641, %mul3A_2642 : i32
    %add3A_2644 = arith.constant 896 : i32
    %add3A_2645 = arith.addi %add3A_2644, %mul3A_2 : i32
    %add3A_2646 = arith.constant 2 : i32
    %add3A_2647 = arith.addi %add3A_2645, %add3A_2646 : i32
    %mul3A_2648 = arith.constant 1024 : i32
    %mul3A_2649 = arith.muli %add3A_2647, %mul3A_2648 : i32
    %add3A_2650 = arith.constant 1024 : i32
    %add3A_2651 = arith.addi %add3A_2650, %mul3A_2 : i32
    %add3A_2652 = arith.constant 2 : i32
    %add3A_2653 = arith.addi %add3A_2651, %add3A_2652 : i32
    %mul3A_2654 = arith.constant 1024 : i32
    %mul3A_2655 = arith.muli %add3A_2653, %mul3A_2654 : i32
    %add3A_2656 = arith.constant 1152 : i32
    %add3A_2657 = arith.addi %add3A_2656, %mul3A_2 : i32
    %add3A_2658 = arith.constant 2 : i32
    %add3A_2659 = arith.addi %add3A_2657, %add3A_2658 : i32
    %mul3A_2660 = arith.constant 1024 : i32
    %mul3A_2661 = arith.muli %add3A_2659, %mul3A_2660 : i32
    %add3A_2662 = arith.constant 1280 : i32
    %add3A_2663 = arith.addi %add3A_2662, %mul3A_2 : i32
    %add3A_2664 = arith.constant 2 : i32
    %add3A_2665 = arith.addi %add3A_2663, %add3A_2664 : i32
    %mul3A_2666 = arith.constant 1024 : i32
    %mul3A_2667 = arith.muli %add3A_2665, %mul3A_2666 : i32
    %add3A_2668 = arith.constant 1408 : i32
    %add3A_2669 = arith.addi %add3A_2668, %mul3A_2 : i32
    %add3A_2670 = arith.constant 2 : i32
    %add3A_2671 = arith.addi %add3A_2669, %add3A_2670 : i32
    %mul3A_2672 = arith.constant 1024 : i32
    %mul3A_2673 = arith.muli %add3A_2671, %mul3A_2672 : i32
    %add3A_2674 = arith.constant 1536 : i32
    %add3A_2675 = arith.addi %add3A_2674, %mul3A_2 : i32
    %add3A_2676 = arith.constant 2 : i32
    %add3A_2677 = arith.addi %add3A_2675, %add3A_2676 : i32
    %mul3A_2678 = arith.constant 1024 : i32
    %mul3A_2679 = arith.muli %add3A_2677, %mul3A_2678 : i32
    %add3A_2680 = arith.constant 1664 : i32
    %add3A_2681 = arith.addi %add3A_2680, %mul3A_2 : i32
    %add3A_2682 = arith.constant 2 : i32
    %add3A_2683 = arith.addi %add3A_2681, %add3A_2682 : i32
    %mul3A_2684 = arith.constant 1024 : i32
    %mul3A_2685 = arith.muli %add3A_2683, %mul3A_2684 : i32
    %add3A_2686 = arith.constant 1792 : i32
    %add3A_2687 = arith.addi %add3A_2686, %mul3A_2 : i32
    %add3A_2688 = arith.constant 2 : i32
    %add3A_2689 = arith.addi %add3A_2687, %add3A_2688 : i32
    %mul3A_2690 = arith.constant 1024 : i32
    %mul3A_2691 = arith.muli %add3A_2689, %mul3A_2690 : i32
    %add3A_2692 = arith.constant 1920 : i32
    %add3A_2693 = arith.addi %add3A_2692, %mul3A_2 : i32
    %add3A_2694 = arith.constant 2 : i32
    %add3A_2695 = arith.addi %add3A_2693, %add3A_2694 : i32
    %mul3A_2696 = arith.constant 1024 : i32
    %mul3A_2697 = arith.muli %add3A_2695, %mul3A_2696 : i32
    %add3A_2698 = arith.constant 2048 : i32
    %add3A_2699 = arith.addi %add3A_2698, %mul3A_2 : i32
    %add3A_2700 = arith.constant 2 : i32
    %add3A_2701 = arith.addi %add3A_2699, %add3A_2700 : i32
    %mul3A_2702 = arith.constant 1024 : i32
    %mul3A_2703 = arith.muli %add3A_2701, %mul3A_2702 : i32
    %add3A_2704 = arith.constant 2176 : i32
    %add3A_2705 = arith.addi %add3A_2704, %mul3A_2 : i32
    %add3A_2706 = arith.constant 2 : i32
    %add3A_2707 = arith.addi %add3A_2705, %add3A_2706 : i32
    %mul3A_2708 = arith.constant 1024 : i32
    %mul3A_2709 = arith.muli %add3A_2707, %mul3A_2708 : i32
    %add3A_2710 = arith.constant 2304 : i32
    %add3A_2711 = arith.addi %add3A_2710, %mul3A_2 : i32
    %add3A_2712 = arith.constant 2 : i32
    %add3A_2713 = arith.addi %add3A_2711, %add3A_2712 : i32
    %mul3A_2714 = arith.constant 1024 : i32
    %mul3A_2715 = arith.muli %add3A_2713, %mul3A_2714 : i32
    %add3A_2716 = arith.constant 2432 : i32
    %add3A_2717 = arith.addi %add3A_2716, %mul3A_2 : i32
    %add3A_2718 = arith.constant 2 : i32
    %add3A_2719 = arith.addi %add3A_2717, %add3A_2718 : i32
    %mul3A_2720 = arith.constant 1024 : i32
    %mul3A_2721 = arith.muli %add3A_2719, %mul3A_2720 : i32
    %add3A_2722 = arith.constant 2560 : i32
    %add3A_2723 = arith.addi %add3A_2722, %mul3A_2 : i32
    %add3A_2724 = arith.constant 2 : i32
    %add3A_2725 = arith.addi %add3A_2723, %add3A_2724 : i32
    %mul3A_2726 = arith.constant 1024 : i32
    %mul3A_2727 = arith.muli %add3A_2725, %mul3A_2726 : i32
    %add3A_2728 = arith.constant 2688 : i32
    %add3A_2729 = arith.addi %add3A_2728, %mul3A_2 : i32
    %add3A_2730 = arith.constant 2 : i32
    %add3A_2731 = arith.addi %add3A_2729, %add3A_2730 : i32
    %mul3A_2732 = arith.constant 1024 : i32
    %mul3A_2733 = arith.muli %add3A_2731, %mul3A_2732 : i32
    %add3A_2734 = arith.constant 2816 : i32
    %add3A_2735 = arith.addi %add3A_2734, %mul3A_2 : i32
    %add3A_2736 = arith.constant 2 : i32
    %add3A_2737 = arith.addi %add3A_2735, %add3A_2736 : i32
    %mul3A_2738 = arith.constant 1024 : i32
    %mul3A_2739 = arith.muli %add3A_2737, %mul3A_2738 : i32
    %add3A_2740 = arith.constant 2944 : i32
    %add3A_2741 = arith.addi %add3A_2740, %mul3A_2 : i32
    %add3A_2742 = arith.constant 2 : i32
    %add3A_2743 = arith.addi %add3A_2741, %add3A_2742 : i32
    %mul3A_2744 = arith.constant 1024 : i32
    %mul3A_2745 = arith.muli %add3A_2743, %mul3A_2744 : i32
    %add3A_2746 = arith.constant 3072 : i32
    %add3A_2747 = arith.addi %add3A_2746, %mul3A_2 : i32
    %add3A_2748 = arith.constant 2 : i32
    %add3A_2749 = arith.addi %add3A_2747, %add3A_2748 : i32
    %mul3A_2750 = arith.constant 1024 : i32
    %mul3A_2751 = arith.muli %add3A_2749, %mul3A_2750 : i32
    %add3A_2752 = arith.constant 3200 : i32
    %add3A_2753 = arith.addi %add3A_2752, %mul3A_2 : i32
    %add3A_2754 = arith.constant 2 : i32
    %add3A_2755 = arith.addi %add3A_2753, %add3A_2754 : i32
    %mul3A_2756 = arith.constant 1024 : i32
    %mul3A_2757 = arith.muli %add3A_2755, %mul3A_2756 : i32
    %add3A_2758 = arith.constant 3328 : i32
    %add3A_2759 = arith.addi %add3A_2758, %mul3A_2 : i32
    %add3A_2760 = arith.constant 2 : i32
    %add3A_2761 = arith.addi %add3A_2759, %add3A_2760 : i32
    %mul3A_2762 = arith.constant 1024 : i32
    %mul3A_2763 = arith.muli %add3A_2761, %mul3A_2762 : i32
    %add3A_2764 = arith.constant 3456 : i32
    %add3A_2765 = arith.addi %add3A_2764, %mul3A_2 : i32
    %add3A_2766 = arith.constant 2 : i32
    %add3A_2767 = arith.addi %add3A_2765, %add3A_2766 : i32
    %mul3A_2768 = arith.constant 1024 : i32
    %mul3A_2769 = arith.muli %add3A_2767, %mul3A_2768 : i32
    %add3A_2770 = arith.constant 3584 : i32
    %add3A_2771 = arith.addi %add3A_2770, %mul3A_2 : i32
    %add3A_2772 = arith.constant 2 : i32
    %add3A_2773 = arith.addi %add3A_2771, %add3A_2772 : i32
    %mul3A_2774 = arith.constant 1024 : i32
    %mul3A_2775 = arith.muli %add3A_2773, %mul3A_2774 : i32
    %add3A_2776 = arith.constant 3712 : i32
    %add3A_2777 = arith.addi %add3A_2776, %mul3A_2 : i32
    %add3A_2778 = arith.constant 2 : i32
    %add3A_2779 = arith.addi %add3A_2777, %add3A_2778 : i32
    %mul3A_2780 = arith.constant 1024 : i32
    %mul3A_2781 = arith.muli %add3A_2779, %mul3A_2780 : i32
    %add3A_2782 = arith.constant 3840 : i32
    %add3A_2783 = arith.addi %add3A_2782, %mul3A_2 : i32
    %add3A_2784 = arith.constant 2 : i32
    %add3A_2785 = arith.addi %add3A_2783, %add3A_2784 : i32
    %mul3A_2786 = arith.constant 1024 : i32
    %mul3A_2787 = arith.muli %add3A_2785, %mul3A_2786 : i32
    %add3A_2788 = arith.constant 3968 : i32
    %add3A_2789 = arith.addi %add3A_2788, %mul3A_2 : i32
    %add3A_2790 = arith.constant 2 : i32
    %add3A_2791 = arith.addi %add3A_2789, %add3A_2790 : i32
    %mul3A_2792 = arith.constant 1024 : i32
    %mul3A_2793 = arith.muli %add3A_2791, %mul3A_2792 : i32
    %dma_wait3A_2794 = arith.constant 0 : i32
    %dma_wait3A_2795 = tpu.memref_slice %arg10[%dma_wait3A_2794] : memref<32768xf32, #tpu.memory_space<vmem>> -> memref<1024xf32, #tpu.memory_space<vmem>>
    %dma_wait3A_2796 = tpu.memref_slice %arg5[%mul3A_2607] : memref<4194304xf32, #tpu.memory_space<hbm>> -> memref<1024xf32, #tpu.memory_space<hbm>>
    %dma_wait3A_2797 = tpu.memref_slice %arg5[%mul3A_2607] : memref<4194304xf32, #tpu.memory_space<hbm>> -> memref<1024xf32, #tpu.memory_space<hbm>>
    %dma_wait3A_2798 = arith.constant 0 : i32
    %dma_wait3A_2799 = tpu.memref_slice %arg10[%dma_wait3A_2798] : memref<32768xf32, #tpu.memory_space<vmem>> -> memref<1024xf32, #tpu.memory_space<vmem>>
    tpu.wait_dma2 semaphore(%arg15 : memref<!tpu.dma_semaphore, #tpu.memory_space<semaphore_mem>>) src(%dma_wait3A_2799 : memref<1024xf32, #tpu.memory_space<vmem>>) dst(%dma_wait3A_2797 : memref<1024xf32, #tpu.memory_space<hbm>>)
    %dma_wait3A_2800 = arith.constant 1024 : i32
    %dma_wait3A_2801 = tpu.memref_slice %arg10[%dma_wait3A_2800] : memref<32768xf32, #tpu.memory_space<vmem>> -> memref<1024xf32, #tpu.memory_space<vmem>>
    %dma_wait3A_2802 = tpu.memref_slice %arg5[%mul3A_2613] : memref<4194304xf32, #tpu.memory_space<hbm>> -> memref<1024xf32, #tpu.memory_space<hbm>>
    %dma_wait3A_2803 = tpu.memref_slice %arg5[%mul3A_2613] : memref<4194304xf32, #tpu.memory_space<hbm>> -> memref<1024xf32, #tpu.memory_space<hbm>>
    %dma_wait3A_2804 = arith.constant 1024 : i32
    %dma_wait3A_2805 = tpu.memref_slice %arg10[%dma_wait3A_2804] : memref<32768xf32, #tpu.memory_space<vmem>> -> memref<1024xf32, #tpu.memory_space<vmem>>
    tpu.wait_dma2 semaphore(%arg15 : memref<!tpu.dma_semaphore, #tpu.memory_space<semaphore_mem>>) src(%dma_wait3A_2805 : memref<1024xf32, #tpu.memory_space<vmem>>) dst(%dma_wait3A_2803 : memref<1024xf32, #tpu.memory_space<hbm>>)
    %dma_wait3A_2806 = arith.constant 2048 : i32
    %dma_wait3A_2807 = tpu.memref_slice %arg10[%dma_wait3A_2806] : memref<32768xf32, #tpu.memory_space<vmem>> -> memref<1024xf32, #tpu.memory_space<vmem>>
    %dma_wait3A_2808 = tpu.memref_slice %arg5[%mul3A_2619] : memref<4194304xf32, #tpu.memory_space<hbm>> -> memref<1024xf32, #tpu.memory_space<hbm>>
    %dma_wait3A_2809 = tpu.memref_slice %arg5[%mul3A_2619] : memref<4194304xf32, #tpu.memory_space<hbm>> -> memref<1024xf32, #tpu.memory_space<hbm>>
    %dma_wait3A_2810 = arith.constant 2048 : i32
    %dma_wait3A_2811 = tpu.memref_slice %arg10[%dma_wait3A_2810] : memref<32768xf32, #tpu.memory_space<vmem>> -> memref<1024xf32, #tpu.memory_space<vmem>>
    tpu.wait_dma2 semaphore(%arg15 : memref<!tpu.dma_semaphore, #tpu.memory_space<semaphore_mem>>) src(%dma_wait3A_2811 : memref<1024xf32, #tpu.memory_space<vmem>>) dst(%dma_wait3A_2809 : memref<1024xf32, #tpu.memory_space<hbm>>)
    %dma_wait3A_2812 = arith.constant 3072 : i32
    %dma_wait3A_2813 = tpu.memref_slice %arg10[%dma_wait3A_2812] : memref<32768xf32, #tpu.memory_space<vmem>> -> memref<1024xf32, #tpu.memory_space<vmem>>
    %dma_wait3A_2814 = tpu.memref_slice %arg5[%mul3A_2625] : memref<4194304xf32, #tpu.memory_space<hbm>> -> memref<1024xf32, #tpu.memory_space<hbm>>
    %dma_wait3A_2815 = tpu.memref_slice %arg5[%mul3A_2625] : memref<4194304xf32, #tpu.memory_space<hbm>> -> memref<1024xf32, #tpu.memory_space<hbm>>
    %dma_wait3A_2816 = arith.constant 3072 : i32
    %dma_wait3A_2817 = tpu.memref_slice %arg10[%dma_wait3A_2816] : memref<32768xf32, #tpu.memory_space<vmem>> -> memref<1024xf32, #tpu.memory_space<vmem>>
    tpu.wait_dma2 semaphore(%arg15 : memref<!tpu.dma_semaphore, #tpu.memory_space<semaphore_mem>>) src(%dma_wait3A_2817 : memref<1024xf32, #tpu.memory_space<vmem>>) dst(%dma_wait3A_2815 : memref<1024xf32, #tpu.memory_space<hbm>>)
    %dma_wait3A_2818 = arith.constant 4096 : i32
    %dma_wait3A_2819 = tpu.memref_slice %arg10[%dma_wait3A_2818] : memref<32768xf32, #tpu.memory_space<vmem>> -> memref<1024xf32, #tpu.memory_space<vmem>>
    %dma_wait3A_2820 = tpu.memref_slice %arg5[%mul3A_2631] : memref<4194304xf32, #tpu.memory_space<hbm>> -> memref<1024xf32, #tpu.memory_space<hbm>>
    %dma_wait3A_2821 = tpu.memref_slice %arg5[%mul3A_2631] : memref<4194304xf32, #tpu.memory_space<hbm>> -> memref<1024xf32, #tpu.memory_space<hbm>>
    %dma_wait3A_2822 = arith.constant 4096 : i32
    %dma_wait3A_2823 = tpu.memref_slice %arg10[%dma_wait3A_2822] : memref<32768xf32, #tpu.memory_space<vmem>> -> memref<1024xf32, #tpu.memory_space<vmem>>
    tpu.wait_dma2 semaphore(%arg15 : memref<!tpu.dma_semaphore, #tpu.memory_space<semaphore_mem>>) src(%dma_wait3A_2823 : memref<1024xf32, #tpu.memory_space<vmem>>) dst(%dma_wait3A_2821 : memref<1024xf32, #tpu.memory_space<hbm>>)
    %dma_wait3A_2824 = arith.constant 5120 : i32
    %dma_wait3A_2825 = tpu.memref_slice %arg10[%dma_wait3A_2824] : memref<32768xf32, #tpu.memory_space<vmem>> -> memref<1024xf32, #tpu.memory_space<vmem>>
    %dma_wait3A_2826 = tpu.memref_slice %arg5[%mul3A_2637] : memref<4194304xf32, #tpu.memory_space<hbm>> -> memref<1024xf32, #tpu.memory_space<hbm>>
    %dma_wait3A_2827 = tpu.memref_slice %arg5[%mul3A_2637] : memref<4194304xf32, #tpu.memory_space<hbm>> -> memref<1024xf32, #tpu.memory_space<hbm>>
    %dma_wait3A_2828 = arith.constant 5120 : i32
    %dma_wait3A_2829 = tpu.memref_slice %arg10[%dma_wait3A_2828] : memref<32768xf32, #tpu.memory_space<vmem>> -> memref<1024xf32, #tpu.memory_space<vmem>>
    tpu.wait_dma2 semaphore(%arg15 : memref<!tpu.dma_semaphore, #tpu.memory_space<semaphore_mem>>) src(%dma_wait3A_2829 : memref<1024xf32, #tpu.memory_space<vmem>>) dst(%dma_wait3A_2827 : memref<1024xf32, #tpu.memory_space<hbm>>)
    %dma_wait3A_2830 = arith.constant 6144 : i32
    %dma_wait3A_2831 = tpu.memref_slice %arg10[%dma_wait3A_2830] : memref<32768xf32, #tpu.memory_space<vmem>> -> memref<1024xf32, #tpu.memory_space<vmem>>
    %dma_wait3A_2832 = tpu.memref_slice %arg5[%mul3A_2643] : memref<4194304xf32, #tpu.memory_space<hbm>> -> memref<1024xf32, #tpu.memory_space<hbm>>
    %dma_wait3A_2833 = tpu.memref_slice %arg5[%mul3A_2643] : memref<4194304xf32, #tpu.memory_space<hbm>> -> memref<1024xf32, #tpu.memory_space<hbm>>
    %dma_wait3A_2834 = arith.constant 6144 : i32
    %dma_wait3A_2835 = tpu.memref_slice %arg10[%dma_wait3A_2834] : memref<32768xf32, #tpu.memory_space<vmem>> -> memref<1024xf32, #tpu.memory_space<vmem>>
    tpu.wait_dma2 semaphore(%arg15 : memref<!tpu.dma_semaphore, #tpu.memory_space<semaphore_mem>>) src(%dma_wait3A_2835 : memref<1024xf32, #tpu.memory_space<vmem>>) dst(%dma_wait3A_2833 : memref<1024xf32, #tpu.memory_space<hbm>>)
    %dma_wait3A_2836 = arith.constant 7168 : i32
    %dma_wait3A_2837 = tpu.memref_slice %arg10[%dma_wait3A_2836] : memref<32768xf32, #tpu.memory_space<vmem>> -> memref<1024xf32, #tpu.memory_space<vmem>>
    %dma_wait3A_2838 = tpu.memref_slice %arg5[%mul3A_2649] : memref<4194304xf32, #tpu.memory_space<hbm>> -> memref<1024xf32, #tpu.memory_space<hbm>>
    %dma_wait3A_2839 = tpu.memref_slice %arg5[%mul3A_2649] : memref<4194304xf32, #tpu.memory_space<hbm>> -> memref<1024xf32, #tpu.memory_space<hbm>>
    %dma_wait3A_2840 = arith.constant 7168 : i32
    %dma_wait3A_2841 = tpu.memref_slice %arg10[%dma_wait3A_2840] : memref<32768xf32, #tpu.memory_space<vmem>> -> memref<1024xf32, #tpu.memory_space<vmem>>
    tpu.wait_dma2 semaphore(%arg15 : memref<!tpu.dma_semaphore, #tpu.memory_space<semaphore_mem>>) src(%dma_wait3A_2841 : memref<1024xf32, #tpu.memory_space<vmem>>) dst(%dma_wait3A_2839 : memref<1024xf32, #tpu.memory_space<hbm>>)
    %dma_wait3A_2842 = arith.constant 8192 : i32
    %dma_wait3A_2843 = tpu.memref_slice %arg10[%dma_wait3A_2842] : memref<32768xf32, #tpu.memory_space<vmem>> -> memref<1024xf32, #tpu.memory_space<vmem>>
    %dma_wait3A_2844 = tpu.memref_slice %arg5[%mul3A_2655] : memref<4194304xf32, #tpu.memory_space<hbm>> -> memref<1024xf32, #tpu.memory_space<hbm>>
    %dma_wait3A_2845 = tpu.memref_slice %arg5[%mul3A_2655] : memref<4194304xf32, #tpu.memory_space<hbm>> -> memref<1024xf32, #tpu.memory_space<hbm>>
    %dma_wait3A_2846 = arith.constant 8192 : i32
    %dma_wait3A_2847 = tpu.memref_slice %arg10[%dma_wait3A_2846] : memref<32768xf32, #tpu.memory_space<vmem>> -> memref<1024xf32, #tpu.memory_space<vmem>>
    tpu.wait_dma2 semaphore(%arg15 : memref<!tpu.dma_semaphore, #tpu.memory_space<semaphore_mem>>) src(%dma_wait3A_2847 : memref<1024xf32, #tpu.memory_space<vmem>>) dst(%dma_wait3A_2845 : memref<1024xf32, #tpu.memory_space<hbm>>)
    %dma_wait3A_2848 = arith.constant 9216 : i32
    %dma_wait3A_2849 = tpu.memref_slice %arg10[%dma_wait3A_2848] : memref<32768xf32, #tpu.memory_space<vmem>> -> memref<1024xf32, #tpu.memory_space<vmem>>
    %dma_wait3A_2850 = tpu.memref_slice %arg5[%mul3A_2661] : memref<4194304xf32, #tpu.memory_space<hbm>> -> memref<1024xf32, #tpu.memory_space<hbm>>
    %dma_wait3A_2851 = tpu.memref_slice %arg5[%mul3A_2661] : memref<4194304xf32, #tpu.memory_space<hbm>> -> memref<1024xf32, #tpu.memory_space<hbm>>
    %dma_wait3A_2852 = arith.constant 9216 : i32
    %dma_wait3A_2853 = tpu.memref_slice %arg10[%dma_wait3A_2852] : memref<32768xf32, #tpu.memory_space<vmem>> -> memref<1024xf32, #tpu.memory_space<vmem>>
    tpu.wait_dma2 semaphore(%arg15 : memref<!tpu.dma_semaphore, #tpu.memory_space<semaphore_mem>>) src(%dma_wait3A_2853 : memref<1024xf32, #tpu.memory_space<vmem>>) dst(%dma_wait3A_2851 : memref<1024xf32, #tpu.memory_space<hbm>>)
    %dma_wait3A_2854 = arith.constant 10240 : i32
    %dma_wait3A_2855 = tpu.memref_slice %arg10[%dma_wait3A_2854] : memref<32768xf32, #tpu.memory_space<vmem>> -> memref<1024xf32, #tpu.memory_space<vmem>>
    %dma_wait3A_2856 = tpu.memref_slice %arg5[%mul3A_2667] : memref<4194304xf32, #tpu.memory_space<hbm>> -> memref<1024xf32, #tpu.memory_space<hbm>>
    %dma_wait3A_2857 = tpu.memref_slice %arg5[%mul3A_2667] : memref<4194304xf32, #tpu.memory_space<hbm>> -> memref<1024xf32, #tpu.memory_space<hbm>>
    %dma_wait3A_2858 = arith.constant 10240 : i32
    %dma_wait3A_2859 = tpu.memref_slice %arg10[%dma_wait3A_2858] : memref<32768xf32, #tpu.memory_space<vmem>> -> memref<1024xf32, #tpu.memory_space<vmem>>
    tpu.wait_dma2 semaphore(%arg15 : memref<!tpu.dma_semaphore, #tpu.memory_space<semaphore_mem>>) src(%dma_wait3A_2859 : memref<1024xf32, #tpu.memory_space<vmem>>) dst(%dma_wait3A_2857 : memref<1024xf32, #tpu.memory_space<hbm>>)
    %dma_wait3A_2860 = arith.constant 11264 : i32
    %dma_wait3A_2861 = tpu.memref_slice %arg10[%dma_wait3A_2860] : memref<32768xf32, #tpu.memory_space<vmem>> -> memref<1024xf32, #tpu.memory_space<vmem>>
    %dma_wait3A_2862 = tpu.memref_slice %arg5[%mul3A_2673] : memref<4194304xf32, #tpu.memory_space<hbm>> -> memref<1024xf32, #tpu.memory_space<hbm>>
    %dma_wait3A_2863 = tpu.memref_slice %arg5[%mul3A_2673] : memref<4194304xf32, #tpu.memory_space<hbm>> -> memref<1024xf32, #tpu.memory_space<hbm>>
    %dma_wait3A_2864 = arith.constant 11264 : i32
    %dma_wait3A_2865 = tpu.memref_slice %arg10[%dma_wait3A_2864] : memref<32768xf32, #tpu.memory_space<vmem>> -> memref<1024xf32, #tpu.memory_space<vmem>>
    tpu.wait_dma2 semaphore(%arg15 : memref<!tpu.dma_semaphore, #tpu.memory_space<semaphore_mem>>) src(%dma_wait3A_2865 : memref<1024xf32, #tpu.memory_space<vmem>>) dst(%dma_wait3A_2863 : memref<1024xf32, #tpu.memory_space<hbm>>)
    %dma_wait3A_2866 = arith.constant 12288 : i32
    %dma_wait3A_2867 = tpu.memref_slice %arg10[%dma_wait3A_2866] : memref<32768xf32, #tpu.memory_space<vmem>> -> memref<1024xf32, #tpu.memory_space<vmem>>
    %dma_wait3A_2868 = tpu.memref_slice %arg5[%mul3A_2679] : memref<4194304xf32, #tpu.memory_space<hbm>> -> memref<1024xf32, #tpu.memory_space<hbm>>
    %dma_wait3A_2869 = tpu.memref_slice %arg5[%mul3A_2679] : memref<4194304xf32, #tpu.memory_space<hbm>> -> memref<1024xf32, #tpu.memory_space<hbm>>
    %dma_wait3A_2870 = arith.constant 12288 : i32
    %dma_wait3A_2871 = tpu.memref_slice %arg10[%dma_wait3A_2870] : memref<32768xf32, #tpu.memory_space<vmem>> -> memref<1024xf32, #tpu.memory_space<vmem>>
    tpu.wait_dma2 semaphore(%arg15 : memref<!tpu.dma_semaphore, #tpu.memory_space<semaphore_mem>>) src(%dma_wait3A_2871 : memref<1024xf32, #tpu.memory_space<vmem>>) dst(%dma_wait3A_2869 : memref<1024xf32, #tpu.memory_space<hbm>>)
    %dma_wait3A_2872 = arith.constant 13312 : i32
    %dma_wait3A_2873 = tpu.memref_slice %arg10[%dma_wait3A_2872] : memref<32768xf32, #tpu.memory_space<vmem>> -> memref<1024xf32, #tpu.memory_space<vmem>>
    %dma_wait3A_2874 = tpu.memref_slice %arg5[%mul3A_2685] : memref<4194304xf32, #tpu.memory_space<hbm>> -> memref<1024xf32, #tpu.memory_space<hbm>>
    %dma_wait3A_2875 = tpu.memref_slice %arg5[%mul3A_2685] : memref<4194304xf32, #tpu.memory_space<hbm>> -> memref<1024xf32, #tpu.memory_space<hbm>>
    %dma_wait3A_2876 = arith.constant 13312 : i32
    %dma_wait3A_2877 = tpu.memref_slice %arg10[%dma_wait3A_2876] : memref<32768xf32, #tpu.memory_space<vmem>> -> memref<1024xf32, #tpu.memory_space<vmem>>
    tpu.wait_dma2 semaphore(%arg15 : memref<!tpu.dma_semaphore, #tpu.memory_space<semaphore_mem>>) src(%dma_wait3A_2877 : memref<1024xf32, #tpu.memory_space<vmem>>) dst(%dma_wait3A_2875 : memref<1024xf32, #tpu.memory_space<hbm>>)
    %dma_wait3A_2878 = arith.constant 14336 : i32
    %dma_wait3A_2879 = tpu.memref_slice %arg10[%dma_wait3A_2878] : memref<32768xf32, #tpu.memory_space<vmem>> -> memref<1024xf32, #tpu.memory_space<vmem>>
    %dma_wait3A_2880 = tpu.memref_slice %arg5[%mul3A_2691] : memref<4194304xf32, #tpu.memory_space<hbm>> -> memref<1024xf32, #tpu.memory_space<hbm>>
    %dma_wait3A_2881 = tpu.memref_slice %arg5[%mul3A_2691] : memref<4194304xf32, #tpu.memory_space<hbm>> -> memref<1024xf32, #tpu.memory_space<hbm>>
    %dma_wait3A_2882 = arith.constant 14336 : i32
    %dma_wait3A_2883 = tpu.memref_slice %arg10[%dma_wait3A_2882] : memref<32768xf32, #tpu.memory_space<vmem>> -> memref<1024xf32, #tpu.memory_space<vmem>>
    tpu.wait_dma2 semaphore(%arg15 : memref<!tpu.dma_semaphore, #tpu.memory_space<semaphore_mem>>) src(%dma_wait3A_2883 : memref<1024xf32, #tpu.memory_space<vmem>>) dst(%dma_wait3A_2881 : memref<1024xf32, #tpu.memory_space<hbm>>)
    %dma_wait3A_2884 = arith.constant 15360 : i32
    %dma_wait3A_2885 = tpu.memref_slice %arg10[%dma_wait3A_2884] : memref<32768xf32, #tpu.memory_space<vmem>> -> memref<1024xf32, #tpu.memory_space<vmem>>
    %dma_wait3A_2886 = tpu.memref_slice %arg5[%mul3A_2697] : memref<4194304xf32, #tpu.memory_space<hbm>> -> memref<1024xf32, #tpu.memory_space<hbm>>
    %dma_wait3A_2887 = tpu.memref_slice %arg5[%mul3A_2697] : memref<4194304xf32, #tpu.memory_space<hbm>> -> memref<1024xf32, #tpu.memory_space<hbm>>
    %dma_wait3A_2888 = arith.constant 15360 : i32
    %dma_wait3A_2889 = tpu.memref_slice %arg10[%dma_wait3A_2888] : memref<32768xf32, #tpu.memory_space<vmem>> -> memref<1024xf32, #tpu.memory_space<vmem>>
    tpu.wait_dma2 semaphore(%arg15 : memref<!tpu.dma_semaphore, #tpu.memory_space<semaphore_mem>>) src(%dma_wait3A_2889 : memref<1024xf32, #tpu.memory_space<vmem>>) dst(%dma_wait3A_2887 : memref<1024xf32, #tpu.memory_space<hbm>>)
    %dma_wait3A_2890 = arith.constant 16384 : i32
    %dma_wait3A_2891 = tpu.memref_slice %arg10[%dma_wait3A_2890] : memref<32768xf32, #tpu.memory_space<vmem>> -> memref<1024xf32, #tpu.memory_space<vmem>>
    %dma_wait3A_2892 = tpu.memref_slice %arg5[%mul3A_2703] : memref<4194304xf32, #tpu.memory_space<hbm>> -> memref<1024xf32, #tpu.memory_space<hbm>>
    %dma_wait3A_2893 = tpu.memref_slice %arg5[%mul3A_2703] : memref<4194304xf32, #tpu.memory_space<hbm>> -> memref<1024xf32, #tpu.memory_space<hbm>>
    %dma_wait3A_2894 = arith.constant 16384 : i32
    %dma_wait3A_2895 = tpu.memref_slice %arg10[%dma_wait3A_2894] : memref<32768xf32, #tpu.memory_space<vmem>> -> memref<1024xf32, #tpu.memory_space<vmem>>
    tpu.wait_dma2 semaphore(%arg15 : memref<!tpu.dma_semaphore, #tpu.memory_space<semaphore_mem>>) src(%dma_wait3A_2895 : memref<1024xf32, #tpu.memory_space<vmem>>) dst(%dma_wait3A_2893 : memref<1024xf32, #tpu.memory_space<hbm>>)
    %dma_wait3A_2896 = arith.constant 17408 : i32
    %dma_wait3A_2897 = tpu.memref_slice %arg10[%dma_wait3A_2896] : memref<32768xf32, #tpu.memory_space<vmem>> -> memref<1024xf32, #tpu.memory_space<vmem>>
    %dma_wait3A_2898 = tpu.memref_slice %arg5[%mul3A_2709] : memref<4194304xf32, #tpu.memory_space<hbm>> -> memref<1024xf32, #tpu.memory_space<hbm>>
    %dma_wait3A_2899 = tpu.memref_slice %arg5[%mul3A_2709] : memref<4194304xf32, #tpu.memory_space<hbm>> -> memref<1024xf32, #tpu.memory_space<hbm>>
    %dma_wait3A_2900 = arith.constant 17408 : i32
    %dma_wait3A_2901 = tpu.memref_slice %arg10[%dma_wait3A_2900] : memref<32768xf32, #tpu.memory_space<vmem>> -> memref<1024xf32, #tpu.memory_space<vmem>>
    tpu.wait_dma2 semaphore(%arg15 : memref<!tpu.dma_semaphore, #tpu.memory_space<semaphore_mem>>) src(%dma_wait3A_2901 : memref<1024xf32, #tpu.memory_space<vmem>>) dst(%dma_wait3A_2899 : memref<1024xf32, #tpu.memory_space<hbm>>)
    %dma_wait3A_2902 = arith.constant 18432 : i32
    %dma_wait3A_2903 = tpu.memref_slice %arg10[%dma_wait3A_2902] : memref<32768xf32, #tpu.memory_space<vmem>> -> memref<1024xf32, #tpu.memory_space<vmem>>
    %dma_wait3A_2904 = tpu.memref_slice %arg5[%mul3A_2715] : memref<4194304xf32, #tpu.memory_space<hbm>> -> memref<1024xf32, #tpu.memory_space<hbm>>
    %dma_wait3A_2905 = tpu.memref_slice %arg5[%mul3A_2715] : memref<4194304xf32, #tpu.memory_space<hbm>> -> memref<1024xf32, #tpu.memory_space<hbm>>
    %dma_wait3A_2906 = arith.constant 18432 : i32
    %dma_wait3A_2907 = tpu.memref_slice %arg10[%dma_wait3A_2906] : memref<32768xf32, #tpu.memory_space<vmem>> -> memref<1024xf32, #tpu.memory_space<vmem>>
    tpu.wait_dma2 semaphore(%arg15 : memref<!tpu.dma_semaphore, #tpu.memory_space<semaphore_mem>>) src(%dma_wait3A_2907 : memref<1024xf32, #tpu.memory_space<vmem>>) dst(%dma_wait3A_2905 : memref<1024xf32, #tpu.memory_space<hbm>>)
    %dma_wait3A_2908 = arith.constant 19456 : i32
    %dma_wait3A_2909 = tpu.memref_slice %arg10[%dma_wait3A_2908] : memref<32768xf32, #tpu.memory_space<vmem>> -> memref<1024xf32, #tpu.memory_space<vmem>>
    %dma_wait3A_2910 = tpu.memref_slice %arg5[%mul3A_2721] : memref<4194304xf32, #tpu.memory_space<hbm>> -> memref<1024xf32, #tpu.memory_space<hbm>>
    %dma_wait3A_2911 = tpu.memref_slice %arg5[%mul3A_2721] : memref<4194304xf32, #tpu.memory_space<hbm>> -> memref<1024xf32, #tpu.memory_space<hbm>>
    %dma_wait3A_2912 = arith.constant 19456 : i32
    %dma_wait3A_2913 = tpu.memref_slice %arg10[%dma_wait3A_2912] : memref<32768xf32, #tpu.memory_space<vmem>> -> memref<1024xf32, #tpu.memory_space<vmem>>
    tpu.wait_dma2 semaphore(%arg15 : memref<!tpu.dma_semaphore, #tpu.memory_space<semaphore_mem>>) src(%dma_wait3A_2913 : memref<1024xf32, #tpu.memory_space<vmem>>) dst(%dma_wait3A_2911 : memref<1024xf32, #tpu.memory_space<hbm>>)
    %dma_wait3A_2914 = arith.constant 20480 : i32
    %dma_wait3A_2915 = tpu.memref_slice %arg10[%dma_wait3A_2914] : memref<32768xf32, #tpu.memory_space<vmem>> -> memref<1024xf32, #tpu.memory_space<vmem>>
    %dma_wait3A_2916 = tpu.memref_slice %arg5[%mul3A_2727] : memref<4194304xf32, #tpu.memory_space<hbm>> -> memref<1024xf32, #tpu.memory_space<hbm>>
    %dma_wait3A_2917 = tpu.memref_slice %arg5[%mul3A_2727] : memref<4194304xf32, #tpu.memory_space<hbm>> -> memref<1024xf32, #tpu.memory_space<hbm>>
    %dma_wait3A_2918 = arith.constant 20480 : i32
    %dma_wait3A_2919 = tpu.memref_slice %arg10[%dma_wait3A_2918] : memref<32768xf32, #tpu.memory_space<vmem>> -> memref<1024xf32, #tpu.memory_space<vmem>>
    tpu.wait_dma2 semaphore(%arg15 : memref<!tpu.dma_semaphore, #tpu.memory_space<semaphore_mem>>) src(%dma_wait3A_2919 : memref<1024xf32, #tpu.memory_space<vmem>>) dst(%dma_wait3A_2917 : memref<1024xf32, #tpu.memory_space<hbm>>)
    %dma_wait3A_2920 = arith.constant 21504 : i32
    %dma_wait3A_2921 = tpu.memref_slice %arg10[%dma_wait3A_2920] : memref<32768xf32, #tpu.memory_space<vmem>> -> memref<1024xf32, #tpu.memory_space<vmem>>
    %dma_wait3A_2922 = tpu.memref_slice %arg5[%mul3A_2733] : memref<4194304xf32, #tpu.memory_space<hbm>> -> memref<1024xf32, #tpu.memory_space<hbm>>
    %dma_wait3A_2923 = tpu.memref_slice %arg5[%mul3A_2733] : memref<4194304xf32, #tpu.memory_space<hbm>> -> memref<1024xf32, #tpu.memory_space<hbm>>
    %dma_wait3A_2924 = arith.constant 21504 : i32
    %dma_wait3A_2925 = tpu.memref_slice %arg10[%dma_wait3A_2924] : memref<32768xf32, #tpu.memory_space<vmem>> -> memref<1024xf32, #tpu.memory_space<vmem>>
    tpu.wait_dma2 semaphore(%arg15 : memref<!tpu.dma_semaphore, #tpu.memory_space<semaphore_mem>>) src(%dma_wait3A_2925 : memref<1024xf32, #tpu.memory_space<vmem>>) dst(%dma_wait3A_2923 : memref<1024xf32, #tpu.memory_space<hbm>>)
    %dma_wait3A_2926 = arith.constant 22528 : i32
    %dma_wait3A_2927 = tpu.memref_slice %arg10[%dma_wait3A_2926] : memref<32768xf32, #tpu.memory_space<vmem>> -> memref<1024xf32, #tpu.memory_space<vmem>>
    %dma_wait3A_2928 = tpu.memref_slice %arg5[%mul3A_2739] : memref<4194304xf32, #tpu.memory_space<hbm>> -> memref<1024xf32, #tpu.memory_space<hbm>>
    %dma_wait3A_2929 = tpu.memref_slice %arg5[%mul3A_2739] : memref<4194304xf32, #tpu.memory_space<hbm>> -> memref<1024xf32, #tpu.memory_space<hbm>>
    %dma_wait3A_2930 = arith.constant 22528 : i32
    %dma_wait3A_2931 = tpu.memref_slice %arg10[%dma_wait3A_2930] : memref<32768xf32, #tpu.memory_space<vmem>> -> memref<1024xf32, #tpu.memory_space<vmem>>
    tpu.wait_dma2 semaphore(%arg15 : memref<!tpu.dma_semaphore, #tpu.memory_space<semaphore_mem>>) src(%dma_wait3A_2931 : memref<1024xf32, #tpu.memory_space<vmem>>) dst(%dma_wait3A_2929 : memref<1024xf32, #tpu.memory_space<hbm>>)
    %dma_wait3A_2932 = arith.constant 23552 : i32
    %dma_wait3A_2933 = tpu.memref_slice %arg10[%dma_wait3A_2932] : memref<32768xf32, #tpu.memory_space<vmem>> -> memref<1024xf32, #tpu.memory_space<vmem>>
    %dma_wait3A_2934 = tpu.memref_slice %arg5[%mul3A_2745] : memref<4194304xf32, #tpu.memory_space<hbm>> -> memref<1024xf32, #tpu.memory_space<hbm>>
    %dma_wait3A_2935 = tpu.memref_slice %arg5[%mul3A_2745] : memref<4194304xf32, #tpu.memory_space<hbm>> -> memref<1024xf32, #tpu.memory_space<hbm>>
    %dma_wait3A_2936 = arith.constant 23552 : i32
    %dma_wait3A_2937 = tpu.memref_slice %arg10[%dma_wait3A_2936] : memref<32768xf32, #tpu.memory_space<vmem>> -> memref<1024xf32, #tpu.memory_space<vmem>>
    tpu.wait_dma2 semaphore(%arg15 : memref<!tpu.dma_semaphore, #tpu.memory_space<semaphore_mem>>) src(%dma_wait3A_2937 : memref<1024xf32, #tpu.memory_space<vmem>>) dst(%dma_wait3A_2935 : memref<1024xf32, #tpu.memory_space<hbm>>)
    %dma_wait3A_2938 = arith.constant 24576 : i32
    %dma_wait3A_2939 = tpu.memref_slice %arg10[%dma_wait3A_2938] : memref<32768xf32, #tpu.memory_space<vmem>> -> memref<1024xf32, #tpu.memory_space<vmem>>
    %dma_wait3A_2940 = tpu.memref_slice %arg5[%mul3A_2751] : memref<4194304xf32, #tpu.memory_space<hbm>> -> memref<1024xf32, #tpu.memory_space<hbm>>
    %dma_wait3A_2941 = tpu.memref_slice %arg5[%mul3A_2751] : memref<4194304xf32, #tpu.memory_space<hbm>> -> memref<1024xf32, #tpu.memory_space<hbm>>
    %dma_wait3A_2942 = arith.constant 24576 : i32
    %dma_wait3A_2943 = tpu.memref_slice %arg10[%dma_wait3A_2942] : memref<32768xf32, #tpu.memory_space<vmem>> -> memref<1024xf32, #tpu.memory_space<vmem>>
    tpu.wait_dma2 semaphore(%arg15 : memref<!tpu.dma_semaphore, #tpu.memory_space<semaphore_mem>>) src(%dma_wait3A_2943 : memref<1024xf32, #tpu.memory_space<vmem>>) dst(%dma_wait3A_2941 : memref<1024xf32, #tpu.memory_space<hbm>>)
    %dma_wait3A_2944 = arith.constant 25600 : i32
    %dma_wait3A_2945 = tpu.memref_slice %arg10[%dma_wait3A_2944] : memref<32768xf32, #tpu.memory_space<vmem>> -> memref<1024xf32, #tpu.memory_space<vmem>>
    %dma_wait3A_2946 = tpu.memref_slice %arg5[%mul3A_2757] : memref<4194304xf32, #tpu.memory_space<hbm>> -> memref<1024xf32, #tpu.memory_space<hbm>>
    %dma_wait3A_2947 = tpu.memref_slice %arg5[%mul3A_2757] : memref<4194304xf32, #tpu.memory_space<hbm>> -> memref<1024xf32, #tpu.memory_space<hbm>>
    %dma_wait3A_2948 = arith.constant 25600 : i32
    %dma_wait3A_2949 = tpu.memref_slice %arg10[%dma_wait3A_2948] : memref<32768xf32, #tpu.memory_space<vmem>> -> memref<1024xf32, #tpu.memory_space<vmem>>
    tpu.wait_dma2 semaphore(%arg15 : memref<!tpu.dma_semaphore, #tpu.memory_space<semaphore_mem>>) src(%dma_wait3A_2949 : memref<1024xf32, #tpu.memory_space<vmem>>) dst(%dma_wait3A_2947 : memref<1024xf32, #tpu.memory_space<hbm>>)
    %dma_wait3A_2950 = arith.constant 26624 : i32
    %dma_wait3A_2951 = tpu.memref_slice %arg10[%dma_wait3A_2950] : memref<32768xf32, #tpu.memory_space<vmem>> -> memref<1024xf32, #tpu.memory_space<vmem>>
    %dma_wait3A_2952 = tpu.memref_slice %arg5[%mul3A_2763] : memref<4194304xf32, #tpu.memory_space<hbm>> -> memref<1024xf32, #tpu.memory_space<hbm>>
    %dma_wait3A_2953 = tpu.memref_slice %arg5[%mul3A_2763] : memref<4194304xf32, #tpu.memory_space<hbm>> -> memref<1024xf32, #tpu.memory_space<hbm>>
    %dma_wait3A_2954 = arith.constant 26624 : i32
    %dma_wait3A_2955 = tpu.memref_slice %arg10[%dma_wait3A_2954] : memref<32768xf32, #tpu.memory_space<vmem>> -> memref<1024xf32, #tpu.memory_space<vmem>>
    tpu.wait_dma2 semaphore(%arg15 : memref<!tpu.dma_semaphore, #tpu.memory_space<semaphore_mem>>) src(%dma_wait3A_2955 : memref<1024xf32, #tpu.memory_space<vmem>>) dst(%dma_wait3A_2953 : memref<1024xf32, #tpu.memory_space<hbm>>)
    %dma_wait3A_2956 = arith.constant 27648 : i32
    %dma_wait3A_2957 = tpu.memref_slice %arg10[%dma_wait3A_2956] : memref<32768xf32, #tpu.memory_space<vmem>> -> memref<1024xf32, #tpu.memory_space<vmem>>
    %dma_wait3A_2958 = tpu.memref_slice %arg5[%mul3A_2769] : memref<4194304xf32, #tpu.memory_space<hbm>> -> memref<1024xf32, #tpu.memory_space<hbm>>
    %dma_wait3A_2959 = tpu.memref_slice %arg5[%mul3A_2769] : memref<4194304xf32, #tpu.memory_space<hbm>> -> memref<1024xf32, #tpu.memory_space<hbm>>
    %dma_wait3A_2960 = arith.constant 27648 : i32
    %dma_wait3A_2961 = tpu.memref_slice %arg10[%dma_wait3A_2960] : memref<32768xf32, #tpu.memory_space<vmem>> -> memref<1024xf32, #tpu.memory_space<vmem>>
    tpu.wait_dma2 semaphore(%arg15 : memref<!tpu.dma_semaphore, #tpu.memory_space<semaphore_mem>>) src(%dma_wait3A_2961 : memref<1024xf32, #tpu.memory_space<vmem>>) dst(%dma_wait3A_2959 : memref<1024xf32, #tpu.memory_space<hbm>>)
    %dma_wait3A_2962 = arith.constant 28672 : i32
    %dma_wait3A_2963 = tpu.memref_slice %arg10[%dma_wait3A_2962] : memref<32768xf32, #tpu.memory_space<vmem>> -> memref<1024xf32, #tpu.memory_space<vmem>>
    %dma_wait3A_2964 = tpu.memref_slice %arg5[%mul3A_2775] : memref<4194304xf32, #tpu.memory_space<hbm>> -> memref<1024xf32, #tpu.memory_space<hbm>>
    %dma_wait3A_2965 = tpu.memref_slice %arg5[%mul3A_2775] : memref<4194304xf32, #tpu.memory_space<hbm>> -> memref<1024xf32, #tpu.memory_space<hbm>>
    %dma_wait3A_2966 = arith.constant 28672 : i32
    %dma_wait3A_2967 = tpu.memref_slice %arg10[%dma_wait3A_2966] : memref<32768xf32, #tpu.memory_space<vmem>> -> memref<1024xf32, #tpu.memory_space<vmem>>
    tpu.wait_dma2 semaphore(%arg15 : memref<!tpu.dma_semaphore, #tpu.memory_space<semaphore_mem>>) src(%dma_wait3A_2967 : memref<1024xf32, #tpu.memory_space<vmem>>) dst(%dma_wait3A_2965 : memref<1024xf32, #tpu.memory_space<hbm>>)
    %dma_wait3A_2968 = arith.constant 29696 : i32
    %dma_wait3A_2969 = tpu.memref_slice %arg10[%dma_wait3A_2968] : memref<32768xf32, #tpu.memory_space<vmem>> -> memref<1024xf32, #tpu.memory_space<vmem>>
    %dma_wait3A_2970 = tpu.memref_slice %arg5[%mul3A_2781] : memref<4194304xf32, #tpu.memory_space<hbm>> -> memref<1024xf32, #tpu.memory_space<hbm>>
    %dma_wait3A_2971 = tpu.memref_slice %arg5[%mul3A_2781] : memref<4194304xf32, #tpu.memory_space<hbm>> -> memref<1024xf32, #tpu.memory_space<hbm>>
    %dma_wait3A_2972 = arith.constant 29696 : i32
    %dma_wait3A_2973 = tpu.memref_slice %arg10[%dma_wait3A_2972] : memref<32768xf32, #tpu.memory_space<vmem>> -> memref<1024xf32, #tpu.memory_space<vmem>>
    tpu.wait_dma2 semaphore(%arg15 : memref<!tpu.dma_semaphore, #tpu.memory_space<semaphore_mem>>) src(%dma_wait3A_2973 : memref<1024xf32, #tpu.memory_space<vmem>>) dst(%dma_wait3A_2971 : memref<1024xf32, #tpu.memory_space<hbm>>)
    %dma_wait3A_2974 = arith.constant 30720 : i32
    %dma_wait3A_2975 = tpu.memref_slice %arg10[%dma_wait3A_2974] : memref<32768xf32, #tpu.memory_space<vmem>> -> memref<1024xf32, #tpu.memory_space<vmem>>
    %dma_wait3A_2976 = tpu.memref_slice %arg5[%mul3A_2787] : memref<4194304xf32, #tpu.memory_space<hbm>> -> memref<1024xf32, #tpu.memory_space<hbm>>
    %dma_wait3A_2977 = tpu.memref_slice %arg5[%mul3A_2787] : memref<4194304xf32, #tpu.memory_space<hbm>> -> memref<1024xf32, #tpu.memory_space<hbm>>
    %dma_wait3A_2978 = arith.constant 30720 : i32
    %dma_wait3A_2979 = tpu.memref_slice %arg10[%dma_wait3A_2978] : memref<32768xf32, #tpu.memory_space<vmem>> -> memref<1024xf32, #tpu.memory_space<vmem>>
    tpu.wait_dma2 semaphore(%arg15 : memref<!tpu.dma_semaphore, #tpu.memory_space<semaphore_mem>>) src(%dma_wait3A_2979 : memref<1024xf32, #tpu.memory_space<vmem>>) dst(%dma_wait3A_2977 : memref<1024xf32, #tpu.memory_space<hbm>>)
    %dma_wait3A_2980 = arith.constant 31744 : i32
    %dma_wait3A_2981 = tpu.memref_slice %arg10[%dma_wait3A_2980] : memref<32768xf32, #tpu.memory_space<vmem>> -> memref<1024xf32, #tpu.memory_space<vmem>>
    %dma_wait3A_2982 = tpu.memref_slice %arg5[%mul3A_2793] : memref<4194304xf32, #tpu.memory_space<hbm>> -> memref<1024xf32, #tpu.memory_space<hbm>>
    %dma_wait3A_2983 = tpu.memref_slice %arg5[%mul3A_2793] : memref<4194304xf32, #tpu.memory_space<hbm>> -> memref<1024xf32, #tpu.memory_space<hbm>>
    %dma_wait3A_2984 = arith.constant 31744 : i32
    %dma_wait3A_2985 = tpu.memref_slice %arg10[%dma_wait3A_2984] : memref<32768xf32, #tpu.memory_space<vmem>> -> memref<1024xf32, #tpu.memory_space<vmem>>
    tpu.wait_dma2 semaphore(%arg15 : memref<!tpu.dma_semaphore, #tpu.memory_space<semaphore_mem>>) src(%dma_wait3A_2985 : memref<1024xf32, #tpu.memory_space<vmem>>) dst(%dma_wait3A_2983 : memref<1024xf32, #tpu.memory_space<hbm>>)
    %add3A_2986 = arith.constant 0 : i32
    %add3A_2987 = arith.addi %add3A_2986, %mul3A_2 : i32
    %add3A_2988 = arith.constant 3 : i32
    %add3A_2989 = arith.addi %add3A_2987, %add3A_2988 : i32
    %mul3A_2990 = arith.constant 1024 : i32
    %mul3A_2991 = arith.muli %add3A_2989, %mul3A_2990 : i32
    %add3A_2992 = arith.constant 128 : i32
    %add3A_2993 = arith.addi %add3A_2992, %mul3A_2 : i32
    %add3A_2994 = arith.constant 3 : i32
    %add3A_2995 = arith.addi %add3A_2993, %add3A_2994 : i32
    %mul3A_2996 = arith.constant 1024 : i32
    %mul3A_2997 = arith.muli %add3A_2995, %mul3A_2996 : i32
    %add3A_2998 = arith.constant 256 : i32
    %add3A_2999 = arith.addi %add3A_2998, %mul3A_2 : i32
    %add3A_3000 = arith.constant 3 : i32
    %add3A_3001 = arith.addi %add3A_2999, %add3A_3000 : i32
    %mul3A_3002 = arith.constant 1024 : i32
    %mul3A_3003 = arith.muli %add3A_3001, %mul3A_3002 : i32
    %add3A_3004 = arith.constant 384 : i32
    %add3A_3005 = arith.addi %add3A_3004, %mul3A_2 : i32
    %add3A_3006 = arith.constant 3 : i32
    %add3A_3007 = arith.addi %add3A_3005, %add3A_3006 : i32
    %mul3A_3008 = arith.constant 1024 : i32
    %mul3A_3009 = arith.muli %add3A_3007, %mul3A_3008 : i32
    %add3A_3010 = arith.constant 512 : i32
    %add3A_3011 = arith.addi %add3A_3010, %mul3A_2 : i32
    %add3A_3012 = arith.constant 3 : i32
    %add3A_3013 = arith.addi %add3A_3011, %add3A_3012 : i32
    %mul3A_3014 = arith.constant 1024 : i32
    %mul3A_3015 = arith.muli %add3A_3013, %mul3A_3014 : i32
    %add3A_3016 = arith.constant 640 : i32
    %add3A_3017 = arith.addi %add3A_3016, %mul3A_2 : i32
    %add3A_3018 = arith.constant 3 : i32
    %add3A_3019 = arith.addi %add3A_3017, %add3A_3018 : i32
    %mul3A_3020 = arith.constant 1024 : i32
    %mul3A_3021 = arith.muli %add3A_3019, %mul3A_3020 : i32
    %add3A_3022 = arith.constant 768 : i32
    %add3A_3023 = arith.addi %add3A_3022, %mul3A_2 : i32
    %add3A_3024 = arith.constant 3 : i32
    %add3A_3025 = arith.addi %add3A_3023, %add3A_3024 : i32
    %mul3A_3026 = arith.constant 1024 : i32
    %mul3A_3027 = arith.muli %add3A_3025, %mul3A_3026 : i32
    %add3A_3028 = arith.constant 896 : i32
    %add3A_3029 = arith.addi %add3A_3028, %mul3A_2 : i32
    %add3A_3030 = arith.constant 3 : i32
    %add3A_3031 = arith.addi %add3A_3029, %add3A_3030 : i32
    %mul3A_3032 = arith.constant 1024 : i32
    %mul3A_3033 = arith.muli %add3A_3031, %mul3A_3032 : i32
    %add3A_3034 = arith.constant 1024 : i32
    %add3A_3035 = arith.addi %add3A_3034, %mul3A_2 : i32
    %add3A_3036 = arith.constant 3 : i32
    %add3A_3037 = arith.addi %add3A_3035, %add3A_3036 : i32
    %mul3A_3038 = arith.constant 1024 : i32
    %mul3A_3039 = arith.muli %add3A_3037, %mul3A_3038 : i32
    %add3A_3040 = arith.constant 1152 : i32
    %add3A_3041 = arith.addi %add3A_3040, %mul3A_2 : i32
    %add3A_3042 = arith.constant 3 : i32
    %add3A_3043 = arith.addi %add3A_3041, %add3A_3042 : i32
    %mul3A_3044 = arith.constant 1024 : i32
    %mul3A_3045 = arith.muli %add3A_3043, %mul3A_3044 : i32
    %add3A_3046 = arith.constant 1280 : i32
    %add3A_3047 = arith.addi %add3A_3046, %mul3A_2 : i32
    %add3A_3048 = arith.constant 3 : i32
    %add3A_3049 = arith.addi %add3A_3047, %add3A_3048 : i32
    %mul3A_3050 = arith.constant 1024 : i32
    %mul3A_3051 = arith.muli %add3A_3049, %mul3A_3050 : i32
    %add3A_3052 = arith.constant 1408 : i32
    %add3A_3053 = arith.addi %add3A_3052, %mul3A_2 : i32
    %add3A_3054 = arith.constant 3 : i32
    %add3A_3055 = arith.addi %add3A_3053, %add3A_3054 : i32
    %mul3A_3056 = arith.constant 1024 : i32
    %mul3A_3057 = arith.muli %add3A_3055, %mul3A_3056 : i32
    %add3A_3058 = arith.constant 1536 : i32
    %add3A_3059 = arith.addi %add3A_3058, %mul3A_2 : i32
    %add3A_3060 = arith.constant 3 : i32
    %add3A_3061 = arith.addi %add3A_3059, %add3A_3060 : i32
    %mul3A_3062 = arith.constant 1024 : i32
    %mul3A_3063 = arith.muli %add3A_3061, %mul3A_3062 : i32
    %add3A_3064 = arith.constant 1664 : i32
    %add3A_3065 = arith.addi %add3A_3064, %mul3A_2 : i32
    %add3A_3066 = arith.constant 3 : i32
    %add3A_3067 = arith.addi %add3A_3065, %add3A_3066 : i32
    %mul3A_3068 = arith.constant 1024 : i32
    %mul3A_3069 = arith.muli %add3A_3067, %mul3A_3068 : i32
    %add3A_3070 = arith.constant 1792 : i32
    %add3A_3071 = arith.addi %add3A_3070, %mul3A_2 : i32
    %add3A_3072 = arith.constant 3 : i32
    %add3A_3073 = arith.addi %add3A_3071, %add3A_3072 : i32
    %mul3A_3074 = arith.constant 1024 : i32
    %mul3A_3075 = arith.muli %add3A_3073, %mul3A_3074 : i32
    %add3A_3076 = arith.constant 1920 : i32
    %add3A_3077 = arith.addi %add3A_3076, %mul3A_2 : i32
    %add3A_3078 = arith.constant 3 : i32
    %add3A_3079 = arith.addi %add3A_3077, %add3A_3078 : i32
    %mul3A_3080 = arith.constant 1024 : i32
    %mul3A_3081 = arith.muli %add3A_3079, %mul3A_3080 : i32
    %add3A_3082 = arith.constant 2048 : i32
    %add3A_3083 = arith.addi %add3A_3082, %mul3A_2 : i32
    %add3A_3084 = arith.constant 3 : i32
    %add3A_3085 = arith.addi %add3A_3083, %add3A_3084 : i32
    %mul3A_3086 = arith.constant 1024 : i32
    %mul3A_3087 = arith.muli %add3A_3085, %mul3A_3086 : i32
    %add3A_3088 = arith.constant 2176 : i32
    %add3A_3089 = arith.addi %add3A_3088, %mul3A_2 : i32
    %add3A_3090 = arith.constant 3 : i32
    %add3A_3091 = arith.addi %add3A_3089, %add3A_3090 : i32
    %mul3A_3092 = arith.constant 1024 : i32
    %mul3A_3093 = arith.muli %add3A_3091, %mul3A_3092 : i32
    %add3A_3094 = arith.constant 2304 : i32
    %add3A_3095 = arith.addi %add3A_3094, %mul3A_2 : i32
    %add3A_3096 = arith.constant 3 : i32
    %add3A_3097 = arith.addi %add3A_3095, %add3A_3096 : i32
    %mul3A_3098 = arith.constant 1024 : i32
    %mul3A_3099 = arith.muli %add3A_3097, %mul3A_3098 : i32
    %add3A_3100 = arith.constant 2432 : i32
    %add3A_3101 = arith.addi %add3A_3100, %mul3A_2 : i32
    %add3A_3102 = arith.constant 3 : i32
    %add3A_3103 = arith.addi %add3A_3101, %add3A_3102 : i32
    %mul3A_3104 = arith.constant 1024 : i32
    %mul3A_3105 = arith.muli %add3A_3103, %mul3A_3104 : i32
    %add3A_3106 = arith.constant 2560 : i32
    %add3A_3107 = arith.addi %add3A_3106, %mul3A_2 : i32
    %add3A_3108 = arith.constant 3 : i32
    %add3A_3109 = arith.addi %add3A_3107, %add3A_3108 : i32
    %mul3A_3110 = arith.constant 1024 : i32
    %mul3A_3111 = arith.muli %add3A_3109, %mul3A_3110 : i32
    %add3A_3112 = arith.constant 2688 : i32
    %add3A_3113 = arith.addi %add3A_3112, %mul3A_2 : i32
    %add3A_3114 = arith.constant 3 : i32
    %add3A_3115 = arith.addi %add3A_3113, %add3A_3114 : i32
    %mul3A_3116 = arith.constant 1024 : i32
    %mul3A_3117 = arith.muli %add3A_3115, %mul3A_3116 : i32
    %add3A_3118 = arith.constant 2816 : i32
    %add3A_3119 = arith.addi %add3A_3118, %mul3A_2 : i32
    %add3A_3120 = arith.constant 3 : i32
    %add3A_3121 = arith.addi %add3A_3119, %add3A_3120 : i32
    %mul3A_3122 = arith.constant 1024 : i32
    %mul3A_3123 = arith.muli %add3A_3121, %mul3A_3122 : i32
    %add3A_3124 = arith.constant 2944 : i32
    %add3A_3125 = arith.addi %add3A_3124, %mul3A_2 : i32
    %add3A_3126 = arith.constant 3 : i32
    %add3A_3127 = arith.addi %add3A_3125, %add3A_3126 : i32
    %mul3A_3128 = arith.constant 1024 : i32
    %mul3A_3129 = arith.muli %add3A_3127, %mul3A_3128 : i32
    %add3A_3130 = arith.constant 3072 : i32
    %add3A_3131 = arith.addi %add3A_3130, %mul3A_2 : i32
    %add3A_3132 = arith.constant 3 : i32
    %add3A_3133 = arith.addi %add3A_3131, %add3A_3132 : i32
    %mul3A_3134 = arith.constant 1024 : i32
    %mul3A_3135 = arith.muli %add3A_3133, %mul3A_3134 : i32
    %add3A_3136 = arith.constant 3200 : i32
    %add3A_3137 = arith.addi %add3A_3136, %mul3A_2 : i32
    %add3A_3138 = arith.constant 3 : i32
    %add3A_3139 = arith.addi %add3A_3137, %add3A_3138 : i32
    %mul3A_3140 = arith.constant 1024 : i32
    %mul3A_3141 = arith.muli %add3A_3139, %mul3A_3140 : i32
    %add3A_3142 = arith.constant 3328 : i32
    %add3A_3143 = arith.addi %add3A_3142, %mul3A_2 : i32
    %add3A_3144 = arith.constant 3 : i32
    %add3A_3145 = arith.addi %add3A_3143, %add3A_3144 : i32
    %mul3A_3146 = arith.constant 1024 : i32
    %mul3A_3147 = arith.muli %add3A_3145, %mul3A_3146 : i32
    %add3A_3148 = arith.constant 3456 : i32
    %add3A_3149 = arith.addi %add3A_3148, %mul3A_2 : i32
    %add3A_3150 = arith.constant 3 : i32
    %add3A_3151 = arith.addi %add3A_3149, %add3A_3150 : i32
    %mul3A_3152 = arith.constant 1024 : i32
    %mul3A_3153 = arith.muli %add3A_3151, %mul3A_3152 : i32
    %add3A_3154 = arith.constant 3584 : i32
    %add3A_3155 = arith.addi %add3A_3154, %mul3A_2 : i32
    %add3A_3156 = arith.constant 3 : i32
    %add3A_3157 = arith.addi %add3A_3155, %add3A_3156 : i32
    %mul3A_3158 = arith.constant 1024 : i32
    %mul3A_3159 = arith.muli %add3A_3157, %mul3A_3158 : i32
    %add3A_3160 = arith.constant 3712 : i32
    %add3A_3161 = arith.addi %add3A_3160, %mul3A_2 : i32
    %add3A_3162 = arith.constant 3 : i32
    %add3A_3163 = arith.addi %add3A_3161, %add3A_3162 : i32
    %mul3A_3164 = arith.constant 1024 : i32
    %mul3A_3165 = arith.muli %add3A_3163, %mul3A_3164 : i32
    %add3A_3166 = arith.constant 3840 : i32
    %add3A_3167 = arith.addi %add3A_3166, %mul3A_2 : i32
    %add3A_3168 = arith.constant 3 : i32
    %add3A_3169 = arith.addi %add3A_3167, %add3A_3168 : i32
    %mul3A_3170 = arith.constant 1024 : i32
    %mul3A_3171 = arith.muli %add3A_3169, %mul3A_3170 : i32
    %add3A_3172 = arith.constant 3968 : i32
    %add3A_3173 = arith.addi %add3A_3172, %mul3A_2 : i32
    %add3A_3174 = arith.constant 3 : i32
    %add3A_3175 = arith.addi %add3A_3173, %add3A_3174 : i32
    %mul3A_3176 = arith.constant 1024 : i32
    %mul3A_3177 = arith.muli %add3A_3175, %mul3A_3176 : i32
    %dma_wait3A_3178 = arith.constant 0 : i32
    %dma_wait3A_3179 = tpu.memref_slice %arg11[%dma_wait3A_3178] : memref<32768xf32, #tpu.memory_space<vmem>> -> memref<1024xf32, #tpu.memory_space<vmem>>
    %dma_wait3A_3180 = tpu.memref_slice %arg5[%mul3A_2991] : memref<4194304xf32, #tpu.memory_space<hbm>> -> memref<1024xf32, #tpu.memory_space<hbm>>
    %dma_wait3A_3181 = tpu.memref_slice %arg5[%mul3A_2991] : memref<4194304xf32, #tpu.memory_space<hbm>> -> memref<1024xf32, #tpu.memory_space<hbm>>
    %dma_wait3A_3182 = arith.constant 0 : i32
    %dma_wait3A_3183 = tpu.memref_slice %arg11[%dma_wait3A_3182] : memref<32768xf32, #tpu.memory_space<vmem>> -> memref<1024xf32, #tpu.memory_space<vmem>>
    tpu.wait_dma2 semaphore(%arg16 : memref<!tpu.dma_semaphore, #tpu.memory_space<semaphore_mem>>) src(%dma_wait3A_3183 : memref<1024xf32, #tpu.memory_space<vmem>>) dst(%dma_wait3A_3181 : memref<1024xf32, #tpu.memory_space<hbm>>)
    %dma_wait3A_3184 = arith.constant 1024 : i32
    %dma_wait3A_3185 = tpu.memref_slice %arg11[%dma_wait3A_3184] : memref<32768xf32, #tpu.memory_space<vmem>> -> memref<1024xf32, #tpu.memory_space<vmem>>
    %dma_wait3A_3186 = tpu.memref_slice %arg5[%mul3A_2997] : memref<4194304xf32, #tpu.memory_space<hbm>> -> memref<1024xf32, #tpu.memory_space<hbm>>
    %dma_wait3A_3187 = tpu.memref_slice %arg5[%mul3A_2997] : memref<4194304xf32, #tpu.memory_space<hbm>> -> memref<1024xf32, #tpu.memory_space<hbm>>
    %dma_wait3A_3188 = arith.constant 1024 : i32
    %dma_wait3A_3189 = tpu.memref_slice %arg11[%dma_wait3A_3188] : memref<32768xf32, #tpu.memory_space<vmem>> -> memref<1024xf32, #tpu.memory_space<vmem>>
    tpu.wait_dma2 semaphore(%arg16 : memref<!tpu.dma_semaphore, #tpu.memory_space<semaphore_mem>>) src(%dma_wait3A_3189 : memref<1024xf32, #tpu.memory_space<vmem>>) dst(%dma_wait3A_3187 : memref<1024xf32, #tpu.memory_space<hbm>>)
    %dma_wait3A_3190 = arith.constant 2048 : i32
    %dma_wait3A_3191 = tpu.memref_slice %arg11[%dma_wait3A_3190] : memref<32768xf32, #tpu.memory_space<vmem>> -> memref<1024xf32, #tpu.memory_space<vmem>>
    %dma_wait3A_3192 = tpu.memref_slice %arg5[%mul3A_3003] : memref<4194304xf32, #tpu.memory_space<hbm>> -> memref<1024xf32, #tpu.memory_space<hbm>>
    %dma_wait3A_3193 = tpu.memref_slice %arg5[%mul3A_3003] : memref<4194304xf32, #tpu.memory_space<hbm>> -> memref<1024xf32, #tpu.memory_space<hbm>>
    %dma_wait3A_3194 = arith.constant 2048 : i32
    %dma_wait3A_3195 = tpu.memref_slice %arg11[%dma_wait3A_3194] : memref<32768xf32, #tpu.memory_space<vmem>> -> memref<1024xf32, #tpu.memory_space<vmem>>
    tpu.wait_dma2 semaphore(%arg16 : memref<!tpu.dma_semaphore, #tpu.memory_space<semaphore_mem>>) src(%dma_wait3A_3195 : memref<1024xf32, #tpu.memory_space<vmem>>) dst(%dma_wait3A_3193 : memref<1024xf32, #tpu.memory_space<hbm>>)
    %dma_wait3A_3196 = arith.constant 3072 : i32
    %dma_wait3A_3197 = tpu.memref_slice %arg11[%dma_wait3A_3196] : memref<32768xf32, #tpu.memory_space<vmem>> -> memref<1024xf32, #tpu.memory_space<vmem>>
    %dma_wait3A_3198 = tpu.memref_slice %arg5[%mul3A_3009] : memref<4194304xf32, #tpu.memory_space<hbm>> -> memref<1024xf32, #tpu.memory_space<hbm>>
    %dma_wait3A_3199 = tpu.memref_slice %arg5[%mul3A_3009] : memref<4194304xf32, #tpu.memory_space<hbm>> -> memref<1024xf32, #tpu.memory_space<hbm>>
    %dma_wait3A_3200 = arith.constant 3072 : i32
    %dma_wait3A_3201 = tpu.memref_slice %arg11[%dma_wait3A_3200] : memref<32768xf32, #tpu.memory_space<vmem>> -> memref<1024xf32, #tpu.memory_space<vmem>>
    tpu.wait_dma2 semaphore(%arg16 : memref<!tpu.dma_semaphore, #tpu.memory_space<semaphore_mem>>) src(%dma_wait3A_3201 : memref<1024xf32, #tpu.memory_space<vmem>>) dst(%dma_wait3A_3199 : memref<1024xf32, #tpu.memory_space<hbm>>)
    %dma_wait3A_3202 = arith.constant 4096 : i32
    %dma_wait3A_3203 = tpu.memref_slice %arg11[%dma_wait3A_3202] : memref<32768xf32, #tpu.memory_space<vmem>> -> memref<1024xf32, #tpu.memory_space<vmem>>
    %dma_wait3A_3204 = tpu.memref_slice %arg5[%mul3A_3015] : memref<4194304xf32, #tpu.memory_space<hbm>> -> memref<1024xf32, #tpu.memory_space<hbm>>
    %dma_wait3A_3205 = tpu.memref_slice %arg5[%mul3A_3015] : memref<4194304xf32, #tpu.memory_space<hbm>> -> memref<1024xf32, #tpu.memory_space<hbm>>
    %dma_wait3A_3206 = arith.constant 4096 : i32
    %dma_wait3A_3207 = tpu.memref_slice %arg11[%dma_wait3A_3206] : memref<32768xf32, #tpu.memory_space<vmem>> -> memref<1024xf32, #tpu.memory_space<vmem>>
    tpu.wait_dma2 semaphore(%arg16 : memref<!tpu.dma_semaphore, #tpu.memory_space<semaphore_mem>>) src(%dma_wait3A_3207 : memref<1024xf32, #tpu.memory_space<vmem>>) dst(%dma_wait3A_3205 : memref<1024xf32, #tpu.memory_space<hbm>>)
    %dma_wait3A_3208 = arith.constant 5120 : i32
    %dma_wait3A_3209 = tpu.memref_slice %arg11[%dma_wait3A_3208] : memref<32768xf32, #tpu.memory_space<vmem>> -> memref<1024xf32, #tpu.memory_space<vmem>>
    %dma_wait3A_3210 = tpu.memref_slice %arg5[%mul3A_3021] : memref<4194304xf32, #tpu.memory_space<hbm>> -> memref<1024xf32, #tpu.memory_space<hbm>>
    %dma_wait3A_3211 = tpu.memref_slice %arg5[%mul3A_3021] : memref<4194304xf32, #tpu.memory_space<hbm>> -> memref<1024xf32, #tpu.memory_space<hbm>>
    %dma_wait3A_3212 = arith.constant 5120 : i32
    %dma_wait3A_3213 = tpu.memref_slice %arg11[%dma_wait3A_3212] : memref<32768xf32, #tpu.memory_space<vmem>> -> memref<1024xf32, #tpu.memory_space<vmem>>
    tpu.wait_dma2 semaphore(%arg16 : memref<!tpu.dma_semaphore, #tpu.memory_space<semaphore_mem>>) src(%dma_wait3A_3213 : memref<1024xf32, #tpu.memory_space<vmem>>) dst(%dma_wait3A_3211 : memref<1024xf32, #tpu.memory_space<hbm>>)
    %dma_wait3A_3214 = arith.constant 6144 : i32
    %dma_wait3A_3215 = tpu.memref_slice %arg11[%dma_wait3A_3214] : memref<32768xf32, #tpu.memory_space<vmem>> -> memref<1024xf32, #tpu.memory_space<vmem>>
    %dma_wait3A_3216 = tpu.memref_slice %arg5[%mul3A_3027] : memref<4194304xf32, #tpu.memory_space<hbm>> -> memref<1024xf32, #tpu.memory_space<hbm>>
    %dma_wait3A_3217 = tpu.memref_slice %arg5[%mul3A_3027] : memref<4194304xf32, #tpu.memory_space<hbm>> -> memref<1024xf32, #tpu.memory_space<hbm>>
    %dma_wait3A_3218 = arith.constant 6144 : i32
    %dma_wait3A_3219 = tpu.memref_slice %arg11[%dma_wait3A_3218] : memref<32768xf32, #tpu.memory_space<vmem>> -> memref<1024xf32, #tpu.memory_space<vmem>>
    tpu.wait_dma2 semaphore(%arg16 : memref<!tpu.dma_semaphore, #tpu.memory_space<semaphore_mem>>) src(%dma_wait3A_3219 : memref<1024xf32, #tpu.memory_space<vmem>>) dst(%dma_wait3A_3217 : memref<1024xf32, #tpu.memory_space<hbm>>)
    %dma_wait3A_3220 = arith.constant 7168 : i32
    %dma_wait3A_3221 = tpu.memref_slice %arg11[%dma_wait3A_3220] : memref<32768xf32, #tpu.memory_space<vmem>> -> memref<1024xf32, #tpu.memory_space<vmem>>
    %dma_wait3A_3222 = tpu.memref_slice %arg5[%mul3A_3033] : memref<4194304xf32, #tpu.memory_space<hbm>> -> memref<1024xf32, #tpu.memory_space<hbm>>
    %dma_wait3A_3223 = tpu.memref_slice %arg5[%mul3A_3033] : memref<4194304xf32, #tpu.memory_space<hbm>> -> memref<1024xf32, #tpu.memory_space<hbm>>
    %dma_wait3A_3224 = arith.constant 7168 : i32
    %dma_wait3A_3225 = tpu.memref_slice %arg11[%dma_wait3A_3224] : memref<32768xf32, #tpu.memory_space<vmem>> -> memref<1024xf32, #tpu.memory_space<vmem>>
    tpu.wait_dma2 semaphore(%arg16 : memref<!tpu.dma_semaphore, #tpu.memory_space<semaphore_mem>>) src(%dma_wait3A_3225 : memref<1024xf32, #tpu.memory_space<vmem>>) dst(%dma_wait3A_3223 : memref<1024xf32, #tpu.memory_space<hbm>>)
    %dma_wait3A_3226 = arith.constant 8192 : i32
    %dma_wait3A_3227 = tpu.memref_slice %arg11[%dma_wait3A_3226] : memref<32768xf32, #tpu.memory_space<vmem>> -> memref<1024xf32, #tpu.memory_space<vmem>>
    %dma_wait3A_3228 = tpu.memref_slice %arg5[%mul3A_3039] : memref<4194304xf32, #tpu.memory_space<hbm>> -> memref<1024xf32, #tpu.memory_space<hbm>>
    %dma_wait3A_3229 = tpu.memref_slice %arg5[%mul3A_3039] : memref<4194304xf32, #tpu.memory_space<hbm>> -> memref<1024xf32, #tpu.memory_space<hbm>>
    %dma_wait3A_3230 = arith.constant 8192 : i32
    %dma_wait3A_3231 = tpu.memref_slice %arg11[%dma_wait3A_3230] : memref<32768xf32, #tpu.memory_space<vmem>> -> memref<1024xf32, #tpu.memory_space<vmem>>
    tpu.wait_dma2 semaphore(%arg16 : memref<!tpu.dma_semaphore, #tpu.memory_space<semaphore_mem>>) src(%dma_wait3A_3231 : memref<1024xf32, #tpu.memory_space<vmem>>) dst(%dma_wait3A_3229 : memref<1024xf32, #tpu.memory_space<hbm>>)
    %dma_wait3A_3232 = arith.constant 9216 : i32
    %dma_wait3A_3233 = tpu.memref_slice %arg11[%dma_wait3A_3232] : memref<32768xf32, #tpu.memory_space<vmem>> -> memref<1024xf32, #tpu.memory_space<vmem>>
    %dma_wait3A_3234 = tpu.memref_slice %arg5[%mul3A_3045] : memref<4194304xf32, #tpu.memory_space<hbm>> -> memref<1024xf32, #tpu.memory_space<hbm>>
    %dma_wait3A_3235 = tpu.memref_slice %arg5[%mul3A_3045] : memref<4194304xf32, #tpu.memory_space<hbm>> -> memref<1024xf32, #tpu.memory_space<hbm>>
    %dma_wait3A_3236 = arith.constant 9216 : i32
    %dma_wait3A_3237 = tpu.memref_slice %arg11[%dma_wait3A_3236] : memref<32768xf32, #tpu.memory_space<vmem>> -> memref<1024xf32, #tpu.memory_space<vmem>>
    tpu.wait_dma2 semaphore(%arg16 : memref<!tpu.dma_semaphore, #tpu.memory_space<semaphore_mem>>) src(%dma_wait3A_3237 : memref<1024xf32, #tpu.memory_space<vmem>>) dst(%dma_wait3A_3235 : memref<1024xf32, #tpu.memory_space<hbm>>)
    %dma_wait3A_3238 = arith.constant 10240 : i32
    %dma_wait3A_3239 = tpu.memref_slice %arg11[%dma_wait3A_3238] : memref<32768xf32, #tpu.memory_space<vmem>> -> memref<1024xf32, #tpu.memory_space<vmem>>
    %dma_wait3A_3240 = tpu.memref_slice %arg5[%mul3A_3051] : memref<4194304xf32, #tpu.memory_space<hbm>> -> memref<1024xf32, #tpu.memory_space<hbm>>
    %dma_wait3A_3241 = tpu.memref_slice %arg5[%mul3A_3051] : memref<4194304xf32, #tpu.memory_space<hbm>> -> memref<1024xf32, #tpu.memory_space<hbm>>
    %dma_wait3A_3242 = arith.constant 10240 : i32
    %dma_wait3A_3243 = tpu.memref_slice %arg11[%dma_wait3A_3242] : memref<32768xf32, #tpu.memory_space<vmem>> -> memref<1024xf32, #tpu.memory_space<vmem>>
    tpu.wait_dma2 semaphore(%arg16 : memref<!tpu.dma_semaphore, #tpu.memory_space<semaphore_mem>>) src(%dma_wait3A_3243 : memref<1024xf32, #tpu.memory_space<vmem>>) dst(%dma_wait3A_3241 : memref<1024xf32, #tpu.memory_space<hbm>>)
    %dma_wait3A_3244 = arith.constant 11264 : i32
    %dma_wait3A_3245 = tpu.memref_slice %arg11[%dma_wait3A_3244] : memref<32768xf32, #tpu.memory_space<vmem>> -> memref<1024xf32, #tpu.memory_space<vmem>>
    %dma_wait3A_3246 = tpu.memref_slice %arg5[%mul3A_3057] : memref<4194304xf32, #tpu.memory_space<hbm>> -> memref<1024xf32, #tpu.memory_space<hbm>>
    %dma_wait3A_3247 = tpu.memref_slice %arg5[%mul3A_3057] : memref<4194304xf32, #tpu.memory_space<hbm>> -> memref<1024xf32, #tpu.memory_space<hbm>>
    %dma_wait3A_3248 = arith.constant 11264 : i32
    %dma_wait3A_3249 = tpu.memref_slice %arg11[%dma_wait3A_3248] : memref<32768xf32, #tpu.memory_space<vmem>> -> memref<1024xf32, #tpu.memory_space<vmem>>
    tpu.wait_dma2 semaphore(%arg16 : memref<!tpu.dma_semaphore, #tpu.memory_space<semaphore_mem>>) src(%dma_wait3A_3249 : memref<1024xf32, #tpu.memory_space<vmem>>) dst(%dma_wait3A_3247 : memref<1024xf32, #tpu.memory_space<hbm>>)
    %dma_wait3A_3250 = arith.constant 12288 : i32
    %dma_wait3A_3251 = tpu.memref_slice %arg11[%dma_wait3A_3250] : memref<32768xf32, #tpu.memory_space<vmem>> -> memref<1024xf32, #tpu.memory_space<vmem>>
    %dma_wait3A_3252 = tpu.memref_slice %arg5[%mul3A_3063] : memref<4194304xf32, #tpu.memory_space<hbm>> -> memref<1024xf32, #tpu.memory_space<hbm>>
    %dma_wait3A_3253 = tpu.memref_slice %arg5[%mul3A_3063] : memref<4194304xf32, #tpu.memory_space<hbm>> -> memref<1024xf32, #tpu.memory_space<hbm>>
    %dma_wait3A_3254 = arith.constant 12288 : i32
    %dma_wait3A_3255 = tpu.memref_slice %arg11[%dma_wait3A_3254] : memref<32768xf32, #tpu.memory_space<vmem>> -> memref<1024xf32, #tpu.memory_space<vmem>>
    tpu.wait_dma2 semaphore(%arg16 : memref<!tpu.dma_semaphore, #tpu.memory_space<semaphore_mem>>) src(%dma_wait3A_3255 : memref<1024xf32, #tpu.memory_space<vmem>>) dst(%dma_wait3A_3253 : memref<1024xf32, #tpu.memory_space<hbm>>)
    %dma_wait3A_3256 = arith.constant 13312 : i32
    %dma_wait3A_3257 = tpu.memref_slice %arg11[%dma_wait3A_3256] : memref<32768xf32, #tpu.memory_space<vmem>> -> memref<1024xf32, #tpu.memory_space<vmem>>
    %dma_wait3A_3258 = tpu.memref_slice %arg5[%mul3A_3069] : memref<4194304xf32, #tpu.memory_space<hbm>> -> memref<1024xf32, #tpu.memory_space<hbm>>
    %dma_wait3A_3259 = tpu.memref_slice %arg5[%mul3A_3069] : memref<4194304xf32, #tpu.memory_space<hbm>> -> memref<1024xf32, #tpu.memory_space<hbm>>
    %dma_wait3A_3260 = arith.constant 13312 : i32
    %dma_wait3A_3261 = tpu.memref_slice %arg11[%dma_wait3A_3260] : memref<32768xf32, #tpu.memory_space<vmem>> -> memref<1024xf32, #tpu.memory_space<vmem>>
    tpu.wait_dma2 semaphore(%arg16 : memref<!tpu.dma_semaphore, #tpu.memory_space<semaphore_mem>>) src(%dma_wait3A_3261 : memref<1024xf32, #tpu.memory_space<vmem>>) dst(%dma_wait3A_3259 : memref<1024xf32, #tpu.memory_space<hbm>>)
    %dma_wait3A_3262 = arith.constant 14336 : i32
    %dma_wait3A_3263 = tpu.memref_slice %arg11[%dma_wait3A_3262] : memref<32768xf32, #tpu.memory_space<vmem>> -> memref<1024xf32, #tpu.memory_space<vmem>>
    %dma_wait3A_3264 = tpu.memref_slice %arg5[%mul3A_3075] : memref<4194304xf32, #tpu.memory_space<hbm>> -> memref<1024xf32, #tpu.memory_space<hbm>>
    %dma_wait3A_3265 = tpu.memref_slice %arg5[%mul3A_3075] : memref<4194304xf32, #tpu.memory_space<hbm>> -> memref<1024xf32, #tpu.memory_space<hbm>>
    %dma_wait3A_3266 = arith.constant 14336 : i32
    %dma_wait3A_3267 = tpu.memref_slice %arg11[%dma_wait3A_3266] : memref<32768xf32, #tpu.memory_space<vmem>> -> memref<1024xf32, #tpu.memory_space<vmem>>
    tpu.wait_dma2 semaphore(%arg16 : memref<!tpu.dma_semaphore, #tpu.memory_space<semaphore_mem>>) src(%dma_wait3A_3267 : memref<1024xf32, #tpu.memory_space<vmem>>) dst(%dma_wait3A_3265 : memref<1024xf32, #tpu.memory_space<hbm>>)
    %dma_wait3A_3268 = arith.constant 15360 : i32
    %dma_wait3A_3269 = tpu.memref_slice %arg11[%dma_wait3A_3268] : memref<32768xf32, #tpu.memory_space<vmem>> -> memref<1024xf32, #tpu.memory_space<vmem>>
    %dma_wait3A_3270 = tpu.memref_slice %arg5[%mul3A_3081] : memref<4194304xf32, #tpu.memory_space<hbm>> -> memref<1024xf32, #tpu.memory_space<hbm>>
    %dma_wait3A_3271 = tpu.memref_slice %arg5[%mul3A_3081] : memref<4194304xf32, #tpu.memory_space<hbm>> -> memref<1024xf32, #tpu.memory_space<hbm>>
    %dma_wait3A_3272 = arith.constant 15360 : i32
    %dma_wait3A_3273 = tpu.memref_slice %arg11[%dma_wait3A_3272] : memref<32768xf32, #tpu.memory_space<vmem>> -> memref<1024xf32, #tpu.memory_space<vmem>>
    tpu.wait_dma2 semaphore(%arg16 : memref<!tpu.dma_semaphore, #tpu.memory_space<semaphore_mem>>) src(%dma_wait3A_3273 : memref<1024xf32, #tpu.memory_space<vmem>>) dst(%dma_wait3A_3271 : memref<1024xf32, #tpu.memory_space<hbm>>)
    %dma_wait3A_3274 = arith.constant 16384 : i32
    %dma_wait3A_3275 = tpu.memref_slice %arg11[%dma_wait3A_3274] : memref<32768xf32, #tpu.memory_space<vmem>> -> memref<1024xf32, #tpu.memory_space<vmem>>
    %dma_wait3A_3276 = tpu.memref_slice %arg5[%mul3A_3087] : memref<4194304xf32, #tpu.memory_space<hbm>> -> memref<1024xf32, #tpu.memory_space<hbm>>
    %dma_wait3A_3277 = tpu.memref_slice %arg5[%mul3A_3087] : memref<4194304xf32, #tpu.memory_space<hbm>> -> memref<1024xf32, #tpu.memory_space<hbm>>
    %dma_wait3A_3278 = arith.constant 16384 : i32
    %dma_wait3A_3279 = tpu.memref_slice %arg11[%dma_wait3A_3278] : memref<32768xf32, #tpu.memory_space<vmem>> -> memref<1024xf32, #tpu.memory_space<vmem>>
    tpu.wait_dma2 semaphore(%arg16 : memref<!tpu.dma_semaphore, #tpu.memory_space<semaphore_mem>>) src(%dma_wait3A_3279 : memref<1024xf32, #tpu.memory_space<vmem>>) dst(%dma_wait3A_3277 : memref<1024xf32, #tpu.memory_space<hbm>>)
    %dma_wait3A_3280 = arith.constant 17408 : i32
    %dma_wait3A_3281 = tpu.memref_slice %arg11[%dma_wait3A_3280] : memref<32768xf32, #tpu.memory_space<vmem>> -> memref<1024xf32, #tpu.memory_space<vmem>>
    %dma_wait3A_3282 = tpu.memref_slice %arg5[%mul3A_3093] : memref<4194304xf32, #tpu.memory_space<hbm>> -> memref<1024xf32, #tpu.memory_space<hbm>>
    %dma_wait3A_3283 = tpu.memref_slice %arg5[%mul3A_3093] : memref<4194304xf32, #tpu.memory_space<hbm>> -> memref<1024xf32, #tpu.memory_space<hbm>>
    %dma_wait3A_3284 = arith.constant 17408 : i32
    %dma_wait3A_3285 = tpu.memref_slice %arg11[%dma_wait3A_3284] : memref<32768xf32, #tpu.memory_space<vmem>> -> memref<1024xf32, #tpu.memory_space<vmem>>
    tpu.wait_dma2 semaphore(%arg16 : memref<!tpu.dma_semaphore, #tpu.memory_space<semaphore_mem>>) src(%dma_wait3A_3285 : memref<1024xf32, #tpu.memory_space<vmem>>) dst(%dma_wait3A_3283 : memref<1024xf32, #tpu.memory_space<hbm>>)
    %dma_wait3A_3286 = arith.constant 18432 : i32
    %dma_wait3A_3287 = tpu.memref_slice %arg11[%dma_wait3A_3286] : memref<32768xf32, #tpu.memory_space<vmem>> -> memref<1024xf32, #tpu.memory_space<vmem>>
    %dma_wait3A_3288 = tpu.memref_slice %arg5[%mul3A_3099] : memref<4194304xf32, #tpu.memory_space<hbm>> -> memref<1024xf32, #tpu.memory_space<hbm>>
    %dma_wait3A_3289 = tpu.memref_slice %arg5[%mul3A_3099] : memref<4194304xf32, #tpu.memory_space<hbm>> -> memref<1024xf32, #tpu.memory_space<hbm>>
    %dma_wait3A_3290 = arith.constant 18432 : i32
    %dma_wait3A_3291 = tpu.memref_slice %arg11[%dma_wait3A_3290] : memref<32768xf32, #tpu.memory_space<vmem>> -> memref<1024xf32, #tpu.memory_space<vmem>>
    tpu.wait_dma2 semaphore(%arg16 : memref<!tpu.dma_semaphore, #tpu.memory_space<semaphore_mem>>) src(%dma_wait3A_3291 : memref<1024xf32, #tpu.memory_space<vmem>>) dst(%dma_wait3A_3289 : memref<1024xf32, #tpu.memory_space<hbm>>)
    %dma_wait3A_3292 = arith.constant 19456 : i32
    %dma_wait3A_3293 = tpu.memref_slice %arg11[%dma_wait3A_3292] : memref<32768xf32, #tpu.memory_space<vmem>> -> memref<1024xf32, #tpu.memory_space<vmem>>
    %dma_wait3A_3294 = tpu.memref_slice %arg5[%mul3A_3105] : memref<4194304xf32, #tpu.memory_space<hbm>> -> memref<1024xf32, #tpu.memory_space<hbm>>
    %dma_wait3A_3295 = tpu.memref_slice %arg5[%mul3A_3105] : memref<4194304xf32, #tpu.memory_space<hbm>> -> memref<1024xf32, #tpu.memory_space<hbm>>
    %dma_wait3A_3296 = arith.constant 19456 : i32
    %dma_wait3A_3297 = tpu.memref_slice %arg11[%dma_wait3A_3296] : memref<32768xf32, #tpu.memory_space<vmem>> -> memref<1024xf32, #tpu.memory_space<vmem>>
    tpu.wait_dma2 semaphore(%arg16 : memref<!tpu.dma_semaphore, #tpu.memory_space<semaphore_mem>>) src(%dma_wait3A_3297 : memref<1024xf32, #tpu.memory_space<vmem>>) dst(%dma_wait3A_3295 : memref<1024xf32, #tpu.memory_space<hbm>>)
    %dma_wait3A_3298 = arith.constant 20480 : i32
    %dma_wait3A_3299 = tpu.memref_slice %arg11[%dma_wait3A_3298] : memref<32768xf32, #tpu.memory_space<vmem>> -> memref<1024xf32, #tpu.memory_space<vmem>>
    %dma_wait3A_3300 = tpu.memref_slice %arg5[%mul3A_3111] : memref<4194304xf32, #tpu.memory_space<hbm>> -> memref<1024xf32, #tpu.memory_space<hbm>>
    %dma_wait3A_3301 = tpu.memref_slice %arg5[%mul3A_3111] : memref<4194304xf32, #tpu.memory_space<hbm>> -> memref<1024xf32, #tpu.memory_space<hbm>>
    %dma_wait3A_3302 = arith.constant 20480 : i32
    %dma_wait3A_3303 = tpu.memref_slice %arg11[%dma_wait3A_3302] : memref<32768xf32, #tpu.memory_space<vmem>> -> memref<1024xf32, #tpu.memory_space<vmem>>
    tpu.wait_dma2 semaphore(%arg16 : memref<!tpu.dma_semaphore, #tpu.memory_space<semaphore_mem>>) src(%dma_wait3A_3303 : memref<1024xf32, #tpu.memory_space<vmem>>) dst(%dma_wait3A_3301 : memref<1024xf32, #tpu.memory_space<hbm>>)
    %dma_wait3A_3304 = arith.constant 21504 : i32
    %dma_wait3A_3305 = tpu.memref_slice %arg11[%dma_wait3A_3304] : memref<32768xf32, #tpu.memory_space<vmem>> -> memref<1024xf32, #tpu.memory_space<vmem>>
    %dma_wait3A_3306 = tpu.memref_slice %arg5[%mul3A_3117] : memref<4194304xf32, #tpu.memory_space<hbm>> -> memref<1024xf32, #tpu.memory_space<hbm>>
    %dma_wait3A_3307 = tpu.memref_slice %arg5[%mul3A_3117] : memref<4194304xf32, #tpu.memory_space<hbm>> -> memref<1024xf32, #tpu.memory_space<hbm>>
    %dma_wait3A_3308 = arith.constant 21504 : i32
    %dma_wait3A_3309 = tpu.memref_slice %arg11[%dma_wait3A_3308] : memref<32768xf32, #tpu.memory_space<vmem>> -> memref<1024xf32, #tpu.memory_space<vmem>>
    tpu.wait_dma2 semaphore(%arg16 : memref<!tpu.dma_semaphore, #tpu.memory_space<semaphore_mem>>) src(%dma_wait3A_3309 : memref<1024xf32, #tpu.memory_space<vmem>>) dst(%dma_wait3A_3307 : memref<1024xf32, #tpu.memory_space<hbm>>)
    %dma_wait3A_3310 = arith.constant 22528 : i32
    %dma_wait3A_3311 = tpu.memref_slice %arg11[%dma_wait3A_3310] : memref<32768xf32, #tpu.memory_space<vmem>> -> memref<1024xf32, #tpu.memory_space<vmem>>
    %dma_wait3A_3312 = tpu.memref_slice %arg5[%mul3A_3123] : memref<4194304xf32, #tpu.memory_space<hbm>> -> memref<1024xf32, #tpu.memory_space<hbm>>
    %dma_wait3A_3313 = tpu.memref_slice %arg5[%mul3A_3123] : memref<4194304xf32, #tpu.memory_space<hbm>> -> memref<1024xf32, #tpu.memory_space<hbm>>
    %dma_wait3A_3314 = arith.constant 22528 : i32
    %dma_wait3A_3315 = tpu.memref_slice %arg11[%dma_wait3A_3314] : memref<32768xf32, #tpu.memory_space<vmem>> -> memref<1024xf32, #tpu.memory_space<vmem>>
    tpu.wait_dma2 semaphore(%arg16 : memref<!tpu.dma_semaphore, #tpu.memory_space<semaphore_mem>>) src(%dma_wait3A_3315 : memref<1024xf32, #tpu.memory_space<vmem>>) dst(%dma_wait3A_3313 : memref<1024xf32, #tpu.memory_space<hbm>>)
    %dma_wait3A_3316 = arith.constant 23552 : i32
    %dma_wait3A_3317 = tpu.memref_slice %arg11[%dma_wait3A_3316] : memref<32768xf32, #tpu.memory_space<vmem>> -> memref<1024xf32, #tpu.memory_space<vmem>>
    %dma_wait3A_3318 = tpu.memref_slice %arg5[%mul3A_3129] : memref<4194304xf32, #tpu.memory_space<hbm>> -> memref<1024xf32, #tpu.memory_space<hbm>>
    %dma_wait3A_3319 = tpu.memref_slice %arg5[%mul3A_3129] : memref<4194304xf32, #tpu.memory_space<hbm>> -> memref<1024xf32, #tpu.memory_space<hbm>>
    %dma_wait3A_3320 = arith.constant 23552 : i32
    %dma_wait3A_3321 = tpu.memref_slice %arg11[%dma_wait3A_3320] : memref<32768xf32, #tpu.memory_space<vmem>> -> memref<1024xf32, #tpu.memory_space<vmem>>
    tpu.wait_dma2 semaphore(%arg16 : memref<!tpu.dma_semaphore, #tpu.memory_space<semaphore_mem>>) src(%dma_wait3A_3321 : memref<1024xf32, #tpu.memory_space<vmem>>) dst(%dma_wait3A_3319 : memref<1024xf32, #tpu.memory_space<hbm>>)
    %dma_wait3A_3322 = arith.constant 24576 : i32
    %dma_wait3A_3323 = tpu.memref_slice %arg11[%dma_wait3A_3322] : memref<32768xf32, #tpu.memory_space<vmem>> -> memref<1024xf32, #tpu.memory_space<vmem>>
    %dma_wait3A_3324 = tpu.memref_slice %arg5[%mul3A_3135] : memref<4194304xf32, #tpu.memory_space<hbm>> -> memref<1024xf32, #tpu.memory_space<hbm>>
    %dma_wait3A_3325 = tpu.memref_slice %arg5[%mul3A_3135] : memref<4194304xf32, #tpu.memory_space<hbm>> -> memref<1024xf32, #tpu.memory_space<hbm>>
    %dma_wait3A_3326 = arith.constant 24576 : i32
    %dma_wait3A_3327 = tpu.memref_slice %arg11[%dma_wait3A_3326] : memref<32768xf32, #tpu.memory_space<vmem>> -> memref<1024xf32, #tpu.memory_space<vmem>>
    tpu.wait_dma2 semaphore(%arg16 : memref<!tpu.dma_semaphore, #tpu.memory_space<semaphore_mem>>) src(%dma_wait3A_3327 : memref<1024xf32, #tpu.memory_space<vmem>>) dst(%dma_wait3A_3325 : memref<1024xf32, #tpu.memory_space<hbm>>)
    %dma_wait3A_3328 = arith.constant 25600 : i32
    %dma_wait3A_3329 = tpu.memref_slice %arg11[%dma_wait3A_3328] : memref<32768xf32, #tpu.memory_space<vmem>> -> memref<1024xf32, #tpu.memory_space<vmem>>
    %dma_wait3A_3330 = tpu.memref_slice %arg5[%mul3A_3141] : memref<4194304xf32, #tpu.memory_space<hbm>> -> memref<1024xf32, #tpu.memory_space<hbm>>
    %dma_wait3A_3331 = tpu.memref_slice %arg5[%mul3A_3141] : memref<4194304xf32, #tpu.memory_space<hbm>> -> memref<1024xf32, #tpu.memory_space<hbm>>
    %dma_wait3A_3332 = arith.constant 25600 : i32
    %dma_wait3A_3333 = tpu.memref_slice %arg11[%dma_wait3A_3332] : memref<32768xf32, #tpu.memory_space<vmem>> -> memref<1024xf32, #tpu.memory_space<vmem>>
    tpu.wait_dma2 semaphore(%arg16 : memref<!tpu.dma_semaphore, #tpu.memory_space<semaphore_mem>>) src(%dma_wait3A_3333 : memref<1024xf32, #tpu.memory_space<vmem>>) dst(%dma_wait3A_3331 : memref<1024xf32, #tpu.memory_space<hbm>>)
    %dma_wait3A_3334 = arith.constant 26624 : i32
    %dma_wait3A_3335 = tpu.memref_slice %arg11[%dma_wait3A_3334] : memref<32768xf32, #tpu.memory_space<vmem>> -> memref<1024xf32, #tpu.memory_space<vmem>>
    %dma_wait3A_3336 = tpu.memref_slice %arg5[%mul3A_3147] : memref<4194304xf32, #tpu.memory_space<hbm>> -> memref<1024xf32, #tpu.memory_space<hbm>>
    %dma_wait3A_3337 = tpu.memref_slice %arg5[%mul3A_3147] : memref<4194304xf32, #tpu.memory_space<hbm>> -> memref<1024xf32, #tpu.memory_space<hbm>>
    %dma_wait3A_3338 = arith.constant 26624 : i32
    %dma_wait3A_3339 = tpu.memref_slice %arg11[%dma_wait3A_3338] : memref<32768xf32, #tpu.memory_space<vmem>> -> memref<1024xf32, #tpu.memory_space<vmem>>
    tpu.wait_dma2 semaphore(%arg16 : memref<!tpu.dma_semaphore, #tpu.memory_space<semaphore_mem>>) src(%dma_wait3A_3339 : memref<1024xf32, #tpu.memory_space<vmem>>) dst(%dma_wait3A_3337 : memref<1024xf32, #tpu.memory_space<hbm>>)
    %dma_wait3A_3340 = arith.constant 27648 : i32
    %dma_wait3A_3341 = tpu.memref_slice %arg11[%dma_wait3A_3340] : memref<32768xf32, #tpu.memory_space<vmem>> -> memref<1024xf32, #tpu.memory_space<vmem>>
    %dma_wait3A_3342 = tpu.memref_slice %arg5[%mul3A_3153] : memref<4194304xf32, #tpu.memory_space<hbm>> -> memref<1024xf32, #tpu.memory_space<hbm>>
    %dma_wait3A_3343 = tpu.memref_slice %arg5[%mul3A_3153] : memref<4194304xf32, #tpu.memory_space<hbm>> -> memref<1024xf32, #tpu.memory_space<hbm>>
    %dma_wait3A_3344 = arith.constant 27648 : i32
    %dma_wait3A_3345 = tpu.memref_slice %arg11[%dma_wait3A_3344] : memref<32768xf32, #tpu.memory_space<vmem>> -> memref<1024xf32, #tpu.memory_space<vmem>>
    tpu.wait_dma2 semaphore(%arg16 : memref<!tpu.dma_semaphore, #tpu.memory_space<semaphore_mem>>) src(%dma_wait3A_3345 : memref<1024xf32, #tpu.memory_space<vmem>>) dst(%dma_wait3A_3343 : memref<1024xf32, #tpu.memory_space<hbm>>)
    %dma_wait3A_3346 = arith.constant 28672 : i32
    %dma_wait3A_3347 = tpu.memref_slice %arg11[%dma_wait3A_3346] : memref<32768xf32, #tpu.memory_space<vmem>> -> memref<1024xf32, #tpu.memory_space<vmem>>
    %dma_wait3A_3348 = tpu.memref_slice %arg5[%mul3A_3159] : memref<4194304xf32, #tpu.memory_space<hbm>> -> memref<1024xf32, #tpu.memory_space<hbm>>
    %dma_wait3A_3349 = tpu.memref_slice %arg5[%mul3A_3159] : memref<4194304xf32, #tpu.memory_space<hbm>> -> memref<1024xf32, #tpu.memory_space<hbm>>
    %dma_wait3A_3350 = arith.constant 28672 : i32
    %dma_wait3A_3351 = tpu.memref_slice %arg11[%dma_wait3A_3350] : memref<32768xf32, #tpu.memory_space<vmem>> -> memref<1024xf32, #tpu.memory_space<vmem>>
    tpu.wait_dma2 semaphore(%arg16 : memref<!tpu.dma_semaphore, #tpu.memory_space<semaphore_mem>>) src(%dma_wait3A_3351 : memref<1024xf32, #tpu.memory_space<vmem>>) dst(%dma_wait3A_3349 : memref<1024xf32, #tpu.memory_space<hbm>>)
    %dma_wait3A_3352 = arith.constant 29696 : i32
    %dma_wait3A_3353 = tpu.memref_slice %arg11[%dma_wait3A_3352] : memref<32768xf32, #tpu.memory_space<vmem>> -> memref<1024xf32, #tpu.memory_space<vmem>>
    %dma_wait3A_3354 = tpu.memref_slice %arg5[%mul3A_3165] : memref<4194304xf32, #tpu.memory_space<hbm>> -> memref<1024xf32, #tpu.memory_space<hbm>>
    %dma_wait3A_3355 = tpu.memref_slice %arg5[%mul3A_3165] : memref<4194304xf32, #tpu.memory_space<hbm>> -> memref<1024xf32, #tpu.memory_space<hbm>>
    %dma_wait3A_3356 = arith.constant 29696 : i32
    %dma_wait3A_3357 = tpu.memref_slice %arg11[%dma_wait3A_3356] : memref<32768xf32, #tpu.memory_space<vmem>> -> memref<1024xf32, #tpu.memory_space<vmem>>
    tpu.wait_dma2 semaphore(%arg16 : memref<!tpu.dma_semaphore, #tpu.memory_space<semaphore_mem>>) src(%dma_wait3A_3357 : memref<1024xf32, #tpu.memory_space<vmem>>) dst(%dma_wait3A_3355 : memref<1024xf32, #tpu.memory_space<hbm>>)
    %dma_wait3A_3358 = arith.constant 30720 : i32
    %dma_wait3A_3359 = tpu.memref_slice %arg11[%dma_wait3A_3358] : memref<32768xf32, #tpu.memory_space<vmem>> -> memref<1024xf32, #tpu.memory_space<vmem>>
    %dma_wait3A_3360 = tpu.memref_slice %arg5[%mul3A_3171] : memref<4194304xf32, #tpu.memory_space<hbm>> -> memref<1024xf32, #tpu.memory_space<hbm>>
    %dma_wait3A_3361 = tpu.memref_slice %arg5[%mul3A_3171] : memref<4194304xf32, #tpu.memory_space<hbm>> -> memref<1024xf32, #tpu.memory_space<hbm>>
    %dma_wait3A_3362 = arith.constant 30720 : i32
    %dma_wait3A_3363 = tpu.memref_slice %arg11[%dma_wait3A_3362] : memref<32768xf32, #tpu.memory_space<vmem>> -> memref<1024xf32, #tpu.memory_space<vmem>>
    tpu.wait_dma2 semaphore(%arg16 : memref<!tpu.dma_semaphore, #tpu.memory_space<semaphore_mem>>) src(%dma_wait3A_3363 : memref<1024xf32, #tpu.memory_space<vmem>>) dst(%dma_wait3A_3361 : memref<1024xf32, #tpu.memory_space<hbm>>)
    %dma_wait3A_3364 = arith.constant 31744 : i32
    %dma_wait3A_3365 = tpu.memref_slice %arg11[%dma_wait3A_3364] : memref<32768xf32, #tpu.memory_space<vmem>> -> memref<1024xf32, #tpu.memory_space<vmem>>
    %dma_wait3A_3366 = tpu.memref_slice %arg5[%mul3A_3177] : memref<4194304xf32, #tpu.memory_space<hbm>> -> memref<1024xf32, #tpu.memory_space<hbm>>
    %dma_wait3A_3367 = tpu.memref_slice %arg5[%mul3A_3177] : memref<4194304xf32, #tpu.memory_space<hbm>> -> memref<1024xf32, #tpu.memory_space<hbm>>
    %dma_wait3A_3368 = arith.constant 31744 : i32
    %dma_wait3A_3369 = tpu.memref_slice %arg11[%dma_wait3A_3368] : memref<32768xf32, #tpu.memory_space<vmem>> -> memref<1024xf32, #tpu.memory_space<vmem>>
    tpu.wait_dma2 semaphore(%arg16 : memref<!tpu.dma_semaphore, #tpu.memory_space<semaphore_mem>>) src(%dma_wait3A_3369 : memref<1024xf32, #tpu.memory_space<vmem>>) dst(%dma_wait3A_3367 : memref<1024xf32, #tpu.memory_space<hbm>>)
    return
  }
}

</mosaic_0001>

<sc_bundles>
// kernel: kernel.3.cloned.1.call-start
scs
__scs_entry_jumppad:
0x0: {  	(pc) =	sbr.rel $0x88, $3  }
0x1: {  	(tag) =	ssettag $0x0;
	lr =	simm.s32 $0x1  }
0x2: {  	[smem:$0x3F9E] =	sst lr;
	_ =	strace $0xD0000000  }
0x3: {  	_ = 	snop  }
0x4: {  	_ = 	snop  }
0x5: {  	_ = 	snop  }
0x6: {  	_ = 	snop  }
0x7: {  	_ = 	snop  }
__scs_overlays_trampoline_lowered:
0x8: {  	[smem:$0x3FAD] =	sst s0  }
0x9: {  	[smem:$0x3FAE] =	sst s1  }
0xa: {  	[smem:$0x3FAF] =	sst s2  }
0xb: {  	[smem:$0x3FB0] =	sst s3  }
0xc: {  	[smem:$0x3FB1] =	sst s4  }
0xd: {  	[smem:$0x3FB2] =	sst s5  }
0xe: {  	[smem:$0x3FB3] =	sst s6  }
0xf: {  	[smem:$0x3FB4] =	sst s7  }
0x10: {  	[smem:$0x3FB5] =	sst s8  }
0x11: {  	[smem:$0x3FB6] =	sst s9;
	s0 =	simm.s32 @!p0 $0x0  }
0x12: {  	s1 =	sld [smem:$0x3F9C];
	s0 =	simm.s32 @p0 $0x1  }
0x13: {  	[smem:$0x3FB7] =	sst s0;
	s0 =	simm.s32 @!p1 $0x0  }
0x14: {  	s2 =	sld [smem:$0x3F9B];
	s0 =	simm.s32 @p1 $0x1  }
0x15: {  	[smem:$0x3FB8] =	sst s0;
	s0 =	simm.s32 @!p2 $0x0  }
0x16: {  	s3 =	sld [smem:$0x3FDB];
	s0 =	simm.s32 @p2 $0x1  }
0x17: {  	s4 =	simm.s32 $0x1BF5;
	[smem:$0x3FBA] =	sst s0  }
0x18: {  	s0 =	sld [smem:$0x3F9D];
	_ =	swait.ge [sflag:s4], $0x0  }
0x19: {  	s7 =	sld [smem:$0x3F9E]  }
0x1a: {  	s8 =	sadd.s32 $0xFFFFE003, lr  }
0x1b: {  	s9 =	sadd.s32 $0xFFFFFEF7, lr;
	s5 =	simm.s32 $0xFFFFFFFF;
	p2 =	slt.u32 s8, $0xFFFFF086  }
0x1c: {  	p1 =	slt.u32 s9, $0xF7A;
	s5 =	simm.s32 @!p2 $0x0  }
0x1d: {  	s5 =	simm.s32 @p1 $0x1;
	p0 =	seq.s32 s7, s2  }
0x1e: {  	s7 =	smul.u32 @!p0 $0xF7A, s2;
	p2 =	seq.s32 @!p0 s5, $0x0  }
0x1f: {  	s9 =	smul.u32 $0xF7A, s1;
	s8 =	simm.s32 @!p0 $0x1BF5;
	p2 =	por !p2, p0  }
0x20: {  	[sflag:s8] =	ssyncset.s32 @!p0 $0xFFFFF086;
	s6 =	sadd.s32 @!p0 s3, s7;
	s7 =	simm.s32 @!p0 $0x108  }
0x21: {  	s3 =	sadd.s32 s3, s9;
	s6 =	sadd.s32 @!p0 $0x88, s6;
	s7 =	simm.s32 @p2 $0x1082  }
0x22: {  	[simem:s7], [sflag:s8] =	dma.local @!p0 [hbm:s6], $0xF7A  }
0x23: {  	s9 =	sor.u32 $0xD0000000, s2;
	s6 =	simm.s32 $0x108;
	_ =	swait.ge @!p0 [sflag:s8], $0x0  }
0x24: {  	s3 =	sadd.s32 $0x88, s3;
	s6 =	simm.s32 @!p1 $0x1082;
	[sflag:s4] =	ssyncset.s32 $0xFFFFF086  }
0x25: {  	[simem:s6], [sflag:s4] =	dma.local [hbm:s3], $0xF7A  }
0x26: {  	[smem:$0x3F9E] =	sst s1;
	(tag) =	ssettag s2;
	_ =	strace s9  }
0x27: {  	s1 =	sld [smem:$0x3FAE]  }
0x28: {  	s2 =	sld [smem:$0x3FAF]  }
0x29: {  	s4 =	sld [smem:$0x3FB1]  }
0x2a: {  	p0 =	seq.s32 s5, $0x0;
	s5 =	sld [smem:$0x3FB2]  }
0x2b: {  	s6 =	sld [smem:$0x3FB3]  }
0x2c: {  	s7 =	sld [smem:$0x3FB4]  }
0x2d: {  	s3 =	simm.s32 $0x108;
	s8 =	sld [smem:$0x3FB5]  }
0x2e: {  	s3 =	simm.s32 @!p0 $0x1082;
	s9 =	sld [smem:$0x3FB6]  }
0x2f: {  	lr =	sadd.s32 s0, s3;
	s0 =	sld [smem:$0x3FAD]  }
0x30: {  	s3 =	sld [smem:$0x3FB0]  }
0x31: {  	[smem:$0x3FB9] =	sst s10  }
0x32: {  	s10 =	sld [smem:$0x3FB7];
	_ =	sdelay $0x3  }
0x33: {  	p0 =	seq.s32 s10, $0x1;
	s10 =	sld [smem:$0x3FB9];
	_ =	sdelay $0x3  }
0x34: {  	[smem:$0x3FB9] =	sst s10  }
0x35: {  	s10 =	sld [smem:$0x3FB8];
	_ =	sdelay $0x3  }
0x36: {  	p1 =	seq.s32 s10, $0x1;
	s10 =	sld [smem:$0x3FB9];
	_ =	sdelay $0x3  }
0x37: {  	[smem:$0x3FB9] =	sst s10  }
0x38: {  	s10 =	sld [smem:$0x3FBA]  }
0x39: {  	_ = 	snop;
	(pc) =	sbr.ind lr, $3  }
0x3a: {  	_ = 	snop  }
0x3b: {  	_ = 	snop  }
0x3c: {  	p2 =	seq.s32 s10, $0x1;
	s10 =	sld [smem:$0x3FB9]  }
0x3d: {  	_ =	shalt  }
0x3e: {  	_ =	shalt  }
0x3f: {  	_ =	shalt  }
0x40: {  	_ =	shalt  }
0x41: {  	_ =	shalt  }
0x42: {  	_ =	shalt  }
0x43: {  	_ =	shalt  }
0x44: {  	_ =	shalt  }
0x45: {  	_ =	shalt  }
0x46: {  	_ =	shalt  }
0x47: {  	_ =	shalt  }
0x48: {  	_ =	shalt  }
0x49: {  	_ =	shalt  }
0x4a: {  	_ =	shalt  }
0x4b: {  	_ =	shalt  }
0x4c: {  	_ =	shalt  }
0x4d: {  	_ =	shalt  }
0x4e: {  	_ =	shalt  }
0x4f: {  	_ =	shalt  }
0x50: {  	_ =	shalt  }
0x51: {  	_ =	shalt  }
0x52: {  	_ =	shalt  }
0x53: {  	_ =	shalt  }
0x54: {  	_ =	shalt  }
0x55: {  	_ =	shalt  }
0x56: {  	_ =	shalt  }
0x57: {  	_ =	shalt  }
0x58: {  	_ =	shalt  }
0x59: {  	_ =	shalt  }
0x5a: {  	_ =	shalt  }
0x5b: {  	_ =	shalt  }
0x5c: {  	_ =	shalt  }
0x5d: {  	_ =	shalt  }
0x5e: {  	_ =	shalt  }
0x5f: {  	_ =	shalt  }
0x60: {  	_ =	shalt  }
0x61: {  	_ =	shalt  }
0x62: {  	_ =	shalt  }
0x63: {  	_ =	shalt  }
0x64: {  	_ =	shalt  }
0x65: {  	_ =	shalt  }
0x66: {  	_ =	shalt  }
0x67: {  	_ =	shalt  }
0x68: {  	_ =	shalt  }
0x69: {  	_ =	shalt  }
0x6a: {  	_ =	shalt  }
0x6b: {  	_ =	shalt  }
0x6c: {  	_ =	shalt  }
0x6d: {  	_ =	shalt  }
0x6e: {  	_ =	shalt  }
0x6f: {  	_ =	shalt  }
0x70: {  	_ =	shalt  }
0x71: {  	_ =	shalt  }
0x72: {  	_ =	shalt  }
0x73: {  	_ =	shalt  }
0x74: {  	_ =	shalt  }
0x75: {  	_ =	shalt  }
0x76: {  	_ =	shalt  }
0x77: {  	_ =	shalt  }
0x78: {  	_ =	shalt  }
0x79: {  	_ =	shalt  }
0x7a: {  	_ =	shalt  }
0x7b: {  	_ =	shalt  }
0x7c: {  	_ =	shalt  }
0x7d: {  	_ =	shalt  }
0x7e: {  	_ =	shalt  }
0x7f: {  	_ =	shalt  }
0x80: {  	_ =	shalt  }
0x81: {  	_ =	shalt  }
0x82: {  	_ =	shalt  }
0x83: {  	_ =	shalt  }
0x84: {  	_ =	shalt  }
0x85: {  	_ =	shalt  }
0x86: {  	_ =	shalt  }
0x87: {  	_ =	shalt  }
.Lfunc_end0:
.L_simem_size_0:
called_computation_lowered:
.L_overlay_start_0:
0x88: {  	s2 =	sld [smem:$0x3FD9]  }
0x89: {  	s3 =	sld [smem:$0x3FFE];
	_ =	sdelay $0x1  }
0x8a: {  	s1 =	srdreg.scid  }
0x8b: {  	s0 =	sand.u32 $0x1, s1  }
0x8c: {  	s17 =	sshll.u32 s0, $0xA;
	s2 =	sadd.s32 s3, s2  }
0x8d: {  	s2 =	sadd.s32 s2, s17  }
0x8e: {  	[smem:$0x3FC5] =	sst s2  }
0x8f: {  	_ = 	snop  }
0x90: {  	s2 =	sld [smem:$0x3FC9]  }
0x91: {  	s18 =	sld [smem:$0x3FC8]  }
0x92: {  	s4 =	sld [smem:$0x3FD0];
	(tm) =	ssettm $0x1  }
0x93: {  	s5 =	sld [smem:$0x3FFB];
	_ =	sdelay $0x3  }
0x94: {  	_ =	strace s5  }
0x95: {  	s5 =	sld [smem:$0x3FFC];
	_ =	sdelay $0x3  }
0x96: {  	_ =	strace s5  }
0x97: {  	s5 =	sld [smem:$0x3FFD];
	_ =	sdelay $0x3  }
0x98: {  	_ =	strace s5  }
0x99: {  	_ =	strace $0x8FFFFFFF  }
0x9a: {  	s19 =	sld [smem:$0x3FDB];
	_ =	sdelay $0x1  }
0x9b: {  	s6 =	simm.s32 $_scs_section_size  }
0x9c: {  	s7 =	simm.s32 $_size__tile_overlayer_lowered;
	s8 =	simm.s32 $_tile_overlayer_lowered  }
0x9d: {  	s22 =	simm.s32 $0x1BFF;
	s21 =	sshll.u32 s8, $0x1;
	s5 =	sadd.s32 s6, s19  }
0x9e: {  	s9 =	simm.s32 $0x0;
	s20 =	sshll.u32 s7, $0x1;
	s7 =	sadd.s32 s21, s5  }
0x9f: {  	[timem:s9], [sflag:s22] =	dma.local [hbm:s7], s20  }
0xa0: {  	_ =	swait.ge [sflag:s22], s20  }
0xa1: {  	s6 =	ssub.s32 $0x0, s20;
	[sflag:s22] =	ssyncset.done $0x0  }
0xa2: {  	[sflag:s22] =	ssyncadd.s32 s6;
	_ =	sdelay $0x1  }
0xa3: {  	s23 =	simm.s32 $0x1B8B  }
0xa4: {  	_ =	swait.ge [sflag:s23], $0x1  }
0xa5: {  	[sflag:s23] =	ssyncset.done $0x0  }
0xa6: {  	s25 =	simm.s32 $0x1B8E;
	s24 =	sld [smem:$0x3FFE];
	[sflag:s23] =	ssyncadd.s32 $0xFFFFFFFF  }
0xa7: {  	s26 =	simm.s32 $execute0_lowered;
	[smem:$0x3FD2] =	sst s25  }
0xa8: {  	s7 =	sshll.u32 s26, $0x1;
	_ =	strace $0x80000046;
	[dreg:$0x1] =	wrdreg $0xFFFFFFFF  }
0xa9: {  	s28 =	simm.s32 $_size_execute0_lowered;
	s5 =	sadd.s32 s5, s7;
	[dreg:$0x0] =	wrdreg $0x0  }
0xaa: {  	s7 =	sshll.u32 s28, $0x1;
	[dreg:$0x2] =	wrdreg s5  }
0xab: {  	[dreg:$0x3] =	wrdreg s7  }
0xac: {  	[dreg:$0x4] =	wrdreg $0xC0  }
0xad: {  	_ =	task [dreg:s9], $0x5FFFF  }
0xae: {  	[dreg:$0x1] =	wrdreg $0xFFFFFFFF  }
0xaf: {  	[dreg:$0x0] =	wrdreg $0x60  }
0xb0: {  	[dreg:$0x2] =	wrdreg s2  }
0xb1: {  	[dreg:$0x3] =	wrdreg s18  }
0xb2: {  	[dreg:$0x4] =	wrdreg s24  }
0xb3: {  	[dreg:$0x5] =	wrdreg s4  }
0xb4: {  	[dreg:$0x6] =	wrdreg $0x9  }
0xb5: {  	_ =	task.clear_ibuf [dreg:s9], $0x7FFFF;
	_ =	strace $0x90000046  }
0xb6: {  	s29 =	simm.s32 $0x9;
	_ =	strace $0x80000048  }
0xb7: {  	_ =	swait.ge [sflag:s29], $0x1  }
0xb8: {  	[sflag:s29] =	ssyncadd.s32 $0xFFFFFFFF  }
0xb9: {  	_ =	strace $0x90000048  }
0xba: {  	_ =	sfence  }
0xbb: {  	s30 =	sld [smem:$0x0];
	_ =	sdelay $0x2  }
0xbc: {  	s31 =	sshll.u32 s1, $0xD;
	s1 =	sshrl.u32 s1, $0x2  }
0xbd: {  	s3 =	sand.u32 $0x4000, s31;
	s1 =	sadd.s32 s1, s30  }
0xbe: {  	s0 =	sor.u32 s3, s0;
	s1 =	sshll.u32 s1, $0x11  }
0xbf: {  	s0 =	sor.u32 s1, s0  }
0xc0: {  	s0 =	sadd.s32 $0x8F2B, s0  }
0xc1: {  	[sflag:s0] =	ssyncadd.remote.s32 $0x1  }
0xc2: {  	_ =	sfence.sel $0xFFFF  }
0xc3: {  	[dreg:$0x0] =	wrdreg $0xFFFFFFFF;
	(pc) =	sbr.abs _section_cstart, $3  }
0xc4: {  	[dreg:$0x1] =	wrdreg $0xFFFFFFFF  }
0xc5: {  	_ =	task.clear_ibuf [dreg:s9], $0x2FFFF;
	_ =	strace $0x9FFFFFFF  }
0xc6: {  	(tm) =	ssettm $0x7FFFFFFF  }
0xc7: {  	_ =	shalt  }
tec
execute0_lowered:
.L_overlay_start_1:
0x0: {  	(tag) =	ssettag $0x1  }
0x1: {  	s4 =	srdreg.scid  }
0x2: {  	s0 =	rddreg [dreg:$0x0];
	s5 =	stileid.u32;
	s4 =	sand.u32 $0x1, s4  }
0x3: {  	s1 =	rddreg [dreg:$0x2];
	s5 =	sshll.u32 s5, $0xA;
	s6 =	sshll.u32 s4, $0x9  }
0x4: {  	s2 =	rddreg [dreg:$0x3];
	s3 =	simm.s32 $0x0;
	s6 =	sor.u32 s6, s5  }
0x5: {  	[smem:$0x7FF] =	sst s3;
	s5 =	sadd.s32 s2, s6;
	s0 =	sadd.s32 s0, s6  }
0x6: {  	_ =	strace $0x80000047;
	[dreg:$0x5] =	wrdreg s0;
	s13 =	sadd.s32 $0x4000, s5  }
0x7: {  	s14 =	sadd.s32 $0x8000, s5;
	[dreg:$0x6] =	wrdreg s13  }
0x8: {  	s15 =	sadd.s32 $0xC000, s5;
	[dreg:$0x7] =	wrdreg s14  }
0x9: {  	s16 =	sadd.s32 $0x10000, s5;
	[dreg:$0x8] =	wrdreg s15  }
0xa: {  	s17 =	sadd.s32 $0x14000, s5;
	[dreg:$0x9] =	wrdreg s16  }
0xb: {  	s18 =	sadd.s32 $0x18000, s5;
	[dreg:$0xa] =	wrdreg s17  }
0xc: {  	s19 =	sadd.s32 $0x1C000, s5;
	[dreg:$0xb] =	wrdreg s18  }
0xd: {  	s20 =	sadd.s32 $0x20000, s5;
	[dreg:$0xc] =	wrdreg s19  }
0xe: {  	s21 =	sadd.s32 $0x24000, s5;
	[dreg:$0xd] =	wrdreg s20  }
0xf: {  	s22 =	sadd.s32 $0x28000, s5;
	[dreg:$0xe] =	wrdreg s21  }
0x10: {  	s23 =	sadd.s32 $0x2C000, s5;
	[dreg:$0xf] =	wrdreg s22  }
0x11: {  	s24 =	sadd.s32 $0x30000, s5;
	[dreg:$0x10] =	wrdreg s23  }
0x12: {  	s25 =	sadd.s32 $0x34000, s5;
	[dreg:$0x11] =	wrdreg s24  }
0x13: {  	s7 =	ssub.s32 $0x2, s4;
	s26 =	sadd.s32 $0x38000, s5;
	[dreg:$0x12] =	wrdreg s25  }
0x14: {  	s4 =	sadd.s32 $0xC35400, s1;
	s2 =	sadd.s32 $0x3C000, s5;
	[dreg:$0x13] =	wrdreg s26  }
0x15: {  	s12 =	sshrl.u32 s7, $0x1;
	s6 =	sadd.s32 $0x40000, s5;
	[dreg:$0x14] =	wrdreg s2  }
0x16: {  	s1 =	ssub.s32 s7, s12;
	s7 =	sadd.s32 $0x44000, s5;
	[dreg:$0x15] =	wrdreg s6  }
0x17: {  	s8 =	sadd.s32 $0x48000, s5;
	[dreg:$0x16] =	wrdreg s7  }
0x18: {  	s9 =	smax.u32 s1, $0x1;
	[dreg:$0x17] =	wrdreg s8  }
0x19: {  	s10 =	sadd.s32 $0x4C000, s5;
	[dreg:$0x18] =	wrdreg s9  }
0x1a: {  	s11 =	sadd.s32 $0x50000, s5;
	[dreg:$0x19] =	wrdreg s10  }
0x1b: {  	s12 =	sadd.s32 $0x54000, s5;
	[dreg:$0x1a] =	wrdreg s11  }
0x1c: {  	s1 =	sadd.s32 $0x10080, s5;
	[dreg:$0x1b] =	wrdreg s12  }
0x1d: {  	s13 =	sadd.s32 $0x58000, s5;
	[smem:$0x7A2] =	sst s1  }
0x1e: {  	s14 =	sadd.s32 $0x5C000, s5;
	[dreg:$0x1c] =	wrdreg s13  }
0x1f: {  	s15 =	sadd.s32 $0x60000, s5;
	[dreg:$0x1d] =	wrdreg s14  }
0x20: {  	s16 =	sadd.s32 $0x64000, s5;
	[dreg:$0x1e] =	wrdreg s15  }
0x21: {  	s17 =	sadd.s32 $0x68000, s5;
	[dreg:$0x1f] =	wrdreg s16  }
0x22: {  	s18 =	sadd.s32 $0x6C000, s5;
	[smem:$0x798] =	sst s17  }
0x23: {  	s19 =	sadd.s32 $0x70000, s5;
	[smem:$0x799] =	sst s18  }
0x24: {  	s20 =	sadd.s32 $0x74000, s5;
	[smem:$0x79A] =	sst s19  }
0x25: {  	s21 =	sadd.s32 $0x78000, s5;
	[smem:$0x79B] =	sst s20  }
0x26: {  	s22 =	sadd.s32 $0x7C000, s5;
	[smem:$0x79C] =	sst s21  }
0x27: {  	s23 =	sadd.s32 $0x80, s5;
	[smem:$0x79D] =	sst s22  }
0x28: {  	s24 =	sadd.s32 $0x4080, s5;
	[smem:$0x79E] =	sst s23  }
0x29: {  	s25 =	sadd.s32 $0x8080, s5;
	[smem:$0x79F] =	sst s24  }
0x2a: {  	s26 =	sadd.s32 $0xC080, s5;
	[smem:$0x7A0] =	sst s25  }
0x2b: {  	s2 =	sadd.s32 $0x14080, s5;
	[smem:$0x7A1] =	sst s26  }
0x2c: {  	s6 =	sadd.s32 $0x18080, s5;
	[smem:$0x7A3] =	sst s2  }
0x2d: {  	s7 =	sadd.s32 $0x1C080, s5;
	[smem:$0x7A4] =	sst s6  }
0x2e: {  	s8 =	sadd.s32 $0x20080, s5;
	[smem:$0x7A5] =	sst s7  }
0x2f: {  	s9 =	sadd.s32 $0x24080, s5;
	[smem:$0x7A6] =	sst s8  }
0x30: {  	s10 =	sadd.s32 $0x28080, s5;
	[smem:$0x7A7] =	sst s9  }
0x31: {  	s11 =	sadd.s32 $0x2C080, s5;
	[smem:$0x7A8] =	sst s10  }
0x32: {  	s12 =	sadd.s32 $0x30080, s5;
	[smem:$0x7A9] =	sst s11  }
0x33: {  	s1 =	sadd.s32 $0x6C080, s5;
	[smem:$0x7AA] =	sst s12  }
0x34: {  	s13 =	sadd.s32 $0x34080, s5;
	[smem:$0x7B9] =	sst s1  }
0x35: {  	s14 =	sadd.s32 $0x38080, s5;
	[smem:$0x7AB] =	sst s13  }
0x36: {  	s15 =	sadd.s32 $0x3C080, s5;
	[smem:$0x7AC] =	sst s14  }
0x37: {  	s16 =	sadd.s32 $0x40080, s5;
	[smem:$0x7AD] =	sst s15  }
0x38: {  	s17 =	sadd.s32 $0x44080, s5;
	[smem:$0x7AE] =	sst s16  }
0x39: {  	s18 =	sadd.s32 $0x48080, s5;
	[smem:$0x7AF] =	sst s17  }
0x3a: {  	s19 =	sadd.s32 $0x4C080, s5;
	[smem:$0x7B0] =	sst s18  }
0x3b: {  	s20 =	sadd.s32 $0x50080, s5;
	[smem:$0x7B1] =	sst s19  }
0x3c: {  	s21 =	sadd.s32 $0x54080, s5;
	[smem:$0x7B2] =	sst s20  }
0x3d: {  	s22 =	sadd.s32 $0x58080, s5;
	[smem:$0x7B3] =	sst s21  }
0x3e: {  	s23 =	sadd.s32 $0x5C080, s5;
	[smem:$0x7B4] =	sst s22  }
0x3f: {  	s24 =	sadd.s32 $0x60080, s5;
	[smem:$0x7B5] =	sst s23  }
0x40: {  	s25 =	sadd.s32 $0x64080, s5;
	[smem:$0x7B6] =	sst s24  }
0x41: {  	s26 =	sadd.s32 $0x68080, s5;
	[smem:$0x7B7] =	sst s25  }
0x42: {  	s2 =	sadd.s32 $0x70080, s5;
	[smem:$0x7B8] =	sst s26  }
0x43: {  	s6 =	sadd.s32 $0x74080, s5;
	[smem:$0x7BA] =	sst s2  }
0x44: {  	s7 =	sadd.s32 $0x78080, s5;
	[smem:$0x7BB] =	sst s6  }
0x45: {  	s8 =	sadd.s32 $0x7C080, s5;
	[smem:$0x7BC] =	sst s7  }
0x46: {  	s9 =	sadd.s32 $0x100, s5;
	[smem:$0x7BD] =	sst s8  }
0x47: {  	s10 =	sadd.s32 $0x4100, s5;
	[smem:$0x7BE] =	sst s9  }
0x48: {  	s11 =	sadd.s32 $0x8100, s5;
	[smem:$0x7BF] =	sst s10  }
0x49: {  	s12 =	sadd.s32 $0xC100, s5;
	[smem:$0x7C0] =	sst s11  }
0x4a: {  	s1 =	sadd.s32 $0x48100, s5;
	[smem:$0x7C1] =	sst s12  }
0x4b: {  	s13 =	sadd.s32 $0x10100, s5;
	[smem:$0x7D0] =	sst s1  }
0x4c: {  	s14 =	sadd.s32 $0x14100, s5;
	[smem:$0x7C2] =	sst s13  }
0x4d: {  	s15 =	sadd.s32 $0x18100, s5;
	[smem:$0x7C3] =	sst s14  }
0x4e: {  	s16 =	sadd.s32 $0x1C100, s5;
	[smem:$0x7C4] =	sst s15  }
0x4f: {  	s17 =	sadd.s32 $0x20100, s5;
	[smem:$0x7C5] =	sst s16  }
0x50: {  	s18 =	sadd.s32 $0x24100, s5;
	[smem:$0x7C6] =	sst s17  }
0x51: {  	s19 =	sadd.s32 $0x28100, s5;
	[smem:$0x7C7] =	sst s18  }
0x52: {  	s20 =	sadd.s32 $0x2C100, s5;
	[smem:$0x7C8] =	sst s19  }
0x53: {  	s21 =	sadd.s32 $0x30100, s5;
	[smem:$0x7C9] =	sst s20  }
0x54: {  	s22 =	sadd.s32 $0x34100, s5;
	[smem:$0x7CA] =	sst s21  }
0x55: {  	s23 =	sadd.s32 $0x38100, s5;
	[smem:$0x7CB] =	sst s22  }
0x56: {  	s24 =	sadd.s32 $0x3C100, s5;
	[smem:$0x7CC] =	sst s23  }
0x57: {  	s25 =	sadd.s32 $0x40100, s5;
	[smem:$0x7CD] =	sst s24  }
0x58: {  	s26 =	sadd.s32 $0x44100, s5;
	[smem:$0x7CE] =	sst s25  }
0x59: {  	s2 =	sadd.s32 $0x4C100, s5;
	[smem:$0x7CF] =	sst s26  }
0x5a: {  	s6 =	sadd.s32 $0x50100, s5;
	[smem:$0x7D1] =	sst s2  }
0x5b: {  	s7 =	sadd.s32 $0x54100, s5;
	[smem:$0x7D2] =	sst s6  }
0x5c: {  	s8 =	sadd.s32 $0x58100, s5;
	[smem:$0x7D3] =	sst s7  }
0x5d: {  	s9 =	sadd.s32 $0x5C100, s5;
	[smem:$0x7D4] =	sst s8  }
0x5e: {  	s10 =	sadd.s32 $0x60100, s5;
	[smem:$0x7D5] =	sst s9  }
0x5f: {  	s11 =	sadd.s32 $0x64100, s5;
	[smem:$0x7D6] =	sst s10  }
0x60: {  	s12 =	sadd.s32 $0x68100, s5;
	[smem:$0x7D7] =	sst s11  }
0x61: {  	s1 =	sadd.s32 $0x24180, s5;
	[smem:$0x7D8] =	sst s12  }
0x62: {  	s13 =	sadd.s32 $0x6C100, s5;
	[smem:$0x7E7] =	sst s1  }
0x63: {  	s14 =	sadd.s32 $0x70100, s5;
	[smem:$0x7D9] =	sst s13  }
0x64: {  	s15 =	sadd.s32 $0x74100, s5;
	[smem:$0x7DA] =	sst s14  }
0x65: {  	s16 =	sadd.s32 $0x78100, s5;
	[smem:$0x7DB] =	sst s15  }
0x66: {  	s17 =	sadd.s32 $0x7C100, s5;
	[smem:$0x7DC] =	sst s16  }
0x67: {  	s18 =	sadd.s32 $0x180, s5;
	[smem:$0x7DD] =	sst s17  }
0x68: {  	s19 =	sadd.s32 $0x4180, s5;
	[smem:$0x7DE] =	sst s18  }
0x69: {  	s20 =	sadd.s32 $0x8180, s5;
	[smem:$0x7DF] =	sst s19  }
0x6a: {  	s21 =	sadd.s32 $0xC180, s5;
	[smem:$0x7E0] =	sst s20  }
0x6b: {  	s22 =	sadd.s32 $0x10180, s5;
	[smem:$0x7E1] =	sst s21  }
0x6c: {  	s23 =	sadd.s32 $0x14180, s5;
	[smem:$0x7E2] =	sst s22  }
0x6d: {  	s24 =	sadd.s32 $0x18180, s5;
	[smem:$0x7E3] =	sst s23  }
0x6e: {  	s25 =	sadd.s32 $0x1C180, s5;
	[smem:$0x7E4] =	sst s24  }
0x6f: {  	s26 =	sadd.s32 $0x20180, s5;
	[smem:$0x7E5] =	sst s25  }
0x70: {  	s2 =	sadd.s32 $0x28180, s5;
	[smem:$0x7E6] =	sst s26  }
0x71: {  	s6 =	sadd.s32 $0x2C180, s5;
	[smem:$0x7E8] =	sst s2  }
0x72: {  	s7 =	sadd.s32 $0x30180, s5;
	[smem:$0x7E9] =	sst s6  }
0x73: {  	s8 =	sadd.s32 $0x34180, s5;
	[smem:$0x7EA] =	sst s7  }
0x74: {  	s9 =	sadd.s32 $0x38180, s5;
	[smem:$0x7EB] =	sst s8  }
0x75: {  	s10 =	sadd.s32 $0x3C180, s5;
	[smem:$0x7EC] =	sst s9  }
0x76: {  	s11 =	sadd.s32 $0x40180, s5;
	[smem:$0x7ED] =	sst s10  }
0x77: {  	s12 =	sadd.s32 $0x44180, s5;
	[smem:$0x7EE] =	sst s11  }
0x78: {  	[smem:$0x7EF] =	sst s12;
	s13 =	sadd.s32 $0x48180, s5  }
0x79: {  	s14 =	sadd.s32 $0x4C180, s5;
	[smem:$0x7F0] =	sst s13  }
0x7a: {  	s15 =	sadd.s32 $0x50180, s5;
	[smem:$0x7F1] =	sst s14  }
0x7b: {  	s28 =	simm.s32 $0x1;
	s16 =	sadd.s32 $0x54180, s5;
	[smem:$0x7F2] =	sst s15  }
0x7c: {  	s29 =	simm.s32 $0xA000;
	s17 =	sadd.s32 $0x58180, s5;
	[smem:$0x7F3] =	sst s16  }
0x7d: {  	s30 =	simm.s32 $0x2;
	s18 =	sadd.s32 $0x5C180, s5;
	[smem:$0x7F4] =	sst s17  }
0x7e: {  	s31 =	simm.s32 $0x19C00;
	s19 =	sadd.s32 $0x60180, s5;
	[smem:$0x7F5] =	sst s18  }
0x7f: {  	s1 =	simm.s32 $0x17800;
	s20 =	sadd.s32 $0x64180, s5;
	[smem:$0x7F6] =	sst s19  }
0x80: {  	s21 =	sadd.s32 $0x68180, s5;
	s22 =	sadd.s32 $0x6C180, s5;
	[smem:$0x7F7] =	sst s20  }
0x81: {  	s23 =	sadd.s32 $0x70180, s5;
	s24 =	sadd.s32 $0x74180, s5;
	[smem:$0x7F8] =	sst s21  }
0x82: {  	s25 =	sadd.s32 $0x78180, s5;
	s26 =	sadd.s32 $0x7C180, s5;
	[smem:$0x7F9] =	sst s22  }
0x83: {  	s11 =	simm.s32 $0x12000;
	s12 =	simm.s32 $0x18000;
	[smem:$0x7FA] =	sst s23  }
0x84: {  	s6 =	simm.s32 $0x18400;
	s7 =	simm.s32 $0x18C00;
	[smem:$0x7FB] =	sst s24  }
0x85: {  	s8 =	simm.s32 $0x19400;
	s9 =	simm.s32 $0x4;
	[smem:$0x7FC] =	sst s25  }
0x86: {  	vm0 =	vmmov $0x1;
	v0 =	vlaneseq.u32;
	[smem:$0x7FD] =	sst s26;
	s23 =	simm.s32 $0x5;
	s24 =	simm.s32 $0x200  }
0x87: {  	vm1 =	vcmask $0x308;
	vm2 =	vcmask $0x70C;
	v0 =	vmul.u32 $0x80, v0;
	s25 =	simm.s32 $0x2000;
	s26 =	simm.s32 $0x6000;
	s21 =	simm.s32 $0x17400  }
0x88: {  	vm3 =	vcmask $0xB10;
	vm4 =	vcmask $0xF14;
	vm5 =	vcmask $0x1318;
	s22 =	simm.s32 $0x17C00;
	s13 =	simm.s32 $0x18800;
	s14 =	simm.s32 $0x19000  }
0x89: {  	vm6 =	vcmask $0x171C;
	vm7 =	vcmask $0x1B20;
	v1 =	vor.u32 $0x800, v0;
	s15 =	simm.s32 $0x19800;
	s16 =	simm.s32 $0x3;
	s17 =	simm.s32 $0x0  }
.LBB2_1:
0x8a: {  	s0 =	rddreg [dreg:$0x5]  }
0x8b: {  	[tilespmem:s3], [sflag:$0x5] =	stream.linear.gather [hbm4b:s0+s3], $0x1000, $0x38;
	[tilespmem:$0x1A010] =	vst v63  }
0x8c: {  	_ =	swait.ge [sflag:s23], $0x1000  }
0x8d: {  	[sflag:s23] =	ssyncset.done $0x0  }
0x8e: {  	[sflag:s23] =	ssyncadd.s32 $0xFFFFF000  }
0x8f: {  	s2 =	simm.s32 $0x1A000;
	s10 =	rddreg [dreg:$0x1]  }
0x90: {  	[tilespmem:s2], [sflag:$0x5] =	stream.linear.gather [hbm4b:s10+s3], $0x8, $0x38;
	[tilespmem:$0x1A010] =	vst v63  }
0x91: {  	_ =	swait.ge [sflag:s23], $0x8  }
0x92: {  	[sflag:s23] =	ssyncset.done $0x0  }
0x93: {  	s18 =	simm.s32 $0x1A008;
	[sflag:s23] =	ssyncadd.s32 $0xFFFFFFF8  }
0x94: {  	[tilespmem:s18], [sflag:$0x5] =	stream.linear.gather [hbm4b:s10+s3], $0x8, $0x38;
	[tilespmem:$0x1A010] =	vst v63  }
0x95: {  	_ =	swait.ge [sflag:s23], $0x8  }
0x96: {  	[sflag:s23] =	ssyncset.done $0x0  }
0x97: {  	[sflag:s23] =	ssyncadd.s32 $0xFFFFFFF8  }
0x98: {  	v2 =	vld [tilespmem:$0x1A000];
	_ =	sdelay $0x4  }
0x99: {  	v3 =	vnsel vm0, $0x0, v2  }
0x9a: {  	(xrf0) =	vadd.scan.msk.s32 $0xffff, v3;
	_ =	sdelay $0x1  }
0x9b: {  	s19 =	sand.u32 $0x3000, s3  }
0x9c: {  	s20 =	sand.u32 $0x70, s3;
	s0 =	sshrl.u32 s19, $0x2  }
0x9d: {  	s0 =	sor.u32 s20, s0  }
0x9e: {  	v4 =	vld [tilespmem:s0+$0x0]  }
0x9f: {  	v3, _, _ =	vpop (xrf0)  }
0xa0: {  	s2 =	simm.s32 $0x200;
	s10 =	simm.s32 $0x10;
	v3 =	vbroadcast v3, $0xF  }
.LBB2_2:
0xa1: {  	s18 =	sand.u32 $0x3000, s2;
	p0 =	sne.s32 s2, $0x3E00;
	s2 =	sadd.s32 $0x200, s2  }
.Ltmp0:
0xa2: {  	s19 =	sand.u32 $0x70, s10;
	s18 =	sshrl.u32 s18, $0x2;
	(pc) =	sbr.rel @p0 .LBB2_2-.Ltmp0, $3  }
0xa3: {  	s18 =	sor.u32 s19, s18;
	v5 =	vadd.s32 v3, v4  }
0xa4: {  	v4 =	vld [tilespmem:s18+$0x0];
	[tilespmem:s0+$0x1000] =	vst v5;
	s0 =	smov.u32 s18;
	_ =	sdelay $0x1  }
0xa5: {  	s10 =	sadd.s32 $0x10, s10  }
0xa6: {  	v5 =	vsel vm1, $0x0, v2  }
0xa7: {  	(xrf0) =	vadd.scan.msk.s32 $0xffff, v5;
	_ =	sdelay $0x1  }
0xa8: {  	s2 =	simm.s32 $0x0;
	s10 =	simm.s32 $0x0  }
0xa9: {  	s2 =	sand.u32 $0x70, s2;
	s10 =	sand.u32 $0xC00, s10;
	v3 =	vadd.s32 v3, v4  }
0xaa: {  	[tilespmem:s0+$0x1000] =	vst v3;
	s0 =	sor.u32 s2, s10  }
0xab: {  	v4 =	vld [tilespmem:s0+$0x80]  }
0xac: {  	v3, _, _ =	vpop (xrf0)  }
0xad: {  	s2 =	simm.s32 $0x200;
	s10 =	simm.s32 $0x10;
	v3 =	vbroadcast v3, $0xF  }
.LBB2_4:
0xae: {  	s18 =	sshrl.u32 s2, $0x2;
	p0 =	sne.s32 s2, $0x3E00;
	s2 =	sadd.s32 $0x200, s2  }
.Ltmp1:
0xaf: {  	s19 =	sand.u32 $0x70, s10;
	s18 =	sand.u32 $0xC00, s18;
	(pc) =	sbr.rel @p0 .LBB2_4-.Ltmp1, $3  }
0xb0: {  	s18 =	sor.u32 s19, s18;
	v5 =	vadd.s32 v3, v4  }
0xb1: {  	v4 =	vld [tilespmem:s18+$0x80];
	[tilespmem:s0+$0x1080] =	vst v5;
	s0 =	smov.u32 s18;
	_ =	sdelay $0x1  }
0xb2: {  	s10 =	sadd.s32 $0x10, s10  }
0xb3: {  	v5 =	vsel vm2, $0x0, v2  }
0xb4: {  	(xrf0) =	vadd.scan.msk.s32 $0xffff, v5;
	_ =	sdelay $0x1  }
0xb5: {  	s2 =	simm.s32 $0x0;
	s10 =	simm.s32 $0x0  }
0xb6: {  	s2 =	sand.u32 $0x70, s2;
	s10 =	sand.u32 $0xC00, s10;
	v3 =	vadd.s32 v3, v4  }
0xb7: {  	[tilespmem:s0+$0x1080] =	vst v3;
	s0 =	sor.u32 s2, s10  }
0xb8: {  	v4 =	vld [tilespmem:s0+$0x100]  }
0xb9: {  	v3, _, _ =	vpop (xrf0)  }
0xba: {  	s2 =	simm.s32 $0x200;
	s10 =	simm.s32 $0x10;
	v3 =	vbroadcast v3, $0xF  }
.LBB2_6:
0xbb: {  	s18 =	sshrl.u32 s2, $0x2;
	p0 =	sne.s32 s2, $0x3E00;
	s2 =	sadd.s32 $0x200, s2  }
.Ltmp2:
0xbc: {  	s19 =	sand.u32 $0x70, s10;
	s18 =	sand.u32 $0xC00, s18;
	(pc) =	sbr.rel @p0 .LBB2_6-.Ltmp2, $3  }
0xbd: {  	s18 =	sor.u32 s19, s18;
	v5 =	vadd.s32 v3, v4  }
0xbe: {  	v4 =	vld [tilespmem:s18+$0x100];
	[tilespmem:s0+$0x1100] =	vst v5;
	s0 =	smov.u32 s18;
	_ =	sdelay $0x1  }
0xbf: {  	s10 =	sadd.s32 $0x10, s10  }
0xc0: {  	v5 =	vsel vm3, $0x0, v2  }
0xc1: {  	(xrf0) =	vadd.scan.msk.s32 $0xffff, v5;
	_ =	sdelay $0x1  }
0xc2: {  	s2 =	simm.s32 $0x0;
	s10 =	simm.s32 $0x0  }
0xc3: {  	s2 =	sand.u32 $0x70, s2;
	s10 =	sand.u32 $0xC00, s10;
	v3 =	vadd.s32 v3, v4  }
0xc4: {  	[tilespmem:s0+$0x1100] =	vst v3;
	s0 =	sor.u32 s2, s10  }
0xc5: {  	v4 =	vld [tilespmem:s0+$0x180]  }
0xc6: {  	v3, _, _ =	vpop (xrf0)  }
0xc7: {  	s2 =	simm.s32 $0x200;
	s10 =	simm.s32 $0x10;
	v3 =	vbroadcast v3, $0xF  }
.LBB2_8:
0xc8: {  	s18 =	sshrl.u32 s2, $0x2;
	p0 =	sne.s32 s2, $0x3E00;
	s2 =	sadd.s32 $0x200, s2  }
.Ltmp3:
0xc9: {  	s19 =	sand.u32 $0x70, s10;
	s18 =	sand.u32 $0xC00, s18;
	(pc) =	sbr.rel @p0 .LBB2_8-.Ltmp3, $3  }
0xca: {  	s18 =	sor.u32 s19, s18;
	v5 =	vadd.s32 v3, v4  }
0xcb: {  	v4 =	vld [tilespmem:s18+$0x180];
	[tilespmem:s0+$0x1180] =	vst v5;
	s0 =	smov.u32 s18;
	_ =	sdelay $0x1  }
0xcc: {  	s10 =	sadd.s32 $0x10, s10  }
0xcd: {  	v5 =	vsel vm4, $0x0, v2  }
0xce: {  	(xrf0) =	vadd.scan.msk.s32 $0xffff, v5;
	_ =	sdelay $0x1  }
0xcf: {  	s2 =	simm.s32 $0x0;
	s10 =	simm.s32 $0x0  }
0xd0: {  	s2 =	sand.u32 $0x70, s2;
	s10 =	sand.u32 $0xC00, s10;
	v3 =	vadd.s32 v3, v4  }
0xd1: {  	[tilespmem:s0+$0x1180] =	vst v3;
	s0 =	sor.u32 s2, s10  }
0xd2: {  	v4 =	vld [tilespmem:s0+$0x200]  }
0xd3: {  	v3, _, _ =	vpop (xrf0)  }
0xd4: {  	s2 =	simm.s32 $0x200;
	s10 =	simm.s32 $0x10;
	v3 =	vbroadcast v3, $0xF  }
.LBB2_10:
0xd5: {  	s18 =	sshrl.u32 s2, $0x2;
	p0 =	sne.s32 s2, $0x3E00;
	s2 =	sadd.s32 $0x200, s2  }
.Ltmp4:
0xd6: {  	s19 =	sand.u32 $0x70, s10;
	s18 =	sand.u32 $0xC00, s18;
	(pc) =	sbr.rel @p0 .LBB2_10-.Ltmp4, $3  }
0xd7: {  	s18 =	sor.u32 s19, s18;
	v5 =	vadd.s32 v3, v4  }
0xd8: {  	v4 =	vld [tilespmem:s18+$0x200];
	[tilespmem:s0+$0x1200] =	vst v5;
	s0 =	smov.u32 s18;
	_ =	sdelay $0x1  }
0xd9: {  	s10 =	sadd.s32 $0x10, s10  }
0xda: {  	v5 =	vsel vm5, $0x0, v2  }
0xdb: {  	(xrf0) =	vadd.scan.msk.s32 $0xffff, v5;
	_ =	sdelay $0x1  }
0xdc: {  	s2 =	simm.s32 $0x0;
	s10 =	simm.s32 $0x0  }
0xdd: {  	s2 =	sand.u32 $0x70, s2;
	s10 =	sand.u32 $0xC00, s10;
	v3 =	vadd.s32 v3, v4  }
0xde: {  	[tilespmem:s0+$0x1200] =	vst v3;
	s0 =	sor.u32 s2, s10  }
0xdf: {  	v4 =	vld [tilespmem:s0+$0x280]  }
0xe0: {  	v3, _, _ =	vpop (xrf0)  }
0xe1: {  	s2 =	simm.s32 $0x200;
	s10 =	simm.s32 $0x10;
	v3 =	vbroadcast v3, $0xF  }
.LBB2_12:
0xe2: {  	s18 =	sshrl.u32 s2, $0x2;
	p0 =	sne.s32 s2, $0x3E00;
	s2 =	sadd.s32 $0x200, s2  }
.Ltmp5:
0xe3: {  	s19 =	sand.u32 $0x70, s10;
	s18 =	sand.u32 $0xC00, s18;
	(pc) =	sbr.rel @p0 .LBB2_12-.Ltmp5, $3  }
0xe4: {  	s18 =	sor.u32 s19, s18;
	v5 =	vadd.s32 v3, v4  }
0xe5: {  	v4 =	vld [tilespmem:s18+$0x280];
	[tilespmem:s0+$0x1280] =	vst v5;
	s0 =	smov.u32 s18;
	_ =	sdelay $0x1  }
0xe6: {  	s10 =	sadd.s32 $0x10, s10  }
0xe7: {  	v5 =	vsel vm6, $0x0, v2  }
0xe8: {  	(xrf0) =	vadd.scan.msk.s32 $0xffff, v5;
	_ =	sdelay $0x1  }
0xe9: {  	s2 =	simm.s32 $0x0;
	s10 =	simm.s32 $0x0  }
0xea: {  	s2 =	sand.u32 $0x70, s2;
	s10 =	sand.u32 $0xC00, s10;
	v3 =	vadd.s32 v3, v4  }
0xeb: {  	[tilespmem:s0+$0x1280] =	vst v3;
	s0 =	sor.u32 s2, s10  }
0xec: {  	v4 =	vld [tilespmem:s0+$0x300]  }
0xed: {  	v3, _, _ =	vpop (xrf0)  }
0xee: {  	s2 =	simm.s32 $0x200;
	s10 =	simm.s32 $0x10;
	v3 =	vbroadcast v3, $0xF  }
.LBB2_14:
0xef: {  	s18 =	sshrl.u32 s2, $0x2;
	p0 =	sne.s32 s2, $0x3E00;
	s2 =	sadd.s32 $0x200, s2  }
.Ltmp6:
0xf0: {  	s19 =	sand.u32 $0x70, s10;
	s18 =	sand.u32 $0xC00, s18;
	(pc) =	sbr.rel @p0 .LBB2_14-.Ltmp6, $3  }
0xf1: {  	s18 =	sor.u32 s19, s18;
	v5 =	vadd.s32 v3, v4  }
0xf2: {  	v4 =	vld [tilespmem:s18+$0x300];
	[tilespmem:s0+$0x1300] =	vst v5;
	s0 =	smov.u32 s18;
	_ =	sdelay $0x1  }
0xf3: {  	s10 =	sadd.s32 $0x10, s10  }
0xf4: {  	v2 =	vsel vm7, $0x0, v2  }
0xf5: {  	(xrf0) =	vadd.scan.msk.s32 $0xffff, v2;
	_ =	sdelay $0x1  }
0xf6: {  	s2 =	simm.s32 $0x0;
	s10 =	simm.s32 $0x0  }
0xf7: {  	s2 =	sand.u32 $0x70, s2;
	s10 =	sand.u32 $0xC00, s10;
	v2 =	vadd.s32 v3, v4  }
0xf8: {  	[tilespmem:s0+$0x1300] =	vst v2;
	s0 =	sor.u32 s2, s10  }
0xf9: {  	v3 =	vld [tilespmem:s0+$0x380]  }
0xfa: {  	v2, _, _ =	vpop (xrf0)  }
0xfb: {  	s2 =	simm.s32 $0x200;
	s10 =	simm.s32 $0x10;
	v2 =	vbroadcast v2, $0xF  }
.LBB2_16:
0xfc: {  	s18 =	sshrl.u32 s2, $0x2;
	p0 =	sne.s32 s2, $0x3E00;
	s2 =	sadd.s32 $0x200, s2  }
.Ltmp7:
0xfd: {  	s19 =	sand.u32 $0x70, s10;
	s18 =	sand.u32 $0xC00, s18;
	(pc) =	sbr.rel @p0 .LBB2_16-.Ltmp7, $3  }
0xfe: {  	s18 =	sor.u32 s19, s18;
	v4 =	vadd.s32 v2, v3  }
0xff: {  	v3 =	vld [tilespmem:s18+$0x380];
	[tilespmem:s0+$0x1380] =	vst v4;
	s0 =	smov.u32 s18;
	_ =	sdelay $0x1  }
0x100: {  	s10 =	sadd.s32 $0x10, s10  }
0x101: {  	_ =	sdelay $0x1  }
0x102: {  	v2 =	vadd.s32 v2, v3  }
0x103: {  	s10 =	simm.s32 $0x1000;
	[tilespmem:s0+$0x1380] =	vst v2  }
0x104: {  	[tilespmem:s25], [sflag:$0x1] =	stream.indirect.gather [hbm4b:s4+s24], $0x20, s10, s24, $0xb8;
	[tilespmem:$0x1A010] =	vst v63  }
0x105: {  	s18 =	simm.s32 $0x1200  }
0x106: {  	[tilespmem:s26], [sflag:$0x2] =	stream.indirect.gather [hbm4b:s4+s24], $0x20, s18, s24, $0xb8;
	[tilespmem:$0x1A010] =	vst v63  }
0x107: {  	s19 =	simm.s32 $0x0;
	_ =	swait.ge [sflag:s28], $0x4000  }
0x108: {  	s2 =	sand.u32 $0x3000, s19;
	s10 =	sand.u32 $0x7E, s19;
	[sflag:s28] =	ssyncset.done $0x0  }
0x109: {  	s0 =	simm.s32 $0x2020;
	s10 =	sor.u32 s10, s2;
	[sflag:s28] =	ssyncadd.s32 $0xFFFFC000  }
0x10a: {  	v2 =	vor.u32 s10, v0;
	v3 =	vld [tilespmem:s0+$0xFFFFFFE0];
	_ =	sdelay $0x4  }
0x10b: {  	[tilespmem:v2+s29+$0x0] =	vst.idx.msk $0xffff, v3  }
0x10c: {  	v2 =	vor.u32 s10, v1;
	v3 =	vld [tilespmem:s0+$0xFFFFFFF0];
	_ =	sdelay $0x2  }
0x10d: {  	s20 =	simm.s32 $0x1  }
0x10e: {  	s10 =	sand.u32 $0x7F, s20  }
0x10f: {  	s2 =	sor.u32 s2, s10;
	[tilespmem:v2+s29+$0x0] =	vst.idx.msk $0xffff, v3  }
0x110: {  	v2 =	vor.u32 s2, v0;
	v3 =	vld [tilespmem:s0+$0x0];
	_ =	sdelay $0x4  }
0x111: {  	[tilespmem:v2+s29+$0x0] =	vst.idx.msk $0xffff, v3  }
0x112: {  	v3 =	vor.u32 s2, v1;
	v2 =	vld [tilespmem:s0+$0x10];
	_ =	sdelay $0x2  }
0x113: {  	s18 =	simm.s32 $0x2;
	s10 =	simm.s32 $0x40  }
0x114: {  	s19 =	simm.s32 $0x4;
	s20 =	sand.u32 $0x7E, s18;
	s2 =	sand.u32 $0x3000, s10  }
.LBB2_18:
0x115: {  	p0 =	sne.s32 s19, $0x1FE;
	s20 =	sor.u32 s20, s2;
	[tilespmem:v3+s29+$0x0] =	vst.idx.msk $0xffff, v2;
	s0 =	sadd.s32 $0x40, s0  }
0x116: {  	v2 =	vor.u32 s20, v0;
	v3 =	vld [tilespmem:s0+$0xFFFFFFE0];
	_ =	sdelay $0x4  }
0x117: {  	[tilespmem:v2+s29+$0x0] =	vst.idx.msk $0xffff, v3  }
0x118: {  	v2 =	vor.u32 s20, v1;
	v3 =	vld [tilespmem:s0+$0xFFFFFFF0];
	_ =	sdelay $0x2  }
0x119: {  	s20 =	sadd.s32 $0x1, s18;
	s18 =	smov.u32 s19  }
0x11a: {  	s20 =	sand.u32 $0x7F, s20  }
0x11b: {  	s2 =	sor.u32 s2, s20;
	[tilespmem:v2+s29+$0x0] =	vst.idx.msk $0xffff, v3  }
0x11c: {  	v2 =	vor.u32 s2, v0;
	v3 =	vld [tilespmem:s0+$0x0];
	_ =	sdelay $0x4  }
0x11d: {  	[tilespmem:v2+s29+$0x0] =	vst.idx.msk $0xffff, v3  }
.Ltmp8:
0x11e: {  	v3 =	vor.u32 s2, v1;
	v2 =	vld [tilespmem:s0+$0x10];
	(pc) =	sbr.rel @p0 .LBB2_18-.Ltmp8, $3  }
0x11f: {  	_ =	sdelay $0x1  }
0x120: {  	s10 =	sadd.s32 $0x40, s10  }
0x121: {  	s19 =	sadd.s32 $0x2, s19;
	s20 =	sand.u32 $0x7E, s18;
	s2 =	sand.u32 $0x3000, s10  }
0x122: {  	_ =	sdelay $0x3  }
0x123: {  	s10 =	sor.u32 s20, s2;
	[tilespmem:v3+s29+$0x0] =	vst.idx.msk $0xffff, v2;
	s0 =	sadd.s32 $0x40, s0  }
0x124: {  	v2 =	vor.u32 s10, v0;
	v3 =	vld [tilespmem:s0+$0xFFFFFFE0];
	_ =	sdelay $0x4  }
0x125: {  	[tilespmem:v2+s29+$0x0] =	vst.idx.msk $0xffff, v3  }
0x126: {  	v2 =	vor.u32 s10, v1;
	v3 =	vld [tilespmem:s0+$0xFFFFFFF0];
	_ =	sdelay $0x2  }
0x127: {  	s19 =	sadd.s32 $0x1, s18  }
0x128: {  	s10 =	sand.u32 $0x7F, s19  }
0x129: {  	s20 =	sor.u32 s2, s10;
	[tilespmem:v2+s29+$0x0] =	vst.idx.msk $0xffff, v3  }
0x12a: {  	v2 =	vor.u32 s20, v0;
	v3 =	vld [tilespmem:s0+$0x0];
	_ =	sdelay $0x4  }
0x12b: {  	[tilespmem:v2+s29+$0x0] =	vst.idx.msk $0xffff, v3  }
0x12c: {  	v3 =	vor.u32 s20, v1;
	v2 =	vld [tilespmem:s0+$0x10];
	_ =	sdelay $0x4  }
0x12d: {  	s2 =	simm.s32 $0x1400;
	s10 =	simm.s32 $0x0;
	[tilespmem:v3+s29+$0x0] =	vst.idx.msk $0xffff, v2  }
0x12e: {  	[tilespmem:s25], [sflag:$0x1] =	stream.indirect.gather [hbm4b:s4+s24], $0x20, s2, s24, $0xb8;
	[tilespmem:$0x1A010] =	vst v63  }
0x12f: {  	s18 =	sand.u32 $0x3000, s10;
	s0 =	sand.u32 $0x7E, s10;
	_ =	swait.ge [sflag:s30], $0x4000  }
0x130: {  	s19 =	sor.u32 s0, s18;
	[sflag:s30] =	ssyncset.done $0x0  }
0x131: {  	s0 =	simm.s32 $0x6020;
	s10 =	sor.u32 $0x4000, s19;
	[sflag:s30] =	ssyncadd.s32 $0xFFFFC000  }
0x132: {  	v2 =	vor.u32 s10, v0;
	v3 =	vld [tilespmem:s0+$0xFFFFFFE0];
	_ =	sdelay $0x4  }
0x133: {  	[tilespmem:v2+s29+$0x0] =	vst.idx.msk $0xffff, v3  }
0x134: {  	v2 =	vor.u32 s10, v1;
	v3 =	vld [tilespmem:s0+$0xFFFFFFF0];
	_ =	sdelay $0x1  }
0x135: {  	s20 =	simm.s32 $0x1  }
0x136: {  	s10 =	sand.u32 $0x7F, s20  }
0x137: {  	s2 =	sor.u32 s10, s18  }
0x138: {  	s2 =	sor.u32 $0x4000, s2;
	[tilespmem:v2+s29+$0x0] =	vst.idx.msk $0xffff, v3  }
0x139: {  	v2 =	vor.u32 s2, v0;
	v3 =	vld [tilespmem:s0+$0x0];
	_ =	sdelay $0x4  }
0x13a: {  	[tilespmem:v2+s29+$0x0] =	vst.idx.msk $0xffff, v3  }
0x13b: {  	v3 =	vor.u32 s2, v1;
	v2 =	vld [tilespmem:s0+$0x10];
	_ =	sdelay $0x1  }
0x13c: {  	s18 =	simm.s32 $0x2;
	s10 =	simm.s32 $0x40  }
0x13d: {  	s19 =	simm.s32 $0x4;
	s20 =	sand.u32 $0x7E, s18;
	s2 =	sand.u32 $0x3000, s10  }
.LBB2_20:
0x13e: {  	p0 =	sne.s32 s19, $0x1FE;
	s20 =	sor.u32 s20, s2  }
0x13f: {  	s0 =	sadd.s32 $0x40, s0;
	s20 =	sor.u32 $0x4000, s20;
	[tilespmem:v3+s29+$0x0] =	vst.idx.msk $0xffff, v2  }
0x140: {  	v2 =	vor.u32 s20, v0;
	v3 =	vld [tilespmem:s0+$0xFFFFFFE0];
	_ =	sdelay $0x4  }
0x141: {  	[tilespmem:v2+s29+$0x0] =	vst.idx.msk $0xffff, v3  }
0x142: {  	v2 =	vor.u32 s20, v1;
	v3 =	vld [tilespmem:s0+$0xFFFFFFF0];
	_ =	sdelay $0x1  }
0x143: {  	s20 =	sadd.s32 $0x1, s18;
	s18 =	smov.u32 s19  }
0x144: {  	s20 =	sand.u32 $0x7F, s20  }
0x145: {  	s2 =	sor.u32 s20, s2  }
0x146: {  	s2 =	sor.u32 $0x4000, s2;
	[tilespmem:v2+s29+$0x0] =	vst.idx.msk $0xffff, v3  }
0x147: {  	v2 =	vor.u32 s2, v0;
	v3 =	vld [tilespmem:s0+$0x0];
	_ =	sdelay $0x4  }
.Ltmp9:
0x148: {  	[tilespmem:v2+s29+$0x0] =	vst.idx.msk $0xffff, v3;
	(pc) =	sbr.rel @p0 .LBB2_20-.Ltmp9, $3  }
0x149: {  	v3 =	vor.u32 s2, v1;
	v2 =	vld [tilespmem:s0+$0x10];
	_ =	sdelay $0x1  }
0x14a: {  	s10 =	sadd.s32 $0x40, s10  }
0x14b: {  	s19 =	sadd.s32 $0x2, s19;
	s20 =	sand.u32 $0x7E, s18;
	s2 =	sand.u32 $0x3000, s10  }
0x14c: {  	_ =	sdelay $0x2  }
0x14d: {  	s10 =	sor.u32 s20, s2  }
0x14e: {  	s0 =	sadd.s32 $0x40, s0;
	s10 =	sor.u32 $0x4000, s10;
	[tilespmem:v3+s29+$0x0] =	vst.idx.msk $0xffff, v2  }
0x14f: {  	v2 =	vor.u32 s10, v0;
	v3 =	vld [tilespmem:s0+$0xFFFFFFE0];
	_ =	sdelay $0x4  }
0x150: {  	[tilespmem:v2+s29+$0x0] =	vst.idx.msk $0xffff, v3  }
0x151: {  	v2 =	vor.u32 s10, v1;
	v3 =	vld [tilespmem:s0+$0xFFFFFFF0];
	_ =	sdelay $0x1  }
0x152: {  	s20 =	sadd.s32 $0x1, s18  }
0x153: {  	s10 =	sand.u32 $0x7F, s20  }
0x154: {  	s18 =	sor.u32 s10, s2  }
0x155: {  	s2 =	sor.u32 $0x4000, s18;
	[tilespmem:v2+s29+$0x0] =	vst.idx.msk $0xffff, v3  }
0x156: {  	v2 =	vor.u32 s2, v0;
	v3 =	vld [tilespmem:s0+$0x0];
	_ =	sdelay $0x4  }
0x157: {  	[tilespmem:v2+s29+$0x0] =	vst.idx.msk $0xffff, v3  }
0x158: {  	v3 =	vor.u32 s2, v1;
	v2 =	vld [tilespmem:s0+$0x10];
	_ =	sdelay $0x4  }
0x159: {  	s19 =	rddreg [dreg:$0x6];
	s0 =	simm.s32 $0x0;
	[tilespmem:v3+s29+$0x0] =	vst.idx.msk $0xffff, v2  }
0x15a: {  	[hbm4b:s5+s0] =	stream.linear.scatter [tilespmem:s29], [sflag:$0x3], $0x400, $0x38;
	[tilespmem:$0x1A010] =	vst v63  }
0x15b: {  	s20 =	simm.s32 $0xA400;
	s10 =	rddreg [dreg:$0x7]  }
0x15c: {  	[hbm4b:s19+s0] =	stream.linear.scatter [tilespmem:s20], [sflag:$0x3], $0x400, $0x38;
	[tilespmem:$0x1A010] =	vst v63  }
0x15d: {  	s18 =	simm.s32 $0xA800;
	s19 =	rddreg [dreg:$0x8]  }
0x15e: {  	[hbm4b:s10+s0] =	stream.linear.scatter [tilespmem:s18], [sflag:$0x3], $0x400, $0x38;
	[tilespmem:$0x1A010] =	vst v63  }
0x15f: {  	s20 =	simm.s32 $0xAC00;
	s10 =	rddreg [dreg:$0x9]  }
0x160: {  	[hbm4b:s19+s0] =	stream.linear.scatter [tilespmem:s20], [sflag:$0x3], $0x400, $0x38;
	[tilespmem:$0x1A010] =	vst v63  }
0x161: {  	s18 =	simm.s32 $0xB000;
	s19 =	rddreg [dreg:$0xa]  }
0x162: {  	[hbm4b:s10+s0] =	stream.linear.scatter [tilespmem:s18], [sflag:$0x3], $0x400, $0x38;
	[tilespmem:$0x1A010] =	vst v63  }
0x163: {  	s20 =	simm.s32 $0xB400;
	s10 =	rddreg [dreg:$0xb]  }
0x164: {  	[hbm4b:s19+s0] =	stream.linear.scatter [tilespmem:s20], [sflag:$0x3], $0x400, $0x38;
	[tilespmem:$0x1A010] =	vst v63  }
0x165: {  	s18 =	simm.s32 $0xB800;
	s19 =	rddreg [dreg:$0xc]  }
0x166: {  	[hbm4b:s10+s0] =	stream.linear.scatter [tilespmem:s18], [sflag:$0x3], $0x400, $0x38;
	[tilespmem:$0x1A010] =	vst v63  }
0x167: {  	s20 =	simm.s32 $0xBC00;
	s10 =	rddreg [dreg:$0xd]  }
0x168: {  	[hbm4b:s19+s0] =	stream.linear.scatter [tilespmem:s20], [sflag:$0x3], $0x400, $0x38;
	[tilespmem:$0x1A010] =	vst v63  }
0x169: {  	s18 =	simm.s32 $0xC000;
	s19 =	rddreg [dreg:$0xe]  }
0x16a: {  	[hbm4b:s10+s0] =	stream.linear.scatter [tilespmem:s18], [sflag:$0x3], $0x400, $0x38;
	[tilespmem:$0x1A010] =	vst v63  }
0x16b: {  	s20 =	simm.s32 $0xC400;
	s10 =	rddreg [dreg:$0xf]  }
0x16c: {  	[hbm4b:s19+s0] =	stream.linear.scatter [tilespmem:s20], [sflag:$0x3], $0x400, $0x38;
	[tilespmem:$0x1A010] =	vst v63  }
0x16d: {  	s18 =	simm.s32 $0xC800;
	s19 =	rddreg [dreg:$0x10]  }
0x16e: {  	[hbm4b:s10+s0] =	stream.linear.scatter [tilespmem:s18], [sflag:$0x3], $0x400, $0x38;
	[tilespmem:$0x1A010] =	vst v63  }
0x16f: {  	s20 =	simm.s32 $0xCC00;
	s10 =	rddreg [dreg:$0x11]  }
0x170: {  	[hbm4b:s19+s0] =	stream.linear.scatter [tilespmem:s20], [sflag:$0x3], $0x400, $0x38;
	[tilespmem:$0x1A010] =	vst v63  }
0x171: {  	s18 =	simm.s32 $0xD000;
	s19 =	rddreg [dreg:$0x12]  }
0x172: {  	[hbm4b:s10+s0] =	stream.linear.scatter [tilespmem:s18], [sflag:$0x3], $0x400, $0x38;
	[tilespmem:$0x1A010] =	vst v63  }
0x173: {  	s20 =	simm.s32 $0xD400;
	s10 =	rddreg [dreg:$0x13]  }
0x174: {  	[hbm4b:s19+s0] =	stream.linear.scatter [tilespmem:s20], [sflag:$0x3], $0x400, $0x38;
	[tilespmem:$0x1A010] =	vst v63  }
0x175: {  	s18 =	simm.s32 $0xD800;
	s19 =	rddreg [dreg:$0x14]  }
0x176: {  	[hbm4b:s10+s0] =	stream.linear.scatter [tilespmem:s18], [sflag:$0x3], $0x400, $0x38;
	[tilespmem:$0x1A010] =	vst v63  }
0x177: {  	s20 =	simm.s32 $0xDC00;
	s10 =	rddreg [dreg:$0x15]  }
0x178: {  	[hbm4b:s19+s0] =	stream.linear.scatter [tilespmem:s20], [sflag:$0x3], $0x400, $0x38;
	[tilespmem:$0x1A010] =	vst v63  }
0x179: {  	s18 =	simm.s32 $0xE000;
	s19 =	rddreg [dreg:$0x16]  }
0x17a: {  	[hbm4b:s10+s0] =	stream.linear.scatter [tilespmem:s18], [sflag:$0x3], $0x400, $0x38;
	[tilespmem:$0x1A010] =	vst v63  }
0x17b: {  	s20 =	simm.s32 $0xE400;
	s10 =	rddreg [dreg:$0x17]  }
0x17c: {  	[hbm4b:s19+s0] =	stream.linear.scatter [tilespmem:s20], [sflag:$0x3], $0x400, $0x38;
	[tilespmem:$0x1A010] =	vst v63  }
0x17d: {  	s18 =	simm.s32 $0xE800;
	s19 =	rddreg [dreg:$0x19]  }
0x17e: {  	[hbm4b:s10+s0] =	stream.linear.scatter [tilespmem:s18], [sflag:$0x3], $0x400, $0x38;
	[tilespmem:$0x1A010] =	vst v63  }
0x17f: {  	s20 =	simm.s32 $0xEC00;
	s10 =	rddreg [dreg:$0x1a]  }
0x180: {  	[hbm4b:s19+s0] =	stream.linear.scatter [tilespmem:s20], [sflag:$0x3], $0x400, $0x38;
	[tilespmem:$0x1A010] =	vst v63  }
0x181: {  	s18 =	simm.s32 $0xF000;
	s19 =	rddreg [dreg:$0x1b]  }
0x182: {  	[hbm4b:s10+s0] =	stream.linear.scatter [tilespmem:s18], [sflag:$0x3], $0x400, $0x38;
	[tilespmem:$0x1A010] =	vst v63  }
0x183: {  	s20 =	simm.s32 $0xF400;
	s10 =	rddreg [dreg:$0x1c]  }
0x184: {  	[hbm4b:s19+s0] =	stream.linear.scatter [tilespmem:s20], [sflag:$0x3], $0x400, $0x38;
	[tilespmem:$0x1A010] =	vst v63  }
0x185: {  	s18 =	simm.s32 $0xF800;
	s19 =	rddreg [dreg:$0x1d]  }
0x186: {  	[hbm4b:s10+s0] =	stream.linear.scatter [tilespmem:s18], [sflag:$0x3], $0x400, $0x38;
	[tilespmem:$0x1A010] =	vst v63  }
0x187: {  	s20 =	simm.s32 $0xFC00;
	s10 =	rddreg [dreg:$0x1e]  }
0x188: {  	[hbm4b:s19+s0] =	stream.linear.scatter [tilespmem:s20], [sflag:$0x3], $0x400, $0x38;
	[tilespmem:$0x1A010] =	vst v63  }
0x189: {  	s18 =	simm.s32 $0x10000;
	s19 =	rddreg [dreg:$0x1f]  }
0x18a: {  	[hbm4b:s10+s0] =	stream.linear.scatter [tilespmem:s18], [sflag:$0x3], $0x400, $0x38;
	[tilespmem:$0x1A010] =	vst v63  }
0x18b: {  	s20 =	simm.s32 $0x10400;
	s10 =	sld [smem:$0x798]  }
0x18c: {  	[hbm4b:s19+s0] =	stream.linear.scatter [tilespmem:s20], [sflag:$0x3], $0x400, $0x38;
	[tilespmem:$0x1A010] =	vst v63  }
0x18d: {  	s18 =	simm.s32 $0x10800;
	s19 =	sld [smem:$0x799]  }
0x18e: {  	[hbm4b:s10+s0] =	stream.linear.scatter [tilespmem:s18], [sflag:$0x3], $0x400, $0x38;
	[tilespmem:$0x1A010] =	vst v63  }
0x18f: {  	s20 =	simm.s32 $0x10C00;
	s10 =	sld [smem:$0x79A]  }
0x190: {  	[hbm4b:s19+s0] =	stream.linear.scatter [tilespmem:s20], [sflag:$0x3], $0x400, $0x38;
	[tilespmem:$0x1A010] =	vst v63  }
0x191: {  	s18 =	simm.s32 $0x11000;
	s19 =	sld [smem:$0x79B]  }
0x192: {  	[hbm4b:s10+s0] =	stream.linear.scatter [tilespmem:s18], [sflag:$0x3], $0x400, $0x38;
	[tilespmem:$0x1A010] =	vst v63  }
0x193: {  	s20 =	simm.s32 $0x11400;
	s10 =	sld [smem:$0x79C]  }
0x194: {  	[hbm4b:s19+s0] =	stream.linear.scatter [tilespmem:s20], [sflag:$0x3], $0x400, $0x38;
	[tilespmem:$0x1A010] =	vst v63  }
0x195: {  	s18 =	simm.s32 $0x11800;
	s19 =	sld [smem:$0x79D]  }
0x196: {  	[hbm4b:s10+s0] =	stream.linear.scatter [tilespmem:s18], [sflag:$0x3], $0x400, $0x38;
	[tilespmem:$0x1A010] =	vst v63  }
0x197: {  	s20 =	simm.s32 $0x11C00  }
0x198: {  	[hbm4b:s19+s0] =	stream.linear.scatter [tilespmem:s20], [sflag:$0x3], $0x400, $0x38;
	[tilespmem:$0x1A010] =	vst v63  }
0x199: {  	s10 =	simm.s32 $0x1600  }
0x19a: {  	[tilespmem:s26], [sflag:$0x2] =	stream.indirect.gather [hbm4b:s4+s24], $0x20, s10, s24, $0xb8;
	[tilespmem:$0x1A010] =	vst v63  }
0x19b: {  	_ =	swait.ge [sflag:s28], $0x4000  }
0x19c: {  	s18 =	sand.u32 $0x3000, s0;
	s19 =	sand.u32 $0x7E, s0;
	[sflag:s28] =	ssyncset.done $0x0  }
0x19d: {  	s0 =	simm.s32 $0x2020;
	s10 =	sor.u32 s19, s18;
	[sflag:s28] =	ssyncadd.s32 $0xFFFFC000  }
0x19e: {  	v2 =	vor.u32 s10, v0;
	v3 =	vld [tilespmem:s0+$0xFFFFFFE0];
	_ =	sdelay $0x4  }
0x19f: {  	[tilespmem:v2+s11+$0x0] =	vst.idx.msk $0xffff, v3  }
0x1a0: {  	v2 =	vor.u32 s10, v1;
	v3 =	vld [tilespmem:s0+$0xFFFFFFF0];
	_ =	sdelay $0x2  }
0x1a1: {  	s20 =	simm.s32 $0x1  }
0x1a2: {  	s10 =	sand.u32 $0x7F, s20  }
0x1a3: {  	s2 =	sor.u32 s18, s10;
	[tilespmem:v2+s11+$0x0] =	vst.idx.msk $0xffff, v3  }
0x1a4: {  	v2 =	vor.u32 s2, v0;
	v3 =	vld [tilespmem:s0+$0x0];
	_ =	sdelay $0x4  }
0x1a5: {  	[tilespmem:v2+s11+$0x0] =	vst.idx.msk $0xffff, v3  }
0x1a6: {  	v3 =	vor.u32 s2, v1;
	v2 =	vld [tilespmem:s0+$0x10];
	_ =	sdelay $0x2  }
0x1a7: {  	s18 =	simm.s32 $0x2;
	s10 =	simm.s32 $0x40  }
0x1a8: {  	s19 =	simm.s32 $0x4;
	s20 =	sand.u32 $0x7E, s18;
	s2 =	sand.u32 $0x3000, s10  }
.LBB2_22:
0x1a9: {  	p0 =	sne.s32 s19, $0x1FE;
	s20 =	sor.u32 s20, s2;
	[tilespmem:v3+s11+$0x0] =	vst.idx.msk $0xffff, v2;
	s0 =	sadd.s32 $0x40, s0  }
0x1aa: {  	v2 =	vor.u32 s20, v0;
	v3 =	vld [tilespmem:s0+$0xFFFFFFE0];
	_ =	sdelay $0x4  }
0x1ab: {  	[tilespmem:v2+s11+$0x0] =	vst.idx.msk $0xffff, v3  }
0x1ac: {  	v2 =	vor.u32 s20, v1;
	v3 =	vld [tilespmem:s0+$0xFFFFFFF0];
	_ =	sdelay $0x2  }
0x1ad: {  	s20 =	sadd.s32 $0x1, s18;
	s18 =	smov.u32 s19  }
0x1ae: {  	s20 =	sand.u32 $0x7F, s20  }
0x1af: {  	s2 =	sor.u32 s2, s20;
	[tilespmem:v2+s11+$0x0] =	vst.idx.msk $0xffff, v3  }
0x1b0: {  	v2 =	vor.u32 s2, v0;
	v3 =	vld [tilespmem:s0+$0x0];
	_ =	sdelay $0x4  }
0x1b1: {  	[tilespmem:v2+s11+$0x0] =	vst.idx.msk $0xffff, v3  }
.Ltmp10:
0x1b2: {  	v3 =	vor.u32 s2, v1;
	v2 =	vld [tilespmem:s0+$0x10];
	(pc) =	sbr.rel @p0 .LBB2_22-.Ltmp10, $3  }
0x1b3: {  	_ =	sdelay $0x1  }
0x1b4: {  	s10 =	sadd.s32 $0x40, s10  }
0x1b5: {  	s19 =	sadd.s32 $0x2, s19;
	s20 =	sand.u32 $0x7E, s18;
	s2 =	sand.u32 $0x3000, s10  }
0x1b6: {  	_ =	sdelay $0x3  }
0x1b7: {  	s10 =	sor.u32 s20, s2;
	[tilespmem:v3+s11+$0x0] =	vst.idx.msk $0xffff, v2;
	s0 =	sadd.s32 $0x40, s0  }
0x1b8: {  	v2 =	vor.u32 s10, v0;
	v3 =	vld [tilespmem:s0+$0xFFFFFFE0];
	_ =	sdelay $0x4  }
0x1b9: {  	[tilespmem:v2+s11+$0x0] =	vst.idx.msk $0xffff, v3  }
0x1ba: {  	v2 =	vor.u32 s10, v1;
	v3 =	vld [tilespmem:s0+$0xFFFFFFF0];
	_ =	sdelay $0x2  }
0x1bb: {  	s19 =	sadd.s32 $0x1, s18  }
0x1bc: {  	s10 =	sand.u32 $0x7F, s19  }
0x1bd: {  	s20 =	sor.u32 s2, s10;
	[tilespmem:v2+s11+$0x0] =	vst.idx.msk $0xffff, v3  }
0x1be: {  	v2 =	vor.u32 s20, v0;
	v3 =	vld [tilespmem:s0+$0x0];
	_ =	sdelay $0x4  }
0x1bf: {  	[tilespmem:v2+s11+$0x0] =	vst.idx.msk $0xffff, v3  }
0x1c0: {  	v3 =	vor.u32 s20, v1;
	v2 =	vld [tilespmem:s0+$0x10];
	_ =	sdelay $0x4  }
0x1c1: {  	s2 =	simm.s32 $0x1800;
	s10 =	simm.s32 $0x0;
	[tilespmem:v3+s11+$0x0] =	vst.idx.msk $0xffff, v2  }
0x1c2: {  	[tilespmem:s25], [sflag:$0x1] =	stream.indirect.gather [hbm4b:s4+s24], $0x20, s2, s24, $0xb8;
	[tilespmem:$0x1A010] =	vst v63  }
0x1c3: {  	s18 =	sand.u32 $0x3000, s10;
	s0 =	sand.u32 $0x7E, s10;
	_ =	swait.ge [sflag:s30], $0x4000  }
0x1c4: {  	s19 =	sor.u32 s0, s18;
	[sflag:s30] =	ssyncset.done $0x0  }
0x1c5: {  	s0 =	simm.s32 $0x6020;
	s10 =	sor.u32 $0x4000, s19;
	[sflag:s30] =	ssyncadd.s32 $0xFFFFC000  }
0x1c6: {  	v2 =	vor.u32 s10, v0;
	v3 =	vld [tilespmem:s0+$0xFFFFFFE0];
	_ =	sdelay $0x4  }
0x1c7: {  	[tilespmem:v2+s11+$0x0] =	vst.idx.msk $0xffff, v3  }
0x1c8: {  	v2 =	vor.u32 s10, v1;
	v3 =	vld [tilespmem:s0+$0xFFFFFFF0];
	_ =	sdelay $0x1  }
0x1c9: {  	s20 =	simm.s32 $0x1  }
0x1ca: {  	s10 =	sand.u32 $0x7F, s20  }
0x1cb: {  	s2 =	sor.u32 s10, s18  }
0x1cc: {  	s2 =	sor.u32 $0x4000, s2;
	[tilespmem:v2+s11+$0x0] =	vst.idx.msk $0xffff, v3  }
0x1cd: {  	v2 =	vor.u32 s2, v0;
	v3 =	vld [tilespmem:s0+$0x0];
	_ =	sdelay $0x4  }
0x1ce: {  	[tilespmem:v2+s11+$0x0] =	vst.idx.msk $0xffff, v3  }
0x1cf: {  	v3 =	vor.u32 s2, v1;
	v2 =	vld [tilespmem:s0+$0x10];
	_ =	sdelay $0x1  }
0x1d0: {  	s18 =	simm.s32 $0x2;
	s10 =	simm.s32 $0x40  }
0x1d1: {  	s19 =	simm.s32 $0x4;
	s20 =	sand.u32 $0x7E, s18;
	s2 =	sand.u32 $0x3000, s10  }
.LBB2_24:
0x1d2: {  	p0 =	sne.s32 s19, $0x1FE;
	s20 =	sor.u32 s20, s2  }
0x1d3: {  	s0 =	sadd.s32 $0x40, s0;
	s20 =	sor.u32 $0x4000, s20;
	[tilespmem:v3+s11+$0x0] =	vst.idx.msk $0xffff, v2  }
0x1d4: {  	v2 =	vor.u32 s20, v0;
	v3 =	vld [tilespmem:s0+$0xFFFFFFE0];
	_ =	sdelay $0x4  }
0x1d5: {  	[tilespmem:v2+s11+$0x0] =	vst.idx.msk $0xffff, v3  }
0x1d6: {  	v2 =	vor.u32 s20, v1;
	v3 =	vld [tilespmem:s0+$0xFFFFFFF0];
	_ =	sdelay $0x1  }
0x1d7: {  	s20 =	sadd.s32 $0x1, s18;
	s18 =	smov.u32 s19  }
0x1d8: {  	s20 =	sand.u32 $0x7F, s20  }
0x1d9: {  	s2 =	sor.u32 s20, s2  }
0x1da: {  	s2 =	sor.u32 $0x4000, s2;
	[tilespmem:v2+s11+$0x0] =	vst.idx.msk $0xffff, v3  }
0x1db: {  	v2 =	vor.u32 s2, v0;
	v3 =	vld [tilespmem:s0+$0x0];
	_ =	sdelay $0x4  }
.Ltmp11:
0x1dc: {  	[tilespmem:v2+s11+$0x0] =	vst.idx.msk $0xffff, v3;
	(pc) =	sbr.rel @p0 .LBB2_24-.Ltmp11, $3  }
0x1dd: {  	v3 =	vor.u32 s2, v1;
	v2 =	vld [tilespmem:s0+$0x10];
	_ =	sdelay $0x1  }
0x1de: {  	s10 =	sadd.s32 $0x40, s10  }
0x1df: {  	s19 =	sadd.s32 $0x2, s19;
	s20 =	sand.u32 $0x7E, s18;
	s2 =	sand.u32 $0x3000, s10  }
0x1e0: {  	_ =	sdelay $0x2  }
0x1e1: {  	s10 =	sor.u32 s20, s2  }
0x1e2: {  	s0 =	sadd.s32 $0x40, s0;
	s10 =	sor.u32 $0x4000, s10;
	[tilespmem:v3+s11+$0x0] =	vst.idx.msk $0xffff, v2  }
0x1e3: {  	v2 =	vor.u32 s10, v0;
	v3 =	vld [tilespmem:s0+$0xFFFFFFE0];
	_ =	sdelay $0x4  }
0x1e4: {  	[tilespmem:v2+s11+$0x0] =	vst.idx.msk $0xffff, v3  }
0x1e5: {  	v2 =	vor.u32 s10, v1;
	v3 =	vld [tilespmem:s0+$0xFFFFFFF0];
	_ =	sdelay $0x1  }
0x1e6: {  	s18 =	sadd.s32 $0x1, s18  }
0x1e7: {  	s10 =	sand.u32 $0x7F, s18  }
0x1e8: {  	s19 =	sor.u32 s10, s2  }
0x1e9: {  	s2 =	sor.u32 $0x4000, s19;
	[tilespmem:v2+s11+$0x0] =	vst.idx.msk $0xffff, v3  }
0x1ea: {  	v2 =	vor.u32 s2, v0;
	v3 =	vld [tilespmem:s0+$0x0];
	_ =	sdelay $0x4  }
0x1eb: {  	[tilespmem:v2+s11+$0x0] =	vst.idx.msk $0xffff, v3  }
0x1ec: {  	v3 =	vor.u32 s2, v1;
	v2 =	vld [tilespmem:s0+$0x10];
	_ =	sdelay $0x2  }
0x1ed: {  	s20 =	sld [smem:$0x79E];
	_ =	sdelay $0x1  }
0x1ee: {  	s10 =	sld [smem:$0x79F];
	s0 =	simm.s32 $0x0;
	[tilespmem:v3+s11+$0x0] =	vst.idx.msk $0xffff, v2  }
0x1ef: {  	[hbm4b:s20+s0] =	stream.linear.scatter [tilespmem:s11], [sflag:$0x4], $0x400, $0x38;
	[tilespmem:$0x1A010] =	vst v63  }
0x1f0: {  	s18 =	simm.s32 $0x12400;
	s19 =	sld [smem:$0x7A0]  }
0x1f1: {  	[hbm4b:s10+s0] =	stream.linear.scatter [tilespmem:s18], [sflag:$0x4], $0x400, $0x38;
	[tilespmem:$0x1A010] =	vst v63  }
0x1f2: {  	s20 =	simm.s32 $0x12800;
	s10 =	sld [smem:$0x7A1]  }
0x1f3: {  	[hbm4b:s19+s0] =	stream.linear.scatter [tilespmem:s20], [sflag:$0x4], $0x400, $0x38;
	[tilespmem:$0x1A010] =	vst v63  }
0x1f4: {  	s18 =	simm.s32 $0x12C00;
	s19 =	sld [smem:$0x7A2]  }
0x1f5: {  	[hbm4b:s10+s0] =	stream.linear.scatter [tilespmem:s18], [sflag:$0x4], $0x400, $0x38;
	[tilespmem:$0x1A010] =	vst v63  }
0x1f6: {  	s20 =	simm.s32 $0x13000;
	s10 =	sld [smem:$0x7A3]  }
0x1f7: {  	[hbm4b:s19+s0] =	stream.linear.scatter [tilespmem:s20], [sflag:$0x4], $0x400, $0x38;
	[tilespmem:$0x1A010] =	vst v63  }
0x1f8: {  	s18 =	simm.s32 $0x13400;
	s19 =	sld [smem:$0x7A4]  }
0x1f9: {  	[hbm4b:s10+s0] =	stream.linear.scatter [tilespmem:s18], [sflag:$0x4], $0x400, $0x38;
	[tilespmem:$0x1A010] =	vst v63  }
0x1fa: {  	s20 =	simm.s32 $0x13800;
	s10 =	sld [smem:$0x7A5]  }
0x1fb: {  	[hbm4b:s19+s0] =	stream.linear.scatter [tilespmem:s20], [sflag:$0x4], $0x400, $0x38;
	[tilespmem:$0x1A010] =	vst v63  }
0x1fc: {  	s18 =	simm.s32 $0x13C00;
	s19 =	sld [smem:$0x7A6]  }
0x1fd: {  	[hbm4b:s10+s0] =	stream.linear.scatter [tilespmem:s18], [sflag:$0x4], $0x400, $0x38;
	[tilespmem:$0x1A010] =	vst v63  }
0x1fe: {  	s20 =	simm.s32 $0x14000;
	s10 =	sld [smem:$0x7A7]  }
0x1ff: {  	[hbm4b:s19+s0] =	stream.linear.scatter [tilespmem:s20], [sflag:$0x4], $0x400, $0x38;
	[tilespmem:$0x1A010] =	vst v63  }
0x200: {  	s18 =	simm.s32 $0x14400;
	s19 =	sld [smem:$0x7A8]  }
0x201: {  	[hbm4b:s10+s0] =	stream.linear.scatter [tilespmem:s18], [sflag:$0x4], $0x400, $0x38;
	[tilespmem:$0x1A010] =	vst v63  }
0x202: {  	s20 =	simm.s32 $0x14800;
	s10 =	sld [smem:$0x7A9]  }
0x203: {  	[hbm4b:s19+s0] =	stream.linear.scatter [tilespmem:s20], [sflag:$0x4], $0x400, $0x38;
	[tilespmem:$0x1A010] =	vst v63  }
0x204: {  	s18 =	simm.s32 $0x14C00;
	s19 =	sld [smem:$0x7AA]  }
0x205: {  	[hbm4b:s10+s0] =	stream.linear.scatter [tilespmem:s18], [sflag:$0x4], $0x400, $0x38;
	[tilespmem:$0x1A010] =	vst v63  }
0x206: {  	s20 =	simm.s32 $0x15000;
	s10 =	sld [smem:$0x7AB]  }
0x207: {  	[hbm4b:s19+s0] =	stream.linear.scatter [tilespmem:s20], [sflag:$0x4], $0x400, $0x38;
	[tilespmem:$0x1A010] =	vst v63  }
0x208: {  	s18 =	simm.s32 $0x15400;
	s19 =	sld [smem:$0x7AC]  }
0x209: {  	[hbm4b:s10+s0] =	stream.linear.scatter [tilespmem:s18], [sflag:$0x4], $0x400, $0x38;
	[tilespmem:$0x1A010] =	vst v63  }
0x20a: {  	s20 =	simm.s32 $0x15800;
	s10 =	sld [smem:$0x7AD]  }
0x20b: {  	[hbm4b:s19+s0] =	stream.linear.scatter [tilespmem:s20], [sflag:$0x4], $0x400, $0x38;
	[tilespmem:$0x1A010] =	vst v63  }
0x20c: {  	s18 =	simm.s32 $0x15C00;
	s19 =	sld [smem:$0x7AE]  }
0x20d: {  	[hbm4b:s10+s0] =	stream.linear.scatter [tilespmem:s18], [sflag:$0x4], $0x400, $0x38;
	[tilespmem:$0x1A010] =	vst v63  }
0x20e: {  	s20 =	simm.s32 $0x16000;
	s10 =	sld [smem:$0x7AF]  }
0x20f: {  	[hbm4b:s19+s0] =	stream.linear.scatter [tilespmem:s20], [sflag:$0x4], $0x400, $0x38;
	[tilespmem:$0x1A010] =	vst v63  }
0x210: {  	s18 =	simm.s32 $0x16400;
	s19 =	sld [smem:$0x7B0]  }
0x211: {  	[hbm4b:s10+s0] =	stream.linear.scatter [tilespmem:s18], [sflag:$0x4], $0x400, $0x38;
	[tilespmem:$0x1A010] =	vst v63  }
0x212: {  	s20 =	simm.s32 $0x16800;
	s10 =	sld [smem:$0x7B1]  }
0x213: {  	[hbm4b:s19+s0] =	stream.linear.scatter [tilespmem:s20], [sflag:$0x4], $0x400, $0x38;
	[tilespmem:$0x1A010] =	vst v63  }
0x214: {  	s18 =	simm.s32 $0x16C00;
	s19 =	sld [smem:$0x7B2]  }
0x215: {  	[hbm4b:s10+s0] =	stream.linear.scatter [tilespmem:s18], [sflag:$0x4], $0x400, $0x38;
	[tilespmem:$0x1A010] =	vst v63  }
0x216: {  	s20 =	simm.s32 $0x17000;
	s18 =	sld [smem:$0x7B3]  }
0x217: {  	[hbm4b:s19+s0] =	stream.linear.scatter [tilespmem:s20], [sflag:$0x4], $0x400, $0x38;
	[tilespmem:$0x1A010] =	vst v63  }
0x218: {  	s19 =	sld [smem:$0x7B4]  }
0x219: {  	[hbm4b:s18+s0] =	stream.linear.scatter [tilespmem:s21], [sflag:$0x4], $0x400, $0x38;
	[tilespmem:$0x1A010] =	vst v63  }
0x21a: {  	s20 =	sld [smem:$0x7B5]  }
0x21b: {  	[hbm4b:s19+s0] =	stream.linear.scatter [tilespmem:s1], [sflag:$0x4], $0x400, $0x38;
	[tilespmem:$0x1A010] =	vst v63  }
0x21c: {  	s10 =	sld [smem:$0x7B6]  }
0x21d: {  	[hbm4b:s20+s0] =	stream.linear.scatter [tilespmem:s22], [sflag:$0x4], $0x400, $0x38;
	[tilespmem:$0x1A010] =	vst v63  }
0x21e: {  	s18 =	sld [smem:$0x7B7]  }
0x21f: {  	[hbm4b:s10+s0] =	stream.linear.scatter [tilespmem:s12], [sflag:$0x4], $0x400, $0x38;
	[tilespmem:$0x1A010] =	vst v63  }
0x220: {  	s19 =	sld [smem:$0x7B8]  }
0x221: {  	[hbm4b:s18+s0] =	stream.linear.scatter [tilespmem:s6], [sflag:$0x4], $0x400, $0x38;
	[tilespmem:$0x1A010] =	vst v63  }
0x222: {  	s20 =	sld [smem:$0x7B9]  }
0x223: {  	[hbm4b:s19+s0] =	stream.linear.scatter [tilespmem:s13], [sflag:$0x4], $0x400, $0x38;
	[tilespmem:$0x1A010] =	vst v63  }
0x224: {  	s10 =	sld [smem:$0x7BA]  }
0x225: {  	[hbm4b:s20+s0] =	stream.linear.scatter [tilespmem:s7], [sflag:$0x4], $0x400, $0x38;
	[tilespmem:$0x1A010] =	vst v63  }
0x226: {  	s18 =	sld [smem:$0x7BB]  }
0x227: {  	[hbm4b:s10+s0] =	stream.linear.scatter [tilespmem:s14], [sflag:$0x4], $0x400, $0x38;
	[tilespmem:$0x1A010] =	vst v63  }
0x228: {  	s19 =	sld [smem:$0x7BC]  }
0x229: {  	[hbm4b:s18+s0] =	stream.linear.scatter [tilespmem:s8], [sflag:$0x4], $0x400, $0x38;
	[tilespmem:$0x1A010] =	vst v63  }
0x22a: {  	s20 =	sld [smem:$0x7BD]  }
0x22b: {  	[hbm4b:s19+s0] =	stream.linear.scatter [tilespmem:s15], [sflag:$0x4], $0x400, $0x38;
	[tilespmem:$0x1A010] =	vst v63  }
0x22c: {  	_ = 	snop  }
0x22d: {  	[hbm4b:s20+s0] =	stream.linear.scatter [tilespmem:s31], [sflag:$0x4], $0x400, $0x38;
	[tilespmem:$0x1A010] =	vst v63  }
0x22e: {  	s10 =	simm.s32 $0x1A00  }
0x22f: {  	[tilespmem:s26], [sflag:$0x2] =	stream.indirect.gather [hbm4b:s4+s24], $0x20, s10, s24, $0xb8;
	[tilespmem:$0x1A010] =	vst v63  }
0x230: {  	_ =	swait.ge [sflag:s28], $0x4000  }
0x231: {  	[sflag:s28] =	ssyncset.done $0x0  }
0x232: {  	[sflag:s28] =	ssyncadd.s32 $0xFFFFC000  }
0x233: {  	_ =	swait.ge [sflag:s16], $0x400  }
0x234: {  	[sflag:s16] =	ssyncset.done $0x0  }
0x235: {  	[sflag:s16] =	ssyncadd.s32 $0xFFFFFC00  }
0x236: {  	_ =	swait.ge [sflag:s16], $0x400  }
0x237: {  	[sflag:s16] =	ssyncset.done $0x0  }
0x238: {  	[sflag:s16] =	ssyncadd.s32 $0xFFFFFC00  }
0x239: {  	_ =	swait.ge [sflag:s16], $0x400  }
0x23a: {  	[sflag:s16] =	ssyncset.done $0x0  }
0x23b: {  	[sflag:s16] =	ssyncadd.s32 $0xFFFFFC00  }
0x23c: {  	_ =	swait.ge [sflag:s16], $0x400  }
0x23d: {  	[sflag:s16] =	ssyncset.done $0x0  }
0x23e: {  	[sflag:s16] =	ssyncadd.s32 $0xFFFFFC00  }
0x23f: {  	_ =	swait.ge [sflag:s16], $0x400  }
0x240: {  	[sflag:s16] =	ssyncset.done $0x0  }
0x241: {  	[sflag:s16] =	ssyncadd.s32 $0xFFFFFC00  }
0x242: {  	_ =	swait.ge [sflag:s16], $0x400  }
0x243: {  	[sflag:s16] =	ssyncset.done $0x0  }
0x244: {  	[sflag:s16] =	ssyncadd.s32 $0xFFFFFC00  }
0x245: {  	_ =	swait.ge [sflag:s16], $0x400  }
0x246: {  	[sflag:s16] =	ssyncset.done $0x0  }
0x247: {  	[sflag:s16] =	ssyncadd.s32 $0xFFFFFC00  }
0x248: {  	_ =	swait.ge [sflag:s16], $0x400  }
0x249: {  	[sflag:s16] =	ssyncset.done $0x0  }
0x24a: {  	[sflag:s16] =	ssyncadd.s32 $0xFFFFFC00  }
0x24b: {  	_ =	swait.ge [sflag:s16], $0x400  }
0x24c: {  	[sflag:s16] =	ssyncset.done $0x0  }
0x24d: {  	[sflag:s16] =	ssyncadd.s32 $0xFFFFFC00  }
0x24e: {  	_ =	swait.ge [sflag:s16], $0x400  }
0x24f: {  	[sflag:s16] =	ssyncset.done $0x0  }
0x250: {  	[sflag:s16] =	ssyncadd.s32 $0xFFFFFC00  }
0x251: {  	_ =	swait.ge [sflag:s16], $0x400  }
0x252: {  	[sflag:s16] =	ssyncset.done $0x0  }
0x253: {  	[sflag:s16] =	ssyncadd.s32 $0xFFFFFC00  }
0x254: {  	_ =	swait.ge [sflag:s16], $0x400  }
0x255: {  	[sflag:s16] =	ssyncset.done $0x0  }
0x256: {  	[sflag:s16] =	ssyncadd.s32 $0xFFFFFC00  }
0x257: {  	_ =	swait.ge [sflag:s16], $0x400  }
0x258: {  	[sflag:s16] =	ssyncset.done $0x0  }
0x259: {  	[sflag:s16] =	ssyncadd.s32 $0xFFFFFC00  }
0x25a: {  	_ =	swait.ge [sflag:s16], $0x400  }
0x25b: {  	[sflag:s16] =	ssyncset.done $0x0  }
0x25c: {  	[sflag:s16] =	ssyncadd.s32 $0xFFFFFC00  }
0x25d: {  	_ =	swait.ge [sflag:s16], $0x400  }
0x25e: {  	[sflag:s16] =	ssyncset.done $0x0  }
0x25f: {  	[sflag:s16] =	ssyncadd.s32 $0xFFFFFC00  }
0x260: {  	_ =	swait.ge [sflag:s16], $0x400  }
0x261: {  	[sflag:s16] =	ssyncset.done $0x0  }
0x262: {  	[sflag:s16] =	ssyncadd.s32 $0xFFFFFC00  }
0x263: {  	_ =	swait.ge [sflag:s16], $0x400  }
0x264: {  	[sflag:s16] =	ssyncset.done $0x0  }
0x265: {  	[sflag:s16] =	ssyncadd.s32 $0xFFFFFC00  }
0x266: {  	_ =	swait.ge [sflag:s16], $0x400  }
0x267: {  	[sflag:s16] =	ssyncset.done $0x0  }
0x268: {  	[sflag:s16] =	ssyncadd.s32 $0xFFFFFC00  }
0x269: {  	_ =	swait.ge [sflag:s16], $0x400  }
0x26a: {  	[sflag:s16] =	ssyncset.done $0x0  }
0x26b: {  	[sflag:s16] =	ssyncadd.s32 $0xFFFFFC00  }
0x26c: {  	_ =	swait.ge [sflag:s16], $0x400  }
0x26d: {  	[sflag:s16] =	ssyncset.done $0x0  }
0x26e: {  	[sflag:s16] =	ssyncadd.s32 $0xFFFFFC00  }
0x26f: {  	_ =	swait.ge [sflag:s16], $0x400  }
0x270: {  	[sflag:s16] =	ssyncset.done $0x0  }
0x271: {  	[sflag:s16] =	ssyncadd.s32 $0xFFFFFC00  }
0x272: {  	_ =	swait.ge [sflag:s16], $0x400  }
0x273: {  	[sflag:s16] =	ssyncset.done $0x0  }
0x274: {  	[sflag:s16] =	ssyncadd.s32 $0xFFFFFC00  }
0x275: {  	_ =	swait.ge [sflag:s16], $0x400  }
0x276: {  	[sflag:s16] =	ssyncset.done $0x0  }
0x277: {  	[sflag:s16] =	ssyncadd.s32 $0xFFFFFC00  }
0x278: {  	_ =	swait.ge [sflag:s16], $0x400  }
0x279: {  	[sflag:s16] =	ssyncset.done $0x0  }
0x27a: {  	[sflag:s16] =	ssyncadd.s32 $0xFFFFFC00  }
0x27b: {  	_ =	swait.ge [sflag:s16], $0x400  }
0x27c: {  	[sflag:s16] =	ssyncset.done $0x0  }
0x27d: {  	[sflag:s16] =	ssyncadd.s32 $0xFFFFFC00  }
0x27e: {  	_ =	swait.ge [sflag:s16], $0x400  }
0x27f: {  	[sflag:s16] =	ssyncset.done $0x0  }
0x280: {  	[sflag:s16] =	ssyncadd.s32 $0xFFFFFC00  }
0x281: {  	_ =	swait.ge [sflag:s16], $0x400  }
0x282: {  	[sflag:s16] =	ssyncset.done $0x0  }
0x283: {  	[sflag:s16] =	ssyncadd.s32 $0xFFFFFC00  }
0x284: {  	_ =	swait.ge [sflag:s16], $0x400  }
0x285: {  	[sflag:s16] =	ssyncset.done $0x0  }
0x286: {  	[sflag:s16] =	ssyncadd.s32 $0xFFFFFC00  }
0x287: {  	_ =	swait.ge [sflag:s16], $0x400  }
0x288: {  	[sflag:s16] =	ssyncset.done $0x0  }
0x289: {  	[sflag:s16] =	ssyncadd.s32 $0xFFFFFC00  }
0x28a: {  	_ =	swait.ge [sflag:s16], $0x400  }
0x28b: {  	[sflag:s16] =	ssyncset.done $0x0  }
0x28c: {  	[sflag:s16] =	ssyncadd.s32 $0xFFFFFC00  }
0x28d: {  	_ =	swait.ge [sflag:s16], $0x400  }
0x28e: {  	[sflag:s16] =	ssyncset.done $0x0  }
0x28f: {  	[sflag:s16] =	ssyncadd.s32 $0xFFFFFC00  }
0x290: {  	_ =	swait.ge [sflag:s16], $0x400  }
0x291: {  	s18 =	sand.u32 $0x3000, s0;
	s19 =	sand.u32 $0x7E, s0;
	[sflag:s16] =	ssyncset.done $0x0  }
0x292: {  	s0 =	simm.s32 $0x2020;
	s10 =	sor.u32 s19, s18;
	[sflag:s16] =	ssyncadd.s32 $0xFFFFFC00  }
0x293: {  	v2 =	vor.u32 s10, v0;
	v3 =	vld [tilespmem:s0+$0xFFFFFFE0];
	_ =	sdelay $0x4  }
0x294: {  	[tilespmem:v2+s29+$0x0] =	vst.idx.msk $0xffff, v3  }
0x295: {  	v2 =	vor.u32 s10, v1;
	v3 =	vld [tilespmem:s0+$0xFFFFFFF0];
	_ =	sdelay $0x2  }
0x296: {  	s20 =	simm.s32 $0x1  }
0x297: {  	s10 =	sand.u32 $0x7F, s20  }
0x298: {  	s2 =	sor.u32 s18, s10;
	[tilespmem:v2+s29+$0x0] =	vst.idx.msk $0xffff, v3  }
0x299: {  	v2 =	vor.u32 s2, v0;
	v3 =	vld [tilespmem:s0+$0x0];
	_ =	sdelay $0x4  }
0x29a: {  	[tilespmem:v2+s29+$0x0] =	vst.idx.msk $0xffff, v3  }
0x29b: {  	v3 =	vor.u32 s2, v1;
	v2 =	vld [tilespmem:s0+$0x10];
	_ =	sdelay $0x2  }
0x29c: {  	s18 =	simm.s32 $0x2;
	s10 =	simm.s32 $0x40  }
0x29d: {  	s19 =	simm.s32 $0x4;
	s20 =	sand.u32 $0x7E, s18;
	s2 =	sand.u32 $0x3000, s10  }
.LBB2_26:
0x29e: {  	p0 =	sne.s32 s19, $0x1FE;
	s20 =	sor.u32 s20, s2;
	[tilespmem:v3+s29+$0x0] =	vst.idx.msk $0xffff, v2;
	s0 =	sadd.s32 $0x40, s0  }
0x29f: {  	v2 =	vor.u32 s20, v0;
	v3 =	vld [tilespmem:s0+$0xFFFFFFE0];
	_ =	sdelay $0x4  }
0x2a0: {  	[tilespmem:v2+s29+$0x0] =	vst.idx.msk $0xffff, v3  }
0x2a1: {  	v2 =	vor.u32 s20, v1;
	v3 =	vld [tilespmem:s0+$0xFFFFFFF0];
	_ =	sdelay $0x2  }
0x2a2: {  	s20 =	sadd.s32 $0x1, s18;
	s18 =	smov.u32 s19  }
0x2a3: {  	s20 =	sand.u32 $0x7F, s20  }
0x2a4: {  	s2 =	sor.u32 s2, s20;
	[tilespmem:v2+s29+$0x0] =	vst.idx.msk $0xffff, v3  }
0x2a5: {  	v2 =	vor.u32 s2, v0;
	v3 =	vld [tilespmem:s0+$0x0];
	_ =	sdelay $0x4  }
0x2a6: {  	[tilespmem:v2+s29+$0x0] =	vst.idx.msk $0xffff, v3  }
.Ltmp12:
0x2a7: {  	v3 =	vor.u32 s2, v1;
	v2 =	vld [tilespmem:s0+$0x10];
	(pc) =	sbr.rel @p0 .LBB2_26-.Ltmp12, $3  }
0x2a8: {  	_ =	sdelay $0x1  }
0x2a9: {  	s10 =	sadd.s32 $0x40, s10  }
0x2aa: {  	s19 =	sadd.s32 $0x2, s19;
	s20 =	sand.u32 $0x7E, s18;
	s2 =	sand.u32 $0x3000, s10  }
0x2ab: {  	_ =	sdelay $0x3  }
0x2ac: {  	s10 =	sor.u32 s20, s2;
	[tilespmem:v3+s29+$0x0] =	vst.idx.msk $0xffff, v2;
	s0 =	sadd.s32 $0x40, s0  }
0x2ad: {  	v2 =	vor.u32 s10, v0;
	v3 =	vld [tilespmem:s0+$0xFFFFFFE0];
	_ =	sdelay $0x4  }
0x2ae: {  	[tilespmem:v2+s29+$0x0] =	vst.idx.msk $0xffff, v3  }
0x2af: {  	v2 =	vor.u32 s10, v1;
	v3 =	vld [tilespmem:s0+$0xFFFFFFF0];
	_ =	sdelay $0x2  }
0x2b0: {  	s19 =	sadd.s32 $0x1, s18  }
0x2b1: {  	s10 =	sand.u32 $0x7F, s19  }
0x2b2: {  	s20 =	sor.u32 s2, s10;
	[tilespmem:v2+s29+$0x0] =	vst.idx.msk $0xffff, v3  }
0x2b3: {  	v2 =	vor.u32 s20, v0;
	v3 =	vld [tilespmem:s0+$0x0];
	_ =	sdelay $0x4  }
0x2b4: {  	[tilespmem:v2+s29+$0x0] =	vst.idx.msk $0xffff, v3  }
0x2b5: {  	v3 =	vor.u32 s20, v1;
	v2 =	vld [tilespmem:s0+$0x10];
	_ =	sdelay $0x4  }
0x2b6: {  	s2 =	simm.s32 $0x1C00;
	s10 =	simm.s32 $0x0;
	[tilespmem:v3+s29+$0x0] =	vst.idx.msk $0xffff, v2  }
0x2b7: {  	[tilespmem:s25], [sflag:$0x1] =	stream.indirect.gather [hbm4b:s4+s24], $0x20, s2, s24, $0xb8;
	[tilespmem:$0x1A010] =	vst v63  }
0x2b8: {  	s18 =	sand.u32 $0x3000, s10;
	s0 =	sand.u32 $0x7E, s10;
	_ =	swait.ge [sflag:s30], $0x4000  }
0x2b9: {  	s19 =	sor.u32 s0, s18;
	[sflag:s30] =	ssyncset.done $0x0  }
0x2ba: {  	s0 =	simm.s32 $0x6020;
	s10 =	sor.u32 $0x4000, s19;
	[sflag:s30] =	ssyncadd.s32 $0xFFFFC000  }
0x2bb: {  	v2 =	vor.u32 s10, v0;
	v3 =	vld [tilespmem:s0+$0xFFFFFFE0];
	_ =	sdelay $0x4  }
0x2bc: {  	[tilespmem:v2+s29+$0x0] =	vst.idx.msk $0xffff, v3  }
0x2bd: {  	v2 =	vor.u32 s10, v1;
	v3 =	vld [tilespmem:s0+$0xFFFFFFF0];
	_ =	sdelay $0x1  }
0x2be: {  	s20 =	simm.s32 $0x1  }
0x2bf: {  	s10 =	sand.u32 $0x7F, s20  }
0x2c0: {  	s2 =	sor.u32 s10, s18  }
0x2c1: {  	s2 =	sor.u32 $0x4000, s2;
	[tilespmem:v2+s29+$0x0] =	vst.idx.msk $0xffff, v3  }
0x2c2: {  	v2 =	vor.u32 s2, v0;
	v3 =	vld [tilespmem:s0+$0x0];
	_ =	sdelay $0x4  }
0x2c3: {  	[tilespmem:v2+s29+$0x0] =	vst.idx.msk $0xffff, v3  }
0x2c4: {  	v3 =	vor.u32 s2, v1;
	v2 =	vld [tilespmem:s0+$0x10];
	_ =	sdelay $0x1  }
0x2c5: {  	s18 =	simm.s32 $0x2;
	s10 =	simm.s32 $0x40  }
0x2c6: {  	s19 =	simm.s32 $0x4;
	s20 =	sand.u32 $0x7E, s18;
	s2 =	sand.u32 $0x3000, s10  }
.LBB2_28:
0x2c7: {  	p0 =	sne.s32 s19, $0x1FE;
	s20 =	sor.u32 s20, s2  }
0x2c8: {  	s0 =	sadd.s32 $0x40, s0;
	s20 =	sor.u32 $0x4000, s20;
	[tilespmem:v3+s29+$0x0] =	vst.idx.msk $0xffff, v2  }
0x2c9: {  	v2 =	vor.u32 s20, v0;
	v3 =	vld [tilespmem:s0+$0xFFFFFFE0];
	_ =	sdelay $0x4  }
0x2ca: {  	[tilespmem:v2+s29+$0x0] =	vst.idx.msk $0xffff, v3  }
0x2cb: {  	v2 =	vor.u32 s20, v1;
	v3 =	vld [tilespmem:s0+$0xFFFFFFF0];
	_ =	sdelay $0x1  }
0x2cc: {  	s20 =	sadd.s32 $0x1, s18;
	s18 =	smov.u32 s19  }
0x2cd: {  	s20 =	sand.u32 $0x7F, s20  }
0x2ce: {  	s2 =	sor.u32 s20, s2  }
0x2cf: {  	s2 =	sor.u32 $0x4000, s2;
	[tilespmem:v2+s29+$0x0] =	vst.idx.msk $0xffff, v3  }
0x2d0: {  	v2 =	vor.u32 s2, v0;
	v3 =	vld [tilespmem:s0+$0x0];
	_ =	sdelay $0x4  }
.Ltmp13:
0x2d1: {  	[tilespmem:v2+s29+$0x0] =	vst.idx.msk $0xffff, v3;
	(pc) =	sbr.rel @p0 .LBB2_28-.Ltmp13, $3  }
0x2d2: {  	v3 =	vor.u32 s2, v1;
	v2 =	vld [tilespmem:s0+$0x10];
	_ =	sdelay $0x1  }
0x2d3: {  	s10 =	sadd.s32 $0x40, s10  }
0x2d4: {  	s19 =	sadd.s32 $0x2, s19;
	s20 =	sand.u32 $0x7E, s18;
	s2 =	sand.u32 $0x3000, s10  }
0x2d5: {  	_ =	sdelay $0x2  }
0x2d6: {  	s10 =	sor.u32 s20, s2  }
0x2d7: {  	s0 =	sadd.s32 $0x40, s0;
	s10 =	sor.u32 $0x4000, s10;
	[tilespmem:v3+s29+$0x0] =	vst.idx.msk $0xffff, v2  }
0x2d8: {  	v2 =	vor.u32 s10, v0;
	v3 =	vld [tilespmem:s0+$0xFFFFFFE0];
	_ =	sdelay $0x4  }
0x2d9: {  	[tilespmem:v2+s29+$0x0] =	vst.idx.msk $0xffff, v3  }
0x2da: {  	v2 =	vor.u32 s10, v1;
	v3 =	vld [tilespmem:s0+$0xFFFFFFF0];
	_ =	sdelay $0x1  }
0x2db: {  	s20 =	sadd.s32 $0x1, s18  }
0x2dc: {  	s10 =	sand.u32 $0x7F, s20  }
0x2dd: {  	s10 =	sor.u32 s10, s2  }
0x2de: {  	s2 =	sor.u32 $0x4000, s10;
	[tilespmem:v2+s29+$0x0] =	vst.idx.msk $0xffff, v3  }
0x2df: {  	v2 =	vor.u32 s2, v0;
	v3 =	vld [tilespmem:s0+$0x0];
	_ =	sdelay $0x4  }
0x2e0: {  	[tilespmem:v2+s29+$0x0] =	vst.idx.msk $0xffff, v3  }
0x2e1: {  	v3 =	vor.u32 s2, v1;
	v2 =	vld [tilespmem:s0+$0x10];
	_ =	sdelay $0x2  }
0x2e2: {  	s18 =	sld [smem:$0x7BE];
	_ =	sdelay $0x1  }
0x2e3: {  	s19 =	sld [smem:$0x7BF];
	s0 =	simm.s32 $0x0;
	[tilespmem:v3+s29+$0x0] =	vst.idx.msk $0xffff, v2  }
0x2e4: {  	[hbm4b:s18+s0] =	stream.linear.scatter [tilespmem:s29], [sflag:$0x3], $0x400, $0x38;
	[tilespmem:$0x1A010] =	vst v63  }
0x2e5: {  	s20 =	simm.s32 $0xA400;
	s10 =	sld [smem:$0x7C0]  }
0x2e6: {  	[hbm4b:s19+s0] =	stream.linear.scatter [tilespmem:s20], [sflag:$0x3], $0x400, $0x38;
	[tilespmem:$0x1A010] =	vst v63  }
0x2e7: {  	s18 =	simm.s32 $0xA800;
	s19 =	sld [smem:$0x7C1]  }
0x2e8: {  	[hbm4b:s10+s0] =	stream.linear.scatter [tilespmem:s18], [sflag:$0x3], $0x400, $0x38;
	[tilespmem:$0x1A010] =	vst v63  }
0x2e9: {  	s20 =	simm.s32 $0xAC00;
	s10 =	sld [smem:$0x7C2]  }
0x2ea: {  	[hbm4b:s19+s0] =	stream.linear.scatter [tilespmem:s20], [sflag:$0x3], $0x400, $0x38;
	[tilespmem:$0x1A010] =	vst v63  }
0x2eb: {  	s18 =	simm.s32 $0xB000;
	s19 =	sld [smem:$0x7C3]  }
0x2ec: {  	[hbm4b:s10+s0] =	stream.linear.scatter [tilespmem:s18], [sflag:$0x3], $0x400, $0x38;
	[tilespmem:$0x1A010] =	vst v63  }
0x2ed: {  	s20 =	simm.s32 $0xB400;
	s10 =	sld [smem:$0x7C4]  }
0x2ee: {  	[hbm4b:s19+s0] =	stream.linear.scatter [tilespmem:s20], [sflag:$0x3], $0x400, $0x38;
	[tilespmem:$0x1A010] =	vst v63  }
0x2ef: {  	s18 =	simm.s32 $0xB800;
	s19 =	sld [smem:$0x7C5]  }
0x2f0: {  	[hbm4b:s10+s0] =	stream.linear.scatter [tilespmem:s18], [sflag:$0x3], $0x400, $0x38;
	[tilespmem:$0x1A010] =	vst v63  }
0x2f1: {  	s20 =	simm.s32 $0xBC00;
	s10 =	sld [smem:$0x7C6]  }
0x2f2: {  	[hbm4b:s19+s0] =	stream.linear.scatter [tilespmem:s20], [sflag:$0x3], $0x400, $0x38;
	[tilespmem:$0x1A010] =	vst v63  }
0x2f3: {  	s18 =	simm.s32 $0xC000;
	s19 =	sld [smem:$0x7C7]  }
0x2f4: {  	[hbm4b:s10+s0] =	stream.linear.scatter [tilespmem:s18], [sflag:$0x3], $0x400, $0x38;
	[tilespmem:$0x1A010] =	vst v63  }
0x2f5: {  	s20 =	simm.s32 $0xC400;
	s10 =	sld [smem:$0x7C8]  }
0x2f6: {  	[hbm4b:s19+s0] =	stream.linear.scatter [tilespmem:s20], [sflag:$0x3], $0x400, $0x38;
	[tilespmem:$0x1A010] =	vst v63  }
0x2f7: {  	s18 =	simm.s32 $0xC800;
	s19 =	sld [smem:$0x7C9]  }
0x2f8: {  	[hbm4b:s10+s0] =	stream.linear.scatter [tilespmem:s18], [sflag:$0x3], $0x400, $0x38;
	[tilespmem:$0x1A010] =	vst v63  }
0x2f9: {  	s20 =	simm.s32 $0xCC00;
	s10 =	sld [smem:$0x7CA]  }
0x2fa: {  	[hbm4b:s19+s0] =	stream.linear.scatter [tilespmem:s20], [sflag:$0x3], $0x400, $0x38;
	[tilespmem:$0x1A010] =	vst v63  }
0x2fb: {  	s18 =	simm.s32 $0xD000;
	s19 =	sld [smem:$0x7CB]  }
0x2fc: {  	[hbm4b:s10+s0] =	stream.linear.scatter [tilespmem:s18], [sflag:$0x3], $0x400, $0x38;
	[tilespmem:$0x1A010] =	vst v63  }
0x2fd: {  	s20 =	simm.s32 $0xD400;
	s10 =	sld [smem:$0x7CC]  }
0x2fe: {  	[hbm4b:s19+s0] =	stream.linear.scatter [tilespmem:s20], [sflag:$0x3], $0x400, $0x38;
	[tilespmem:$0x1A010] =	vst v63  }
0x2ff: {  	s18 =	simm.s32 $0xD800;
	s19 =	sld [smem:$0x7CD]  }
0x300: {  	[hbm4b:s10+s0] =	stream.linear.scatter [tilespmem:s18], [sflag:$0x3], $0x400, $0x38;
	[tilespmem:$0x1A010] =	vst v63  }
0x301: {  	s20 =	simm.s32 $0xDC00;
	s10 =	sld [smem:$0x7CE]  }
0x302: {  	[hbm4b:s19+s0] =	stream.linear.scatter [tilespmem:s20], [sflag:$0x3], $0x400, $0x38;
	[tilespmem:$0x1A010] =	vst v63  }
0x303: {  	s18 =	simm.s32 $0xE000;
	s19 =	sld [smem:$0x7CF]  }
0x304: {  	[hbm4b:s10+s0] =	stream.linear.scatter [tilespmem:s18], [sflag:$0x3], $0x400, $0x38;
	[tilespmem:$0x1A010] =	vst v63  }
0x305: {  	s20 =	simm.s32 $0xE400;
	s10 =	sld [smem:$0x7D0]  }
0x306: {  	[hbm4b:s19+s0] =	stream.linear.scatter [tilespmem:s20], [sflag:$0x3], $0x400, $0x38;
	[tilespmem:$0x1A010] =	vst v63  }
0x307: {  	s18 =	simm.s32 $0xE800;
	s19 =	sld [smem:$0x7D1]  }
0x308: {  	[hbm4b:s10+s0] =	stream.linear.scatter [tilespmem:s18], [sflag:$0x3], $0x400, $0x38;
	[tilespmem:$0x1A010] =	vst v63  }
0x309: {  	s20 =	simm.s32 $0xEC00;
	s10 =	sld [smem:$0x7D2]  }
0x30a: {  	[hbm4b:s19+s0] =	stream.linear.scatter [tilespmem:s20], [sflag:$0x3], $0x400, $0x38;
	[tilespmem:$0x1A010] =	vst v63  }
0x30b: {  	s18 =	simm.s32 $0xF000;
	s19 =	sld [smem:$0x7D3]  }
0x30c: {  	[hbm4b:s10+s0] =	stream.linear.scatter [tilespmem:s18], [sflag:$0x3], $0x400, $0x38;
	[tilespmem:$0x1A010] =	vst v63  }
0x30d: {  	s20 =	simm.s32 $0xF400;
	s10 =	sld [smem:$0x7D4]  }
0x30e: {  	[hbm4b:s19+s0] =	stream.linear.scatter [tilespmem:s20], [sflag:$0x3], $0x400, $0x38;
	[tilespmem:$0x1A010] =	vst v63  }
0x30f: {  	s18 =	simm.s32 $0xF800;
	s19 =	sld [smem:$0x7D5]  }
0x310: {  	[hbm4b:s10+s0] =	stream.linear.scatter [tilespmem:s18], [sflag:$0x3], $0x400, $0x38;
	[tilespmem:$0x1A010] =	vst v63  }
0x311: {  	s20 =	simm.s32 $0xFC00;
	s10 =	sld [smem:$0x7D6]  }
0x312: {  	[hbm4b:s19+s0] =	stream.linear.scatter [tilespmem:s20], [sflag:$0x3], $0x400, $0x38;
	[tilespmem:$0x1A010] =	vst v63  }
0x313: {  	s18 =	simm.s32 $0x10000;
	s19 =	sld [smem:$0x7D7]  }
0x314: {  	[hbm4b:s10+s0] =	stream.linear.scatter [tilespmem:s18], [sflag:$0x3], $0x400, $0x38;
	[tilespmem:$0x1A010] =	vst v63  }
0x315: {  	s20 =	simm.s32 $0x10400;
	s10 =	sld [smem:$0x7D8]  }
0x316: {  	[hbm4b:s19+s0] =	stream.linear.scatter [tilespmem:s20], [sflag:$0x3], $0x400, $0x38;
	[tilespmem:$0x1A010] =	vst v63  }
0x317: {  	s18 =	simm.s32 $0x10800;
	s19 =	sld [smem:$0x7D9]  }
0x318: {  	[hbm4b:s10+s0] =	stream.linear.scatter [tilespmem:s18], [sflag:$0x3], $0x400, $0x38;
	[tilespmem:$0x1A010] =	vst v63  }
0x319: {  	s20 =	simm.s32 $0x10C00;
	s10 =	sld [smem:$0x7DA]  }
0x31a: {  	[hbm4b:s19+s0] =	stream.linear.scatter [tilespmem:s20], [sflag:$0x3], $0x400, $0x38;
	[tilespmem:$0x1A010] =	vst v63  }
0x31b: {  	s18 =	simm.s32 $0x11000;
	s19 =	sld [smem:$0x7DB]  }
0x31c: {  	[hbm4b:s10+s0] =	stream.linear.scatter [tilespmem:s18], [sflag:$0x3], $0x400, $0x38;
	[tilespmem:$0x1A010] =	vst v63  }
0x31d: {  	s20 =	simm.s32 $0x11400;
	s10 =	sld [smem:$0x7DC]  }
0x31e: {  	[hbm4b:s19+s0] =	stream.linear.scatter [tilespmem:s20], [sflag:$0x3], $0x400, $0x38;
	[tilespmem:$0x1A010] =	vst v63  }
0x31f: {  	s18 =	simm.s32 $0x11800;
	s19 =	sld [smem:$0x7DD]  }
0x320: {  	[hbm4b:s10+s0] =	stream.linear.scatter [tilespmem:s18], [sflag:$0x3], $0x400, $0x38;
	[tilespmem:$0x1A010] =	vst v63  }
0x321: {  	s20 =	simm.s32 $0x11C00  }
0x322: {  	[hbm4b:s19+s0] =	stream.linear.scatter [tilespmem:s20], [sflag:$0x3], $0x400, $0x38;
	[tilespmem:$0x1A010] =	vst v63  }
0x323: {  	s10 =	simm.s32 $0x1E00  }
0x324: {  	[tilespmem:s26], [sflag:$0x2] =	stream.indirect.gather [hbm4b:s4+s24], $0x20, s10, s24, $0xb8;
	[tilespmem:$0x1A010] =	vst v63  }
0x325: {  	_ =	swait.ge [sflag:s28], $0x4000  }
0x326: {  	[sflag:s28] =	ssyncset.done $0x0  }
0x327: {  	[sflag:s28] =	ssyncadd.s32 $0xFFFFC000  }
0x328: {  	_ =	swait.ge [sflag:s9], $0x400  }
0x329: {  	[sflag:s9] =	ssyncset.done $0x0  }
0x32a: {  	[sflag:s9] =	ssyncadd.s32 $0xFFFFFC00  }
0x32b: {  	_ =	swait.ge [sflag:s9], $0x400  }
0x32c: {  	[sflag:s9] =	ssyncset.done $0x0  }
0x32d: {  	[sflag:s9] =	ssyncadd.s32 $0xFFFFFC00  }
0x32e: {  	_ =	swait.ge [sflag:s9], $0x400  }
0x32f: {  	[sflag:s9] =	ssyncset.done $0x0  }
0x330: {  	[sflag:s9] =	ssyncadd.s32 $0xFFFFFC00  }
0x331: {  	_ =	swait.ge [sflag:s9], $0x400  }
0x332: {  	[sflag:s9] =	ssyncset.done $0x0  }
0x333: {  	[sflag:s9] =	ssyncadd.s32 $0xFFFFFC00  }
0x334: {  	_ =	swait.ge [sflag:s9], $0x400  }
0x335: {  	[sflag:s9] =	ssyncset.done $0x0  }
0x336: {  	[sflag:s9] =	ssyncadd.s32 $0xFFFFFC00  }
0x337: {  	_ =	swait.ge [sflag:s9], $0x400  }
0x338: {  	[sflag:s9] =	ssyncset.done $0x0  }
0x339: {  	[sflag:s9] =	ssyncadd.s32 $0xFFFFFC00  }
0x33a: {  	_ =	swait.ge [sflag:s9], $0x400  }
0x33b: {  	[sflag:s9] =	ssyncset.done $0x0  }
0x33c: {  	[sflag:s9] =	ssyncadd.s32 $0xFFFFFC00  }
0x33d: {  	_ =	swait.ge [sflag:s9], $0x400  }
0x33e: {  	[sflag:s9] =	ssyncset.done $0x0  }
0x33f: {  	[sflag:s9] =	ssyncadd.s32 $0xFFFFFC00  }
0x340: {  	_ =	swait.ge [sflag:s9], $0x400  }
0x341: {  	[sflag:s9] =	ssyncset.done $0x0  }
0x342: {  	[sflag:s9] =	ssyncadd.s32 $0xFFFFFC00  }
0x343: {  	_ =	swait.ge [sflag:s9], $0x400  }
0x344: {  	[sflag:s9] =	ssyncset.done $0x0  }
0x345: {  	[sflag:s9] =	ssyncadd.s32 $0xFFFFFC00  }
0x346: {  	_ =	swait.ge [sflag:s9], $0x400  }
0x347: {  	[sflag:s9] =	ssyncset.done $0x0  }
0x348: {  	[sflag:s9] =	ssyncadd.s32 $0xFFFFFC00  }
0x349: {  	_ =	swait.ge [sflag:s9], $0x400  }
0x34a: {  	[sflag:s9] =	ssyncset.done $0x0  }
0x34b: {  	[sflag:s9] =	ssyncadd.s32 $0xFFFFFC00  }
0x34c: {  	_ =	swait.ge [sflag:s9], $0x400  }
0x34d: {  	[sflag:s9] =	ssyncset.done $0x0  }
0x34e: {  	[sflag:s9] =	ssyncadd.s32 $0xFFFFFC00  }
0x34f: {  	_ =	swait.ge [sflag:s9], $0x400  }
0x350: {  	[sflag:s9] =	ssyncset.done $0x0  }
0x351: {  	[sflag:s9] =	ssyncadd.s32 $0xFFFFFC00  }
0x352: {  	_ =	swait.ge [sflag:s9], $0x400  }
0x353: {  	[sflag:s9] =	ssyncset.done $0x0  }
0x354: {  	[sflag:s9] =	ssyncadd.s32 $0xFFFFFC00  }
0x355: {  	_ =	swait.ge [sflag:s9], $0x400  }
0x356: {  	[sflag:s9] =	ssyncset.done $0x0  }
0x357: {  	[sflag:s9] =	ssyncadd.s32 $0xFFFFFC00  }
0x358: {  	_ =	swait.ge [sflag:s9], $0x400  }
0x359: {  	[sflag:s9] =	ssyncset.done $0x0  }
0x35a: {  	[sflag:s9] =	ssyncadd.s32 $0xFFFFFC00  }
0x35b: {  	_ =	swait.ge [sflag:s9], $0x400  }
0x35c: {  	[sflag:s9] =	ssyncset.done $0x0  }
0x35d: {  	[sflag:s9] =	ssyncadd.s32 $0xFFFFFC00  }
0x35e: {  	_ =	swait.ge [sflag:s9], $0x400  }
0x35f: {  	[sflag:s9] =	ssyncset.done $0x0  }
0x360: {  	[sflag:s9] =	ssyncadd.s32 $0xFFFFFC00  }
0x361: {  	_ =	swait.ge [sflag:s9], $0x400  }
0x362: {  	[sflag:s9] =	ssyncset.done $0x0  }
0x363: {  	[sflag:s9] =	ssyncadd.s32 $0xFFFFFC00  }
0x364: {  	_ =	swait.ge [sflag:s9], $0x400  }
0x365: {  	[sflag:s9] =	ssyncset.done $0x0  }
0x366: {  	[sflag:s9] =	ssyncadd.s32 $0xFFFFFC00  }
0x367: {  	_ =	swait.ge [sflag:s9], $0x400  }
0x368: {  	[sflag:s9] =	ssyncset.done $0x0  }
0x369: {  	[sflag:s9] =	ssyncadd.s32 $0xFFFFFC00  }
0x36a: {  	_ =	swait.ge [sflag:s9], $0x400  }
0x36b: {  	[sflag:s9] =	ssyncset.done $0x0  }
0x36c: {  	[sflag:s9] =	ssyncadd.s32 $0xFFFFFC00  }
0x36d: {  	_ =	swait.ge [sflag:s9], $0x400  }
0x36e: {  	[sflag:s9] =	ssyncset.done $0x0  }
0x36f: {  	[sflag:s9] =	ssyncadd.s32 $0xFFFFFC00  }
0x370: {  	_ =	swait.ge [sflag:s9], $0x400  }
0x371: {  	[sflag:s9] =	ssyncset.done $0x0  }
0x372: {  	[sflag:s9] =	ssyncadd.s32 $0xFFFFFC00  }
0x373: {  	_ =	swait.ge [sflag:s9], $0x400  }
0x374: {  	[sflag:s9] =	ssyncset.done $0x0  }
0x375: {  	[sflag:s9] =	ssyncadd.s32 $0xFFFFFC00  }
0x376: {  	_ =	swait.ge [sflag:s9], $0x400  }
0x377: {  	[sflag:s9] =	ssyncset.done $0x0  }
0x378: {  	[sflag:s9] =	ssyncadd.s32 $0xFFFFFC00  }
0x379: {  	_ =	swait.ge [sflag:s9], $0x400  }
0x37a: {  	[sflag:s9] =	ssyncset.done $0x0  }
0x37b: {  	[sflag:s9] =	ssyncadd.s32 $0xFFFFFC00  }
0x37c: {  	_ =	swait.ge [sflag:s9], $0x400  }
0x37d: {  	[sflag:s9] =	ssyncset.done $0x0  }
0x37e: {  	[sflag:s9] =	ssyncadd.s32 $0xFFFFFC00  }
0x37f: {  	_ =	swait.ge [sflag:s9], $0x400  }
0x380: {  	[sflag:s9] =	ssyncset.done $0x0  }
0x381: {  	[sflag:s9] =	ssyncadd.s32 $0xFFFFFC00  }
0x382: {  	_ =	swait.ge [sflag:s9], $0x400  }
0x383: {  	[sflag:s9] =	ssyncset.done $0x0  }
0x384: {  	[sflag:s9] =	ssyncadd.s32 $0xFFFFFC00  }
0x385: {  	_ =	swait.ge [sflag:s9], $0x400  }
0x386: {  	s18 =	sand.u32 $0x3000, s0;
	s19 =	sand.u32 $0x7E, s0;
	[sflag:s9] =	ssyncset.done $0x0  }
0x387: {  	s0 =	simm.s32 $0x2020;
	s10 =	sor.u32 s19, s18;
	[sflag:s9] =	ssyncadd.s32 $0xFFFFFC00  }
0x388: {  	v2 =	vor.u32 s10, v0;
	v3 =	vld [tilespmem:s0+$0xFFFFFFE0];
	_ =	sdelay $0x4  }
0x389: {  	[tilespmem:v2+s11+$0x0] =	vst.idx.msk $0xffff, v3  }
0x38a: {  	v2 =	vor.u32 s10, v1;
	v3 =	vld [tilespmem:s0+$0xFFFFFFF0];
	_ =	sdelay $0x2  }
0x38b: {  	s20 =	simm.s32 $0x1  }
0x38c: {  	s10 =	sand.u32 $0x7F, s20  }
0x38d: {  	s2 =	sor.u32 s18, s10;
	[tilespmem:v2+s11+$0x0] =	vst.idx.msk $0xffff, v3  }
0x38e: {  	v2 =	vor.u32 s2, v0;
	v3 =	vld [tilespmem:s0+$0x0];
	_ =	sdelay $0x4  }
0x38f: {  	[tilespmem:v2+s11+$0x0] =	vst.idx.msk $0xffff, v3  }
0x390: {  	v3 =	vor.u32 s2, v1;
	v2 =	vld [tilespmem:s0+$0x10];
	_ =	sdelay $0x2  }
0x391: {  	s18 =	simm.s32 $0x2;
	s10 =	simm.s32 $0x40  }
0x392: {  	s19 =	simm.s32 $0x4;
	s20 =	sand.u32 $0x7E, s18;
	s2 =	sand.u32 $0x3000, s10  }
.LBB2_30:
0x393: {  	p0 =	sne.s32 s19, $0x1FE;
	s20 =	sor.u32 s20, s2;
	[tilespmem:v3+s11+$0x0] =	vst.idx.msk $0xffff, v2;
	s0 =	sadd.s32 $0x40, s0  }
0x394: {  	v2 =	vor.u32 s20, v0;
	v3 =	vld [tilespmem:s0+$0xFFFFFFE0];
	_ =	sdelay $0x4  }
0x395: {  	[tilespmem:v2+s11+$0x0] =	vst.idx.msk $0xffff, v3  }
0x396: {  	v2 =	vor.u32 s20, v1;
	v3 =	vld [tilespmem:s0+$0xFFFFFFF0];
	_ =	sdelay $0x2  }
0x397: {  	s20 =	sadd.s32 $0x1, s18;
	s18 =	smov.u32 s19  }
0x398: {  	s20 =	sand.u32 $0x7F, s20  }
0x399: {  	s2 =	sor.u32 s2, s20;
	[tilespmem:v2+s11+$0x0] =	vst.idx.msk $0xffff, v3  }
0x39a: {  	v2 =	vor.u32 s2, v0;
	v3 =	vld [tilespmem:s0+$0x0];
	_ =	sdelay $0x4  }
0x39b: {  	[tilespmem:v2+s11+$0x0] =	vst.idx.msk $0xffff, v3  }
.Ltmp14:
0x39c: {  	v3 =	vor.u32 s2, v1;
	v2 =	vld [tilespmem:s0+$0x10];
	(pc) =	sbr.rel @p0 .LBB2_30-.Ltmp14, $3  }
0x39d: {  	_ =	sdelay $0x1  }
0x39e: {  	s10 =	sadd.s32 $0x40, s10  }
0x39f: {  	s19 =	sadd.s32 $0x2, s19;
	s20 =	sand.u32 $0x7E, s18;
	s2 =	sand.u32 $0x3000, s10  }
0x3a0: {  	_ =	sdelay $0x3  }
0x3a1: {  	s10 =	sor.u32 s20, s2;
	[tilespmem:v3+s11+$0x0] =	vst.idx.msk $0xffff, v2;
	s0 =	sadd.s32 $0x40, s0  }
0x3a2: {  	v2 =	vor.u32 s10, v0;
	v3 =	vld [tilespmem:s0+$0xFFFFFFE0];
	_ =	sdelay $0x4  }
0x3a3: {  	[tilespmem:v2+s11+$0x0] =	vst.idx.msk $0xffff, v3  }
0x3a4: {  	v2 =	vor.u32 s10, v1;
	v3 =	vld [tilespmem:s0+$0xFFFFFFF0];
	_ =	sdelay $0x2  }
0x3a5: {  	s19 =	sadd.s32 $0x1, s18  }
0x3a6: {  	s10 =	sand.u32 $0x7F, s19  }
0x3a7: {  	s20 =	sor.u32 s2, s10;
	[tilespmem:v2+s11+$0x0] =	vst.idx.msk $0xffff, v3  }
0x3a8: {  	v2 =	vor.u32 s20, v0;
	v3 =	vld [tilespmem:s0+$0x0];
	_ =	sdelay $0x4  }
0x3a9: {  	[tilespmem:v2+s11+$0x0] =	vst.idx.msk $0xffff, v3  }
0x3aa: {  	v3 =	vor.u32 s20, v1;
	v2 =	vld [tilespmem:s0+$0x10];
	_ =	sdelay $0x4  }
0x3ab: {  	s10 =	simm.s32 $0x0;
	[tilespmem:v3+s11+$0x0] =	vst.idx.msk $0xffff, v2  }
0x3ac: {  	s18 =	sand.u32 $0x3000, s10;
	s0 =	sand.u32 $0x7E, s10;
	_ =	swait.ge [sflag:s30], $0x4000  }
0x3ad: {  	s19 =	sor.u32 s0, s18;
	[sflag:s30] =	ssyncset.done $0x0  }
0x3ae: {  	s0 =	simm.s32 $0x6020;
	s10 =	sor.u32 $0x4000, s19;
	[sflag:s30] =	ssyncadd.s32 $0xFFFFC000  }
0x3af: {  	v2 =	vor.u32 s10, v0;
	v3 =	vld [tilespmem:s0+$0xFFFFFFE0];
	_ =	sdelay $0x4  }
0x3b0: {  	[tilespmem:v2+s11+$0x0] =	vst.idx.msk $0xffff, v3  }
0x3b1: {  	v2 =	vor.u32 s10, v1;
	v3 =	vld [tilespmem:s0+$0xFFFFFFF0];
	_ =	sdelay $0x1  }
0x3b2: {  	s20 =	simm.s32 $0x1  }
0x3b3: {  	s10 =	sand.u32 $0x7F, s20  }
0x3b4: {  	s2 =	sor.u32 s10, s18  }
0x3b5: {  	s2 =	sor.u32 $0x4000, s2;
	[tilespmem:v2+s11+$0x0] =	vst.idx.msk $0xffff, v3  }
0x3b6: {  	v2 =	vor.u32 s2, v0;
	v3 =	vld [tilespmem:s0+$0x0];
	_ =	sdelay $0x4  }
0x3b7: {  	[tilespmem:v2+s11+$0x0] =	vst.idx.msk $0xffff, v3  }
0x3b8: {  	v3 =	vor.u32 s2, v1;
	v2 =	vld [tilespmem:s0+$0x10];
	_ =	sdelay $0x1  }
0x3b9: {  	s18 =	simm.s32 $0x2;
	s10 =	simm.s32 $0x40  }
0x3ba: {  	s19 =	simm.s32 $0x4;
	s20 =	sand.u32 $0x7E, s18;
	s2 =	sand.u32 $0x3000, s10  }
.LBB2_32:
0x3bb: {  	p0 =	sne.s32 s19, $0x1FE;
	s20 =	sor.u32 s20, s2  }
0x3bc: {  	s0 =	sadd.s32 $0x40, s0;
	s20 =	sor.u32 $0x4000, s20;
	[tilespmem:v3+s11+$0x0] =	vst.idx.msk $0xffff, v2  }
0x3bd: {  	v2 =	vor.u32 s20, v0;
	v3 =	vld [tilespmem:s0+$0xFFFFFFE0];
	_ =	sdelay $0x4  }
0x3be: {  	[tilespmem:v2+s11+$0x0] =	vst.idx.msk $0xffff, v3  }
0x3bf: {  	v2 =	vor.u32 s20, v1;
	v3 =	vld [tilespmem:s0+$0xFFFFFFF0];
	_ =	sdelay $0x1  }
0x3c0: {  	s20 =	sadd.s32 $0x1, s18;
	s18 =	smov.u32 s19  }
0x3c1: {  	s20 =	sand.u32 $0x7F, s20  }
0x3c2: {  	s2 =	sor.u32 s20, s2  }
0x3c3: {  	s2 =	sor.u32 $0x4000, s2;
	[tilespmem:v2+s11+$0x0] =	vst.idx.msk $0xffff, v3  }
0x3c4: {  	v2 =	vor.u32 s2, v0;
	v3 =	vld [tilespmem:s0+$0x0];
	_ =	sdelay $0x4  }
.Ltmp15:
0x3c5: {  	[tilespmem:v2+s11+$0x0] =	vst.idx.msk $0xffff, v3;
	(pc) =	sbr.rel @p0 .LBB2_32-.Ltmp15, $3  }
0x3c6: {  	v3 =	vor.u32 s2, v1;
	v2 =	vld [tilespmem:s0+$0x10];
	_ =	sdelay $0x1  }
0x3c7: {  	s10 =	sadd.s32 $0x40, s10  }
0x3c8: {  	s19 =	sadd.s32 $0x2, s19;
	s20 =	sand.u32 $0x7E, s18;
	s2 =	sand.u32 $0x3000, s10  }
0x3c9: {  	_ =	sdelay $0x2  }
0x3ca: {  	s10 =	sor.u32 s20, s2  }
0x3cb: {  	s0 =	sadd.s32 $0x40, s0;
	s10 =	sor.u32 $0x4000, s10;
	[tilespmem:v3+s11+$0x0] =	vst.idx.msk $0xffff, v2  }
0x3cc: {  	v2 =	vor.u32 s10, v0;
	v3 =	vld [tilespmem:s0+$0xFFFFFFE0];
	_ =	sdelay $0x4  }
0x3cd: {  	[tilespmem:v2+s11+$0x0] =	vst.idx.msk $0xffff, v3  }
0x3ce: {  	v2 =	vor.u32 s10, v1;
	v3 =	vld [tilespmem:s0+$0xFFFFFFF0];
	_ =	sdelay $0x1  }
0x3cf: {  	s20 =	sadd.s32 $0x1, s18  }
0x3d0: {  	s10 =	sand.u32 $0x7F, s20  }
0x3d1: {  	s10 =	sor.u32 s10, s2  }
0x3d2: {  	s2 =	sor.u32 $0x4000, s10;
	[tilespmem:v2+s11+$0x0] =	vst.idx.msk $0xffff, v3  }
0x3d3: {  	v2 =	vor.u32 s2, v0;
	v3 =	vld [tilespmem:s0+$0x0];
	_ =	sdelay $0x4  }
0x3d4: {  	[tilespmem:v2+s11+$0x0] =	vst.idx.msk $0xffff, v3  }
0x3d5: {  	v3 =	vor.u32 s2, v1;
	v2 =	vld [tilespmem:s0+$0x10];
	_ =	sdelay $0x2  }
0x3d6: {  	s18 =	sld [smem:$0x7DE];
	_ =	sdelay $0x1  }
0x3d7: {  	s19 =	sld [smem:$0x7DF];
	[tilespmem:v3+s11+$0x0] =	vst.idx.msk $0xffff, v2  }
0x3d8: {  	[hbm4b:s18+s3] =	stream.linear.scatter [tilespmem:s11], [sflag:$0x4], $0x400, $0x38;
	[tilespmem:$0x1A010] =	vst v63  }
0x3d9: {  	s20 =	simm.s32 $0x12400;
	s10 =	sld [smem:$0x7E0]  }
0x3da: {  	[hbm4b:s19+s3] =	stream.linear.scatter [tilespmem:s20], [sflag:$0x4], $0x400, $0x38;
	[tilespmem:$0x1A010] =	vst v63  }
0x3db: {  	s18 =	simm.s32 $0x12800;
	s19 =	sld [smem:$0x7E1]  }
0x3dc: {  	[hbm4b:s10+s3] =	stream.linear.scatter [tilespmem:s18], [sflag:$0x4], $0x400, $0x38;
	[tilespmem:$0x1A010] =	vst v63  }
0x3dd: {  	s20 =	simm.s32 $0x12C00;
	s10 =	sld [smem:$0x7E2]  }
0x3de: {  	[hbm4b:s19+s3] =	stream.linear.scatter [tilespmem:s20], [sflag:$0x4], $0x400, $0x38;
	[tilespmem:$0x1A010] =	vst v63  }
0x3df: {  	s18 =	simm.s32 $0x13000;
	s19 =	sld [smem:$0x7E3]  }
0x3e0: {  	[hbm4b:s10+s3] =	stream.linear.scatter [tilespmem:s18], [sflag:$0x4], $0x400, $0x38;
	[tilespmem:$0x1A010] =	vst v63  }
0x3e1: {  	s20 =	simm.s32 $0x13400;
	s10 =	sld [smem:$0x7E4]  }
0x3e2: {  	[hbm4b:s19+s3] =	stream.linear.scatter [tilespmem:s20], [sflag:$0x4], $0x400, $0x38;
	[tilespmem:$0x1A010] =	vst v63  }
0x3e3: {  	s18 =	simm.s32 $0x13800;
	s19 =	sld [smem:$0x7E5]  }
0x3e4: {  	[hbm4b:s10+s3] =	stream.linear.scatter [tilespmem:s18], [sflag:$0x4], $0x400, $0x38;
	[tilespmem:$0x1A010] =	vst v63  }
0x3e5: {  	s20 =	simm.s32 $0x13C00;
	s10 =	sld [smem:$0x7E6]  }
0x3e6: {  	[hbm4b:s19+s3] =	stream.linear.scatter [tilespmem:s20], [sflag:$0x4], $0x400, $0x38;
	[tilespmem:$0x1A010] =	vst v63  }
0x3e7: {  	s18 =	simm.s32 $0x14000;
	s19 =	sld [smem:$0x7E7]  }
0x3e8: {  	[hbm4b:s10+s3] =	stream.linear.scatter [tilespmem:s18], [sflag:$0x4], $0x400, $0x38;
	[tilespmem:$0x1A010] =	vst v63  }
0x3e9: {  	s20 =	simm.s32 $0x14400;
	s10 =	sld [smem:$0x7E8]  }
0x3ea: {  	[hbm4b:s19+s3] =	stream.linear.scatter [tilespmem:s20], [sflag:$0x4], $0x400, $0x38;
	[tilespmem:$0x1A010] =	vst v63  }
0x3eb: {  	s18 =	simm.s32 $0x14800;
	s19 =	sld [smem:$0x7E9]  }
0x3ec: {  	[hbm4b:s10+s3] =	stream.linear.scatter [tilespmem:s18], [sflag:$0x4], $0x400, $0x38;
	[tilespmem:$0x1A010] =	vst v63  }
0x3ed: {  	s20 =	simm.s32 $0x14C00;
	s10 =	sld [smem:$0x7EA]  }
0x3ee: {  	[hbm4b:s19+s3] =	stream.linear.scatter [tilespmem:s20], [sflag:$0x4], $0x400, $0x38;
	[tilespmem:$0x1A010] =	vst v63  }
0x3ef: {  	s18 =	simm.s32 $0x15000;
	s19 =	sld [smem:$0x7EB]  }
0x3f0: {  	[hbm4b:s10+s3] =	stream.linear.scatter [tilespmem:s18], [sflag:$0x4], $0x400, $0x38;
	[tilespmem:$0x1A010] =	vst v63  }
0x3f1: {  	s20 =	simm.s32 $0x15400;
	s10 =	sld [smem:$0x7EC]  }
0x3f2: {  	[hbm4b:s19+s3] =	stream.linear.scatter [tilespmem:s20], [sflag:$0x4], $0x400, $0x38;
	[tilespmem:$0x1A010] =	vst v63  }
0x3f3: {  	s18 =	simm.s32 $0x15800;
	s19 =	sld [smem:$0x7ED]  }
0x3f4: {  	[hbm4b:s10+s3] =	stream.linear.scatter [tilespmem:s18], [sflag:$0x4], $0x400, $0x38;
	[tilespmem:$0x1A010] =	vst v63  }
0x3f5: {  	s20 =	simm.s32 $0x15C00;
	s10 =	sld [smem:$0x7EE]  }
0x3f6: {  	[hbm4b:s19+s3] =	stream.linear.scatter [tilespmem:s20], [sflag:$0x4], $0x400, $0x38;
	[tilespmem:$0x1A010] =	vst v63  }
0x3f7: {  	s18 =	simm.s32 $0x16000;
	s19 =	sld [smem:$0x7EF]  }
0x3f8: {  	[hbm4b:s10+s3] =	stream.linear.scatter [tilespmem:s18], [sflag:$0x4], $0x400, $0x38;
	[tilespmem:$0x1A010] =	vst v63  }
0x3f9: {  	s20 =	simm.s32 $0x16400;
	s10 =	sld [smem:$0x7F0]  }
0x3fa: {  	[hbm4b:s19+s3] =	stream.linear.scatter [tilespmem:s20], [sflag:$0x4], $0x400, $0x38;
	[tilespmem:$0x1A010] =	vst v63  }
0x3fb: {  	s18 =	simm.s32 $0x16800;
	s19 =	sld [smem:$0x7F1]  }
0x3fc: {  	[hbm4b:s10+s3] =	stream.linear.scatter [tilespmem:s18], [sflag:$0x4], $0x400, $0x38;
	[tilespmem:$0x1A010] =	vst v63  }
0x3fd: {  	s20 =	simm.s32 $0x16C00;
	s10 =	sld [smem:$0x7F2]  }
0x3fe: {  	[hbm4b:s19+s3] =	stream.linear.scatter [tilespmem:s20], [sflag:$0x4], $0x400, $0x38;
	[tilespmem:$0x1A010] =	vst v63  }
0x3ff: {  	s18 =	simm.s32 $0x17000;
	s19 =	sld [smem:$0x7F3]  }
0x400: {  	[hbm4b:s10+s3] =	stream.linear.scatter [tilespmem:s18], [sflag:$0x4], $0x400, $0x38;
	[tilespmem:$0x1A010] =	vst v63  }
0x401: {  	s20 =	sld [smem:$0x7F4]  }
0x402: {  	[hbm4b:s19+s3] =	stream.linear.scatter [tilespmem:s21], [sflag:$0x4], $0x400, $0x38;
	[tilespmem:$0x1A010] =	vst v63  }
0x403: {  	s2 =	sld [smem:$0x7F5]  }
0x404: {  	[hbm4b:s20+s3] =	stream.linear.scatter [tilespmem:s1], [sflag:$0x4], $0x400, $0x38;
	[tilespmem:$0x1A010] =	vst v63  }
0x405: {  	s10 =	sld [smem:$0x7F6]  }
0x406: {  	[hbm4b:s2+s3] =	stream.linear.scatter [tilespmem:s22], [sflag:$0x4], $0x400, $0x38;
	[tilespmem:$0x1A010] =	vst v63  }
0x407: {  	s18 =	sld [smem:$0x7F7]  }
0x408: {  	[hbm4b:s10+s3] =	stream.linear.scatter [tilespmem:s12], [sflag:$0x4], $0x400, $0x38;
	[tilespmem:$0x1A010] =	vst v63  }
0x409: {  	s19 =	sld [smem:$0x7F8]  }
0x40a: {  	[hbm4b:s18+s3] =	stream.linear.scatter [tilespmem:s6], [sflag:$0x4], $0x400, $0x38;
	[tilespmem:$0x1A010] =	vst v63  }
0x40b: {  	s20 =	sld [smem:$0x7F9]  }
0x40c: {  	[hbm4b:s19+s3] =	stream.linear.scatter [tilespmem:s13], [sflag:$0x4], $0x400, $0x38;
	[tilespmem:$0x1A010] =	vst v63  }
0x40d: {  	s2 =	sld [smem:$0x7FA]  }
0x40e: {  	[hbm4b:s20+s3] =	stream.linear.scatter [tilespmem:s7], [sflag:$0x4], $0x400, $0x38;
	[tilespmem:$0x1A010] =	vst v63  }
0x40f: {  	s10 =	sld [smem:$0x7FB]  }
0x410: {  	[hbm4b:s2+s3] =	stream.linear.scatter [tilespmem:s14], [sflag:$0x4], $0x400, $0x38;
	[tilespmem:$0x1A010] =	vst v63  }
0x411: {  	s18 =	sld [smem:$0x7FC]  }
0x412: {  	[hbm4b:s10+s3] =	stream.linear.scatter [tilespmem:s8], [sflag:$0x4], $0x400, $0x38;
	[tilespmem:$0x1A010] =	vst v63  }
0x413: {  	s19 =	sld [smem:$0x7FD]  }
0x414: {  	[hbm4b:s18+s3] =	stream.linear.scatter [tilespmem:s15], [sflag:$0x4], $0x400, $0x38;
	[tilespmem:$0x1A010] =	vst v63  }
0x415: {  	_ = 	snop  }
0x416: {  	[hbm4b:s19+s3] =	stream.linear.scatter [tilespmem:s31], [sflag:$0x4], $0x400, $0x38;
	[tilespmem:$0x1A010] =	vst v63  }
0x417: {  	_ =	swait.ge [sflag:s16], $0x400  }
0x418: {  	[sflag:s16] =	ssyncset.done $0x0  }
0x419: {  	[sflag:s16] =	ssyncadd.s32 $0xFFFFFC00  }
0x41a: {  	_ =	swait.ge [sflag:s16], $0x400  }
0x41b: {  	[sflag:s16] =	ssyncset.done $0x0  }
0x41c: {  	[sflag:s16] =	ssyncadd.s32 $0xFFFFFC00  }
0x41d: {  	_ =	swait.ge [sflag:s16], $0x400  }
0x41e: {  	[sflag:s16] =	ssyncset.done $0x0  }
0x41f: {  	[sflag:s16] =	ssyncadd.s32 $0xFFFFFC00  }
0x420: {  	_ =	swait.ge [sflag:s16], $0x400  }
0x421: {  	[sflag:s16] =	ssyncset.done $0x0  }
0x422: {  	[sflag:s16] =	ssyncadd.s32 $0xFFFFFC00  }
0x423: {  	_ =	swait.ge [sflag:s16], $0x400  }
0x424: {  	[sflag:s16] =	ssyncset.done $0x0  }
0x425: {  	[sflag:s16] =	ssyncadd.s32 $0xFFFFFC00  }
0x426: {  	_ =	swait.ge [sflag:s16], $0x400  }
0x427: {  	[sflag:s16] =	ssyncset.done $0x0  }
0x428: {  	[sflag:s16] =	ssyncadd.s32 $0xFFFFFC00  }
0x429: {  	_ =	swait.ge [sflag:s16], $0x400  }
0x42a: {  	[sflag:s16] =	ssyncset.done $0x0  }
0x42b: {  	[sflag:s16] =	ssyncadd.s32 $0xFFFFFC00  }
0x42c: {  	_ =	swait.ge [sflag:s16], $0x400  }
0x42d: {  	[sflag:s16] =	ssyncset.done $0x0  }
0x42e: {  	[sflag:s16] =	ssyncadd.s32 $0xFFFFFC00  }
0x42f: {  	_ =	swait.ge [sflag:s16], $0x400  }
0x430: {  	[sflag:s16] =	ssyncset.done $0x0  }
0x431: {  	[sflag:s16] =	ssyncadd.s32 $0xFFFFFC00  }
0x432: {  	_ =	swait.ge [sflag:s16], $0x400  }
0x433: {  	[sflag:s16] =	ssyncset.done $0x0  }
0x434: {  	[sflag:s16] =	ssyncadd.s32 $0xFFFFFC00  }
0x435: {  	_ =	swait.ge [sflag:s16], $0x400  }
0x436: {  	[sflag:s16] =	ssyncset.done $0x0  }
0x437: {  	[sflag:s16] =	ssyncadd.s32 $0xFFFFFC00  }
0x438: {  	_ =	swait.ge [sflag:s16], $0x400  }
0x439: {  	[sflag:s16] =	ssyncset.done $0x0  }
0x43a: {  	[sflag:s16] =	ssyncadd.s32 $0xFFFFFC00  }
0x43b: {  	_ =	swait.ge [sflag:s16], $0x400  }
0x43c: {  	[sflag:s16] =	ssyncset.done $0x0  }
0x43d: {  	[sflag:s16] =	ssyncadd.s32 $0xFFFFFC00  }
0x43e: {  	_ =	swait.ge [sflag:s16], $0x400  }
0x43f: {  	[sflag:s16] =	ssyncset.done $0x0  }
0x440: {  	[sflag:s16] =	ssyncadd.s32 $0xFFFFFC00  }
0x441: {  	_ =	swait.ge [sflag:s16], $0x400  }
0x442: {  	[sflag:s16] =	ssyncset.done $0x0  }
0x443: {  	[sflag:s16] =	ssyncadd.s32 $0xFFFFFC00  }
0x444: {  	_ =	swait.ge [sflag:s16], $0x400  }
0x445: {  	[sflag:s16] =	ssyncset.done $0x0  }
0x446: {  	[sflag:s16] =	ssyncadd.s32 $0xFFFFFC00  }
0x447: {  	_ =	swait.ge [sflag:s16], $0x400  }
0x448: {  	[sflag:s16] =	ssyncset.done $0x0  }
0x449: {  	[sflag:s16] =	ssyncadd.s32 $0xFFFFFC00  }
0x44a: {  	_ =	swait.ge [sflag:s16], $0x400  }
0x44b: {  	[sflag:s16] =	ssyncset.done $0x0  }
0x44c: {  	[sflag:s16] =	ssyncadd.s32 $0xFFFFFC00  }
0x44d: {  	_ =	swait.ge [sflag:s16], $0x400  }
0x44e: {  	[sflag:s16] =	ssyncset.done $0x0  }
0x44f: {  	[sflag:s16] =	ssyncadd.s32 $0xFFFFFC00  }
0x450: {  	_ =	swait.ge [sflag:s16], $0x400  }
0x451: {  	[sflag:s16] =	ssyncset.done $0x0  }
0x452: {  	[sflag:s16] =	ssyncadd.s32 $0xFFFFFC00  }
0x453: {  	_ =	swait.ge [sflag:s16], $0x400  }
0x454: {  	[sflag:s16] =	ssyncset.done $0x0  }
0x455: {  	[sflag:s16] =	ssyncadd.s32 $0xFFFFFC00  }
0x456: {  	_ =	swait.ge [sflag:s16], $0x400  }
0x457: {  	[sflag:s16] =	ssyncset.done $0x0  }
0x458: {  	[sflag:s16] =	ssyncadd.s32 $0xFFFFFC00  }
0x459: {  	_ =	swait.ge [sflag:s16], $0x400  }
0x45a: {  	[sflag:s16] =	ssyncset.done $0x0  }
0x45b: {  	[sflag:s16] =	ssyncadd.s32 $0xFFFFFC00  }
0x45c: {  	_ =	swait.ge [sflag:s16], $0x400  }
0x45d: {  	[sflag:s16] =	ssyncset.done $0x0  }
0x45e: {  	[sflag:s16] =	ssyncadd.s32 $0xFFFFFC00  }
0x45f: {  	_ =	swait.ge [sflag:s16], $0x400  }
0x460: {  	[sflag:s16] =	ssyncset.done $0x0  }
0x461: {  	[sflag:s16] =	ssyncadd.s32 $0xFFFFFC00  }
0x462: {  	_ =	swait.ge [sflag:s16], $0x400  }
0x463: {  	[sflag:s16] =	ssyncset.done $0x0  }
0x464: {  	[sflag:s16] =	ssyncadd.s32 $0xFFFFFC00  }
0x465: {  	_ =	swait.ge [sflag:s16], $0x400  }
0x466: {  	[sflag:s16] =	ssyncset.done $0x0  }
0x467: {  	[sflag:s16] =	ssyncadd.s32 $0xFFFFFC00  }
0x468: {  	_ =	swait.ge [sflag:s16], $0x400  }
0x469: {  	[sflag:s16] =	ssyncset.done $0x0  }
0x46a: {  	[sflag:s16] =	ssyncadd.s32 $0xFFFFFC00  }
0x46b: {  	_ =	swait.ge [sflag:s16], $0x400  }
0x46c: {  	[sflag:s16] =	ssyncset.done $0x0  }
0x46d: {  	[sflag:s16] =	ssyncadd.s32 $0xFFFFFC00  }
0x46e: {  	_ =	swait.ge [sflag:s16], $0x400  }
0x46f: {  	[sflag:s16] =	ssyncset.done $0x0  }
0x470: {  	[sflag:s16] =	ssyncadd.s32 $0xFFFFFC00  }
0x471: {  	_ =	swait.ge [sflag:s16], $0x400  }
0x472: {  	[sflag:s16] =	ssyncset.done $0x0  }
0x473: {  	[sflag:s16] =	ssyncadd.s32 $0xFFFFFC00  }
0x474: {  	_ =	swait.ge [sflag:s16], $0x400  }
0x475: {  	[sflag:s16] =	ssyncset.done $0x0  }
0x476: {  	[sflag:s16] =	ssyncadd.s32 $0xFFFFFC00  }
0x477: {  	_ =	swait.ge [sflag:s9], $0x400  }
0x478: {  	[sflag:s9] =	ssyncset.done $0x0  }
0x479: {  	[sflag:s9] =	ssyncadd.s32 $0xFFFFFC00  }
0x47a: {  	_ =	swait.ge [sflag:s9], $0x400  }
0x47b: {  	[sflag:s9] =	ssyncset.done $0x0  }
0x47c: {  	[sflag:s9] =	ssyncadd.s32 $0xFFFFFC00  }
0x47d: {  	_ =	swait.ge [sflag:s9], $0x400  }
0x47e: {  	[sflag:s9] =	ssyncset.done $0x0  }
0x47f: {  	[sflag:s9] =	ssyncadd.s32 $0xFFFFFC00  }
0x480: {  	_ =	swait.ge [sflag:s9], $0x400  }
0x481: {  	[sflag:s9] =	ssyncset.done $0x0  }
0x482: {  	[sflag:s9] =	ssyncadd.s32 $0xFFFFFC00  }
0x483: {  	_ =	swait.ge [sflag:s9], $0x400  }
0x484: {  	[sflag:s9] =	ssyncset.done $0x0  }
0x485: {  	[sflag:s9] =	ssyncadd.s32 $0xFFFFFC00  }
0x486: {  	_ =	swait.ge [sflag:s9], $0x400  }
0x487: {  	[sflag:s9] =	ssyncset.done $0x0  }
0x488: {  	[sflag:s9] =	ssyncadd.s32 $0xFFFFFC00  }
0x489: {  	_ =	swait.ge [sflag:s9], $0x400  }
0x48a: {  	[sflag:s9] =	ssyncset.done $0x0  }
0x48b: {  	[sflag:s9] =	ssyncadd.s32 $0xFFFFFC00  }
0x48c: {  	_ =	swait.ge [sflag:s9], $0x400  }
0x48d: {  	[sflag:s9] =	ssyncset.done $0x0  }
0x48e: {  	[sflag:s9] =	ssyncadd.s32 $0xFFFFFC00  }
0x48f: {  	_ =	swait.ge [sflag:s9], $0x400  }
0x490: {  	[sflag:s9] =	ssyncset.done $0x0  }
0x491: {  	[sflag:s9] =	ssyncadd.s32 $0xFFFFFC00  }
0x492: {  	_ =	swait.ge [sflag:s9], $0x400  }
0x493: {  	[sflag:s9] =	ssyncset.done $0x0  }
0x494: {  	[sflag:s9] =	ssyncadd.s32 $0xFFFFFC00  }
0x495: {  	_ =	swait.ge [sflag:s9], $0x400  }
0x496: {  	[sflag:s9] =	ssyncset.done $0x0  }
0x497: {  	[sflag:s9] =	ssyncadd.s32 $0xFFFFFC00  }
0x498: {  	_ =	swait.ge [sflag:s9], $0x400  }
0x499: {  	[sflag:s9] =	ssyncset.done $0x0  }
0x49a: {  	[sflag:s9] =	ssyncadd.s32 $0xFFFFFC00  }
0x49b: {  	_ =	swait.ge [sflag:s9], $0x400  }
0x49c: {  	[sflag:s9] =	ssyncset.done $0x0  }
0x49d: {  	[sflag:s9] =	ssyncadd.s32 $0xFFFFFC00  }
0x49e: {  	_ =	swait.ge [sflag:s9], $0x400  }
0x49f: {  	[sflag:s9] =	ssyncset.done $0x0  }
0x4a0: {  	[sflag:s9] =	ssyncadd.s32 $0xFFFFFC00  }
0x4a1: {  	_ =	swait.ge [sflag:s9], $0x400  }
0x4a2: {  	[sflag:s9] =	ssyncset.done $0x0  }
0x4a3: {  	[sflag:s9] =	ssyncadd.s32 $0xFFFFFC00  }
0x4a4: {  	_ =	swait.ge [sflag:s9], $0x400  }
0x4a5: {  	[sflag:s9] =	ssyncset.done $0x0  }
0x4a6: {  	[sflag:s9] =	ssyncadd.s32 $0xFFFFFC00  }
0x4a7: {  	_ =	swait.ge [sflag:s9], $0x400  }
0x4a8: {  	[sflag:s9] =	ssyncset.done $0x0  }
0x4a9: {  	[sflag:s9] =	ssyncadd.s32 $0xFFFFFC00  }
0x4aa: {  	_ =	swait.ge [sflag:s9], $0x400  }
0x4ab: {  	[sflag:s9] =	ssyncset.done $0x0  }
0x4ac: {  	[sflag:s9] =	ssyncadd.s32 $0xFFFFFC00  }
0x4ad: {  	_ =	swait.ge [sflag:s9], $0x400  }
0x4ae: {  	[sflag:s9] =	ssyncset.done $0x0  }
0x4af: {  	[sflag:s9] =	ssyncadd.s32 $0xFFFFFC00  }
0x4b0: {  	_ =	swait.ge [sflag:s9], $0x400  }
0x4b1: {  	[sflag:s9] =	ssyncset.done $0x0  }
0x4b2: {  	[sflag:s9] =	ssyncadd.s32 $0xFFFFFC00  }
0x4b3: {  	_ =	swait.ge [sflag:s9], $0x400  }
0x4b4: {  	[sflag:s9] =	ssyncset.done $0x0  }
0x4b5: {  	[sflag:s9] =	ssyncadd.s32 $0xFFFFFC00  }
0x4b6: {  	_ =	swait.ge [sflag:s9], $0x400  }
0x4b7: {  	[sflag:s9] =	ssyncset.done $0x0  }
0x4b8: {  	[sflag:s9] =	ssyncadd.s32 $0xFFFFFC00  }
0x4b9: {  	_ =	swait.ge [sflag:s9], $0x400  }
0x4ba: {  	[sflag:s9] =	ssyncset.done $0x0  }
0x4bb: {  	[sflag:s9] =	ssyncadd.s32 $0xFFFFFC00  }
0x4bc: {  	_ =	swait.ge [sflag:s9], $0x400  }
0x4bd: {  	[sflag:s9] =	ssyncset.done $0x0  }
0x4be: {  	[sflag:s9] =	ssyncadd.s32 $0xFFFFFC00  }
0x4bf: {  	_ =	swait.ge [sflag:s9], $0x400  }
0x4c0: {  	[sflag:s9] =	ssyncset.done $0x0  }
0x4c1: {  	[sflag:s9] =	ssyncadd.s32 $0xFFFFFC00  }
0x4c2: {  	_ =	swait.ge [sflag:s9], $0x400  }
0x4c3: {  	[sflag:s9] =	ssyncset.done $0x0  }
0x4c4: {  	[sflag:s9] =	ssyncadd.s32 $0xFFFFFC00  }
0x4c5: {  	_ =	swait.ge [sflag:s9], $0x400  }
0x4c6: {  	[sflag:s9] =	ssyncset.done $0x0  }
0x4c7: {  	[sflag:s9] =	ssyncadd.s32 $0xFFFFFC00  }
0x4c8: {  	_ =	swait.ge [sflag:s9], $0x400  }
0x4c9: {  	[sflag:s9] =	ssyncset.done $0x0  }
0x4ca: {  	[sflag:s9] =	ssyncadd.s32 $0xFFFFFC00  }
0x4cb: {  	_ =	swait.ge [sflag:s9], $0x400  }
0x4cc: {  	[sflag:s9] =	ssyncset.done $0x0  }
0x4cd: {  	[sflag:s9] =	ssyncadd.s32 $0xFFFFFC00  }
0x4ce: {  	_ =	swait.ge [sflag:s9], $0x400  }
0x4cf: {  	[sflag:s9] =	ssyncset.done $0x0  }
0x4d0: {  	[sflag:s9] =	ssyncadd.s32 $0xFFFFFC00  }
0x4d1: {  	_ =	swait.ge [sflag:s9], $0x400  }
0x4d2: {  	[sflag:s9] =	ssyncset.done $0x0  }
0x4d3: {  	[sflag:s9] =	ssyncadd.s32 $0xFFFFFC00  }
0x4d4: {  	_ =	swait.ge [sflag:s9], $0x400  }
0x4d5: {  	s17 =	sadd.s32 $0x1, s17;
	s20 =	rddreg [dreg:$0x18]  }
0x4d6: {  	p0 =	sne.s32 s17, s20  }
.Ltmp16:
0x4d7: {  	_ = 	snop;
	(pc) =	sbr.rel @p0 .LBB2_1-.Ltmp16, $3  }
0x4d8: {  	_ =	sdelay $0x1  }
0x4d9: {  	[sflag:s9] =	ssyncset.done $0x0  }
0x4da: {  	[sflag:s9] =	ssyncadd.s32 $0xFFFFFC00  }
0x4db: {  	_ =	sfence.sel $0x180000  }
0x4dc: {  	[bflag:$0x0] =	sbarrier.arrive $0xFFFF  }
0x4dd: {  	_ =	strace $0x90000047  }
0x4de: {  	s0 =	stileid.u32;
	[bflag:$0x2] =	sbarrier.arrive $0xFFFF  }
0x4df: {  	p0 =	sne.s32 s0, $0x0;
	s0 =	rddreg [dreg:$0x4]  }
0x4e0: {  	s0 =	sadd.s32 @!p0 $0x100000, s0  }
0x4e1: {  	[sflag:s0] =	ssyncadd.tile.s32 @!p0 $0x1;
	_ =	shalt  }
.Lfunc_end2:
_tile_overlayer_lowered:
.L_overlay_start_2:
0x4e2: {  	(tag) =	ssettag $0x2  }
0x4e3: {  	s0 =	rddreg [dreg:$0x0];
	s2 =	stileid.u32  }
0x4e4: {  	s1 =	rddreg [dreg:$0x1];
	p0 =	sne.s32 s2, $0x0  }
0x4e5: {  	s3 =	rddreg [dreg:$0x2];
	[bflag:$0x3] =	sbarrier.arrive $0xFFFF;
	s2 =	simm.s32 @!p0 $0x1C05  }
0x4e6: {  	[timem:s3], [sflag:s2] =	dma.local @!p0 [hbm:s0], s1  }
0x4e7: {  	s0 =	simm.s32 @!p0 $0x5  }
0x4e8: {  	_ =	swait.ge @!p0 [sflag:s0], s1  }
0x4e9: {  	s1 =	ssub.s32 @!p0 $0x0, s1;
	[sflag:s0] =	ssyncset.done @!p0 $0x0  }
0x4ea: {  	[sflag:s0] =	ssyncadd.s32 @!p0 s1  }
0x4eb: {  	[bflag:$0x3] =	sbarrier.arrive $0xFFFF  }
0x4ec: {  	_ =	shalt  }

</sc_bundles>
